<compile_context>
chip_gen: v7x
topology: tpu7x:2x2x1
jax: 0.10.2.dev20260603
libtpu: 0.0.44.dev20260713+nightly
codegen_flags: <defaults>
</compile_context>

<pallas_src>
import functools

import jax
import jax.numpy as jnp
from jax import lax
from jax.experimental import pallas as pl
from jax.experimental.pallas import tpu as pltpu
from jax.experimental.pallas import tpu_sc as plsc

N = 10000
E = 320000
D_IN = 128
HID = 128
H = 8
D_OUT = 128
G = 64
NEG_SLOPE = 0.2

NC = 2
NS = 16
NW = NC * NS
E_PER_W = E // NW

_mesh = plsc.VectorSubcoreMesh(
    core_axis_name="c", subcore_axis_name="s", num_cores=NC, num_subcores=NS
)


def _pack_bf16(v):
    bits = lax.bitcast_convert_type(v, jnp.int32)
    r16 = (bits + 0x7FFF + ((bits >> 16) & 1)) >> 16
    a = r16[:, :512]
    b = r16[:, 512:]
    return (b << 16) | (a & 0xFFFF)


def _unpack_bf16(p):
    lo = lax.bitcast_convert_type(p << 16, jnp.float32)
    hi = lax.bitcast_convert_type(p & jnp.int32(-65536), jnp.float32)
    return jnp.concatenate([lo, hi], axis=1)


def _k1_body(x_ref, wl_ref, bl_ref, wr_ref, br_ref, xl_ref, xr_ref):
    x = x_ref[...].astype(jnp.bfloat16)
    xl = jnp.dot(x, wl_ref[...].astype(jnp.bfloat16),
                 preferred_element_type=jnp.float32) + bl_ref[...]
    xr = jnp.dot(x, wr_ref[...].astype(jnp.bfloat16),
                 preferred_element_type=jnp.float32) + br_ref[...]
    xl_ref[...] = _pack_bf16(xl)
    xr_ref[...] = _pack_bf16(xr)


def _k1(x, W_l, b_l, W_r, b_r):
    R = 1000
    return pl.pallas_call(
        _k1_body,
        grid=(N // R,),
        in_specs=[
            pl.BlockSpec((R, D_IN), lambda i: (i, 0)),
            pl.BlockSpec((D_IN, H * HID), lambda i: (0, 0)),
            pl.BlockSpec((1, H * HID), lambda i: (0, 0)),
            pl.BlockSpec((D_IN, H * HID), lambda i: (0, 0)),
            pl.BlockSpec((1, H * HID), lambda i: (0, 0)),
        ],
        out_specs=[
            pl.BlockSpec((R, H * HID // 2), lambda i: (i, 0)),
            pl.BlockSpec((R, H * HID // 2), lambda i: (i, 0)),
        ],
        out_shape=[
            jax.ShapeDtypeStruct((N, H * HID // 2), jnp.int32),
            jax.ShapeDtypeStruct((N, H * HID // 2), jnp.int32),
        ],
    )(x, W_l, b_l.reshape(1, -1), W_r, b_r.reshape(1, -1))


_K2_C = 80
_K2_CPT = E // NS // _K2_C


def _k2_body(xl_hbm, xr_hbm, src2_hbm, dst2_hbm, xj_hbm, xi_hbm,
             idx2_ref, a_ref, b_ref, sga, sgb, swa, swb):
    cid = lax.axis_index("c")
    sid = lax.axis_index("s")

    def run(table, idx_src, out):
        cb = sid * _K2_CPT
        pltpu.sync_copy(idx_src.at[sid], idx2_ref)

        @pl.loop(0, _K2_CPT // 2)
        def _(g):
            @pl.when(g > 0)
            def _():
                pltpu.make_async_copy(a_ref, out.at[pl.ds(0, _K2_C)], swa).wait()
                pltpu.make_async_copy(b_ref, out.at[pl.ds(0, _K2_C)], swb).wait()

            ha = pltpu.async_copy(table.at[idx2_ref.at[2 * g]], a_ref, sga)
            hb = pltpu.async_copy(table.at[idx2_ref.at[2 * g + 1]], b_ref, sgb)
            e0 = (cb + 2 * g) * _K2_C
            ha.wait()
            pltpu.async_copy(a_ref, out.at[pl.ds(e0, _K2_C)], swa)
            hb.wait()
            pltpu.async_copy(b_ref, out.at[pl.ds(e0 + _K2_C, _K2_C)], swb)

        pltpu.make_async_copy(a_ref, out.at[pl.ds(0, _K2_C)], swa).wait()
        pltpu.make_async_copy(b_ref, out.at[pl.ds(0, _K2_C)], swb).wait()

    @pl.when(cid == 0)
    def _():
        run(xl_hbm, src2_hbm, xj_hbm)

    @pl.when(cid == 1)
    def _():
        run(xr_hbm, dst2_hbm, xi_hbm)


def _k2(xl, xr, src2, dst2):
    f = pl.kernel(
        _k2_body,
        out_type=[
            jax.ShapeDtypeStruct((E, H * HID // 2), jnp.int32),
            jax.ShapeDtypeStruct((E, H * HID // 2), jnp.int32),
        ],
        mesh=_mesh,
        scratch_types=[
            pltpu.VMEM((_K2_CPT, _K2_C), jnp.int32),
            pltpu.VMEM((_K2_C, H * HID // 2), jnp.int32),
            pltpu.VMEM((_K2_C, H * HID // 2), jnp.int32),
            pltpu.SemaphoreType.DMA,
            pltpu.SemaphoreType.DMA,
            pltpu.SemaphoreType.DMA,
            pltpu.SemaphoreType.DMA,
        ],
    )
    return f(xl, xr, src2, dst2)


def _k3_body(xj_ref, xi_ref, ef_ref, we_ref, att_ref, ex_ref, *msg_refs):
    ee = jnp.dot(ef_ref[...].astype(jnp.bfloat16),
                 we_ref[...].astype(jnp.bfloat16),
                 preferred_element_type=jnp.float32)
    xj = _unpack_bf16(xj_ref[...])
    u = xj + _unpack_bf16(xi_ref[...]) + ee
    z = jnp.where(u >= 0.0, u, NEG_SLOPE * u)
    att = att_ref[...]
    exs = []
    for h in range(H):
        zh = z[:, h * HID:(h + 1) * HID]
        alpha_h = jnp.sum(zh * att[h:h + 1, :], axis=1, keepdims=True)
        ex_h = jnp.exp(alpha_h)
        exs.append(ex_h)
        msg_refs[h][...] = xj[:, h * HID:(h + 1) * HID] * ex_h
    ex = jnp.concatenate(exs, axis=1)
    ex_ref[...] = jnp.concatenate(
        [ex, jnp.zeros((ex.shape[0], HID - H), jnp.float32)], axis=1)


def _k3(xj, xi, ef, W_e, att):
    BE = 1000
    return pl.pallas_call(
        _k3_body,
        grid=(E // BE,),
        in_specs=[
            pl.BlockSpec((BE, H * HID // 2), lambda i: (i, 0)),
            pl.BlockSpec((BE, H * HID // 2), lambda i: (i, 0)),
            pl.BlockSpec((BE, D_IN), lambda i: (i, 0)),
            pl.BlockSpec((D_IN, H * HID), lambda i: (0, 0)),
            pl.BlockSpec((H, HID), lambda i: (0, 0)),
        ],
        out_specs=[pl.BlockSpec((BE, HID), lambda i: (i, 0))]
        + [pl.BlockSpec((BE, HID), lambda i: (i, 0)) for _ in range(H)],
        out_shape=[jax.ShapeDtypeStruct((E, HID), jnp.float32)]
        + [jax.ShapeDtypeStruct((E, HID), jnp.float32) for _ in range(H)],
    )(xj, xi, ef, W_e, att)


_K5_C = 80
_NCH = H + 1


_K5_CPT = E_PER_W // _K5_C
_NROWS = N // NS


def _k5_body(m0, m1, m2, m3, m4, m5, m6, m7, m8, dst2_hbm, z_hbm, mpart_hbm,
             idx2_ref, a_ref, b_ref, acc_shared, sra, srb):
    cid = lax.axis_index("c")
    sid = lax.axis_index("s")
    wid = cid * NS + sid
    base = wid * E_PER_W
    msgs = (m0, m1, m2, m3, m4, m5, m6, m7, m8)
    last = _K5_CPT - 1

    pltpu.sync_copy(dst2_hbm.at[wid], idx2_ref)

    for h in range(_NCH):
        msg = msgs[h]

        @pl.when(sid == 0)
        def _():
            pltpu.sync_copy(z_hbm, acc_shared)

        plsc.subcore_barrier()

        pltpu.async_copy(msg.at[pl.ds(base, _K5_C)], a_ref, sra)
        pltpu.async_copy(msg.at[pl.ds(base + _K5_C, _K5_C)], b_ref, srb)

        @pl.loop(0, (_K5_CPT - 1) // 2)
        def _(g):
            pltpu.make_async_copy(msg.at[pl.ds(base, _K5_C)], a_ref, sra).wait()
            pltpu.sync_copy(a_ref, acc_shared.at[idx2_ref.at[2 * g]], add=True)

            @pl.when(2 * g + 2 <= last)
            def _():
                pltpu.async_copy(
                    msg.at[pl.ds(base + (2 * g + 2) * _K5_C, _K5_C)], a_ref, sra)

            pltpu.make_async_copy(msg.at[pl.ds(base, _K5_C)], b_ref, srb).wait()
            pltpu.sync_copy(b_ref, acc_shared.at[idx2_ref.at[2 * g + 1]], add=True)

            @pl.when(2 * g + 3 <= last)
            def _():
                pltpu.async_copy(
                    msg.at[pl.ds(base + (2 * g + 3) * _K5_C, _K5_C)], b_ref, srb)

        pltpu.make_async_copy(msg.at[pl.ds(base, _K5_C)], a_ref, sra).wait()
        pltpu.sync_copy(a_ref, acc_shared.at[idx2_ref.at[last]], add=True)

        plsc.subcore_barrier()

        @pl.when(sid == 0)
        def _():
            pltpu.sync_copy(acc_shared, mpart_hbm.at[cid, h])

        plsc.subcore_barrier()


def _k5(msgs, dst2, zerosN):
    f = pl.kernel(
        _k5_body,
        out_type=jax.ShapeDtypeStruct((NC, _NCH, N, HID), jnp.float32),
        mesh=_mesh,
        scratch_types=[
            pltpu.VMEM((_K5_CPT, _K5_C), jnp.int32),
            pltpu.VMEM((_K5_C, HID), jnp.float32),
            pltpu.VMEM((_K5_C, HID), jnp.float32),
            pltpu.VMEM_SHARED((N, HID), jnp.float32),
            pltpu.SemaphoreType.DMA,
            pltpu.SemaphoreType.DMA,
        ],
    )
    return f(*msgs, dst2, zerosN)


def _k6_body(mpart_ref, bias_ref, out_ref):
    m = mpart_ref[...]
    den = m[0, H] + m[1, H]
    acc = None
    for h in range(H):
        wh = 1.0 / (den[:, h:h + 1] + 1e-16)
        t = (m[0, h] + m[1, h]) * wh
        acc = t if acc is None else acc + t
    out_ref[...] = jnp.tanh(acc * (1.0 / H) + bias_ref[...])


def _k6(mpart, bias):
    R = 1000
    return pl.pallas_call(
        _k6_body,
        grid=(N // R,),
        in_specs=[
            pl.BlockSpec((NC, _NCH, R, HID), lambda i: (0, 0, i, 0)),
            pl.BlockSpec((1, HID), lambda i: (0, 0)),
        ],
        out_specs=pl.BlockSpec((R, HID), lambda i: (i, 0)),
        out_shape=jax.ShapeDtypeStruct((N, HID), jnp.float32),
    )(mpart, bias.reshape(1, -1))


def _k7_body(h_ref, batch_ref, wlin_ref, blin_ref, out_ref):
    b = batch_ref[...]
    gid = lax.broadcasted_iota(jnp.int32, (G, N), 0)
    onehot = (gid == b).astype(jnp.float32)
    counts = jnp.sum(onehot, axis=1, keepdims=True)
    gsum = jnp.dot(onehot, h_ref[...], preferred_element_type=jnp.float32)
    gmean = gsum / jnp.maximum(counts, 1.0)
    out_ref[...] = jnp.tanh(
        jnp.dot(gmean, wlin_ref[...], preferred_element_type=jnp.float32)
        + blin_ref[...]
    )


def _k7(h_nodes, batch, W_lin, b_lin):
    return pl.pallas_call(
        _k7_body,
        grid=(1,),
        in_specs=[
            pl.BlockSpec((N, HID), lambda i: (0, 0)),
            pl.BlockSpec((1, N), lambda i: (0, 0)),
            pl.BlockSpec((HID, D_OUT), lambda i: (0, 0)),
            pl.BlockSpec((1, D_OUT), lambda i: (0, 0)),
        ],
        out_specs=pl.BlockSpec((G, D_OUT), lambda i: (0, 0)),
        out_shape=jax.ShapeDtypeStruct((G, D_OUT), jnp.float32),
    )(h_nodes, batch.reshape(1, -1), W_lin, b_lin.reshape(1, -1))


def kernel(x, edge_index, edge_features, batch, W_l, b_l, W_r, b_r, W_e, att,
           bias, W_lin, b_lin):
    src3 = edge_index[0].reshape(NS, _K2_CPT, _K2_C)
    dst3 = edge_index[1].reshape(NS, _K2_CPT, _K2_C)
    dst3w = edge_index[1].reshape(NW, _K5_CPT, _K5_C)
    xl, xr = _k1(x, W_l, b_l, W_r, b_r)
    xj, xi = _k2(xl, xr, src3, dst3)
    ex, *msgs = _k3(xj, xi, edge_features, W_e, att)
    mpart = _k5(msgs + [ex], dst3w, jnp.zeros((N, HID), jnp.float32))
    h_nodes = _k6(mpart, bias)
    graph_embeddings = _k7(h_nodes, batch, W_lin, b_lin)
    return graph_embeddings, h_nodes

# --- scband reference (transcript-rebuilt; emitter-appended) ---
"""Pipeline reference for scband-stage2-gcnencoder-43344809951810 (READ-ONLY COPY).

The authoritative reference and input builder live on the scoring server;
editing this copy changes nothing except your own understanding.
"""

import jax, jax.numpy as jnp
import numpy as np

N = 10000
E = 320000
D_IN = 128
HID = 128
H = 8
D_OUT = 128
G = 64
NEG_SLOPE = 0.2


def setup_inputs(seed: int = 0):
    key = jax.random.key(seed)
    ks = jax.random.split(key, 13)
    x = jax.random.normal(ks[0], (N, D_IN), dtype=jnp.float32)
    edge_index = jax.random.randint(ks[1], (2, E), 0, N, dtype=jnp.int32)
    edge_features = jax.random.normal(ks[2], (E, D_IN), dtype=jnp.float32)
    batch = jnp.sort(jax.random.randint(ks[3], (N,), 0, G, dtype=jnp.int32))
    s_in = 1.0 / np.sqrt(D_IN)
    s_hid = 1.0 / np.sqrt(HID)
    W_l = jax.random.normal(ks[4], (D_IN, H * HID), dtype=jnp.float32) * s_in
    b_l = jnp.zeros((H * HID,), dtype=jnp.float32)
    W_r = jax.random.normal(ks[5], (D_IN, H * HID), dtype=jnp.float32) * s_in
    b_r = jnp.zeros((H * HID,), dtype=jnp.float32)
    W_e = jax.random.normal(ks[6], (D_IN, H * HID), dtype=jnp.float32) * s_in
    att = jax.random.normal(ks[7], (H, HID), dtype=jnp.float32) * s_hid
    bias = jnp.zeros((HID,), dtype=jnp.float32)
    W_lin = jax.random.normal(ks[8], (HID, D_OUT), dtype=jnp.float32) * s_hid
    b_lin = jnp.zeros((D_OUT,), dtype=jnp.float32)
    return {"x": x, "edge_index": edge_index, "edge_features": edge_features, "batch": batch,
            "W_l": W_l, "b_l": b_l, "W_r": W_r, "b_r": b_r, "W_e": W_e, "att": att,
            "bias": bias, "W_lin": W_lin, "b_lin": b_lin}


def _gatv2(x, edge_index, edge_attr, W_l, b_l, W_r, b_r, W_e, att, bias):
    # GATv2Conv(D_IN, HID, heads=8, concat=False, edge_dim=D_IN), PyG semantics:
    # edge_index[0] = source j, edge_index[1] = target i; aggregate at target.
    src = edge_index[0]
    dst = edge_index[1]
    xl = (x @ W_l + b_l).reshape(N, H, HID)
    xr = (x @ W_r + b_r).reshape(N, H, HID)
    ee = (edge_attr @ W_e).reshape(E, H, HID)  # lin_edge has no bias in PyG
    xj = jnp.take(xl, src, axis=0)
    xi = jnp.take(xr, dst, axis=0)
    z = jax.nn.leaky_relu(xj + xi + ee, negative_slope=NEG_SLOPE)
    alpha = jnp.sum(z * att[None, :, :], axis=-1)  # [E, H]
    amax = jax.ops.segment_max(alpha, dst, num_segments=N)
    amax = jnp.where(jnp.isfinite(amax), amax, 0.0)
    ex = jnp.exp(alpha - jnp.take(amax, dst, axis=0))
    denom = jax.ops.segment_sum(ex, dst, num_segments=N)
    w = ex / (jnp.take(denom, dst, axis=0) + 1e-16)
    msg = xj * w[:, :, None]
    out = jax.ops.segment_sum(msg, dst, num_segments=N)  # [N, H, HID]
    return jnp.mean(out, axis=1) + bias  # concat=False -> head mean, plus bias


def reference(x, edge_index, edge_features, batch, W_l, b_l, W_r, b_r, W_e, att, bias, W_lin, b_lin):
    h = jnp.tanh(_gatv2(x, edge_index, edge_features, W_l, b_l, W_r, b_r, W_e, att, bias))
    # F.dropout with training=False is identity (eval mode)
    node_embeddings = h
    ones = jnp.ones((N,), dtype=jnp.float32)
    counts = jax.ops.segment_sum(ones, batch, num_segments=G)
    gsum = jax.ops.segment_sum(h, batch, num_segments=G)
    gmean = gsum / jnp.clip(counts, 1.0, None)[:, None]
    graph_embeddings = jnp.tanh(gmean @ W_lin + b_lin)
    return (graph_embeddings, node_embeddings)

if __name__ == "__main__":
    import jax
    _d = setup_inputs()
    print(jax.jit(kernel)(*tuple(_d.values())))

</pallas_src>

<mosaic_0001>
#map = affine_map<(d0, d1) -> (0, 0)>
#map1 = affine_map<(d0, d1) -> (0, 0, 0)>
module attributes {stable_mosaic.version = 14 : i64} {
  func.func @_k2_body(%arg0: i32, %arg1: i32, %arg2: memref<10000x512xi32, #tpu.memory_space<hbm>>, %arg3: memref<10000x512xi32, #tpu.memory_space<hbm>>, %arg4: memref<16x250x80xi32, #tpu.memory_space<hbm>>, %arg5: memref<16x250x80xi32, #tpu.memory_space<hbm>>, %arg6: memref<320000x512xi32, #tpu.memory_space<hbm>>, %arg7: memref<320000x512xi32, #tpu.memory_space<hbm>>, %arg8: memref<250x80xi32, #tpu.memory_space<vmem>>, %arg9: memref<80x512xi32, #tpu.memory_space<vmem>>, %arg10: memref<80x512xi32, #tpu.memory_space<vmem>>, %arg11: memref<!tpu.dma_semaphore, #tpu.memory_space<semaphore_mem>>, %arg12: memref<!tpu.dma_semaphore, #tpu.memory_space<semaphore_mem>>, %arg13: memref<!tpu.dma_semaphore, #tpu.memory_space<semaphore_mem>>, %arg14: memref<!tpu.dma_semaphore, #tpu.memory_space<semaphore_mem>>) attributes {dimension_semantics = [#tpu.dimension_semantics<core_parallel>, #tpu.dimension_semantics<subcore_parallel>], iteration_bounds = array<i64: 2, 16>, scalar_prefetch = 0 : i64, scratch_operands = 7 : i64, tpu.core_type = #tpu.core_type<sc_vector_subcore>, window_params = [{transform_indices = #map}, {transform_indices = #map}, {transform_indices = #map1}, {transform_indices = #map1}, {transform_indices = #map}, {transform_indices = #map}]} {
    %eq3A = arith.constant 0 : i32
    %eq3A_0 = arith.cmpi eq, %arg0, %eq3A : i32
    %convert_element_type3A = arith.extui %eq3A_0 : i1 to i32
    %cond3A = arith.constant 0 : i32
    %cond3A_1 = arith.cmpi ne, %convert_element_type3A, %cond3A : i32
    scf.if %cond3A_1 {
      %mul3A = arith.constant 250 : i32
      %mul3A_7 = arith.muli %arg1, %mul3A : i32
      "tpu.region"() ({
        %run_scoped3A = tpu.sem_alloc : memref<!tpu.dma_semaphore, #tpu.memory_space<semaphore_mem>>
        %dma_start3A = arith.constant 0 : i32
        %dma_start3A_23 = arith.constant 0 : i32
        %dma_start3A_24 = tpu.memref_slice %arg4[%arg1, %dma_start3A, %dma_start3A_23] : memref<16x250x80xi32, #tpu.memory_space<hbm>> -> memref<1x250x80xi32, #tpu.memory_space<hbm>>
        %dma_start3A_25 = tpu.memref_squeeze %dma_start3A_24 : memref<1x250x80xi32, #tpu.memory_space<hbm>> -> memref<250x80xi32, #tpu.memory_space<hbm>>
        %dma_start3A_26 = arith.constant 0 : i32
        %dma_start3A_27 = arith.constant 0 : i32
        %dma_start3A_28 = tpu.memref_slice %arg4[%arg1, %dma_start3A_26, %dma_start3A_27] : memref<16x250x80xi32, #tpu.memory_space<hbm>> -> memref<1x250x80xi32, #tpu.memory_space<hbm>>
        %dma_start3A_29 = tpu.memref_squeeze %dma_start3A_28 : memref<1x250x80xi32, #tpu.memory_space<hbm>> -> memref<250x80xi32, #tpu.memory_space<hbm>>
        tpu.enqueue_dma source(%dma_start3A_29 : memref<250x80xi32, #tpu.memory_space<hbm>>) target(%arg8 : memref<250x80xi32, #tpu.memory_space<vmem>>) target_semaphore(%run_scoped3A : memref<!tpu.dma_semaphore, #tpu.memory_space<semaphore_mem>>)
        %dma_wait3A_30 = arith.constant 0 : i32
        %dma_wait3A_31 = arith.constant 0 : i32
        %dma_wait3A_32 = tpu.memref_slice %arg4[%arg1, %dma_wait3A_30, %dma_wait3A_31] : memref<16x250x80xi32, #tpu.memory_space<hbm>> -> memref<1x250x80xi32, #tpu.memory_space<hbm>>
        %dma_wait3A_33 = tpu.memref_squeeze %dma_wait3A_32 : memref<1x250x80xi32, #tpu.memory_space<hbm>> -> memref<250x80xi32, #tpu.memory_space<hbm>>
        %dma_wait3A_34 = arith.constant 0 : i32
        %dma_wait3A_35 = arith.constant 0 : i32
        %dma_wait3A_36 = tpu.memref_slice %arg4[%arg1, %dma_wait3A_34, %dma_wait3A_35] : memref<16x250x80xi32, #tpu.memory_space<hbm>> -> memref<1x250x80xi32, #tpu.memory_space<hbm>>
        %dma_wait3A_37 = tpu.memref_squeeze %dma_wait3A_36 : memref<1x250x80xi32, #tpu.memory_space<hbm>> -> memref<250x80xi32, #tpu.memory_space<hbm>>
        tpu.wait_dma2 semaphore(%run_scoped3A : memref<!tpu.dma_semaphore, #tpu.memory_space<semaphore_mem>>) src(%dma_wait3A_37 : memref<250x80xi32, #tpu.memory_space<hbm>>) dst(%arg8 : memref<250x80xi32, #tpu.memory_space<vmem>>)
        tpu.yield
      }) : () -> ()
      %scan3A = arith.constant 0 : i32
      %scan3A_8 = arith.constant 125 : i32
      %scan3A_9 = arith.addi %scan3A, %scan3A_8 : i32
      %scan3A_10 = arith.constant 1 : i32
      scf.for %scan3A_23 = %scan3A to %scan3A_9 step %scan3A_10  : i32 {
        %mul3A_24 = arith.constant 1 : i32
        %mul3A_25 = arith.muli %scan3A_23, %mul3A_24 : i32
        %add3A = arith.constant 0 : i32
        %add3A_26 = arith.addi %add3A, %mul3A_25 : i32
        %gt3A = arith.constant 0 : i32
        %gt3A_27 = arith.cmpi sgt, %add3A_26, %gt3A : i32
        %convert_element_type3A_28 = arith.extui %gt3A_27 : i1 to i32
        %cond3A_29 = arith.constant 0 : i32
        %cond3A_30 = arith.cmpi ne, %convert_element_type3A_28, %cond3A_29 : i32
        scf.if %cond3A_30 {
          %dma_wait3A_75 = arith.constant 0 : i32
          %dma_wait3A_76 = arith.constant 0 : i32
          %dma_wait3A_77 = tpu.memref_slice %arg6[%dma_wait3A_75, %dma_wait3A_76] : memref<320000x512xi32, #tpu.memory_space<hbm>> -> memref<80x512xi32, #tpu.memory_space<hbm>>
          %dma_wait3A_78 = arith.constant 0 : i32
          %dma_wait3A_79 = arith.constant 0 : i32
          %dma_wait3A_80 = tpu.memref_slice %arg6[%dma_wait3A_78, %dma_wait3A_79] : memref<320000x512xi32, #tpu.memory_space<hbm>> -> memref<80x512xi32, #tpu.memory_space<hbm>>
          tpu.wait_dma2 semaphore(%arg13 : memref<!tpu.dma_semaphore, #tpu.memory_space<semaphore_mem>>) src(%arg9 : memref<80x512xi32, #tpu.memory_space<vmem>>) dst(%dma_wait3A_80 : memref<80x512xi32, #tpu.memory_space<hbm>>)
          %dma_wait3A_81 = arith.constant 0 : i32
          %dma_wait3A_82 = arith.constant 0 : i32
          %dma_wait3A_83 = tpu.memref_slice %arg6[%dma_wait3A_81, %dma_wait3A_82] : memref<320000x512xi32, #tpu.memory_space<hbm>> -> memref<80x512xi32, #tpu.memory_space<hbm>>
          %dma_wait3A_84 = arith.constant 0 : i32
          %dma_wait3A_85 = arith.constant 0 : i32
          %dma_wait3A_86 = tpu.memref_slice %arg6[%dma_wait3A_84, %dma_wait3A_85] : memref<320000x512xi32, #tpu.memory_space<hbm>> -> memref<80x512xi32, #tpu.memory_space<hbm>>
          tpu.wait_dma2 semaphore(%arg14 : memref<!tpu.dma_semaphore, #tpu.memory_space<semaphore_mem>>) src(%arg10 : memref<80x512xi32, #tpu.memory_space<vmem>>) dst(%dma_wait3A_86 : memref<80x512xi32, #tpu.memory_space<hbm>>)
        } else {
        }
        %mul3A_31 = arith.constant 2 : i32
        %mul3A_32 = arith.muli %mul3A_31, %add3A_26 : i32
        %dma_start3A = arith.constant 0 : i32
        %dma_start3A_33 = tpu.memref_slice %arg8[%mul3A_32, %dma_start3A] : memref<250x80xi32, #tpu.memory_space<vmem>> -> memref<1x80xi32, #tpu.memory_space<vmem>>
        %dma_start3A_34 = tpu.memref_squeeze %dma_start3A_33 : memref<1x80xi32, #tpu.memory_space<vmem>> -> memref<80xi32, #tpu.memory_space<vmem>>
        %dma_start3A_35 = arith.constant 0 : i32
        %dma_start3A_36 = arith.constant 0 : i32
        %dma_start3A_37 = tpu.memref_slice %arg2[%dma_start3A_35, %dma_start3A_36] : memref<10000x512xi32, #tpu.memory_space<hbm>> -> memref<10000x512xi32, #tpu.memory_space<hbm>>
        tpu.enqueue_indirect_dma source(%dma_start3A_37 : memref<10000x512xi32, #tpu.memory_space<hbm>>) target(%arg9 : memref<80x512xi32, #tpu.memory_space<vmem>>) offsets(%dma_start3A_34 : memref<80xi32, #tpu.memory_space<vmem>>) semaphore(%arg11 : memref<!tpu.dma_semaphore, #tpu.memory_space<semaphore_mem>>)
        %mul3A_38 = arith.constant 2 : i32
        %mul3A_39 = arith.muli %mul3A_38, %add3A_26 : i32
        %add3A_40 = arith.constant 1 : i32
        %add3A_41 = arith.addi %mul3A_39, %add3A_40 : i32
        %dma_start3A_42 = arith.constant 0 : i32
        %dma_start3A_43 = tpu.memref_slice %arg8[%add3A_41, %dma_start3A_42] : memref<250x80xi32, #tpu.memory_space<vmem>> -> memref<1x80xi32, #tpu.memory_space<vmem>>
        %dma_start3A_44 = tpu.memref_squeeze %dma_start3A_43 : memref<1x80xi32, #tpu.memory_space<vmem>> -> memref<80xi32, #tpu.memory_space<vmem>>
        %dma_start3A_45 = arith.constant 0 : i32
        %dma_start3A_46 = arith.constant 0 : i32
        %dma_start3A_47 = tpu.memref_slice %arg2[%dma_start3A_45, %dma_start3A_46] : memref<10000x512xi32, #tpu.memory_space<hbm>> -> memref<10000x512xi32, #tpu.memory_space<hbm>>
        tpu.enqueue_indirect_dma source(%dma_start3A_47 : memref<10000x512xi32, #tpu.memory_space<hbm>>) target(%arg10 : memref<80x512xi32, #tpu.memory_space<vmem>>) offsets(%dma_start3A_44 : memref<80xi32, #tpu.memory_space<vmem>>) semaphore(%arg12 : memref<!tpu.dma_semaphore, #tpu.memory_space<semaphore_mem>>)
        %mul3A_48 = arith.constant 2 : i32
        %mul3A_49 = arith.muli %mul3A_48, %add3A_26 : i32
        %add3A_50 = arith.addi %mul3A_7, %mul3A_49 : i32
        %mul3A_51 = arith.constant 80 : i32
        %mul3A_52 = arith.muli %add3A_50, %mul3A_51 : i32
        %dma_wait3A_53 = arith.constant 0 : i32
        %dma_wait3A_54 = tpu.memref_slice %arg8[%mul3A_32, %dma_wait3A_53] : memref<250x80xi32, #tpu.memory_space<vmem>> -> memref<1x80xi32, #tpu.memory_space<vmem>>
        %dma_wait3A_55 = tpu.memref_squeeze %dma_wait3A_54 : memref<1x80xi32, #tpu.memory_space<vmem>> -> memref<80xi32, #tpu.memory_space<vmem>>
        %dma_wait3A_56 = arith.constant 0 : i32
        %dma_wait3A_57 = arith.constant 0 : i32
        %dma_wait3A_58 = tpu.memref_slice %arg2[%dma_wait3A_56, %dma_wait3A_57] : memref<10000x512xi32, #tpu.memory_space<hbm>> -> memref<10000x512xi32, #tpu.memory_space<hbm>>
        tpu.wait_indirect_dma semaphore(%arg11 : memref<!tpu.dma_semaphore, #tpu.memory_space<semaphore_mem>>) src(%dma_wait3A_58 : memref<10000x512xi32, #tpu.memory_space<hbm>>) dst(%arg9 : memref<80x512xi32, #tpu.memory_space<vmem>>)
        %dma_start3A_59 = arith.constant 0 : i32
        %dma_start3A_60 = tpu.memref_slice %arg6[%mul3A_52, %dma_start3A_59] : memref<320000x512xi32, #tpu.memory_space<hbm>> -> memref<80x512xi32, #tpu.memory_space<hbm>>
        %dma_start3A_61 = arith.constant 0 : i32
        %dma_start3A_62 = tpu.memref_slice %arg6[%mul3A_52, %dma_start3A_61] : memref<320000x512xi32, #tpu.memory_space<hbm>> -> memref<80x512xi32, #tpu.memory_space<hbm>>
        tpu.enqueue_dma source(%arg9 : memref<80x512xi32, #tpu.memory_space<vmem>>) target(%dma_start3A_62 : memref<80x512xi32, #tpu.memory_space<hbm>>) target_semaphore(%arg13 : memref<!tpu.dma_semaphore, #tpu.memory_space<semaphore_mem>>)
        %dma_wait3A_63 = arith.constant 0 : i32
        %dma_wait3A_64 = tpu.memref_slice %arg8[%add3A_41, %dma_wait3A_63] : memref<250x80xi32, #tpu.memory_space<vmem>> -> memref<1x80xi32, #tpu.memory_space<vmem>>
        %dma_wait3A_65 = tpu.memref_squeeze %dma_wait3A_64 : memref<1x80xi32, #tpu.memory_space<vmem>> -> memref<80xi32, #tpu.memory_space<vmem>>
        %dma_wait3A_66 = arith.constant 0 : i32
        %dma_wait3A_67 = arith.constant 0 : i32
        %dma_wait3A_68 = tpu.memref_slice %arg2[%dma_wait3A_66, %dma_wait3A_67] : memref<10000x512xi32, #tpu.memory_space<hbm>> -> memref<10000x512xi32, #tpu.memory_space<hbm>>
        tpu.wait_indirect_dma semaphore(%arg12 : memref<!tpu.dma_semaphore, #tpu.memory_space<semaphore_mem>>) src(%dma_wait3A_68 : memref<10000x512xi32, #tpu.memory_space<hbm>>) dst(%arg10 : memref<80x512xi32, #tpu.memory_space<vmem>>)
        %add3A_69 = arith.constant 80 : i32
        %add3A_70 = arith.addi %mul3A_52, %add3A_69 : i32
        %dma_start3A_71 = arith.constant 0 : i32
        %dma_start3A_72 = tpu.memref_slice %arg6[%add3A_70, %dma_start3A_71] : memref<320000x512xi32, #tpu.memory_space<hbm>> -> memref<80x512xi32, #tpu.memory_space<hbm>>
        %dma_start3A_73 = arith.constant 0 : i32
        %dma_start3A_74 = tpu.memref_slice %arg6[%add3A_70, %dma_start3A_73] : memref<320000x512xi32, #tpu.memory_space<hbm>> -> memref<80x512xi32, #tpu.memory_space<hbm>>
        tpu.enqueue_dma source(%arg10 : memref<80x512xi32, #tpu.memory_space<vmem>>) target(%dma_start3A_74 : memref<80x512xi32, #tpu.memory_space<hbm>>) target_semaphore(%arg14 : memref<!tpu.dma_semaphore, #tpu.memory_space<semaphore_mem>>)
      }
      %scan3A_11 = arith.constant 125 : i32
      %dma_wait3A = arith.constant 0 : i32
      %dma_wait3A_12 = arith.constant 0 : i32
      %dma_wait3A_13 = tpu.memref_slice %arg6[%dma_wait3A, %dma_wait3A_12] : memref<320000x512xi32, #tpu.memory_space<hbm>> -> memref<80x512xi32, #tpu.memory_space<hbm>>
      %dma_wait3A_14 = arith.constant 0 : i32
      %dma_wait3A_15 = arith.constant 0 : i32
      %dma_wait3A_16 = tpu.memref_slice %arg6[%dma_wait3A_14, %dma_wait3A_15] : memref<320000x512xi32, #tpu.memory_space<hbm>> -> memref<80x512xi32, #tpu.memory_space<hbm>>
      tpu.wait_dma2 semaphore(%arg13 : memref<!tpu.dma_semaphore, #tpu.memory_space<semaphore_mem>>) src(%arg9 : memref<80x512xi32, #tpu.memory_space<vmem>>) dst(%dma_wait3A_16 : memref<80x512xi32, #tpu.memory_space<hbm>>)
      %dma_wait3A_17 = arith.constant 0 : i32
      %dma_wait3A_18 = arith.constant 0 : i32
      %dma_wait3A_19 = tpu.memref_slice %arg6[%dma_wait3A_17, %dma_wait3A_18] : memref<320000x512xi32, #tpu.memory_space<hbm>> -> memref<80x512xi32, #tpu.memory_space<hbm>>
      %dma_wait3A_20 = arith.constant 0 : i32
      %dma_wait3A_21 = arith.constant 0 : i32
      %dma_wait3A_22 = tpu.memref_slice %arg6[%dma_wait3A_20, %dma_wait3A_21] : memref<320000x512xi32, #tpu.memory_space<hbm>> -> memref<80x512xi32, #tpu.memory_space<hbm>>
      tpu.wait_dma2 semaphore(%arg14 : memref<!tpu.dma_semaphore, #tpu.memory_space<semaphore_mem>>) src(%arg10 : memref<80x512xi32, #tpu.memory_space<vmem>>) dst(%dma_wait3A_22 : memref<80x512xi32, #tpu.memory_space<hbm>>)
    } else {
    }
    %eq3A_2 = arith.constant 1 : i32
    %eq3A_3 = arith.cmpi eq, %arg0, %eq3A_2 : i32
    %convert_element_type3A_4 = arith.extui %eq3A_3 : i1 to i32
    %cond3A_5 = arith.constant 0 : i32
    %cond3A_6 = arith.cmpi ne, %convert_element_type3A_4, %cond3A_5 : i32
    scf.if %cond3A_6 {
      %mul3A = arith.constant 250 : i32
      %mul3A_7 = arith.muli %arg1, %mul3A : i32
      "tpu.region"() ({
        %run_scoped3A = tpu.sem_alloc : memref<!tpu.dma_semaphore, #tpu.memory_space<semaphore_mem>>
        %dma_start3A = arith.constant 0 : i32
        %dma_start3A_23 = arith.constant 0 : i32
        %dma_start3A_24 = tpu.memref_slice %arg5[%arg1, %dma_start3A, %dma_start3A_23] : memref<16x250x80xi32, #tpu.memory_space<hbm>> -> memref<1x250x80xi32, #tpu.memory_space<hbm>>
        %dma_start3A_25 = tpu.memref_squeeze %dma_start3A_24 : memref<1x250x80xi32, #tpu.memory_space<hbm>> -> memref<250x80xi32, #tpu.memory_space<hbm>>
        %dma_start3A_26 = arith.constant 0 : i32
        %dma_start3A_27 = arith.constant 0 : i32
        %dma_start3A_28 = tpu.memref_slice %arg5[%arg1, %dma_start3A_26, %dma_start3A_27] : memref<16x250x80xi32, #tpu.memory_space<hbm>> -> memref<1x250x80xi32, #tpu.memory_space<hbm>>
        %dma_start3A_29 = tpu.memref_squeeze %dma_start3A_28 : memref<1x250x80xi32, #tpu.memory_space<hbm>> -> memref<250x80xi32, #tpu.memory_space<hbm>>
        tpu.enqueue_dma source(%dma_start3A_29 : memref<250x80xi32, #tpu.memory_space<hbm>>) target(%arg8 : memref<250x80xi32, #tpu.memory_space<vmem>>) target_semaphore(%run_scoped3A : memref<!tpu.dma_semaphore, #tpu.memory_space<semaphore_mem>>)
        %dma_wait3A_30 = arith.constant 0 : i32
        %dma_wait3A_31 = arith.constant 0 : i32
        %dma_wait3A_32 = tpu.memref_slice %arg5[%arg1, %dma_wait3A_30, %dma_wait3A_31] : memref<16x250x80xi32, #tpu.memory_space<hbm>> -> memref<1x250x80xi32, #tpu.memory_space<hbm>>
        %dma_wait3A_33 = tpu.memref_squeeze %dma_wait3A_32 : memref<1x250x80xi32, #tpu.memory_space<hbm>> -> memref<250x80xi32, #tpu.memory_space<hbm>>
        %dma_wait3A_34 = arith.constant 0 : i32
        %dma_wait3A_35 = arith.constant 0 : i32
        %dma_wait3A_36 = tpu.memref_slice %arg5[%arg1, %dma_wait3A_34, %dma_wait3A_35] : memref<16x250x80xi32, #tpu.memory_space<hbm>> -> memref<1x250x80xi32, #tpu.memory_space<hbm>>
        %dma_wait3A_37 = tpu.memref_squeeze %dma_wait3A_36 : memref<1x250x80xi32, #tpu.memory_space<hbm>> -> memref<250x80xi32, #tpu.memory_space<hbm>>
        tpu.wait_dma2 semaphore(%run_scoped3A : memref<!tpu.dma_semaphore, #tpu.memory_space<semaphore_mem>>) src(%dma_wait3A_37 : memref<250x80xi32, #tpu.memory_space<hbm>>) dst(%arg8 : memref<250x80xi32, #tpu.memory_space<vmem>>)
        tpu.yield
      }) : () -> ()
      %scan3A = arith.constant 0 : i32
      %scan3A_8 = arith.constant 125 : i32
      %scan3A_9 = arith.addi %scan3A, %scan3A_8 : i32
      %scan3A_10 = arith.constant 1 : i32
      scf.for %scan3A_23 = %scan3A to %scan3A_9 step %scan3A_10  : i32 {
        %mul3A_24 = arith.constant 1 : i32
        %mul3A_25 = arith.muli %scan3A_23, %mul3A_24 : i32
        %add3A = arith.constant 0 : i32
        %add3A_26 = arith.addi %add3A, %mul3A_25 : i32
        %gt3A = arith.constant 0 : i32
        %gt3A_27 = arith.cmpi sgt, %add3A_26, %gt3A : i32
        %convert_element_type3A_28 = arith.extui %gt3A_27 : i1 to i32
        %cond3A_29 = arith.constant 0 : i32
        %cond3A_30 = arith.cmpi ne, %convert_element_type3A_28, %cond3A_29 : i32
        scf.if %cond3A_30 {
          %dma_wait3A_75 = arith.constant 0 : i32
          %dma_wait3A_76 = arith.constant 0 : i32
          %dma_wait3A_77 = tpu.memref_slice %arg7[%dma_wait3A_75, %dma_wait3A_76] : memref<320000x512xi32, #tpu.memory_space<hbm>> -> memref<80x512xi32, #tpu.memory_space<hbm>>
          %dma_wait3A_78 = arith.constant 0 : i32
          %dma_wait3A_79 = arith.constant 0 : i32
          %dma_wait3A_80 = tpu.memref_slice %arg7[%dma_wait3A_78, %dma_wait3A_79] : memref<320000x512xi32, #tpu.memory_space<hbm>> -> memref<80x512xi32, #tpu.memory_space<hbm>>
          tpu.wait_dma2 semaphore(%arg13 : memref<!tpu.dma_semaphore, #tpu.memory_space<semaphore_mem>>) src(%arg9 : memref<80x512xi32, #tpu.memory_space<vmem>>) dst(%dma_wait3A_80 : memref<80x512xi32, #tpu.memory_space<hbm>>)
          %dma_wait3A_81 = arith.constant 0 : i32
          %dma_wait3A_82 = arith.constant 0 : i32
          %dma_wait3A_83 = tpu.memref_slice %arg7[%dma_wait3A_81, %dma_wait3A_82] : memref<320000x512xi32, #tpu.memory_space<hbm>> -> memref<80x512xi32, #tpu.memory_space<hbm>>
          %dma_wait3A_84 = arith.constant 0 : i32
          %dma_wait3A_85 = arith.constant 0 : i32
          %dma_wait3A_86 = tpu.memref_slice %arg7[%dma_wait3A_84, %dma_wait3A_85] : memref<320000x512xi32, #tpu.memory_space<hbm>> -> memref<80x512xi32, #tpu.memory_space<hbm>>
          tpu.wait_dma2 semaphore(%arg14 : memref<!tpu.dma_semaphore, #tpu.memory_space<semaphore_mem>>) src(%arg10 : memref<80x512xi32, #tpu.memory_space<vmem>>) dst(%dma_wait3A_86 : memref<80x512xi32, #tpu.memory_space<hbm>>)
        } else {
        }
        %mul3A_31 = arith.constant 2 : i32
        %mul3A_32 = arith.muli %mul3A_31, %add3A_26 : i32
        %dma_start3A = arith.constant 0 : i32
        %dma_start3A_33 = tpu.memref_slice %arg8[%mul3A_32, %dma_start3A] : memref<250x80xi32, #tpu.memory_space<vmem>> -> memref<1x80xi32, #tpu.memory_space<vmem>>
        %dma_start3A_34 = tpu.memref_squeeze %dma_start3A_33 : memref<1x80xi32, #tpu.memory_space<vmem>> -> memref<80xi32, #tpu.memory_space<vmem>>
        %dma_start3A_35 = arith.constant 0 : i32
        %dma_start3A_36 = arith.constant 0 : i32
        %dma_start3A_37 = tpu.memref_slice %arg3[%dma_start3A_35, %dma_start3A_36] : memref<10000x512xi32, #tpu.memory_space<hbm>> -> memref<10000x512xi32, #tpu.memory_space<hbm>>
        tpu.enqueue_indirect_dma source(%dma_start3A_37 : memref<10000x512xi32, #tpu.memory_space<hbm>>) target(%arg9 : memref<80x512xi32, #tpu.memory_space<vmem>>) offsets(%dma_start3A_34 : memref<80xi32, #tpu.memory_space<vmem>>) semaphore(%arg11 : memref<!tpu.dma_semaphore, #tpu.memory_space<semaphore_mem>>)
        %mul3A_38 = arith.constant 2 : i32
        %mul3A_39 = arith.muli %mul3A_38, %add3A_26 : i32
        %add3A_40 = arith.constant 1 : i32
        %add3A_41 = arith.addi %mul3A_39, %add3A_40 : i32
        %dma_start3A_42 = arith.constant 0 : i32
        %dma_start3A_43 = tpu.memref_slice %arg8[%add3A_41, %dma_start3A_42] : memref<250x80xi32, #tpu.memory_space<vmem>> -> memref<1x80xi32, #tpu.memory_space<vmem>>
        %dma_start3A_44 = tpu.memref_squeeze %dma_start3A_43 : memref<1x80xi32, #tpu.memory_space<vmem>> -> memref<80xi32, #tpu.memory_space<vmem>>
        %dma_start3A_45 = arith.constant 0 : i32
        %dma_start3A_46 = arith.constant 0 : i32
        %dma_start3A_47 = tpu.memref_slice %arg3[%dma_start3A_45, %dma_start3A_46] : memref<10000x512xi32, #tpu.memory_space<hbm>> -> memref<10000x512xi32, #tpu.memory_space<hbm>>
        tpu.enqueue_indirect_dma source(%dma_start3A_47 : memref<10000x512xi32, #tpu.memory_space<hbm>>) target(%arg10 : memref<80x512xi32, #tpu.memory_space<vmem>>) offsets(%dma_start3A_44 : memref<80xi32, #tpu.memory_space<vmem>>) semaphore(%arg12 : memref<!tpu.dma_semaphore, #tpu.memory_space<semaphore_mem>>)
        %mul3A_48 = arith.constant 2 : i32
        %mul3A_49 = arith.muli %mul3A_48, %add3A_26 : i32
        %add3A_50 = arith.addi %mul3A_7, %mul3A_49 : i32
        %mul3A_51 = arith.constant 80 : i32
        %mul3A_52 = arith.muli %add3A_50, %mul3A_51 : i32
        %dma_wait3A_53 = arith.constant 0 : i32
        %dma_wait3A_54 = tpu.memref_slice %arg8[%mul3A_32, %dma_wait3A_53] : memref<250x80xi32, #tpu.memory_space<vmem>> -> memref<1x80xi32, #tpu.memory_space<vmem>>
        %dma_wait3A_55 = tpu.memref_squeeze %dma_wait3A_54 : memref<1x80xi32, #tpu.memory_space<vmem>> -> memref<80xi32, #tpu.memory_space<vmem>>
        %dma_wait3A_56 = arith.constant 0 : i32
        %dma_wait3A_57 = arith.constant 0 : i32
        %dma_wait3A_58 = tpu.memref_slice %arg3[%dma_wait3A_56, %dma_wait3A_57] : memref<10000x512xi32, #tpu.memory_space<hbm>> -> memref<10000x512xi32, #tpu.memory_space<hbm>>
        tpu.wait_indirect_dma semaphore(%arg11 : memref<!tpu.dma_semaphore, #tpu.memory_space<semaphore_mem>>) src(%dma_wait3A_58 : memref<10000x512xi32, #tpu.memory_space<hbm>>) dst(%arg9 : memref<80x512xi32, #tpu.memory_space<vmem>>)
        %dma_start3A_59 = arith.constant 0 : i32
        %dma_start3A_60 = tpu.memref_slice %arg7[%mul3A_52, %dma_start3A_59] : memref<320000x512xi32, #tpu.memory_space<hbm>> -> memref<80x512xi32, #tpu.memory_space<hbm>>
        %dma_start3A_61 = arith.constant 0 : i32
        %dma_start3A_62 = tpu.memref_slice %arg7[%mul3A_52, %dma_start3A_61] : memref<320000x512xi32, #tpu.memory_space<hbm>> -> memref<80x512xi32, #tpu.memory_space<hbm>>
        tpu.enqueue_dma source(%arg9 : memref<80x512xi32, #tpu.memory_space<vmem>>) target(%dma_start3A_62 : memref<80x512xi32, #tpu.memory_space<hbm>>) target_semaphore(%arg13 : memref<!tpu.dma_semaphore, #tpu.memory_space<semaphore_mem>>)
        %dma_wait3A_63 = arith.constant 0 : i32
        %dma_wait3A_64 = tpu.memref_slice %arg8[%add3A_41, %dma_wait3A_63] : memref<250x80xi32, #tpu.memory_space<vmem>> -> memref<1x80xi32, #tpu.memory_space<vmem>>
        %dma_wait3A_65 = tpu.memref_squeeze %dma_wait3A_64 : memref<1x80xi32, #tpu.memory_space<vmem>> -> memref<80xi32, #tpu.memory_space<vmem>>
        %dma_wait3A_66 = arith.constant 0 : i32
        %dma_wait3A_67 = arith.constant 0 : i32
        %dma_wait3A_68 = tpu.memref_slice %arg3[%dma_wait3A_66, %dma_wait3A_67] : memref<10000x512xi32, #tpu.memory_space<hbm>> -> memref<10000x512xi32, #tpu.memory_space<hbm>>
        tpu.wait_indirect_dma semaphore(%arg12 : memref<!tpu.dma_semaphore, #tpu.memory_space<semaphore_mem>>) src(%dma_wait3A_68 : memref<10000x512xi32, #tpu.memory_space<hbm>>) dst(%arg10 : memref<80x512xi32, #tpu.memory_space<vmem>>)
        %add3A_69 = arith.constant 80 : i32
        %add3A_70 = arith.addi %mul3A_52, %add3A_69 : i32
        %dma_start3A_71 = arith.constant 0 : i32
        %dma_start3A_72 = tpu.memref_slice %arg7[%add3A_70, %dma_start3A_71] : memref<320000x512xi32, #tpu.memory_space<hbm>> -> memref<80x512xi32, #tpu.memory_space<hbm>>
        %dma_start3A_73 = arith.constant 0 : i32
        %dma_start3A_74 = tpu.memref_slice %arg7[%add3A_70, %dma_start3A_73] : memref<320000x512xi32, #tpu.memory_space<hbm>> -> memref<80x512xi32, #tpu.memory_space<hbm>>
        tpu.enqueue_dma source(%arg10 : memref<80x512xi32, #tpu.memory_space<vmem>>) target(%dma_start3A_74 : memref<80x512xi32, #tpu.memory_space<hbm>>) target_semaphore(%arg14 : memref<!tpu.dma_semaphore, #tpu.memory_space<semaphore_mem>>)
      }
      %scan3A_11 = arith.constant 125 : i32
      %dma_wait3A = arith.constant 0 : i32
      %dma_wait3A_12 = arith.constant 0 : i32
      %dma_wait3A_13 = tpu.memref_slice %arg7[%dma_wait3A, %dma_wait3A_12] : memref<320000x512xi32, #tpu.memory_space<hbm>> -> memref<80x512xi32, #tpu.memory_space<hbm>>
      %dma_wait3A_14 = arith.constant 0 : i32
      %dma_wait3A_15 = arith.constant 0 : i32
      %dma_wait3A_16 = tpu.memref_slice %arg7[%dma_wait3A_14, %dma_wait3A_15] : memref<320000x512xi32, #tpu.memory_space<hbm>> -> memref<80x512xi32, #tpu.memory_space<hbm>>
      tpu.wait_dma2 semaphore(%arg13 : memref<!tpu.dma_semaphore, #tpu.memory_space<semaphore_mem>>) src(%arg9 : memref<80x512xi32, #tpu.memory_space<vmem>>) dst(%dma_wait3A_16 : memref<80x512xi32, #tpu.memory_space<hbm>>)
      %dma_wait3A_17 = arith.constant 0 : i32
      %dma_wait3A_18 = arith.constant 0 : i32
      %dma_wait3A_19 = tpu.memref_slice %arg7[%dma_wait3A_17, %dma_wait3A_18] : memref<320000x512xi32, #tpu.memory_space<hbm>> -> memref<80x512xi32, #tpu.memory_space<hbm>>
      %dma_wait3A_20 = arith.constant 0 : i32
      %dma_wait3A_21 = arith.constant 0 : i32
      %dma_wait3A_22 = tpu.memref_slice %arg7[%dma_wait3A_20, %dma_wait3A_21] : memref<320000x512xi32, #tpu.memory_space<hbm>> -> memref<80x512xi32, #tpu.memory_space<hbm>>
      tpu.wait_dma2 semaphore(%arg14 : memref<!tpu.dma_semaphore, #tpu.memory_space<semaphore_mem>>) src(%arg10 : memref<80x512xi32, #tpu.memory_space<vmem>>) dst(%dma_wait3A_22 : memref<80x512xi32, #tpu.memory_space<hbm>>)
    } else {
    }
    return
  }
}

#map = affine_map<(d0, d1) -> (0, 0)>
#map1 = affine_map<(d0, d1) -> (0, 0, 0)>
#map2 = affine_map<(d0, d1) -> (0, 0, 0, 0)>
module attributes {stable_mosaic.version = 14 : i64} {
  func.func @_k5_body(%arg0: i32, %arg1: i32, %arg2: memref<320000x128xf32, #tpu.memory_space<hbm>>, %arg3: memref<320000x128xf32, #tpu.memory_space<hbm>>, %arg4: memref<320000x128xf32, #tpu.memory_space<hbm>>, %arg5: memref<320000x128xf32, #tpu.memory_space<hbm>>, %arg6: memref<320000x128xf32, #tpu.memory_space<hbm>>, %arg7: memref<320000x128xf32, #tpu.memory_space<hbm>>, %arg8: memref<320000x128xf32, #tpu.memory_space<hbm>>, %arg9: memref<320000x128xf32, #tpu.memory_space<hbm>>, %arg10: memref<320000x128xf32, #tpu.memory_space<hbm>>, %arg11: memref<32x125x80xi32, #tpu.memory_space<hbm>>, %arg12: memref<10000x128xf32, #tpu.memory_space<hbm>>, %arg13: memref<2x9x10000x128xf32, #tpu.memory_space<hbm>>, %arg14: memref<125x80xi32, #tpu.memory_space<vmem>>, %arg15: memref<80x128xf32, #tpu.memory_space<vmem>>, %arg16: memref<80x128xf32, #tpu.memory_space<vmem>>, %arg17: memref<10000x128xf32, #tpu.memory_space<vmem_shared>>, %arg18: memref<!tpu.dma_semaphore, #tpu.memory_space<semaphore_mem>>, %arg19: memref<!tpu.dma_semaphore, #tpu.memory_space<semaphore_mem>>) attributes {dimension_semantics = [#tpu.dimension_semantics<core_parallel>, #tpu.dimension_semantics<subcore_parallel>], iteration_bounds = array<i64: 2, 16>, scalar_prefetch = 0 : i64, scratch_operands = 6 : i64, tpu.core_type = #tpu.core_type<sc_vector_subcore>, window_params = [{transform_indices = #map}, {transform_indices = #map}, {transform_indices = #map}, {transform_indices = #map}, {transform_indices = #map}, {transform_indices = #map}, {transform_indices = #map}, {transform_indices = #map}, {transform_indices = #map}, {transform_indices = #map1}, {transform_indices = #map}, {transform_indices = #map2}]} {
    %mul3A = arith.constant 16 : i32
    %mul3A_0 = arith.muli %arg0, %mul3A : i32
    %add3A = arith.addi %mul3A_0, %arg1 : i32
    %mul3A_1 = arith.constant 10000 : i32
    %mul3A_2 = arith.muli %add3A, %mul3A_1 : i32
    "tpu.region"() ({
      %run_scoped3A_292 = tpu.sem_alloc : memref<!tpu.dma_semaphore, #tpu.memory_space<semaphore_mem>>
      %dma_start3A_293 = arith.constant 0 : i32
      %dma_start3A_294 = arith.constant 0 : i32
      %dma_start3A_295 = tpu.memref_slice %arg11[%add3A, %dma_start3A_293, %dma_start3A_294] : memref<32x125x80xi32, #tpu.memory_space<hbm>> -> memref<1x125x80xi32, #tpu.memory_space<hbm>>
      %dma_start3A_296 = tpu.memref_squeeze %dma_start3A_295 : memref<1x125x80xi32, #tpu.memory_space<hbm>> -> memref<125x80xi32, #tpu.memory_space<hbm>>
      %dma_start3A_297 = arith.constant 0 : i32
      %dma_start3A_298 = arith.constant 0 : i32
      %dma_start3A_299 = tpu.memref_slice %arg11[%add3A, %dma_start3A_297, %dma_start3A_298] : memref<32x125x80xi32, #tpu.memory_space<hbm>> -> memref<1x125x80xi32, #tpu.memory_space<hbm>>
      %dma_start3A_300 = tpu.memref_squeeze %dma_start3A_299 : memref<1x125x80xi32, #tpu.memory_space<hbm>> -> memref<125x80xi32, #tpu.memory_space<hbm>>
      tpu.enqueue_dma source(%dma_start3A_300 : memref<125x80xi32, #tpu.memory_space<hbm>>) target(%arg14 : memref<125x80xi32, #tpu.memory_space<vmem>>) target_semaphore(%run_scoped3A_292 : memref<!tpu.dma_semaphore, #tpu.memory_space<semaphore_mem>>)
      %dma_wait3A_301 = arith.constant 0 : i32
      %dma_wait3A_302 = arith.constant 0 : i32
      %dma_wait3A_303 = tpu.memref_slice %arg11[%add3A, %dma_wait3A_301, %dma_wait3A_302] : memref<32x125x80xi32, #tpu.memory_space<hbm>> -> memref<1x125x80xi32, #tpu.memory_space<hbm>>
      %dma_wait3A_304 = tpu.memref_squeeze %dma_wait3A_303 : memref<1x125x80xi32, #tpu.memory_space<hbm>> -> memref<125x80xi32, #tpu.memory_space<hbm>>
      %dma_wait3A_305 = arith.constant 0 : i32
      %dma_wait3A_306 = arith.constant 0 : i32
      %dma_wait3A_307 = tpu.memref_slice %arg11[%add3A, %dma_wait3A_305, %dma_wait3A_306] : memref<32x125x80xi32, #tpu.memory_space<hbm>> -> memref<1x125x80xi32, #tpu.memory_space<hbm>>
      %dma_wait3A_308 = tpu.memref_squeeze %dma_wait3A_307 : memref<1x125x80xi32, #tpu.memory_space<hbm>> -> memref<125x80xi32, #tpu.memory_space<hbm>>
      tpu.wait_dma2 semaphore(%run_scoped3A_292 : memref<!tpu.dma_semaphore, #tpu.memory_space<semaphore_mem>>) src(%dma_wait3A_308 : memref<125x80xi32, #tpu.memory_space<hbm>>) dst(%arg14 : memref<125x80xi32, #tpu.memory_space<vmem>>)
      tpu.yield
    }) : () -> ()
    %eq3A = arith.constant 0 : i32
    %eq3A_3 = arith.cmpi eq, %arg1, %eq3A : i32
    %convert_element_type3A = arith.extui %eq3A_3 : i1 to i32
    %cond3A = arith.constant 0 : i32
    %cond3A_4 = arith.cmpi ne, %convert_element_type3A, %cond3A : i32
    scf.if %cond3A_4 {
      "tpu.region"() ({
        %run_scoped3A_292 = tpu.sem_alloc : memref<!tpu.dma_semaphore, #tpu.memory_space<semaphore_mem>>
        tpu.enqueue_dma source(%arg12 : memref<10000x128xf32, #tpu.memory_space<hbm>>) target(%arg17 : memref<10000x128xf32, #tpu.memory_space<vmem_shared>>) target_semaphore(%run_scoped3A_292 : memref<!tpu.dma_semaphore, #tpu.memory_space<semaphore_mem>>)
        tpu.wait_dma2 semaphore(%run_scoped3A_292 : memref<!tpu.dma_semaphore, #tpu.memory_space<semaphore_mem>>) src(%arg12 : memref<10000x128xf32, #tpu.memory_space<hbm>>) dst(%arg17 : memref<10000x128xf32, #tpu.memory_space<vmem_shared>>)
        tpu.yield
      }) : () -> ()
    } else {
    }
    %barrier3A = arith.constant 0 : index
    tpu.barrier barrier_id(%barrier3A)
    %dma_start3A = arith.constant 0 : i32
    %dma_start3A_5 = tpu.memref_slice %arg2[%mul3A_2, %dma_start3A] : memref<320000x128xf32, #tpu.memory_space<hbm>> -> memref<80x128xf32, #tpu.memory_space<hbm>>
    %dma_start3A_6 = arith.constant 0 : i32
    %dma_start3A_7 = tpu.memref_slice %arg2[%mul3A_2, %dma_start3A_6] : memref<320000x128xf32, #tpu.memory_space<hbm>> -> memref<80x128xf32, #tpu.memory_space<hbm>>
    tpu.enqueue_dma source(%dma_start3A_7 : memref<80x128xf32, #tpu.memory_space<hbm>>) target(%arg15 : memref<80x128xf32, #tpu.memory_space<vmem>>) target_semaphore(%arg18 : memref<!tpu.dma_semaphore, #tpu.memory_space<semaphore_mem>>)
    %add3A_8 = arith.constant 80 : i32
    %add3A_9 = arith.addi %mul3A_2, %add3A_8 : i32
    %dma_start3A_10 = arith.constant 0 : i32
    %dma_start3A_11 = tpu.memref_slice %arg2[%add3A_9, %dma_start3A_10] : memref<320000x128xf32, #tpu.memory_space<hbm>> -> memref<80x128xf32, #tpu.memory_space<hbm>>
    %dma_start3A_12 = arith.constant 0 : i32
    %dma_start3A_13 = tpu.memref_slice %arg2[%add3A_9, %dma_start3A_12] : memref<320000x128xf32, #tpu.memory_space<hbm>> -> memref<80x128xf32, #tpu.memory_space<hbm>>
    tpu.enqueue_dma source(%dma_start3A_13 : memref<80x128xf32, #tpu.memory_space<hbm>>) target(%arg16 : memref<80x128xf32, #tpu.memory_space<vmem>>) target_semaphore(%arg19 : memref<!tpu.dma_semaphore, #tpu.memory_space<semaphore_mem>>)
    %scan3A = arith.constant 0 : i32
    %scan3A_14 = arith.constant 62 : i32
    %scan3A_15 = arith.addi %scan3A, %scan3A_14 : i32
    %scan3A_16 = arith.constant 1 : i32
    scf.for %scan3A_292 = %scan3A to %scan3A_15 step %scan3A_16  : i32 {
      %mul3A_293 = arith.constant 1 : i32
      %mul3A_294 = arith.muli %scan3A_292, %mul3A_293 : i32
      %add3A_295 = arith.constant 0 : i32
      %add3A_296 = arith.addi %add3A_295, %mul3A_294 : i32
      %dma_wait3A_297 = arith.constant 0 : i32
      %dma_wait3A_298 = tpu.memref_slice %arg2[%mul3A_2, %dma_wait3A_297] : memref<320000x128xf32, #tpu.memory_space<hbm>> -> memref<80x128xf32, #tpu.memory_space<hbm>>
      %dma_wait3A_299 = arith.constant 0 : i32
      %dma_wait3A_300 = tpu.memref_slice %arg2[%mul3A_2, %dma_wait3A_299] : memref<320000x128xf32, #tpu.memory_space<hbm>> -> memref<80x128xf32, #tpu.memory_space<hbm>>
      tpu.wait_dma2 semaphore(%arg18 : memref<!tpu.dma_semaphore, #tpu.memory_space<semaphore_mem>>) src(%dma_wait3A_300 : memref<80x128xf32, #tpu.memory_space<hbm>>) dst(%arg15 : memref<80x128xf32, #tpu.memory_space<vmem>>)
      %mul3A_301 = arith.constant 2 : i32
      %mul3A_302 = arith.muli %mul3A_301, %add3A_296 : i32
      "tpu.region"() ({
        %run_scoped3A_328 = tpu.sem_alloc : memref<!tpu.dma_semaphore, #tpu.memory_space<semaphore_mem>>
        %dma_start3A_329 = arith.constant 0 : i32
        %dma_start3A_330 = tpu.memref_slice %arg14[%mul3A_302, %dma_start3A_329] : memref<125x80xi32, #tpu.memory_space<vmem>> -> memref<1x80xi32, #tpu.memory_space<vmem>>
        %dma_start3A_331 = tpu.memref_squeeze %dma_start3A_330 : memref<1x80xi32, #tpu.memory_space<vmem>> -> memref<80xi32, #tpu.memory_space<vmem>>
        %dma_start3A_332 = arith.constant 0 : i32
        %dma_start3A_333 = arith.constant 0 : i32
        %dma_start3A_334 = tpu.memref_slice %arg17[%dma_start3A_332, %dma_start3A_333] : memref<10000x128xf32, #tpu.memory_space<vmem_shared>> -> memref<10000x128xf32, #tpu.memory_space<vmem_shared>>
        tpu.enqueue_indirect_dma source(%arg15 : memref<80x128xf32, #tpu.memory_space<vmem>>) target(%dma_start3A_334 : memref<10000x128xf32, #tpu.memory_space<vmem_shared>>) offsets(%dma_start3A_331 : memref<80xi32, #tpu.memory_space<vmem>>) semaphore(%run_scoped3A_328 : memref<!tpu.dma_semaphore, #tpu.memory_space<semaphore_mem>>) {add = true}
        %dma_wait3A_335 = arith.constant 0 : i32
        %dma_wait3A_336 = tpu.memref_slice %arg14[%mul3A_302, %dma_wait3A_335] : memref<125x80xi32, #tpu.memory_space<vmem>> -> memref<1x80xi32, #tpu.memory_space<vmem>>
        %dma_wait3A_337 = tpu.memref_squeeze %dma_wait3A_336 : memref<1x80xi32, #tpu.memory_space<vmem>> -> memref<80xi32, #tpu.memory_space<vmem>>
        %dma_wait3A_338 = arith.constant 0 : i32
        %dma_wait3A_339 = arith.constant 0 : i32
        %dma_wait3A_340 = tpu.memref_slice %arg17[%dma_wait3A_338, %dma_wait3A_339] : memref<10000x128xf32, #tpu.memory_space<vmem_shared>> -> memref<10000x128xf32, #tpu.memory_space<vmem_shared>>
        tpu.wait_indirect_dma semaphore(%run_scoped3A_328 : memref<!tpu.dma_semaphore, #tpu.memory_space<semaphore_mem>>) src(%arg15 : memref<80x128xf32, #tpu.memory_space<vmem>>) dst(%dma_wait3A_340 : memref<10000x128xf32, #tpu.memory_space<vmem_shared>>)
        tpu.yield
      }) : () -> ()
      %mul3A_303 = arith.constant 2 : i32
      %mul3A_304 = arith.muli %mul3A_303, %add3A_296 : i32
      %add3A_305 = arith.constant 2 : i32
      %add3A_306 = arith.addi %mul3A_304, %add3A_305 : i32
      %le3A = arith.constant 124 : i32
      %le3A_307 = arith.cmpi sle, %add3A_306, %le3A : i32
      %convert_element_type3A_308 = arith.extui %le3A_307 : i1 to i32
      %cond3A_309 = arith.constant 0 : i32
      %cond3A_310 = arith.cmpi ne, %convert_element_type3A_308, %cond3A_309 : i32
      scf.if %cond3A_310 {
        %mul3A_328 = arith.constant 2 : i32
        %mul3A_329 = arith.muli %mul3A_328, %add3A_296 : i32
        %add3A_330 = arith.constant 2 : i32
        %add3A_331 = arith.addi %mul3A_329, %add3A_330 : i32
        %mul3A_332 = arith.constant 80 : i32
        %mul3A_333 = arith.muli %add3A_331, %mul3A_332 : i32
        %add3A_334 = arith.addi %mul3A_2, %mul3A_333 : i32
        %dma_start3A_335 = arith.constant 0 : i32
        %dma_start3A_336 = tpu.memref_slice %arg2[%add3A_334, %dma_start3A_335] : memref<320000x128xf32, #tpu.memory_space<hbm>> -> memref<80x128xf32, #tpu.memory_space<hbm>>
        %dma_start3A_337 = arith.constant 0 : i32
        %dma_start3A_338 = tpu.memref_slice %arg2[%add3A_334, %dma_start3A_337] : memref<320000x128xf32, #tpu.memory_space<hbm>> -> memref<80x128xf32, #tpu.memory_space<hbm>>
        tpu.enqueue_dma source(%dma_start3A_338 : memref<80x128xf32, #tpu.memory_space<hbm>>) target(%arg15 : memref<80x128xf32, #tpu.memory_space<vmem>>) target_semaphore(%arg18 : memref<!tpu.dma_semaphore, #tpu.memory_space<semaphore_mem>>)
      } else {
      }
      %dma_wait3A_311 = arith.constant 0 : i32
      %dma_wait3A_312 = tpu.memref_slice %arg2[%mul3A_2, %dma_wait3A_311] : memref<320000x128xf32, #tpu.memory_space<hbm>> -> memref<80x128xf32, #tpu.memory_space<hbm>>
      %dma_wait3A_313 = arith.constant 0 : i32
      %dma_wait3A_314 = tpu.memref_slice %arg2[%mul3A_2, %dma_wait3A_313] : memref<320000x128xf32, #tpu.memory_space<hbm>> -> memref<80x128xf32, #tpu.memory_space<hbm>>
      tpu.wait_dma2 semaphore(%arg19 : memref<!tpu.dma_semaphore, #tpu.memory_space<semaphore_mem>>) src(%dma_wait3A_314 : memref<80x128xf32, #tpu.memory_space<hbm>>) dst(%arg16 : memref<80x128xf32, #tpu.memory_space<vmem>>)
      %mul3A_315 = arith.constant 2 : i32
      %mul3A_316 = arith.muli %mul3A_315, %add3A_296 : i32
      %add3A_317 = arith.constant 1 : i32
      %add3A_318 = arith.addi %mul3A_316, %add3A_317 : i32
      "tpu.region"() ({
        %run_scoped3A_328 = tpu.sem_alloc : memref<!tpu.dma_semaphore, #tpu.memory_space<semaphore_mem>>
        %dma_start3A_329 = arith.constant 0 : i32
        %dma_start3A_330 = tpu.memref_slice %arg14[%add3A_318, %dma_start3A_329] : memref<125x80xi32, #tpu.memory_space<vmem>> -> memref<1x80xi32, #tpu.memory_space<vmem>>
        %dma_start3A_331 = tpu.memref_squeeze %dma_start3A_330 : memref<1x80xi32, #tpu.memory_space<vmem>> -> memref<80xi32, #tpu.memory_space<vmem>>
        %dma_start3A_332 = arith.constant 0 : i32
        %dma_start3A_333 = arith.constant 0 : i32
        %dma_start3A_334 = tpu.memref_slice %arg17[%dma_start3A_332, %dma_start3A_333] : memref<10000x128xf32, #tpu.memory_space<vmem_shared>> -> memref<10000x128xf32, #tpu.memory_space<vmem_shared>>
        tpu.enqueue_indirect_dma source(%arg16 : memref<80x128xf32, #tpu.memory_space<vmem>>) target(%dma_start3A_334 : memref<10000x128xf32, #tpu.memory_space<vmem_shared>>) offsets(%dma_start3A_331 : memref<80xi32, #tpu.memory_space<vmem>>) semaphore(%run_scoped3A_328 : memref<!tpu.dma_semaphore, #tpu.memory_space<semaphore_mem>>) {add = true}
        %dma_wait3A_335 = arith.constant 0 : i32
        %dma_wait3A_336 = tpu.memref_slice %arg14[%add3A_318, %dma_wait3A_335] : memref<125x80xi32, #tpu.memory_space<vmem>> -> memref<1x80xi32, #tpu.memory_space<vmem>>
        %dma_wait3A_337 = tpu.memref_squeeze %dma_wait3A_336 : memref<1x80xi32, #tpu.memory_space<vmem>> -> memref<80xi32, #tpu.memory_space<vmem>>
        %dma_wait3A_338 = arith.constant 0 : i32
        %dma_wait3A_339 = arith.constant 0 : i32
        %dma_wait3A_340 = tpu.memref_slice %arg17[%dma_wait3A_338, %dma_wait3A_339] : memref<10000x128xf32, #tpu.memory_space<vmem_shared>> -> memref<10000x128xf32, #tpu.memory_space<vmem_shared>>
        tpu.wait_indirect_dma semaphore(%run_scoped3A_328 : memref<!tpu.dma_semaphore, #tpu.memory_space<semaphore_mem>>) src(%arg16 : memref<80x128xf32, #tpu.memory_space<vmem>>) dst(%dma_wait3A_340 : memref<10000x128xf32, #tpu.memory_space<vmem_shared>>)
        tpu.yield
      }) : () -> ()
      %mul3A_319 = arith.constant 2 : i32
      %mul3A_320 = arith.muli %mul3A_319, %add3A_296 : i32
      %add3A_321 = arith.constant 3 : i32
      %add3A_322 = arith.addi %mul3A_320, %add3A_321 : i32
      %le3A_323 = arith.constant 124 : i32
      %le3A_324 = arith.cmpi sle, %add3A_322, %le3A_323 : i32
      %convert_element_type3A_325 = arith.extui %le3A_324 : i1 to i32
      %cond3A_326 = arith.constant 0 : i32
      %cond3A_327 = arith.cmpi ne, %convert_element_type3A_325, %cond3A_326 : i32
      scf.if %cond3A_327 {
        %mul3A_328 = arith.constant 2 : i32
        %mul3A_329 = arith.muli %mul3A_328, %add3A_296 : i32
        %add3A_330 = arith.constant 3 : i32
        %add3A_331 = arith.addi %mul3A_329, %add3A_330 : i32
        %mul3A_332 = arith.constant 80 : i32
        %mul3A_333 = arith.muli %add3A_331, %mul3A_332 : i32
        %add3A_334 = arith.addi %mul3A_2, %mul3A_333 : i32
        %dma_start3A_335 = arith.constant 0 : i32
        %dma_start3A_336 = tpu.memref_slice %arg2[%add3A_334, %dma_start3A_335] : memref<320000x128xf32, #tpu.memory_space<hbm>> -> memref<80x128xf32, #tpu.memory_space<hbm>>
        %dma_start3A_337 = arith.constant 0 : i32
        %dma_start3A_338 = tpu.memref_slice %arg2[%add3A_334, %dma_start3A_337] : memref<320000x128xf32, #tpu.memory_space<hbm>> -> memref<80x128xf32, #tpu.memory_space<hbm>>
        tpu.enqueue_dma source(%dma_start3A_338 : memref<80x128xf32, #tpu.memory_space<hbm>>) target(%arg16 : memref<80x128xf32, #tpu.memory_space<vmem>>) target_semaphore(%arg19 : memref<!tpu.dma_semaphore, #tpu.memory_space<semaphore_mem>>)
      } else {
      }
    }
    %scan3A_17 = arith.constant 62 : i32
    %dma_wait3A = arith.constant 0 : i32
    %dma_wait3A_18 = tpu.memref_slice %arg2[%mul3A_2, %dma_wait3A] : memref<320000x128xf32, #tpu.memory_space<hbm>> -> memref<80x128xf32, #tpu.memory_space<hbm>>
    %dma_wait3A_19 = arith.constant 0 : i32
    %dma_wait3A_20 = tpu.memref_slice %arg2[%mul3A_2, %dma_wait3A_19] : memref<320000x128xf32, #tpu.memory_space<hbm>> -> memref<80x128xf32, #tpu.memory_space<hbm>>
    tpu.wait_dma2 semaphore(%arg18 : memref<!tpu.dma_semaphore, #tpu.memory_space<semaphore_mem>>) src(%dma_wait3A_20 : memref<80x128xf32, #tpu.memory_space<hbm>>) dst(%arg15 : memref<80x128xf32, #tpu.memory_space<vmem>>)
    %run_scoped3A = arith.constant 124 : i32
    "tpu.region"() ({
      %run_scoped3A_292 = tpu.sem_alloc : memref<!tpu.dma_semaphore, #tpu.memory_space<semaphore_mem>>
      %dma_start3A_293 = arith.constant 0 : i32
      %dma_start3A_294 = tpu.memref_slice %arg14[%run_scoped3A, %dma_start3A_293] : memref<125x80xi32, #tpu.memory_space<vmem>> -> memref<1x80xi32, #tpu.memory_space<vmem>>
      %dma_start3A_295 = tpu.memref_squeeze %dma_start3A_294 : memref<1x80xi32, #tpu.memory_space<vmem>> -> memref<80xi32, #tpu.memory_space<vmem>>
      %dma_start3A_296 = arith.constant 0 : i32
      %dma_start3A_297 = arith.constant 0 : i32
      %dma_start3A_298 = tpu.memref_slice %arg17[%dma_start3A_296, %dma_start3A_297] : memref<10000x128xf32, #tpu.memory_space<vmem_shared>> -> memref<10000x128xf32, #tpu.memory_space<vmem_shared>>
      tpu.enqueue_indirect_dma source(%arg15 : memref<80x128xf32, #tpu.memory_space<vmem>>) target(%dma_start3A_298 : memref<10000x128xf32, #tpu.memory_space<vmem_shared>>) offsets(%dma_start3A_295 : memref<80xi32, #tpu.memory_space<vmem>>) semaphore(%run_scoped3A_292 : memref<!tpu.dma_semaphore, #tpu.memory_space<semaphore_mem>>) {add = true}
      %dma_wait3A_299 = arith.constant 0 : i32
      %dma_wait3A_300 = tpu.memref_slice %arg14[%run_scoped3A, %dma_wait3A_299] : memref<125x80xi32, #tpu.memory_space<vmem>> -> memref<1x80xi32, #tpu.memory_space<vmem>>
      %dma_wait3A_301 = tpu.memref_squeeze %dma_wait3A_300 : memref<1x80xi32, #tpu.memory_space<vmem>> -> memref<80xi32, #tpu.memory_space<vmem>>
      %dma_wait3A_302 = arith.constant 0 : i32
      %dma_wait3A_303 = arith.constant 0 : i32
      %dma_wait3A_304 = tpu.memref_slice %arg17[%dma_wait3A_302, %dma_wait3A_303] : memref<10000x128xf32, #tpu.memory_space<vmem_shared>> -> memref<10000x128xf32, #tpu.memory_space<vmem_shared>>
      tpu.wait_indirect_dma semaphore(%run_scoped3A_292 : memref<!tpu.dma_semaphore, #tpu.memory_space<semaphore_mem>>) src(%arg15 : memref<80x128xf32, #tpu.memory_space<vmem>>) dst(%dma_wait3A_304 : memref<10000x128xf32, #tpu.memory_space<vmem_shared>>)
      tpu.yield
    }) : () -> ()
    %barrier3A_21 = arith.constant 0 : index
    tpu.barrier barrier_id(%barrier3A_21)
    %eq3A_22 = arith.constant 0 : i32
    %eq3A_23 = arith.cmpi eq, %arg1, %eq3A_22 : i32
    %convert_element_type3A_24 = arith.extui %eq3A_23 : i1 to i32
    %cond3A_25 = arith.constant 0 : i32
    %cond3A_26 = arith.cmpi ne, %convert_element_type3A_24, %cond3A_25 : i32
    scf.if %cond3A_26 {
      %run_scoped3A_292 = arith.constant 0 : i32
      "tpu.region"() ({
        %run_scoped3A_293 = tpu.sem_alloc : memref<!tpu.dma_semaphore, #tpu.memory_space<semaphore_mem>>
        %dma_start3A_294 = arith.constant 0 : i32
        %dma_start3A_295 = arith.constant 0 : i32
        %dma_start3A_296 = tpu.memref_slice %arg13[%arg0, %run_scoped3A_292, %dma_start3A_294, %dma_start3A_295] : memref<2x9x10000x128xf32, #tpu.memory_space<hbm>> -> memref<1x1x10000x128xf32, #tpu.memory_space<hbm>>
        %dma_start3A_297 = tpu.memref_squeeze %dma_start3A_296 : memref<1x1x10000x128xf32, #tpu.memory_space<hbm>> -> memref<10000x128xf32, #tpu.memory_space<hbm>>
        tpu.enqueue_dma source(%arg17 : memref<10000x128xf32, #tpu.memory_space<vmem_shared>>) target(%dma_start3A_297 : memref<10000x128xf32, #tpu.memory_space<hbm>>) target_semaphore(%run_scoped3A_293 : memref<!tpu.dma_semaphore, #tpu.memory_space<semaphore_mem>>)
        %dma_wait3A_298 = arith.constant 0 : i32
        %dma_wait3A_299 = arith.constant 0 : i32
        %dma_wait3A_300 = tpu.memref_slice %arg13[%arg0, %run_scoped3A_292, %dma_wait3A_298, %dma_wait3A_299] : memref<2x9x10000x128xf32, #tpu.memory_space<hbm>> -> memref<1x1x10000x128xf32, #tpu.memory_space<hbm>>
        %dma_wait3A_301 = tpu.memref_squeeze %dma_wait3A_300 : memref<1x1x10000x128xf32, #tpu.memory_space<hbm>> -> memref<10000x128xf32, #tpu.memory_space<hbm>>
        tpu.wait_dma2 semaphore(%run_scoped3A_293 : memref<!tpu.dma_semaphore, #tpu.memory_space<semaphore_mem>>) src(%arg17 : memref<10000x128xf32, #tpu.memory_space<vmem_shared>>) dst(%dma_wait3A_301 : memref<10000x128xf32, #tpu.memory_space<hbm>>)
        tpu.yield
      }) : () -> ()
    } else {
    }
    %barrier3A_27 = arith.constant 0 : index
    tpu.barrier barrier_id(%barrier3A_27)
    %eq3A_28 = arith.constant 0 : i32
    %eq3A_29 = arith.cmpi eq, %arg1, %eq3A_28 : i32
    %convert_element_type3A_30 = arith.extui %eq3A_29 : i1 to i32
    %cond3A_31 = arith.constant 0 : i32
    %cond3A_32 = arith.cmpi ne, %convert_element_type3A_30, %cond3A_31 : i32
    scf.if %cond3A_32 {
      "tpu.region"() ({
        %run_scoped3A_292 = tpu.sem_alloc : memref<!tpu.dma_semaphore, #tpu.memory_space<semaphore_mem>>
        tpu.enqueue_dma source(%arg12 : memref<10000x128xf32, #tpu.memory_space<hbm>>) target(%arg17 : memref<10000x128xf32, #tpu.memory_space<vmem_shared>>) target_semaphore(%run_scoped3A_292 : memref<!tpu.dma_semaphore, #tpu.memory_space<semaphore_mem>>)
        tpu.wait_dma2 semaphore(%run_scoped3A_292 : memref<!tpu.dma_semaphore, #tpu.memory_space<semaphore_mem>>) src(%arg12 : memref<10000x128xf32, #tpu.memory_space<hbm>>) dst(%arg17 : memref<10000x128xf32, #tpu.memory_space<vmem_shared>>)
        tpu.yield
      }) : () -> ()
    } else {
    }
    %barrier3A_33 = arith.constant 0 : index
    tpu.barrier barrier_id(%barrier3A_33)
    %dma_start3A_34 = arith.constant 0 : i32
    %dma_start3A_35 = tpu.memref_slice %arg3[%mul3A_2, %dma_start3A_34] : memref<320000x128xf32, #tpu.memory_space<hbm>> -> memref<80x128xf32, #tpu.memory_space<hbm>>
    %dma_start3A_36 = arith.constant 0 : i32
    %dma_start3A_37 = tpu.memref_slice %arg3[%mul3A_2, %dma_start3A_36] : memref<320000x128xf32, #tpu.memory_space<hbm>> -> memref<80x128xf32, #tpu.memory_space<hbm>>
    tpu.enqueue_dma source(%dma_start3A_37 : memref<80x128xf32, #tpu.memory_space<hbm>>) target(%arg15 : memref<80x128xf32, #tpu.memory_space<vmem>>) target_semaphore(%arg18 : memref<!tpu.dma_semaphore, #tpu.memory_space<semaphore_mem>>)
    %add3A_38 = arith.constant 80 : i32
    %add3A_39 = arith.addi %mul3A_2, %add3A_38 : i32
    %dma_start3A_40 = arith.constant 0 : i32
    %dma_start3A_41 = tpu.memref_slice %arg3[%add3A_39, %dma_start3A_40] : memref<320000x128xf32, #tpu.memory_space<hbm>> -> memref<80x128xf32, #tpu.memory_space<hbm>>
    %dma_start3A_42 = arith.constant 0 : i32
    %dma_start3A_43 = tpu.memref_slice %arg3[%add3A_39, %dma_start3A_42] : memref<320000x128xf32, #tpu.memory_space<hbm>> -> memref<80x128xf32, #tpu.memory_space<hbm>>
    tpu.enqueue_dma source(%dma_start3A_43 : memref<80x128xf32, #tpu.memory_space<hbm>>) target(%arg16 : memref<80x128xf32, #tpu.memory_space<vmem>>) target_semaphore(%arg19 : memref<!tpu.dma_semaphore, #tpu.memory_space<semaphore_mem>>)
    %scan3A_44 = arith.constant 0 : i32
    %scan3A_45 = arith.constant 62 : i32
    %scan3A_46 = arith.addi %scan3A_44, %scan3A_45 : i32
    %scan3A_47 = arith.constant 1 : i32
    scf.for %scan3A_292 = %scan3A_44 to %scan3A_46 step %scan3A_47  : i32 {
      %mul3A_293 = arith.constant 1 : i32
      %mul3A_294 = arith.muli %scan3A_292, %mul3A_293 : i32
      %add3A_295 = arith.constant 0 : i32
      %add3A_296 = arith.addi %add3A_295, %mul3A_294 : i32
      %dma_wait3A_297 = arith.constant 0 : i32
      %dma_wait3A_298 = tpu.memref_slice %arg3[%mul3A_2, %dma_wait3A_297] : memref<320000x128xf32, #tpu.memory_space<hbm>> -> memref<80x128xf32, #tpu.memory_space<hbm>>
      %dma_wait3A_299 = arith.constant 0 : i32
      %dma_wait3A_300 = tpu.memref_slice %arg3[%mul3A_2, %dma_wait3A_299] : memref<320000x128xf32, #tpu.memory_space<hbm>> -> memref<80x128xf32, #tpu.memory_space<hbm>>
      tpu.wait_dma2 semaphore(%arg18 : memref<!tpu.dma_semaphore, #tpu.memory_space<semaphore_mem>>) src(%dma_wait3A_300 : memref<80x128xf32, #tpu.memory_space<hbm>>) dst(%arg15 : memref<80x128xf32, #tpu.memory_space<vmem>>)
      %mul3A_301 = arith.constant 2 : i32
      %mul3A_302 = arith.muli %mul3A_301, %add3A_296 : i32
      "tpu.region"() ({
        %run_scoped3A_328 = tpu.sem_alloc : memref<!tpu.dma_semaphore, #tpu.memory_space<semaphore_mem>>
        %dma_start3A_329 = arith.constant 0 : i32
        %dma_start3A_330 = tpu.memref_slice %arg14[%mul3A_302, %dma_start3A_329] : memref<125x80xi32, #tpu.memory_space<vmem>> -> memref<1x80xi32, #tpu.memory_space<vmem>>
        %dma_start3A_331 = tpu.memref_squeeze %dma_start3A_330 : memref<1x80xi32, #tpu.memory_space<vmem>> -> memref<80xi32, #tpu.memory_space<vmem>>
        %dma_start3A_332 = arith.constant 0 : i32
        %dma_start3A_333 = arith.constant 0 : i32
        %dma_start3A_334 = tpu.memref_slice %arg17[%dma_start3A_332, %dma_start3A_333] : memref<10000x128xf32, #tpu.memory_space<vmem_shared>> -> memref<10000x128xf32, #tpu.memory_space<vmem_shared>>
        tpu.enqueue_indirect_dma source(%arg15 : memref<80x128xf32, #tpu.memory_space<vmem>>) target(%dma_start3A_334 : memref<10000x128xf32, #tpu.memory_space<vmem_shared>>) offsets(%dma_start3A_331 : memref<80xi32, #tpu.memory_space<vmem>>) semaphore(%run_scoped3A_328 : memref<!tpu.dma_semaphore, #tpu.memory_space<semaphore_mem>>) {add = true}
        %dma_wait3A_335 = arith.constant 0 : i32
        %dma_wait3A_336 = tpu.memref_slice %arg14[%mul3A_302, %dma_wait3A_335] : memref<125x80xi32, #tpu.memory_space<vmem>> -> memref<1x80xi32, #tpu.memory_space<vmem>>
        %dma_wait3A_337 = tpu.memref_squeeze %dma_wait3A_336 : memref<1x80xi32, #tpu.memory_space<vmem>> -> memref<80xi32, #tpu.memory_space<vmem>>
        %dma_wait3A_338 = arith.constant 0 : i32
        %dma_wait3A_339 = arith.constant 0 : i32
        %dma_wait3A_340 = tpu.memref_slice %arg17[%dma_wait3A_338, %dma_wait3A_339] : memref<10000x128xf32, #tpu.memory_space<vmem_shared>> -> memref<10000x128xf32, #tpu.memory_space<vmem_shared>>
        tpu.wait_indirect_dma semaphore(%run_scoped3A_328 : memref<!tpu.dma_semaphore, #tpu.memory_space<semaphore_mem>>) src(%arg15 : memref<80x128xf32, #tpu.memory_space<vmem>>) dst(%dma_wait3A_340 : memref<10000x128xf32, #tpu.memory_space<vmem_shared>>)
        tpu.yield
      }) : () -> ()
      %mul3A_303 = arith.constant 2 : i32
      %mul3A_304 = arith.muli %mul3A_303, %add3A_296 : i32
      %add3A_305 = arith.constant 2 : i32
      %add3A_306 = arith.addi %mul3A_304, %add3A_305 : i32
      %le3A = arith.constant 124 : i32
      %le3A_307 = arith.cmpi sle, %add3A_306, %le3A : i32
      %convert_element_type3A_308 = arith.extui %le3A_307 : i1 to i32
      %cond3A_309 = arith.constant 0 : i32
      %cond3A_310 = arith.cmpi ne, %convert_element_type3A_308, %cond3A_309 : i32
      scf.if %cond3A_310 {
        %mul3A_328 = arith.constant 2 : i32
        %mul3A_329 = arith.muli %mul3A_328, %add3A_296 : i32
        %add3A_330 = arith.constant 2 : i32
        %add3A_331 = arith.addi %mul3A_329, %add3A_330 : i32
        %mul3A_332 = arith.constant 80 : i32
        %mul3A_333 = arith.muli %add3A_331, %mul3A_332 : i32
        %add3A_334 = arith.addi %mul3A_2, %mul3A_333 : i32
        %dma_start3A_335 = arith.constant 0 : i32
        %dma_start3A_336 = tpu.memref_slice %arg3[%add3A_334, %dma_start3A_335] : memref<320000x128xf32, #tpu.memory_space<hbm>> -> memref<80x128xf32, #tpu.memory_space<hbm>>
        %dma_start3A_337 = arith.constant 0 : i32
        %dma_start3A_338 = tpu.memref_slice %arg3[%add3A_334, %dma_start3A_337] : memref<320000x128xf32, #tpu.memory_space<hbm>> -> memref<80x128xf32, #tpu.memory_space<hbm>>
        tpu.enqueue_dma source(%dma_start3A_338 : memref<80x128xf32, #tpu.memory_space<hbm>>) target(%arg15 : memref<80x128xf32, #tpu.memory_space<vmem>>) target_semaphore(%arg18 : memref<!tpu.dma_semaphore, #tpu.memory_space<semaphore_mem>>)
      } else {
      }
      %dma_wait3A_311 = arith.constant 0 : i32
      %dma_wait3A_312 = tpu.memref_slice %arg3[%mul3A_2, %dma_wait3A_311] : memref<320000x128xf32, #tpu.memory_space<hbm>> -> memref<80x128xf32, #tpu.memory_space<hbm>>
      %dma_wait3A_313 = arith.constant 0 : i32
      %dma_wait3A_314 = tpu.memref_slice %arg3[%mul3A_2, %dma_wait3A_313] : memref<320000x128xf32, #tpu.memory_space<hbm>> -> memref<80x128xf32, #tpu.memory_space<hbm>>
      tpu.wait_dma2 semaphore(%arg19 : memref<!tpu.dma_semaphore, #tpu.memory_space<semaphore_mem>>) src(%dma_wait3A_314 : memref<80x128xf32, #tpu.memory_space<hbm>>) dst(%arg16 : memref<80x128xf32, #tpu.memory_space<vmem>>)
      %mul3A_315 = arith.constant 2 : i32
      %mul3A_316 = arith.muli %mul3A_315, %add3A_296 : i32
      %add3A_317 = arith.constant 1 : i32
      %add3A_318 = arith.addi %mul3A_316, %add3A_317 : i32
      "tpu.region"() ({
        %run_scoped3A_328 = tpu.sem_alloc : memref<!tpu.dma_semaphore, #tpu.memory_space<semaphore_mem>>
        %dma_start3A_329 = arith.constant 0 : i32
        %dma_start3A_330 = tpu.memref_slice %arg14[%add3A_318, %dma_start3A_329] : memref<125x80xi32, #tpu.memory_space<vmem>> -> memref<1x80xi32, #tpu.memory_space<vmem>>
        %dma_start3A_331 = tpu.memref_squeeze %dma_start3A_330 : memref<1x80xi32, #tpu.memory_space<vmem>> -> memref<80xi32, #tpu.memory_space<vmem>>
        %dma_start3A_332 = arith.constant 0 : i32
        %dma_start3A_333 = arith.constant 0 : i32
        %dma_start3A_334 = tpu.memref_slice %arg17[%dma_start3A_332, %dma_start3A_333] : memref<10000x128xf32, #tpu.memory_space<vmem_shared>> -> memref<10000x128xf32, #tpu.memory_space<vmem_shared>>
        tpu.enqueue_indirect_dma source(%arg16 : memref<80x128xf32, #tpu.memory_space<vmem>>) target(%dma_start3A_334 : memref<10000x128xf32, #tpu.memory_space<vmem_shared>>) offsets(%dma_start3A_331 : memref<80xi32, #tpu.memory_space<vmem>>) semaphore(%run_scoped3A_328 : memref<!tpu.dma_semaphore, #tpu.memory_space<semaphore_mem>>) {add = true}
        %dma_wait3A_335 = arith.constant 0 : i32
        %dma_wait3A_336 = tpu.memref_slice %arg14[%add3A_318, %dma_wait3A_335] : memref<125x80xi32, #tpu.memory_space<vmem>> -> memref<1x80xi32, #tpu.memory_space<vmem>>
        %dma_wait3A_337 = tpu.memref_squeeze %dma_wait3A_336 : memref<1x80xi32, #tpu.memory_space<vmem>> -> memref<80xi32, #tpu.memory_space<vmem>>
        %dma_wait3A_338 = arith.constant 0 : i32
        %dma_wait3A_339 = arith.constant 0 : i32
        %dma_wait3A_340 = tpu.memref_slice %arg17[%dma_wait3A_338, %dma_wait3A_339] : memref<10000x128xf32, #tpu.memory_space<vmem_shared>> -> memref<10000x128xf32, #tpu.memory_space<vmem_shared>>
        tpu.wait_indirect_dma semaphore(%run_scoped3A_328 : memref<!tpu.dma_semaphore, #tpu.memory_space<semaphore_mem>>) src(%arg16 : memref<80x128xf32, #tpu.memory_space<vmem>>) dst(%dma_wait3A_340 : memref<10000x128xf32, #tpu.memory_space<vmem_shared>>)
        tpu.yield
      }) : () -> ()
      %mul3A_319 = arith.constant 2 : i32
      %mul3A_320 = arith.muli %mul3A_319, %add3A_296 : i32
      %add3A_321 = arith.constant 3 : i32
      %add3A_322 = arith.addi %mul3A_320, %add3A_321 : i32
      %le3A_323 = arith.constant 124 : i32
      %le3A_324 = arith.cmpi sle, %add3A_322, %le3A_323 : i32
      %convert_element_type3A_325 = arith.extui %le3A_324 : i1 to i32
      %cond3A_326 = arith.constant 0 : i32
      %cond3A_327 = arith.cmpi ne, %convert_element_type3A_325, %cond3A_326 : i32
      scf.if %cond3A_327 {
        %mul3A_328 = arith.constant 2 : i32
        %mul3A_329 = arith.muli %mul3A_328, %add3A_296 : i32
        %add3A_330 = arith.constant 3 : i32
        %add3A_331 = arith.addi %mul3A_329, %add3A_330 : i32
        %mul3A_332 = arith.constant 80 : i32
        %mul3A_333 = arith.muli %add3A_331, %mul3A_332 : i32
        %add3A_334 = arith.addi %mul3A_2, %mul3A_333 : i32
        %dma_start3A_335 = arith.constant 0 : i32
        %dma_start3A_336 = tpu.memref_slice %arg3[%add3A_334, %dma_start3A_335] : memref<320000x128xf32, #tpu.memory_space<hbm>> -> memref<80x128xf32, #tpu.memory_space<hbm>>
        %dma_start3A_337 = arith.constant 0 : i32
        %dma_start3A_338 = tpu.memref_slice %arg3[%add3A_334, %dma_start3A_337] : memref<320000x128xf32, #tpu.memory_space<hbm>> -> memref<80x128xf32, #tpu.memory_space<hbm>>
        tpu.enqueue_dma source(%dma_start3A_338 : memref<80x128xf32, #tpu.memory_space<hbm>>) target(%arg16 : memref<80x128xf32, #tpu.memory_space<vmem>>) target_semaphore(%arg19 : memref<!tpu.dma_semaphore, #tpu.memory_space<semaphore_mem>>)
      } else {
      }
    }
    %scan3A_48 = arith.constant 62 : i32
    %dma_wait3A_49 = arith.constant 0 : i32
    %dma_wait3A_50 = tpu.memref_slice %arg3[%mul3A_2, %dma_wait3A_49] : memref<320000x128xf32, #tpu.memory_space<hbm>> -> memref<80x128xf32, #tpu.memory_space<hbm>>
    %dma_wait3A_51 = arith.constant 0 : i32
    %dma_wait3A_52 = tpu.memref_slice %arg3[%mul3A_2, %dma_wait3A_51] : memref<320000x128xf32, #tpu.memory_space<hbm>> -> memref<80x128xf32, #tpu.memory_space<hbm>>
    tpu.wait_dma2 semaphore(%arg18 : memref<!tpu.dma_semaphore, #tpu.memory_space<semaphore_mem>>) src(%dma_wait3A_52 : memref<80x128xf32, #tpu.memory_space<hbm>>) dst(%arg15 : memref<80x128xf32, #tpu.memory_space<vmem>>)
    %run_scoped3A_53 = arith.constant 124 : i32
    "tpu.region"() ({
      %run_scoped3A_292 = tpu.sem_alloc : memref<!tpu.dma_semaphore, #tpu.memory_space<semaphore_mem>>
      %dma_start3A_293 = arith.constant 0 : i32
      %dma_start3A_294 = tpu.memref_slice %arg14[%run_scoped3A_53, %dma_start3A_293] : memref<125x80xi32, #tpu.memory_space<vmem>> -> memref<1x80xi32, #tpu.memory_space<vmem>>
      %dma_start3A_295 = tpu.memref_squeeze %dma_start3A_294 : memref<1x80xi32, #tpu.memory_space<vmem>> -> memref<80xi32, #tpu.memory_space<vmem>>
      %dma_start3A_296 = arith.constant 0 : i32
      %dma_start3A_297 = arith.constant 0 : i32
      %dma_start3A_298 = tpu.memref_slice %arg17[%dma_start3A_296, %dma_start3A_297] : memref<10000x128xf32, #tpu.memory_space<vmem_shared>> -> memref<10000x128xf32, #tpu.memory_space<vmem_shared>>
      tpu.enqueue_indirect_dma source(%arg15 : memref<80x128xf32, #tpu.memory_space<vmem>>) target(%dma_start3A_298 : memref<10000x128xf32, #tpu.memory_space<vmem_shared>>) offsets(%dma_start3A_295 : memref<80xi32, #tpu.memory_space<vmem>>) semaphore(%run_scoped3A_292 : memref<!tpu.dma_semaphore, #tpu.memory_space<semaphore_mem>>) {add = true}
      %dma_wait3A_299 = arith.constant 0 : i32
      %dma_wait3A_300 = tpu.memref_slice %arg14[%run_scoped3A_53, %dma_wait3A_299] : memref<125x80xi32, #tpu.memory_space<vmem>> -> memref<1x80xi32, #tpu.memory_space<vmem>>
      %dma_wait3A_301 = tpu.memref_squeeze %dma_wait3A_300 : memref<1x80xi32, #tpu.memory_space<vmem>> -> memref<80xi32, #tpu.memory_space<vmem>>
      %dma_wait3A_302 = arith.constant 0 : i32
      %dma_wait3A_303 = arith.constant 0 : i32
      %dma_wait3A_304 = tpu.memref_slice %arg17[%dma_wait3A_302, %dma_wait3A_303] : memref<10000x128xf32, #tpu.memory_space<vmem_shared>> -> memref<10000x128xf32, #tpu.memory_space<vmem_shared>>
      tpu.wait_indirect_dma semaphore(%run_scoped3A_292 : memref<!tpu.dma_semaphore, #tpu.memory_space<semaphore_mem>>) src(%arg15 : memref<80x128xf32, #tpu.memory_space<vmem>>) dst(%dma_wait3A_304 : memref<10000x128xf32, #tpu.memory_space<vmem_shared>>)
      tpu.yield
    }) : () -> ()
    %barrier3A_54 = arith.constant 0 : index
    tpu.barrier barrier_id(%barrier3A_54)
    %eq3A_55 = arith.constant 0 : i32
    %eq3A_56 = arith.cmpi eq, %arg1, %eq3A_55 : i32
    %convert_element_type3A_57 = arith.extui %eq3A_56 : i1 to i32
    %cond3A_58 = arith.constant 0 : i32
    %cond3A_59 = arith.cmpi ne, %convert_element_type3A_57, %cond3A_58 : i32
    scf.if %cond3A_59 {
      %run_scoped3A_292 = arith.constant 1 : i32
      "tpu.region"() ({
        %run_scoped3A_293 = tpu.sem_alloc : memref<!tpu.dma_semaphore, #tpu.memory_space<semaphore_mem>>
        %dma_start3A_294 = arith.constant 0 : i32
        %dma_start3A_295 = arith.constant 0 : i32
        %dma_start3A_296 = tpu.memref_slice %arg13[%arg0, %run_scoped3A_292, %dma_start3A_294, %dma_start3A_295] : memref<2x9x10000x128xf32, #tpu.memory_space<hbm>> -> memref<1x1x10000x128xf32, #tpu.memory_space<hbm>>
        %dma_start3A_297 = tpu.memref_squeeze %dma_start3A_296 : memref<1x1x10000x128xf32, #tpu.memory_space<hbm>> -> memref<10000x128xf32, #tpu.memory_space<hbm>>
        tpu.enqueue_dma source(%arg17 : memref<10000x128xf32, #tpu.memory_space<vmem_shared>>) target(%dma_start3A_297 : memref<10000x128xf32, #tpu.memory_space<hbm>>) target_semaphore(%run_scoped3A_293 : memref<!tpu.dma_semaphore, #tpu.memory_space<semaphore_mem>>)
        %dma_wait3A_298 = arith.constant 0 : i32
        %dma_wait3A_299 = arith.constant 0 : i32
        %dma_wait3A_300 = tpu.memref_slice %arg13[%arg0, %run_scoped3A_292, %dma_wait3A_298, %dma_wait3A_299] : memref<2x9x10000x128xf32, #tpu.memory_space<hbm>> -> memref<1x1x10000x128xf32, #tpu.memory_space<hbm>>
        %dma_wait3A_301 = tpu.memref_squeeze %dma_wait3A_300 : memref<1x1x10000x128xf32, #tpu.memory_space<hbm>> -> memref<10000x128xf32, #tpu.memory_space<hbm>>
        tpu.wait_dma2 semaphore(%run_scoped3A_293 : memref<!tpu.dma_semaphore, #tpu.memory_space<semaphore_mem>>) src(%arg17 : memref<10000x128xf32, #tpu.memory_space<vmem_shared>>) dst(%dma_wait3A_301 : memref<10000x128xf32, #tpu.memory_space<hbm>>)
        tpu.yield
      }) : () -> ()
    } else {
    }
    %barrier3A_60 = arith.constant 0 : index
    tpu.barrier barrier_id(%barrier3A_60)
    %eq3A_61 = arith.constant 0 : i32
    %eq3A_62 = arith.cmpi eq, %arg1, %eq3A_61 : i32
    %convert_element_type3A_63 = arith.extui %eq3A_62 : i1 to i32
    %cond3A_64 = arith.constant 0 : i32
    %cond3A_65 = arith.cmpi ne, %convert_element_type3A_63, %cond3A_64 : i32
    scf.if %cond3A_65 {
      "tpu.region"() ({
        %run_scoped3A_292 = tpu.sem_alloc : memref<!tpu.dma_semaphore, #tpu.memory_space<semaphore_mem>>
        tpu.enqueue_dma source(%arg12 : memref<10000x128xf32, #tpu.memory_space<hbm>>) target(%arg17 : memref<10000x128xf32, #tpu.memory_space<vmem_shared>>) target_semaphore(%run_scoped3A_292 : memref<!tpu.dma_semaphore, #tpu.memory_space<semaphore_mem>>)
        tpu.wait_dma2 semaphore(%run_scoped3A_292 : memref<!tpu.dma_semaphore, #tpu.memory_space<semaphore_mem>>) src(%arg12 : memref<10000x128xf32, #tpu.memory_space<hbm>>) dst(%arg17 : memref<10000x128xf32, #tpu.memory_space<vmem_shared>>)
        tpu.yield
      }) : () -> ()
    } else {
    }
    %barrier3A_66 = arith.constant 0 : index
    tpu.barrier barrier_id(%barrier3A_66)
    %dma_start3A_67 = arith.constant 0 : i32
    %dma_start3A_68 = tpu.memref_slice %arg4[%mul3A_2, %dma_start3A_67] : memref<320000x128xf32, #tpu.memory_space<hbm>> -> memref<80x128xf32, #tpu.memory_space<hbm>>
    %dma_start3A_69 = arith.constant 0 : i32
    %dma_start3A_70 = tpu.memref_slice %arg4[%mul3A_2, %dma_start3A_69] : memref<320000x128xf32, #tpu.memory_space<hbm>> -> memref<80x128xf32, #tpu.memory_space<hbm>>
    tpu.enqueue_dma source(%dma_start3A_70 : memref<80x128xf32, #tpu.memory_space<hbm>>) target(%arg15 : memref<80x128xf32, #tpu.memory_space<vmem>>) target_semaphore(%arg18 : memref<!tpu.dma_semaphore, #tpu.memory_space<semaphore_mem>>)
    %add3A_71 = arith.constant 80 : i32
    %add3A_72 = arith.addi %mul3A_2, %add3A_71 : i32
    %dma_start3A_73 = arith.constant 0 : i32
    %dma_start3A_74 = tpu.memref_slice %arg4[%add3A_72, %dma_start3A_73] : memref<320000x128xf32, #tpu.memory_space<hbm>> -> memref<80x128xf32, #tpu.memory_space<hbm>>
    %dma_start3A_75 = arith.constant 0 : i32
    %dma_start3A_76 = tpu.memref_slice %arg4[%add3A_72, %dma_start3A_75] : memref<320000x128xf32, #tpu.memory_space<hbm>> -> memref<80x128xf32, #tpu.memory_space<hbm>>
    tpu.enqueue_dma source(%dma_start3A_76 : memref<80x128xf32, #tpu.memory_space<hbm>>) target(%arg16 : memref<80x128xf32, #tpu.memory_space<vmem>>) target_semaphore(%arg19 : memref<!tpu.dma_semaphore, #tpu.memory_space<semaphore_mem>>)
    %scan3A_77 = arith.constant 0 : i32
    %scan3A_78 = arith.constant 62 : i32
    %scan3A_79 = arith.addi %scan3A_77, %scan3A_78 : i32
    %scan3A_80 = arith.constant 1 : i32
    scf.for %scan3A_292 = %scan3A_77 to %scan3A_79 step %scan3A_80  : i32 {
      %mul3A_293 = arith.constant 1 : i32
      %mul3A_294 = arith.muli %scan3A_292, %mul3A_293 : i32
      %add3A_295 = arith.constant 0 : i32
      %add3A_296 = arith.addi %add3A_295, %mul3A_294 : i32
      %dma_wait3A_297 = arith.constant 0 : i32
      %dma_wait3A_298 = tpu.memref_slice %arg4[%mul3A_2, %dma_wait3A_297] : memref<320000x128xf32, #tpu.memory_space<hbm>> -> memref<80x128xf32, #tpu.memory_space<hbm>>
      %dma_wait3A_299 = arith.constant 0 : i32
      %dma_wait3A_300 = tpu.memref_slice %arg4[%mul3A_2, %dma_wait3A_299] : memref<320000x128xf32, #tpu.memory_space<hbm>> -> memref<80x128xf32, #tpu.memory_space<hbm>>
      tpu.wait_dma2 semaphore(%arg18 : memref<!tpu.dma_semaphore, #tpu.memory_space<semaphore_mem>>) src(%dma_wait3A_300 : memref<80x128xf32, #tpu.memory_space<hbm>>) dst(%arg15 : memref<80x128xf32, #tpu.memory_space<vmem>>)
      %mul3A_301 = arith.constant 2 : i32
      %mul3A_302 = arith.muli %mul3A_301, %add3A_296 : i32
      "tpu.region"() ({
        %run_scoped3A_328 = tpu.sem_alloc : memref<!tpu.dma_semaphore, #tpu.memory_space<semaphore_mem>>
        %dma_start3A_329 = arith.constant 0 : i32
        %dma_start3A_330 = tpu.memref_slice %arg14[%mul3A_302, %dma_start3A_329] : memref<125x80xi32, #tpu.memory_space<vmem>> -> memref<1x80xi32, #tpu.memory_space<vmem>>
        %dma_start3A_331 = tpu.memref_squeeze %dma_start3A_330 : memref<1x80xi32, #tpu.memory_space<vmem>> -> memref<80xi32, #tpu.memory_space<vmem>>
        %dma_start3A_332 = arith.constant 0 : i32
        %dma_start3A_333 = arith.constant 0 : i32
        %dma_start3A_334 = tpu.memref_slice %arg17[%dma_start3A_332, %dma_start3A_333] : memref<10000x128xf32, #tpu.memory_space<vmem_shared>> -> memref<10000x128xf32, #tpu.memory_space<vmem_shared>>
        tpu.enqueue_indirect_dma source(%arg15 : memref<80x128xf32, #tpu.memory_space<vmem>>) target(%dma_start3A_334 : memref<10000x128xf32, #tpu.memory_space<vmem_shared>>) offsets(%dma_start3A_331 : memref<80xi32, #tpu.memory_space<vmem>>) semaphore(%run_scoped3A_328 : memref<!tpu.dma_semaphore, #tpu.memory_space<semaphore_mem>>) {add = true}
        %dma_wait3A_335 = arith.constant 0 : i32
        %dma_wait3A_336 = tpu.memref_slice %arg14[%mul3A_302, %dma_wait3A_335] : memref<125x80xi32, #tpu.memory_space<vmem>> -> memref<1x80xi32, #tpu.memory_space<vmem>>
        %dma_wait3A_337 = tpu.memref_squeeze %dma_wait3A_336 : memref<1x80xi32, #tpu.memory_space<vmem>> -> memref<80xi32, #tpu.memory_space<vmem>>
        %dma_wait3A_338 = arith.constant 0 : i32
        %dma_wait3A_339 = arith.constant 0 : i32
        %dma_wait3A_340 = tpu.memref_slice %arg17[%dma_wait3A_338, %dma_wait3A_339] : memref<10000x128xf32, #tpu.memory_space<vmem_shared>> -> memref<10000x128xf32, #tpu.memory_space<vmem_shared>>
        tpu.wait_indirect_dma semaphore(%run_scoped3A_328 : memref<!tpu.dma_semaphore, #tpu.memory_space<semaphore_mem>>) src(%arg15 : memref<80x128xf32, #tpu.memory_space<vmem>>) dst(%dma_wait3A_340 : memref<10000x128xf32, #tpu.memory_space<vmem_shared>>)
        tpu.yield
      }) : () -> ()
      %mul3A_303 = arith.constant 2 : i32
      %mul3A_304 = arith.muli %mul3A_303, %add3A_296 : i32
      %add3A_305 = arith.constant 2 : i32
      %add3A_306 = arith.addi %mul3A_304, %add3A_305 : i32
      %le3A = arith.constant 124 : i32
      %le3A_307 = arith.cmpi sle, %add3A_306, %le3A : i32
      %convert_element_type3A_308 = arith.extui %le3A_307 : i1 to i32
      %cond3A_309 = arith.constant 0 : i32
      %cond3A_310 = arith.cmpi ne, %convert_element_type3A_308, %cond3A_309 : i32
      scf.if %cond3A_310 {
        %mul3A_328 = arith.constant 2 : i32
        %mul3A_329 = arith.muli %mul3A_328, %add3A_296 : i32
        %add3A_330 = arith.constant 2 : i32
        %add3A_331 = arith.addi %mul3A_329, %add3A_330 : i32
        %mul3A_332 = arith.constant 80 : i32
        %mul3A_333 = arith.muli %add3A_331, %mul3A_332 : i32
        %add3A_334 = arith.addi %mul3A_2, %mul3A_333 : i32
        %dma_start3A_335 = arith.constant 0 : i32
        %dma_start3A_336 = tpu.memref_slice %arg4[%add3A_334, %dma_start3A_335] : memref<320000x128xf32, #tpu.memory_space<hbm>> -> memref<80x128xf32, #tpu.memory_space<hbm>>
        %dma_start3A_337 = arith.constant 0 : i32
        %dma_start3A_338 = tpu.memref_slice %arg4[%add3A_334, %dma_start3A_337] : memref<320000x128xf32, #tpu.memory_space<hbm>> -> memref<80x128xf32, #tpu.memory_space<hbm>>
        tpu.enqueue_dma source(%dma_start3A_338 : memref<80x128xf32, #tpu.memory_space<hbm>>) target(%arg15 : memref<80x128xf32, #tpu.memory_space<vmem>>) target_semaphore(%arg18 : memref<!tpu.dma_semaphore, #tpu.memory_space<semaphore_mem>>)
      } else {
      }
      %dma_wait3A_311 = arith.constant 0 : i32
      %dma_wait3A_312 = tpu.memref_slice %arg4[%mul3A_2, %dma_wait3A_311] : memref<320000x128xf32, #tpu.memory_space<hbm>> -> memref<80x128xf32, #tpu.memory_space<hbm>>
      %dma_wait3A_313 = arith.constant 0 : i32
      %dma_wait3A_314 = tpu.memref_slice %arg4[%mul3A_2, %dma_wait3A_313] : memref<320000x128xf32, #tpu.memory_space<hbm>> -> memref<80x128xf32, #tpu.memory_space<hbm>>
      tpu.wait_dma2 semaphore(%arg19 : memref<!tpu.dma_semaphore, #tpu.memory_space<semaphore_mem>>) src(%dma_wait3A_314 : memref<80x128xf32, #tpu.memory_space<hbm>>) dst(%arg16 : memref<80x128xf32, #tpu.memory_space<vmem>>)
      %mul3A_315 = arith.constant 2 : i32
      %mul3A_316 = arith.muli %mul3A_315, %add3A_296 : i32
      %add3A_317 = arith.constant 1 : i32
      %add3A_318 = arith.addi %mul3A_316, %add3A_317 : i32
      "tpu.region"() ({
        %run_scoped3A_328 = tpu.sem_alloc : memref<!tpu.dma_semaphore, #tpu.memory_space<semaphore_mem>>
        %dma_start3A_329 = arith.constant 0 : i32
        %dma_start3A_330 = tpu.memref_slice %arg14[%add3A_318, %dma_start3A_329] : memref<125x80xi32, #tpu.memory_space<vmem>> -> memref<1x80xi32, #tpu.memory_space<vmem>>
        %dma_start3A_331 = tpu.memref_squeeze %dma_start3A_330 : memref<1x80xi32, #tpu.memory_space<vmem>> -> memref<80xi32, #tpu.memory_space<vmem>>
        %dma_start3A_332 = arith.constant 0 : i32
        %dma_start3A_333 = arith.constant 0 : i32
        %dma_start3A_334 = tpu.memref_slice %arg17[%dma_start3A_332, %dma_start3A_333] : memref<10000x128xf32, #tpu.memory_space<vmem_shared>> -> memref<10000x128xf32, #tpu.memory_space<vmem_shared>>
        tpu.enqueue_indirect_dma source(%arg16 : memref<80x128xf32, #tpu.memory_space<vmem>>) target(%dma_start3A_334 : memref<10000x128xf32, #tpu.memory_space<vmem_shared>>) offsets(%dma_start3A_331 : memref<80xi32, #tpu.memory_space<vmem>>) semaphore(%run_scoped3A_328 : memref<!tpu.dma_semaphore, #tpu.memory_space<semaphore_mem>>) {add = true}
        %dma_wait3A_335 = arith.constant 0 : i32
        %dma_wait3A_336 = tpu.memref_slice %arg14[%add3A_318, %dma_wait3A_335] : memref<125x80xi32, #tpu.memory_space<vmem>> -> memref<1x80xi32, #tpu.memory_space<vmem>>
        %dma_wait3A_337 = tpu.memref_squeeze %dma_wait3A_336 : memref<1x80xi32, #tpu.memory_space<vmem>> -> memref<80xi32, #tpu.memory_space<vmem>>
        %dma_wait3A_338 = arith.constant 0 : i32
        %dma_wait3A_339 = arith.constant 0 : i32
        %dma_wait3A_340 = tpu.memref_slice %arg17[%dma_wait3A_338, %dma_wait3A_339] : memref<10000x128xf32, #tpu.memory_space<vmem_shared>> -> memref<10000x128xf32, #tpu.memory_space<vmem_shared>>
        tpu.wait_indirect_dma semaphore(%run_scoped3A_328 : memref<!tpu.dma_semaphore, #tpu.memory_space<semaphore_mem>>) src(%arg16 : memref<80x128xf32, #tpu.memory_space<vmem>>) dst(%dma_wait3A_340 : memref<10000x128xf32, #tpu.memory_space<vmem_shared>>)
        tpu.yield
      }) : () -> ()
      %mul3A_319 = arith.constant 2 : i32
      %mul3A_320 = arith.muli %mul3A_319, %add3A_296 : i32
      %add3A_321 = arith.constant 3 : i32
      %add3A_322 = arith.addi %mul3A_320, %add3A_321 : i32
      %le3A_323 = arith.constant 124 : i32
      %le3A_324 = arith.cmpi sle, %add3A_322, %le3A_323 : i32
      %convert_element_type3A_325 = arith.extui %le3A_324 : i1 to i32
      %cond3A_326 = arith.constant 0 : i32
      %cond3A_327 = arith.cmpi ne, %convert_element_type3A_325, %cond3A_326 : i32
      scf.if %cond3A_327 {
        %mul3A_328 = arith.constant 2 : i32
        %mul3A_329 = arith.muli %mul3A_328, %add3A_296 : i32
        %add3A_330 = arith.constant 3 : i32
        %add3A_331 = arith.addi %mul3A_329, %add3A_330 : i32
        %mul3A_332 = arith.constant 80 : i32
        %mul3A_333 = arith.muli %add3A_331, %mul3A_332 : i32
        %add3A_334 = arith.addi %mul3A_2, %mul3A_333 : i32
        %dma_start3A_335 = arith.constant 0 : i32
        %dma_start3A_336 = tpu.memref_slice %arg4[%add3A_334, %dma_start3A_335] : memref<320000x128xf32, #tpu.memory_space<hbm>> -> memref<80x128xf32, #tpu.memory_space<hbm>>
        %dma_start3A_337 = arith.constant 0 : i32
        %dma_start3A_338 = tpu.memref_slice %arg4[%add3A_334, %dma_start3A_337] : memref<320000x128xf32, #tpu.memory_space<hbm>> -> memref<80x128xf32, #tpu.memory_space<hbm>>
        tpu.enqueue_dma source(%dma_start3A_338 : memref<80x128xf32, #tpu.memory_space<hbm>>) target(%arg16 : memref<80x128xf32, #tpu.memory_space<vmem>>) target_semaphore(%arg19 : memref<!tpu.dma_semaphore, #tpu.memory_space<semaphore_mem>>)
      } else {
      }
    }
    %scan3A_81 = arith.constant 62 : i32
    %dma_wait3A_82 = arith.constant 0 : i32
    %dma_wait3A_83 = tpu.memref_slice %arg4[%mul3A_2, %dma_wait3A_82] : memref<320000x128xf32, #tpu.memory_space<hbm>> -> memref<80x128xf32, #tpu.memory_space<hbm>>
    %dma_wait3A_84 = arith.constant 0 : i32
    %dma_wait3A_85 = tpu.memref_slice %arg4[%mul3A_2, %dma_wait3A_84] : memref<320000x128xf32, #tpu.memory_space<hbm>> -> memref<80x128xf32, #tpu.memory_space<hbm>>
    tpu.wait_dma2 semaphore(%arg18 : memref<!tpu.dma_semaphore, #tpu.memory_space<semaphore_mem>>) src(%dma_wait3A_85 : memref<80x128xf32, #tpu.memory_space<hbm>>) dst(%arg15 : memref<80x128xf32, #tpu.memory_space<vmem>>)
    %run_scoped3A_86 = arith.constant 124 : i32
    "tpu.region"() ({
      %run_scoped3A_292 = tpu.sem_alloc : memref<!tpu.dma_semaphore, #tpu.memory_space<semaphore_mem>>
      %dma_start3A_293 = arith.constant 0 : i32
      %dma_start3A_294 = tpu.memref_slice %arg14[%run_scoped3A_86, %dma_start3A_293] : memref<125x80xi32, #tpu.memory_space<vmem>> -> memref<1x80xi32, #tpu.memory_space<vmem>>
      %dma_start3A_295 = tpu.memref_squeeze %dma_start3A_294 : memref<1x80xi32, #tpu.memory_space<vmem>> -> memref<80xi32, #tpu.memory_space<vmem>>
      %dma_start3A_296 = arith.constant 0 : i32
      %dma_start3A_297 = arith.constant 0 : i32
      %dma_start3A_298 = tpu.memref_slice %arg17[%dma_start3A_296, %dma_start3A_297] : memref<10000x128xf32, #tpu.memory_space<vmem_shared>> -> memref<10000x128xf32, #tpu.memory_space<vmem_shared>>
      tpu.enqueue_indirect_dma source(%arg15 : memref<80x128xf32, #tpu.memory_space<vmem>>) target(%dma_start3A_298 : memref<10000x128xf32, #tpu.memory_space<vmem_shared>>) offsets(%dma_start3A_295 : memref<80xi32, #tpu.memory_space<vmem>>) semaphore(%run_scoped3A_292 : memref<!tpu.dma_semaphore, #tpu.memory_space<semaphore_mem>>) {add = true}
      %dma_wait3A_299 = arith.constant 0 : i32
      %dma_wait3A_300 = tpu.memref_slice %arg14[%run_scoped3A_86, %dma_wait3A_299] : memref<125x80xi32, #tpu.memory_space<vmem>> -> memref<1x80xi32, #tpu.memory_space<vmem>>
      %dma_wait3A_301 = tpu.memref_squeeze %dma_wait3A_300 : memref<1x80xi32, #tpu.memory_space<vmem>> -> memref<80xi32, #tpu.memory_space<vmem>>
      %dma_wait3A_302 = arith.constant 0 : i32
      %dma_wait3A_303 = arith.constant 0 : i32
      %dma_wait3A_304 = tpu.memref_slice %arg17[%dma_wait3A_302, %dma_wait3A_303] : memref<10000x128xf32, #tpu.memory_space<vmem_shared>> -> memref<10000x128xf32, #tpu.memory_space<vmem_shared>>
      tpu.wait_indirect_dma semaphore(%run_scoped3A_292 : memref<!tpu.dma_semaphore, #tpu.memory_space<semaphore_mem>>) src(%arg15 : memref<80x128xf32, #tpu.memory_space<vmem>>) dst(%dma_wait3A_304 : memref<10000x128xf32, #tpu.memory_space<vmem_shared>>)
      tpu.yield
    }) : () -> ()
    %barrier3A_87 = arith.constant 0 : index
    tpu.barrier barrier_id(%barrier3A_87)
    %eq3A_88 = arith.constant 0 : i32
    %eq3A_89 = arith.cmpi eq, %arg1, %eq3A_88 : i32
    %convert_element_type3A_90 = arith.extui %eq3A_89 : i1 to i32
    %cond3A_91 = arith.constant 0 : i32
    %cond3A_92 = arith.cmpi ne, %convert_element_type3A_90, %cond3A_91 : i32
    scf.if %cond3A_92 {
      %run_scoped3A_292 = arith.constant 2 : i32
      "tpu.region"() ({
        %run_scoped3A_293 = tpu.sem_alloc : memref<!tpu.dma_semaphore, #tpu.memory_space<semaphore_mem>>
        %dma_start3A_294 = arith.constant 0 : i32
        %dma_start3A_295 = arith.constant 0 : i32
        %dma_start3A_296 = tpu.memref_slice %arg13[%arg0, %run_scoped3A_292, %dma_start3A_294, %dma_start3A_295] : memref<2x9x10000x128xf32, #tpu.memory_space<hbm>> -> memref<1x1x10000x128xf32, #tpu.memory_space<hbm>>
        %dma_start3A_297 = tpu.memref_squeeze %dma_start3A_296 : memref<1x1x10000x128xf32, #tpu.memory_space<hbm>> -> memref<10000x128xf32, #tpu.memory_space<hbm>>
        tpu.enqueue_dma source(%arg17 : memref<10000x128xf32, #tpu.memory_space<vmem_shared>>) target(%dma_start3A_297 : memref<10000x128xf32, #tpu.memory_space<hbm>>) target_semaphore(%run_scoped3A_293 : memref<!tpu.dma_semaphore, #tpu.memory_space<semaphore_mem>>)
        %dma_wait3A_298 = arith.constant 0 : i32
        %dma_wait3A_299 = arith.constant 0 : i32
        %dma_wait3A_300 = tpu.memref_slice %arg13[%arg0, %run_scoped3A_292, %dma_wait3A_298, %dma_wait3A_299] : memref<2x9x10000x128xf32, #tpu.memory_space<hbm>> -> memref<1x1x10000x128xf32, #tpu.memory_space<hbm>>
        %dma_wait3A_301 = tpu.memref_squeeze %dma_wait3A_300 : memref<1x1x10000x128xf32, #tpu.memory_space<hbm>> -> memref<10000x128xf32, #tpu.memory_space<hbm>>
        tpu.wait_dma2 semaphore(%run_scoped3A_293 : memref<!tpu.dma_semaphore, #tpu.memory_space<semaphore_mem>>) src(%arg17 : memref<10000x128xf32, #tpu.memory_space<vmem_shared>>) dst(%dma_wait3A_301 : memref<10000x128xf32, #tpu.memory_space<hbm>>)
        tpu.yield
      }) : () -> ()
    } else {
    }
    %barrier3A_93 = arith.constant 0 : index
    tpu.barrier barrier_id(%barrier3A_93)
    %eq3A_94 = arith.constant 0 : i32
    %eq3A_95 = arith.cmpi eq, %arg1, %eq3A_94 : i32
    %convert_element_type3A_96 = arith.extui %eq3A_95 : i1 to i32
    %cond3A_97 = arith.constant 0 : i32
    %cond3A_98 = arith.cmpi ne, %convert_element_type3A_96, %cond3A_97 : i32
    scf.if %cond3A_98 {
      "tpu.region"() ({
        %run_scoped3A_292 = tpu.sem_alloc : memref<!tpu.dma_semaphore, #tpu.memory_space<semaphore_mem>>
        tpu.enqueue_dma source(%arg12 : memref<10000x128xf32, #tpu.memory_space<hbm>>) target(%arg17 : memref<10000x128xf32, #tpu.memory_space<vmem_shared>>) target_semaphore(%run_scoped3A_292 : memref<!tpu.dma_semaphore, #tpu.memory_space<semaphore_mem>>)
        tpu.wait_dma2 semaphore(%run_scoped3A_292 : memref<!tpu.dma_semaphore, #tpu.memory_space<semaphore_mem>>) src(%arg12 : memref<10000x128xf32, #tpu.memory_space<hbm>>) dst(%arg17 : memref<10000x128xf32, #tpu.memory_space<vmem_shared>>)
        tpu.yield
      }) : () -> ()
    } else {
    }
    %barrier3A_99 = arith.constant 0 : index
    tpu.barrier barrier_id(%barrier3A_99)
    %dma_start3A_100 = arith.constant 0 : i32
    %dma_start3A_101 = tpu.memref_slice %arg5[%mul3A_2, %dma_start3A_100] : memref<320000x128xf32, #tpu.memory_space<hbm>> -> memref<80x128xf32, #tpu.memory_space<hbm>>
    %dma_start3A_102 = arith.constant 0 : i32
    %dma_start3A_103 = tpu.memref_slice %arg5[%mul3A_2, %dma_start3A_102] : memref<320000x128xf32, #tpu.memory_space<hbm>> -> memref<80x128xf32, #tpu.memory_space<hbm>>
    tpu.enqueue_dma source(%dma_start3A_103 : memref<80x128xf32, #tpu.memory_space<hbm>>) target(%arg15 : memref<80x128xf32, #tpu.memory_space<vmem>>) target_semaphore(%arg18 : memref<!tpu.dma_semaphore, #tpu.memory_space<semaphore_mem>>)
    %add3A_104 = arith.constant 80 : i32
    %add3A_105 = arith.addi %mul3A_2, %add3A_104 : i32
    %dma_start3A_106 = arith.constant 0 : i32
    %dma_start3A_107 = tpu.memref_slice %arg5[%add3A_105, %dma_start3A_106] : memref<320000x128xf32, #tpu.memory_space<hbm>> -> memref<80x128xf32, #tpu.memory_space<hbm>>
    %dma_start3A_108 = arith.constant 0 : i32
    %dma_start3A_109 = tpu.memref_slice %arg5[%add3A_105, %dma_start3A_108] : memref<320000x128xf32, #tpu.memory_space<hbm>> -> memref<80x128xf32, #tpu.memory_space<hbm>>
    tpu.enqueue_dma source(%dma_start3A_109 : memref<80x128xf32, #tpu.memory_space<hbm>>) target(%arg16 : memref<80x128xf32, #tpu.memory_space<vmem>>) target_semaphore(%arg19 : memref<!tpu.dma_semaphore, #tpu.memory_space<semaphore_mem>>)
    %scan3A_110 = arith.constant 0 : i32
    %scan3A_111 = arith.constant 62 : i32
    %scan3A_112 = arith.addi %scan3A_110, %scan3A_111 : i32
    %scan3A_113 = arith.constant 1 : i32
    scf.for %scan3A_292 = %scan3A_110 to %scan3A_112 step %scan3A_113  : i32 {
      %mul3A_293 = arith.constant 1 : i32
      %mul3A_294 = arith.muli %scan3A_292, %mul3A_293 : i32
      %add3A_295 = arith.constant 0 : i32
      %add3A_296 = arith.addi %add3A_295, %mul3A_294 : i32
      %dma_wait3A_297 = arith.constant 0 : i32
      %dma_wait3A_298 = tpu.memref_slice %arg5[%mul3A_2, %dma_wait3A_297] : memref<320000x128xf32, #tpu.memory_space<hbm>> -> memref<80x128xf32, #tpu.memory_space<hbm>>
      %dma_wait3A_299 = arith.constant 0 : i32
      %dma_wait3A_300 = tpu.memref_slice %arg5[%mul3A_2, %dma_wait3A_299] : memref<320000x128xf32, #tpu.memory_space<hbm>> -> memref<80x128xf32, #tpu.memory_space<hbm>>
      tpu.wait_dma2 semaphore(%arg18 : memref<!tpu.dma_semaphore, #tpu.memory_space<semaphore_mem>>) src(%dma_wait3A_300 : memref<80x128xf32, #tpu.memory_space<hbm>>) dst(%arg15 : memref<80x128xf32, #tpu.memory_space<vmem>>)
      %mul3A_301 = arith.constant 2 : i32
      %mul3A_302 = arith.muli %mul3A_301, %add3A_296 : i32
      "tpu.region"() ({
        %run_scoped3A_328 = tpu.sem_alloc : memref<!tpu.dma_semaphore, #tpu.memory_space<semaphore_mem>>
        %dma_start3A_329 = arith.constant 0 : i32
        %dma_start3A_330 = tpu.memref_slice %arg14[%mul3A_302, %dma_start3A_329] : memref<125x80xi32, #tpu.memory_space<vmem>> -> memref<1x80xi32, #tpu.memory_space<vmem>>
        %dma_start3A_331 = tpu.memref_squeeze %dma_start3A_330 : memref<1x80xi32, #tpu.memory_space<vmem>> -> memref<80xi32, #tpu.memory_space<vmem>>
        %dma_start3A_332 = arith.constant 0 : i32
        %dma_start3A_333 = arith.constant 0 : i32
        %dma_start3A_334 = tpu.memref_slice %arg17[%dma_start3A_332, %dma_start3A_333] : memref<10000x128xf32, #tpu.memory_space<vmem_shared>> -> memref<10000x128xf32, #tpu.memory_space<vmem_shared>>
        tpu.enqueue_indirect_dma source(%arg15 : memref<80x128xf32, #tpu.memory_space<vmem>>) target(%dma_start3A_334 : memref<10000x128xf32, #tpu.memory_space<vmem_shared>>) offsets(%dma_start3A_331 : memref<80xi32, #tpu.memory_space<vmem>>) semaphore(%run_scoped3A_328 : memref<!tpu.dma_semaphore, #tpu.memory_space<semaphore_mem>>) {add = true}
        %dma_wait3A_335 = arith.constant 0 : i32
        %dma_wait3A_336 = tpu.memref_slice %arg14[%mul3A_302, %dma_wait3A_335] : memref<125x80xi32, #tpu.memory_space<vmem>> -> memref<1x80xi32, #tpu.memory_space<vmem>>
        %dma_wait3A_337 = tpu.memref_squeeze %dma_wait3A_336 : memref<1x80xi32, #tpu.memory_space<vmem>> -> memref<80xi32, #tpu.memory_space<vmem>>
        %dma_wait3A_338 = arith.constant 0 : i32
        %dma_wait3A_339 = arith.constant 0 : i32
        %dma_wait3A_340 = tpu.memref_slice %arg17[%dma_wait3A_338, %dma_wait3A_339] : memref<10000x128xf32, #tpu.memory_space<vmem_shared>> -> memref<10000x128xf32, #tpu.memory_space<vmem_shared>>
        tpu.wait_indirect_dma semaphore(%run_scoped3A_328 : memref<!tpu.dma_semaphore, #tpu.memory_space<semaphore_mem>>) src(%arg15 : memref<80x128xf32, #tpu.memory_space<vmem>>) dst(%dma_wait3A_340 : memref<10000x128xf32, #tpu.memory_space<vmem_shared>>)
        tpu.yield
      }) : () -> ()
      %mul3A_303 = arith.constant 2 : i32
      %mul3A_304 = arith.muli %mul3A_303, %add3A_296 : i32
      %add3A_305 = arith.constant 2 : i32
      %add3A_306 = arith.addi %mul3A_304, %add3A_305 : i32
      %le3A = arith.constant 124 : i32
      %le3A_307 = arith.cmpi sle, %add3A_306, %le3A : i32
      %convert_element_type3A_308 = arith.extui %le3A_307 : i1 to i32
      %cond3A_309 = arith.constant 0 : i32
      %cond3A_310 = arith.cmpi ne, %convert_element_type3A_308, %cond3A_309 : i32
      scf.if %cond3A_310 {
        %mul3A_328 = arith.constant 2 : i32
        %mul3A_329 = arith.muli %mul3A_328, %add3A_296 : i32
        %add3A_330 = arith.constant 2 : i32
        %add3A_331 = arith.addi %mul3A_329, %add3A_330 : i32
        %mul3A_332 = arith.constant 80 : i32
        %mul3A_333 = arith.muli %add3A_331, %mul3A_332 : i32
        %add3A_334 = arith.addi %mul3A_2, %mul3A_333 : i32
        %dma_start3A_335 = arith.constant 0 : i32
        %dma_start3A_336 = tpu.memref_slice %arg5[%add3A_334, %dma_start3A_335] : memref<320000x128xf32, #tpu.memory_space<hbm>> -> memref<80x128xf32, #tpu.memory_space<hbm>>
        %dma_start3A_337 = arith.constant 0 : i32
        %dma_start3A_338 = tpu.memref_slice %arg5[%add3A_334, %dma_start3A_337] : memref<320000x128xf32, #tpu.memory_space<hbm>> -> memref<80x128xf32, #tpu.memory_space<hbm>>
        tpu.enqueue_dma source(%dma_start3A_338 : memref<80x128xf32, #tpu.memory_space<hbm>>) target(%arg15 : memref<80x128xf32, #tpu.memory_space<vmem>>) target_semaphore(%arg18 : memref<!tpu.dma_semaphore, #tpu.memory_space<semaphore_mem>>)
      } else {
      }
      %dma_wait3A_311 = arith.constant 0 : i32
      %dma_wait3A_312 = tpu.memref_slice %arg5[%mul3A_2, %dma_wait3A_311] : memref<320000x128xf32, #tpu.memory_space<hbm>> -> memref<80x128xf32, #tpu.memory_space<hbm>>
      %dma_wait3A_313 = arith.constant 0 : i32
      %dma_wait3A_314 = tpu.memref_slice %arg5[%mul3A_2, %dma_wait3A_313] : memref<320000x128xf32, #tpu.memory_space<hbm>> -> memref<80x128xf32, #tpu.memory_space<hbm>>
      tpu.wait_dma2 semaphore(%arg19 : memref<!tpu.dma_semaphore, #tpu.memory_space<semaphore_mem>>) src(%dma_wait3A_314 : memref<80x128xf32, #tpu.memory_space<hbm>>) dst(%arg16 : memref<80x128xf32, #tpu.memory_space<vmem>>)
      %mul3A_315 = arith.constant 2 : i32
      %mul3A_316 = arith.muli %mul3A_315, %add3A_296 : i32
      %add3A_317 = arith.constant 1 : i32
      %add3A_318 = arith.addi %mul3A_316, %add3A_317 : i32
      "tpu.region"() ({
        %run_scoped3A_328 = tpu.sem_alloc : memref<!tpu.dma_semaphore, #tpu.memory_space<semaphore_mem>>
        %dma_start3A_329 = arith.constant 0 : i32
        %dma_start3A_330 = tpu.memref_slice %arg14[%add3A_318, %dma_start3A_329] : memref<125x80xi32, #tpu.memory_space<vmem>> -> memref<1x80xi32, #tpu.memory_space<vmem>>
        %dma_start3A_331 = tpu.memref_squeeze %dma_start3A_330 : memref<1x80xi32, #tpu.memory_space<vmem>> -> memref<80xi32, #tpu.memory_space<vmem>>
        %dma_start3A_332 = arith.constant 0 : i32
        %dma_start3A_333 = arith.constant 0 : i32
        %dma_start3A_334 = tpu.memref_slice %arg17[%dma_start3A_332, %dma_start3A_333] : memref<10000x128xf32, #tpu.memory_space<vmem_shared>> -> memref<10000x128xf32, #tpu.memory_space<vmem_shared>>
        tpu.enqueue_indirect_dma source(%arg16 : memref<80x128xf32, #tpu.memory_space<vmem>>) target(%dma_start3A_334 : memref<10000x128xf32, #tpu.memory_space<vmem_shared>>) offsets(%dma_start3A_331 : memref<80xi32, #tpu.memory_space<vmem>>) semaphore(%run_scoped3A_328 : memref<!tpu.dma_semaphore, #tpu.memory_space<semaphore_mem>>) {add = true}
        %dma_wait3A_335 = arith.constant 0 : i32
        %dma_wait3A_336 = tpu.memref_slice %arg14[%add3A_318, %dma_wait3A_335] : memref<125x80xi32, #tpu.memory_space<vmem>> -> memref<1x80xi32, #tpu.memory_space<vmem>>
        %dma_wait3A_337 = tpu.memref_squeeze %dma_wait3A_336 : memref<1x80xi32, #tpu.memory_space<vmem>> -> memref<80xi32, #tpu.memory_space<vmem>>
        %dma_wait3A_338 = arith.constant 0 : i32
        %dma_wait3A_339 = arith.constant 0 : i32
        %dma_wait3A_340 = tpu.memref_slice %arg17[%dma_wait3A_338, %dma_wait3A_339] : memref<10000x128xf32, #tpu.memory_space<vmem_shared>> -> memref<10000x128xf32, #tpu.memory_space<vmem_shared>>
        tpu.wait_indirect_dma semaphore(%run_scoped3A_328 : memref<!tpu.dma_semaphore, #tpu.memory_space<semaphore_mem>>) src(%arg16 : memref<80x128xf32, #tpu.memory_space<vmem>>) dst(%dma_wait3A_340 : memref<10000x128xf32, #tpu.memory_space<vmem_shared>>)
        tpu.yield
      }) : () -> ()
      %mul3A_319 = arith.constant 2 : i32
      %mul3A_320 = arith.muli %mul3A_319, %add3A_296 : i32
      %add3A_321 = arith.constant 3 : i32
      %add3A_322 = arith.addi %mul3A_320, %add3A_321 : i32
      %le3A_323 = arith.constant 124 : i32
      %le3A_324 = arith.cmpi sle, %add3A_322, %le3A_323 : i32
      %convert_element_type3A_325 = arith.extui %le3A_324 : i1 to i32
      %cond3A_326 = arith.constant 0 : i32
      %cond3A_327 = arith.cmpi ne, %convert_element_type3A_325, %cond3A_326 : i32
      scf.if %cond3A_327 {
        %mul3A_328 = arith.constant 2 : i32
        %mul3A_329 = arith.muli %mul3A_328, %add3A_296 : i32
        %add3A_330 = arith.constant 3 : i32
        %add3A_331 = arith.addi %mul3A_329, %add3A_330 : i32
        %mul3A_332 = arith.constant 80 : i32
        %mul3A_333 = arith.muli %add3A_331, %mul3A_332 : i32
        %add3A_334 = arith.addi %mul3A_2, %mul3A_333 : i32
        %dma_start3A_335 = arith.constant 0 : i32
        %dma_start3A_336 = tpu.memref_slice %arg5[%add3A_334, %dma_start3A_335] : memref<320000x128xf32, #tpu.memory_space<hbm>> -> memref<80x128xf32, #tpu.memory_space<hbm>>
        %dma_start3A_337 = arith.constant 0 : i32
        %dma_start3A_338 = tpu.memref_slice %arg5[%add3A_334, %dma_start3A_337] : memref<320000x128xf32, #tpu.memory_space<hbm>> -> memref<80x128xf32, #tpu.memory_space<hbm>>
        tpu.enqueue_dma source(%dma_start3A_338 : memref<80x128xf32, #tpu.memory_space<hbm>>) target(%arg16 : memref<80x128xf32, #tpu.memory_space<vmem>>) target_semaphore(%arg19 : memref<!tpu.dma_semaphore, #tpu.memory_space<semaphore_mem>>)
      } else {
      }
    }
    %scan3A_114 = arith.constant 62 : i32
    %dma_wait3A_115 = arith.constant 0 : i32
    %dma_wait3A_116 = tpu.memref_slice %arg5[%mul3A_2, %dma_wait3A_115] : memref<320000x128xf32, #tpu.memory_space<hbm>> -> memref<80x128xf32, #tpu.memory_space<hbm>>
    %dma_wait3A_117 = arith.constant 0 : i32
    %dma_wait3A_118 = tpu.memref_slice %arg5[%mul3A_2, %dma_wait3A_117] : memref<320000x128xf32, #tpu.memory_space<hbm>> -> memref<80x128xf32, #tpu.memory_space<hbm>>
    tpu.wait_dma2 semaphore(%arg18 : memref<!tpu.dma_semaphore, #tpu.memory_space<semaphore_mem>>) src(%dma_wait3A_118 : memref<80x128xf32, #tpu.memory_space<hbm>>) dst(%arg15 : memref<80x128xf32, #tpu.memory_space<vmem>>)
    %run_scoped3A_119 = arith.constant 124 : i32
    "tpu.region"() ({
      %run_scoped3A_292 = tpu.sem_alloc : memref<!tpu.dma_semaphore, #tpu.memory_space<semaphore_mem>>
      %dma_start3A_293 = arith.constant 0 : i32
      %dma_start3A_294 = tpu.memref_slice %arg14[%run_scoped3A_119, %dma_start3A_293] : memref<125x80xi32, #tpu.memory_space<vmem>> -> memref<1x80xi32, #tpu.memory_space<vmem>>
      %dma_start3A_295 = tpu.memref_squeeze %dma_start3A_294 : memref<1x80xi32, #tpu.memory_space<vmem>> -> memref<80xi32, #tpu.memory_space<vmem>>
      %dma_start3A_296 = arith.constant 0 : i32
      %dma_start3A_297 = arith.constant 0 : i32
      %dma_start3A_298 = tpu.memref_slice %arg17[%dma_start3A_296, %dma_start3A_297] : memref<10000x128xf32, #tpu.memory_space<vmem_shared>> -> memref<10000x128xf32, #tpu.memory_space<vmem_shared>>
      tpu.enqueue_indirect_dma source(%arg15 : memref<80x128xf32, #tpu.memory_space<vmem>>) target(%dma_start3A_298 : memref<10000x128xf32, #tpu.memory_space<vmem_shared>>) offsets(%dma_start3A_295 : memref<80xi32, #tpu.memory_space<vmem>>) semaphore(%run_scoped3A_292 : memref<!tpu.dma_semaphore, #tpu.memory_space<semaphore_mem>>) {add = true}
      %dma_wait3A_299 = arith.constant 0 : i32
      %dma_wait3A_300 = tpu.memref_slice %arg14[%run_scoped3A_119, %dma_wait3A_299] : memref<125x80xi32, #tpu.memory_space<vmem>> -> memref<1x80xi32, #tpu.memory_space<vmem>>
      %dma_wait3A_301 = tpu.memref_squeeze %dma_wait3A_300 : memref<1x80xi32, #tpu.memory_space<vmem>> -> memref<80xi32, #tpu.memory_space<vmem>>
      %dma_wait3A_302 = arith.constant 0 : i32
      %dma_wait3A_303 = arith.constant 0 : i32
      %dma_wait3A_304 = tpu.memref_slice %arg17[%dma_wait3A_302, %dma_wait3A_303] : memref<10000x128xf32, #tpu.memory_space<vmem_shared>> -> memref<10000x128xf32, #tpu.memory_space<vmem_shared>>
      tpu.wait_indirect_dma semaphore(%run_scoped3A_292 : memref<!tpu.dma_semaphore, #tpu.memory_space<semaphore_mem>>) src(%arg15 : memref<80x128xf32, #tpu.memory_space<vmem>>) dst(%dma_wait3A_304 : memref<10000x128xf32, #tpu.memory_space<vmem_shared>>)
      tpu.yield
    }) : () -> ()
    %barrier3A_120 = arith.constant 0 : index
    tpu.barrier barrier_id(%barrier3A_120)
    %eq3A_121 = arith.constant 0 : i32
    %eq3A_122 = arith.cmpi eq, %arg1, %eq3A_121 : i32
    %convert_element_type3A_123 = arith.extui %eq3A_122 : i1 to i32
    %cond3A_124 = arith.constant 0 : i32
    %cond3A_125 = arith.cmpi ne, %convert_element_type3A_123, %cond3A_124 : i32
    scf.if %cond3A_125 {
      %run_scoped3A_292 = arith.constant 3 : i32
      "tpu.region"() ({
        %run_scoped3A_293 = tpu.sem_alloc : memref<!tpu.dma_semaphore, #tpu.memory_space<semaphore_mem>>
        %dma_start3A_294 = arith.constant 0 : i32
        %dma_start3A_295 = arith.constant 0 : i32
        %dma_start3A_296 = tpu.memref_slice %arg13[%arg0, %run_scoped3A_292, %dma_start3A_294, %dma_start3A_295] : memref<2x9x10000x128xf32, #tpu.memory_space<hbm>> -> memref<1x1x10000x128xf32, #tpu.memory_space<hbm>>
        %dma_start3A_297 = tpu.memref_squeeze %dma_start3A_296 : memref<1x1x10000x128xf32, #tpu.memory_space<hbm>> -> memref<10000x128xf32, #tpu.memory_space<hbm>>
        tpu.enqueue_dma source(%arg17 : memref<10000x128xf32, #tpu.memory_space<vmem_shared>>) target(%dma_start3A_297 : memref<10000x128xf32, #tpu.memory_space<hbm>>) target_semaphore(%run_scoped3A_293 : memref<!tpu.dma_semaphore, #tpu.memory_space<semaphore_mem>>)
        %dma_wait3A_298 = arith.constant 0 : i32
        %dma_wait3A_299 = arith.constant 0 : i32
        %dma_wait3A_300 = tpu.memref_slice %arg13[%arg0, %run_scoped3A_292, %dma_wait3A_298, %dma_wait3A_299] : memref<2x9x10000x128xf32, #tpu.memory_space<hbm>> -> memref<1x1x10000x128xf32, #tpu.memory_space<hbm>>
        %dma_wait3A_301 = tpu.memref_squeeze %dma_wait3A_300 : memref<1x1x10000x128xf32, #tpu.memory_space<hbm>> -> memref<10000x128xf32, #tpu.memory_space<hbm>>
        tpu.wait_dma2 semaphore(%run_scoped3A_293 : memref<!tpu.dma_semaphore, #tpu.memory_space<semaphore_mem>>) src(%arg17 : memref<10000x128xf32, #tpu.memory_space<vmem_shared>>) dst(%dma_wait3A_301 : memref<10000x128xf32, #tpu.memory_space<hbm>>)
        tpu.yield
      }) : () -> ()
    } else {
    }
    %barrier3A_126 = arith.constant 0 : index
    tpu.barrier barrier_id(%barrier3A_126)
    %eq3A_127 = arith.constant 0 : i32
    %eq3A_128 = arith.cmpi eq, %arg1, %eq3A_127 : i32
    %convert_element_type3A_129 = arith.extui %eq3A_128 : i1 to i32
    %cond3A_130 = arith.constant 0 : i32
    %cond3A_131 = arith.cmpi ne, %convert_element_type3A_129, %cond3A_130 : i32
    scf.if %cond3A_131 {
      "tpu.region"() ({
        %run_scoped3A_292 = tpu.sem_alloc : memref<!tpu.dma_semaphore, #tpu.memory_space<semaphore_mem>>
        tpu.enqueue_dma source(%arg12 : memref<10000x128xf32, #tpu.memory_space<hbm>>) target(%arg17 : memref<10000x128xf32, #tpu.memory_space<vmem_shared>>) target_semaphore(%run_scoped3A_292 : memref<!tpu.dma_semaphore, #tpu.memory_space<semaphore_mem>>)
        tpu.wait_dma2 semaphore(%run_scoped3A_292 : memref<!tpu.dma_semaphore, #tpu.memory_space<semaphore_mem>>) src(%arg12 : memref<10000x128xf32, #tpu.memory_space<hbm>>) dst(%arg17 : memref<10000x128xf32, #tpu.memory_space<vmem_shared>>)
        tpu.yield
      }) : () -> ()
    } else {
    }
    %barrier3A_132 = arith.constant 0 : index
    tpu.barrier barrier_id(%barrier3A_132)
    %dma_start3A_133 = arith.constant 0 : i32
    %dma_start3A_134 = tpu.memref_slice %arg6[%mul3A_2, %dma_start3A_133] : memref<320000x128xf32, #tpu.memory_space<hbm>> -> memref<80x128xf32, #tpu.memory_space<hbm>>
    %dma_start3A_135 = arith.constant 0 : i32
    %dma_start3A_136 = tpu.memref_slice %arg6[%mul3A_2, %dma_start3A_135] : memref<320000x128xf32, #tpu.memory_space<hbm>> -> memref<80x128xf32, #tpu.memory_space<hbm>>
    tpu.enqueue_dma source(%dma_start3A_136 : memref<80x128xf32, #tpu.memory_space<hbm>>) target(%arg15 : memref<80x128xf32, #tpu.memory_space<vmem>>) target_semaphore(%arg18 : memref<!tpu.dma_semaphore, #tpu.memory_space<semaphore_mem>>)
    %add3A_137 = arith.constant 80 : i32
    %add3A_138 = arith.addi %mul3A_2, %add3A_137 : i32
    %dma_start3A_139 = arith.constant 0 : i32
    %dma_start3A_140 = tpu.memref_slice %arg6[%add3A_138, %dma_start3A_139] : memref<320000x128xf32, #tpu.memory_space<hbm>> -> memref<80x128xf32, #tpu.memory_space<hbm>>
    %dma_start3A_141 = arith.constant 0 : i32
    %dma_start3A_142 = tpu.memref_slice %arg6[%add3A_138, %dma_start3A_141] : memref<320000x128xf32, #tpu.memory_space<hbm>> -> memref<80x128xf32, #tpu.memory_space<hbm>>
    tpu.enqueue_dma source(%dma_start3A_142 : memref<80x128xf32, #tpu.memory_space<hbm>>) target(%arg16 : memref<80x128xf32, #tpu.memory_space<vmem>>) target_semaphore(%arg19 : memref<!tpu.dma_semaphore, #tpu.memory_space<semaphore_mem>>)
    %scan3A_143 = arith.constant 0 : i32
    %scan3A_144 = arith.constant 62 : i32
    %scan3A_145 = arith.addi %scan3A_143, %scan3A_144 : i32
    %scan3A_146 = arith.constant 1 : i32
    scf.for %scan3A_292 = %scan3A_143 to %scan3A_145 step %scan3A_146  : i32 {
      %mul3A_293 = arith.constant 1 : i32
      %mul3A_294 = arith.muli %scan3A_292, %mul3A_293 : i32
      %add3A_295 = arith.constant 0 : i32
      %add3A_296 = arith.addi %add3A_295, %mul3A_294 : i32
      %dma_wait3A_297 = arith.constant 0 : i32
      %dma_wait3A_298 = tpu.memref_slice %arg6[%mul3A_2, %dma_wait3A_297] : memref<320000x128xf32, #tpu.memory_space<hbm>> -> memref<80x128xf32, #tpu.memory_space<hbm>>
      %dma_wait3A_299 = arith.constant 0 : i32
      %dma_wait3A_300 = tpu.memref_slice %arg6[%mul3A_2, %dma_wait3A_299] : memref<320000x128xf32, #tpu.memory_space<hbm>> -> memref<80x128xf32, #tpu.memory_space<hbm>>
      tpu.wait_dma2 semaphore(%arg18 : memref<!tpu.dma_semaphore, #tpu.memory_space<semaphore_mem>>) src(%dma_wait3A_300 : memref<80x128xf32, #tpu.memory_space<hbm>>) dst(%arg15 : memref<80x128xf32, #tpu.memory_space<vmem>>)
      %mul3A_301 = arith.constant 2 : i32
      %mul3A_302 = arith.muli %mul3A_301, %add3A_296 : i32
      "tpu.region"() ({
        %run_scoped3A_328 = tpu.sem_alloc : memref<!tpu.dma_semaphore, #tpu.memory_space<semaphore_mem>>
        %dma_start3A_329 = arith.constant 0 : i32
        %dma_start3A_330 = tpu.memref_slice %arg14[%mul3A_302, %dma_start3A_329] : memref<125x80xi32, #tpu.memory_space<vmem>> -> memref<1x80xi32, #tpu.memory_space<vmem>>
        %dma_start3A_331 = tpu.memref_squeeze %dma_start3A_330 : memref<1x80xi32, #tpu.memory_space<vmem>> -> memref<80xi32, #tpu.memory_space<vmem>>
        %dma_start3A_332 = arith.constant 0 : i32
        %dma_start3A_333 = arith.constant 0 : i32
        %dma_start3A_334 = tpu.memref_slice %arg17[%dma_start3A_332, %dma_start3A_333] : memref<10000x128xf32, #tpu.memory_space<vmem_shared>> -> memref<10000x128xf32, #tpu.memory_space<vmem_shared>>
        tpu.enqueue_indirect_dma source(%arg15 : memref<80x128xf32, #tpu.memory_space<vmem>>) target(%dma_start3A_334 : memref<10000x128xf32, #tpu.memory_space<vmem_shared>>) offsets(%dma_start3A_331 : memref<80xi32, #tpu.memory_space<vmem>>) semaphore(%run_scoped3A_328 : memref<!tpu.dma_semaphore, #tpu.memory_space<semaphore_mem>>) {add = true}
        %dma_wait3A_335 = arith.constant 0 : i32
        %dma_wait3A_336 = tpu.memref_slice %arg14[%mul3A_302, %dma_wait3A_335] : memref<125x80xi32, #tpu.memory_space<vmem>> -> memref<1x80xi32, #tpu.memory_space<vmem>>
        %dma_wait3A_337 = tpu.memref_squeeze %dma_wait3A_336 : memref<1x80xi32, #tpu.memory_space<vmem>> -> memref<80xi32, #tpu.memory_space<vmem>>
        %dma_wait3A_338 = arith.constant 0 : i32
        %dma_wait3A_339 = arith.constant 0 : i32
        %dma_wait3A_340 = tpu.memref_slice %arg17[%dma_wait3A_338, %dma_wait3A_339] : memref<10000x128xf32, #tpu.memory_space<vmem_shared>> -> memref<10000x128xf32, #tpu.memory_space<vmem_shared>>
        tpu.wait_indirect_dma semaphore(%run_scoped3A_328 : memref<!tpu.dma_semaphore, #tpu.memory_space<semaphore_mem>>) src(%arg15 : memref<80x128xf32, #tpu.memory_space<vmem>>) dst(%dma_wait3A_340 : memref<10000x128xf32, #tpu.memory_space<vmem_shared>>)
        tpu.yield
      }) : () -> ()
      %mul3A_303 = arith.constant 2 : i32
      %mul3A_304 = arith.muli %mul3A_303, %add3A_296 : i32
      %add3A_305 = arith.constant 2 : i32
      %add3A_306 = arith.addi %mul3A_304, %add3A_305 : i32
      %le3A = arith.constant 124 : i32
      %le3A_307 = arith.cmpi sle, %add3A_306, %le3A : i32
      %convert_element_type3A_308 = arith.extui %le3A_307 : i1 to i32
      %cond3A_309 = arith.constant 0 : i32
      %cond3A_310 = arith.cmpi ne, %convert_element_type3A_308, %cond3A_309 : i32
      scf.if %cond3A_310 {
        %mul3A_328 = arith.constant 2 : i32
        %mul3A_329 = arith.muli %mul3A_328, %add3A_296 : i32
        %add3A_330 = arith.constant 2 : i32
        %add3A_331 = arith.addi %mul3A_329, %add3A_330 : i32
        %mul3A_332 = arith.constant 80 : i32
        %mul3A_333 = arith.muli %add3A_331, %mul3A_332 : i32
        %add3A_334 = arith.addi %mul3A_2, %mul3A_333 : i32
        %dma_start3A_335 = arith.constant 0 : i32
        %dma_start3A_336 = tpu.memref_slice %arg6[%add3A_334, %dma_start3A_335] : memref<320000x128xf32, #tpu.memory_space<hbm>> -> memref<80x128xf32, #tpu.memory_space<hbm>>
        %dma_start3A_337 = arith.constant 0 : i32
        %dma_start3A_338 = tpu.memref_slice %arg6[%add3A_334, %dma_start3A_337] : memref<320000x128xf32, #tpu.memory_space<hbm>> -> memref<80x128xf32, #tpu.memory_space<hbm>>
        tpu.enqueue_dma source(%dma_start3A_338 : memref<80x128xf32, #tpu.memory_space<hbm>>) target(%arg15 : memref<80x128xf32, #tpu.memory_space<vmem>>) target_semaphore(%arg18 : memref<!tpu.dma_semaphore, #tpu.memory_space<semaphore_mem>>)
      } else {
      }
      %dma_wait3A_311 = arith.constant 0 : i32
      %dma_wait3A_312 = tpu.memref_slice %arg6[%mul3A_2, %dma_wait3A_311] : memref<320000x128xf32, #tpu.memory_space<hbm>> -> memref<80x128xf32, #tpu.memory_space<hbm>>
      %dma_wait3A_313 = arith.constant 0 : i32
      %dma_wait3A_314 = tpu.memref_slice %arg6[%mul3A_2, %dma_wait3A_313] : memref<320000x128xf32, #tpu.memory_space<hbm>> -> memref<80x128xf32, #tpu.memory_space<hbm>>
      tpu.wait_dma2 semaphore(%arg19 : memref<!tpu.dma_semaphore, #tpu.memory_space<semaphore_mem>>) src(%dma_wait3A_314 : memref<80x128xf32, #tpu.memory_space<hbm>>) dst(%arg16 : memref<80x128xf32, #tpu.memory_space<vmem>>)
      %mul3A_315 = arith.constant 2 : i32
      %mul3A_316 = arith.muli %mul3A_315, %add3A_296 : i32
      %add3A_317 = arith.constant 1 : i32
      %add3A_318 = arith.addi %mul3A_316, %add3A_317 : i32
      "tpu.region"() ({
        %run_scoped3A_328 = tpu.sem_alloc : memref<!tpu.dma_semaphore, #tpu.memory_space<semaphore_mem>>
        %dma_start3A_329 = arith.constant 0 : i32
        %dma_start3A_330 = tpu.memref_slice %arg14[%add3A_318, %dma_start3A_329] : memref<125x80xi32, #tpu.memory_space<vmem>> -> memref<1x80xi32, #tpu.memory_space<vmem>>
        %dma_start3A_331 = tpu.memref_squeeze %dma_start3A_330 : memref<1x80xi32, #tpu.memory_space<vmem>> -> memref<80xi32, #tpu.memory_space<vmem>>
        %dma_start3A_332 = arith.constant 0 : i32
        %dma_start3A_333 = arith.constant 0 : i32
        %dma_start3A_334 = tpu.memref_slice %arg17[%dma_start3A_332, %dma_start3A_333] : memref<10000x128xf32, #tpu.memory_space<vmem_shared>> -> memref<10000x128xf32, #tpu.memory_space<vmem_shared>>
        tpu.enqueue_indirect_dma source(%arg16 : memref<80x128xf32, #tpu.memory_space<vmem>>) target(%dma_start3A_334 : memref<10000x128xf32, #tpu.memory_space<vmem_shared>>) offsets(%dma_start3A_331 : memref<80xi32, #tpu.memory_space<vmem>>) semaphore(%run_scoped3A_328 : memref<!tpu.dma_semaphore, #tpu.memory_space<semaphore_mem>>) {add = true}
        %dma_wait3A_335 = arith.constant 0 : i32
        %dma_wait3A_336 = tpu.memref_slice %arg14[%add3A_318, %dma_wait3A_335] : memref<125x80xi32, #tpu.memory_space<vmem>> -> memref<1x80xi32, #tpu.memory_space<vmem>>
        %dma_wait3A_337 = tpu.memref_squeeze %dma_wait3A_336 : memref<1x80xi32, #tpu.memory_space<vmem>> -> memref<80xi32, #tpu.memory_space<vmem>>
        %dma_wait3A_338 = arith.constant 0 : i32
        %dma_wait3A_339 = arith.constant 0 : i32
        %dma_wait3A_340 = tpu.memref_slice %arg17[%dma_wait3A_338, %dma_wait3A_339] : memref<10000x128xf32, #tpu.memory_space<vmem_shared>> -> memref<10000x128xf32, #tpu.memory_space<vmem_shared>>
        tpu.wait_indirect_dma semaphore(%run_scoped3A_328 : memref<!tpu.dma_semaphore, #tpu.memory_space<semaphore_mem>>) src(%arg16 : memref<80x128xf32, #tpu.memory_space<vmem>>) dst(%dma_wait3A_340 : memref<10000x128xf32, #tpu.memory_space<vmem_shared>>)
        tpu.yield
      }) : () -> ()
      %mul3A_319 = arith.constant 2 : i32
      %mul3A_320 = arith.muli %mul3A_319, %add3A_296 : i32
      %add3A_321 = arith.constant 3 : i32
      %add3A_322 = arith.addi %mul3A_320, %add3A_321 : i32
      %le3A_323 = arith.constant 124 : i32
      %le3A_324 = arith.cmpi sle, %add3A_322, %le3A_323 : i32
      %convert_element_type3A_325 = arith.extui %le3A_324 : i1 to i32
      %cond3A_326 = arith.constant 0 : i32
      %cond3A_327 = arith.cmpi ne, %convert_element_type3A_325, %cond3A_326 : i32
      scf.if %cond3A_327 {
        %mul3A_328 = arith.constant 2 : i32
        %mul3A_329 = arith.muli %mul3A_328, %add3A_296 : i32
        %add3A_330 = arith.constant 3 : i32
        %add3A_331 = arith.addi %mul3A_329, %add3A_330 : i32
        %mul3A_332 = arith.constant 80 : i32
        %mul3A_333 = arith.muli %add3A_331, %mul3A_332 : i32
        %add3A_334 = arith.addi %mul3A_2, %mul3A_333 : i32
        %dma_start3A_335 = arith.constant 0 : i32
        %dma_start3A_336 = tpu.memref_slice %arg6[%add3A_334, %dma_start3A_335] : memref<320000x128xf32, #tpu.memory_space<hbm>> -> memref<80x128xf32, #tpu.memory_space<hbm>>
        %dma_start3A_337 = arith.constant 0 : i32
        %dma_start3A_338 = tpu.memref_slice %arg6[%add3A_334, %dma_start3A_337] : memref<320000x128xf32, #tpu.memory_space<hbm>> -> memref<80x128xf32, #tpu.memory_space<hbm>>
        tpu.enqueue_dma source(%dma_start3A_338 : memref<80x128xf32, #tpu.memory_space<hbm>>) target(%arg16 : memref<80x128xf32, #tpu.memory_space<vmem>>) target_semaphore(%arg19 : memref<!tpu.dma_semaphore, #tpu.memory_space<semaphore_mem>>)
      } else {
      }
    }
    %scan3A_147 = arith.constant 62 : i32
    %dma_wait3A_148 = arith.constant 0 : i32
    %dma_wait3A_149 = tpu.memref_slice %arg6[%mul3A_2, %dma_wait3A_148] : memref<320000x128xf32, #tpu.memory_space<hbm>> -> memref<80x128xf32, #tpu.memory_space<hbm>>
    %dma_wait3A_150 = arith.constant 0 : i32
    %dma_wait3A_151 = tpu.memref_slice %arg6[%mul3A_2, %dma_wait3A_150] : memref<320000x128xf32, #tpu.memory_space<hbm>> -> memref<80x128xf32, #tpu.memory_space<hbm>>
    tpu.wait_dma2 semaphore(%arg18 : memref<!tpu.dma_semaphore, #tpu.memory_space<semaphore_mem>>) src(%dma_wait3A_151 : memref<80x128xf32, #tpu.memory_space<hbm>>) dst(%arg15 : memref<80x128xf32, #tpu.memory_space<vmem>>)
    %run_scoped3A_152 = arith.constant 124 : i32
    "tpu.region"() ({
      %run_scoped3A_292 = tpu.sem_alloc : memref<!tpu.dma_semaphore, #tpu.memory_space<semaphore_mem>>
      %dma_start3A_293 = arith.constant 0 : i32
      %dma_start3A_294 = tpu.memref_slice %arg14[%run_scoped3A_152, %dma_start3A_293] : memref<125x80xi32, #tpu.memory_space<vmem>> -> memref<1x80xi32, #tpu.memory_space<vmem>>
      %dma_start3A_295 = tpu.memref_squeeze %dma_start3A_294 : memref<1x80xi32, #tpu.memory_space<vmem>> -> memref<80xi32, #tpu.memory_space<vmem>>
      %dma_start3A_296 = arith.constant 0 : i32
      %dma_start3A_297 = arith.constant 0 : i32
      %dma_start3A_298 = tpu.memref_slice %arg17[%dma_start3A_296, %dma_start3A_297] : memref<10000x128xf32, #tpu.memory_space<vmem_shared>> -> memref<10000x128xf32, #tpu.memory_space<vmem_shared>>
      tpu.enqueue_indirect_dma source(%arg15 : memref<80x128xf32, #tpu.memory_space<vmem>>) target(%dma_start3A_298 : memref<10000x128xf32, #tpu.memory_space<vmem_shared>>) offsets(%dma_start3A_295 : memref<80xi32, #tpu.memory_space<vmem>>) semaphore(%run_scoped3A_292 : memref<!tpu.dma_semaphore, #tpu.memory_space<semaphore_mem>>) {add = true}
      %dma_wait3A_299 = arith.constant 0 : i32
      %dma_wait3A_300 = tpu.memref_slice %arg14[%run_scoped3A_152, %dma_wait3A_299] : memref<125x80xi32, #tpu.memory_space<vmem>> -> memref<1x80xi32, #tpu.memory_space<vmem>>
      %dma_wait3A_301 = tpu.memref_squeeze %dma_wait3A_300 : memref<1x80xi32, #tpu.memory_space<vmem>> -> memref<80xi32, #tpu.memory_space<vmem>>
      %dma_wait3A_302 = arith.constant 0 : i32
      %dma_wait3A_303 = arith.constant 0 : i32
      %dma_wait3A_304 = tpu.memref_slice %arg17[%dma_wait3A_302, %dma_wait3A_303] : memref<10000x128xf32, #tpu.memory_space<vmem_shared>> -> memref<10000x128xf32, #tpu.memory_space<vmem_shared>>
      tpu.wait_indirect_dma semaphore(%run_scoped3A_292 : memref<!tpu.dma_semaphore, #tpu.memory_space<semaphore_mem>>) src(%arg15 : memref<80x128xf32, #tpu.memory_space<vmem>>) dst(%dma_wait3A_304 : memref<10000x128xf32, #tpu.memory_space<vmem_shared>>)
      tpu.yield
    }) : () -> ()
    %barrier3A_153 = arith.constant 0 : index
    tpu.barrier barrier_id(%barrier3A_153)
    %eq3A_154 = arith.constant 0 : i32
    %eq3A_155 = arith.cmpi eq, %arg1, %eq3A_154 : i32
    %convert_element_type3A_156 = arith.extui %eq3A_155 : i1 to i32
    %cond3A_157 = arith.constant 0 : i32
    %cond3A_158 = arith.cmpi ne, %convert_element_type3A_156, %cond3A_157 : i32
    scf.if %cond3A_158 {
      %run_scoped3A_292 = arith.constant 4 : i32
      "tpu.region"() ({
        %run_scoped3A_293 = tpu.sem_alloc : memref<!tpu.dma_semaphore, #tpu.memory_space<semaphore_mem>>
        %dma_start3A_294 = arith.constant 0 : i32
        %dma_start3A_295 = arith.constant 0 : i32
        %dma_start3A_296 = tpu.memref_slice %arg13[%arg0, %run_scoped3A_292, %dma_start3A_294, %dma_start3A_295] : memref<2x9x10000x128xf32, #tpu.memory_space<hbm>> -> memref<1x1x10000x128xf32, #tpu.memory_space<hbm>>
        %dma_start3A_297 = tpu.memref_squeeze %dma_start3A_296 : memref<1x1x10000x128xf32, #tpu.memory_space<hbm>> -> memref<10000x128xf32, #tpu.memory_space<hbm>>
        tpu.enqueue_dma source(%arg17 : memref<10000x128xf32, #tpu.memory_space<vmem_shared>>) target(%dma_start3A_297 : memref<10000x128xf32, #tpu.memory_space<hbm>>) target_semaphore(%run_scoped3A_293 : memref<!tpu.dma_semaphore, #tpu.memory_space<semaphore_mem>>)
        %dma_wait3A_298 = arith.constant 0 : i32
        %dma_wait3A_299 = arith.constant 0 : i32
        %dma_wait3A_300 = tpu.memref_slice %arg13[%arg0, %run_scoped3A_292, %dma_wait3A_298, %dma_wait3A_299] : memref<2x9x10000x128xf32, #tpu.memory_space<hbm>> -> memref<1x1x10000x128xf32, #tpu.memory_space<hbm>>
        %dma_wait3A_301 = tpu.memref_squeeze %dma_wait3A_300 : memref<1x1x10000x128xf32, #tpu.memory_space<hbm>> -> memref<10000x128xf32, #tpu.memory_space<hbm>>
        tpu.wait_dma2 semaphore(%run_scoped3A_293 : memref<!tpu.dma_semaphore, #tpu.memory_space<semaphore_mem>>) src(%arg17 : memref<10000x128xf32, #tpu.memory_space<vmem_shared>>) dst(%dma_wait3A_301 : memref<10000x128xf32, #tpu.memory_space<hbm>>)
        tpu.yield
      }) : () -> ()
    } else {
    }
    %barrier3A_159 = arith.constant 0 : index
    tpu.barrier barrier_id(%barrier3A_159)
    %eq3A_160 = arith.constant 0 : i32
    %eq3A_161 = arith.cmpi eq, %arg1, %eq3A_160 : i32
    %convert_element_type3A_162 = arith.extui %eq3A_161 : i1 to i32
    %cond3A_163 = arith.constant 0 : i32
    %cond3A_164 = arith.cmpi ne, %convert_element_type3A_162, %cond3A_163 : i32
    scf.if %cond3A_164 {
      "tpu.region"() ({
        %run_scoped3A_292 = tpu.sem_alloc : memref<!tpu.dma_semaphore, #tpu.memory_space<semaphore_mem>>
        tpu.enqueue_dma source(%arg12 : memref<10000x128xf32, #tpu.memory_space<hbm>>) target(%arg17 : memref<10000x128xf32, #tpu.memory_space<vmem_shared>>) target_semaphore(%run_scoped3A_292 : memref<!tpu.dma_semaphore, #tpu.memory_space<semaphore_mem>>)
        tpu.wait_dma2 semaphore(%run_scoped3A_292 : memref<!tpu.dma_semaphore, #tpu.memory_space<semaphore_mem>>) src(%arg12 : memref<10000x128xf32, #tpu.memory_space<hbm>>) dst(%arg17 : memref<10000x128xf32, #tpu.memory_space<vmem_shared>>)
        tpu.yield
      }) : () -> ()
    } else {
    }
    %barrier3A_165 = arith.constant 0 : index
    tpu.barrier barrier_id(%barrier3A_165)
    %dma_start3A_166 = arith.constant 0 : i32
    %dma_start3A_167 = tpu.memref_slice %arg7[%mul3A_2, %dma_start3A_166] : memref<320000x128xf32, #tpu.memory_space<hbm>> -> memref<80x128xf32, #tpu.memory_space<hbm>>
    %dma_start3A_168 = arith.constant 0 : i32
    %dma_start3A_169 = tpu.memref_slice %arg7[%mul3A_2, %dma_start3A_168] : memref<320000x128xf32, #tpu.memory_space<hbm>> -> memref<80x128xf32, #tpu.memory_space<hbm>>
    tpu.enqueue_dma source(%dma_start3A_169 : memref<80x128xf32, #tpu.memory_space<hbm>>) target(%arg15 : memref<80x128xf32, #tpu.memory_space<vmem>>) target_semaphore(%arg18 : memref<!tpu.dma_semaphore, #tpu.memory_space<semaphore_mem>>)
    %add3A_170 = arith.constant 80 : i32
    %add3A_171 = arith.addi %mul3A_2, %add3A_170 : i32
    %dma_start3A_172 = arith.constant 0 : i32
    %dma_start3A_173 = tpu.memref_slice %arg7[%add3A_171, %dma_start3A_172] : memref<320000x128xf32, #tpu.memory_space<hbm>> -> memref<80x128xf32, #tpu.memory_space<hbm>>
    %dma_start3A_174 = arith.constant 0 : i32
    %dma_start3A_175 = tpu.memref_slice %arg7[%add3A_171, %dma_start3A_174] : memref<320000x128xf32, #tpu.memory_space<hbm>> -> memref<80x128xf32, #tpu.memory_space<hbm>>
    tpu.enqueue_dma source(%dma_start3A_175 : memref<80x128xf32, #tpu.memory_space<hbm>>) target(%arg16 : memref<80x128xf32, #tpu.memory_space<vmem>>) target_semaphore(%arg19 : memref<!tpu.dma_semaphore, #tpu.memory_space<semaphore_mem>>)
    %scan3A_176 = arith.constant 0 : i32
    %scan3A_177 = arith.constant 62 : i32
    %scan3A_178 = arith.addi %scan3A_176, %scan3A_177 : i32
    %scan3A_179 = arith.constant 1 : i32
    scf.for %scan3A_292 = %scan3A_176 to %scan3A_178 step %scan3A_179  : i32 {
      %mul3A_293 = arith.constant 1 : i32
      %mul3A_294 = arith.muli %scan3A_292, %mul3A_293 : i32
      %add3A_295 = arith.constant 0 : i32
      %add3A_296 = arith.addi %add3A_295, %mul3A_294 : i32
      %dma_wait3A_297 = arith.constant 0 : i32
      %dma_wait3A_298 = tpu.memref_slice %arg7[%mul3A_2, %dma_wait3A_297] : memref<320000x128xf32, #tpu.memory_space<hbm>> -> memref<80x128xf32, #tpu.memory_space<hbm>>
      %dma_wait3A_299 = arith.constant 0 : i32
      %dma_wait3A_300 = tpu.memref_slice %arg7[%mul3A_2, %dma_wait3A_299] : memref<320000x128xf32, #tpu.memory_space<hbm>> -> memref<80x128xf32, #tpu.memory_space<hbm>>
      tpu.wait_dma2 semaphore(%arg18 : memref<!tpu.dma_semaphore, #tpu.memory_space<semaphore_mem>>) src(%dma_wait3A_300 : memref<80x128xf32, #tpu.memory_space<hbm>>) dst(%arg15 : memref<80x128xf32, #tpu.memory_space<vmem>>)
      %mul3A_301 = arith.constant 2 : i32
      %mul3A_302 = arith.muli %mul3A_301, %add3A_296 : i32
      "tpu.region"() ({
        %run_scoped3A_328 = tpu.sem_alloc : memref<!tpu.dma_semaphore, #tpu.memory_space<semaphore_mem>>
        %dma_start3A_329 = arith.constant 0 : i32
        %dma_start3A_330 = tpu.memref_slice %arg14[%mul3A_302, %dma_start3A_329] : memref<125x80xi32, #tpu.memory_space<vmem>> -> memref<1x80xi32, #tpu.memory_space<vmem>>
        %dma_start3A_331 = tpu.memref_squeeze %dma_start3A_330 : memref<1x80xi32, #tpu.memory_space<vmem>> -> memref<80xi32, #tpu.memory_space<vmem>>
        %dma_start3A_332 = arith.constant 0 : i32
        %dma_start3A_333 = arith.constant 0 : i32
        %dma_start3A_334 = tpu.memref_slice %arg17[%dma_start3A_332, %dma_start3A_333] : memref<10000x128xf32, #tpu.memory_space<vmem_shared>> -> memref<10000x128xf32, #tpu.memory_space<vmem_shared>>
        tpu.enqueue_indirect_dma source(%arg15 : memref<80x128xf32, #tpu.memory_space<vmem>>) target(%dma_start3A_334 : memref<10000x128xf32, #tpu.memory_space<vmem_shared>>) offsets(%dma_start3A_331 : memref<80xi32, #tpu.memory_space<vmem>>) semaphore(%run_scoped3A_328 : memref<!tpu.dma_semaphore, #tpu.memory_space<semaphore_mem>>) {add = true}
        %dma_wait3A_335 = arith.constant 0 : i32
        %dma_wait3A_336 = tpu.memref_slice %arg14[%mul3A_302, %dma_wait3A_335] : memref<125x80xi32, #tpu.memory_space<vmem>> -> memref<1x80xi32, #tpu.memory_space<vmem>>
        %dma_wait3A_337 = tpu.memref_squeeze %dma_wait3A_336 : memref<1x80xi32, #tpu.memory_space<vmem>> -> memref<80xi32, #tpu.memory_space<vmem>>
        %dma_wait3A_338 = arith.constant 0 : i32
        %dma_wait3A_339 = arith.constant 0 : i32
        %dma_wait3A_340 = tpu.memref_slice %arg17[%dma_wait3A_338, %dma_wait3A_339] : memref<10000x128xf32, #tpu.memory_space<vmem_shared>> -> memref<10000x128xf32, #tpu.memory_space<vmem_shared>>
        tpu.wait_indirect_dma semaphore(%run_scoped3A_328 : memref<!tpu.dma_semaphore, #tpu.memory_space<semaphore_mem>>) src(%arg15 : memref<80x128xf32, #tpu.memory_space<vmem>>) dst(%dma_wait3A_340 : memref<10000x128xf32, #tpu.memory_space<vmem_shared>>)
        tpu.yield
      }) : () -> ()
      %mul3A_303 = arith.constant 2 : i32
      %mul3A_304 = arith.muli %mul3A_303, %add3A_296 : i32
      %add3A_305 = arith.constant 2 : i32
      %add3A_306 = arith.addi %mul3A_304, %add3A_305 : i32
      %le3A = arith.constant 124 : i32
      %le3A_307 = arith.cmpi sle, %add3A_306, %le3A : i32
      %convert_element_type3A_308 = arith.extui %le3A_307 : i1 to i32
      %cond3A_309 = arith.constant 0 : i32
      %cond3A_310 = arith.cmpi ne, %convert_element_type3A_308, %cond3A_309 : i32
      scf.if %cond3A_310 {
        %mul3A_328 = arith.constant 2 : i32
        %mul3A_329 = arith.muli %mul3A_328, %add3A_296 : i32
        %add3A_330 = arith.constant 2 : i32
        %add3A_331 = arith.addi %mul3A_329, %add3A_330 : i32
        %mul3A_332 = arith.constant 80 : i32
        %mul3A_333 = arith.muli %add3A_331, %mul3A_332 : i32
        %add3A_334 = arith.addi %mul3A_2, %mul3A_333 : i32
        %dma_start3A_335 = arith.constant 0 : i32
        %dma_start3A_336 = tpu.memref_slice %arg7[%add3A_334, %dma_start3A_335] : memref<320000x128xf32, #tpu.memory_space<hbm>> -> memref<80x128xf32, #tpu.memory_space<hbm>>
        %dma_start3A_337 = arith.constant 0 : i32
        %dma_start3A_338 = tpu.memref_slice %arg7[%add3A_334, %dma_start3A_337] : memref<320000x128xf32, #tpu.memory_space<hbm>> -> memref<80x128xf32, #tpu.memory_space<hbm>>
        tpu.enqueue_dma source(%dma_start3A_338 : memref<80x128xf32, #tpu.memory_space<hbm>>) target(%arg15 : memref<80x128xf32, #tpu.memory_space<vmem>>) target_semaphore(%arg18 : memref<!tpu.dma_semaphore, #tpu.memory_space<semaphore_mem>>)
      } else {
      }
      %dma_wait3A_311 = arith.constant 0 : i32
      %dma_wait3A_312 = tpu.memref_slice %arg7[%mul3A_2, %dma_wait3A_311] : memref<320000x128xf32, #tpu.memory_space<hbm>> -> memref<80x128xf32, #tpu.memory_space<hbm>>
      %dma_wait3A_313 = arith.constant 0 : i32
      %dma_wait3A_314 = tpu.memref_slice %arg7[%mul3A_2, %dma_wait3A_313] : memref<320000x128xf32, #tpu.memory_space<hbm>> -> memref<80x128xf32, #tpu.memory_space<hbm>>
      tpu.wait_dma2 semaphore(%arg19 : memref<!tpu.dma_semaphore, #tpu.memory_space<semaphore_mem>>) src(%dma_wait3A_314 : memref<80x128xf32, #tpu.memory_space<hbm>>) dst(%arg16 : memref<80x128xf32, #tpu.memory_space<vmem>>)
      %mul3A_315 = arith.constant 2 : i32
      %mul3A_316 = arith.muli %mul3A_315, %add3A_296 : i32
      %add3A_317 = arith.constant 1 : i32
      %add3A_318 = arith.addi %mul3A_316, %add3A_317 : i32
      "tpu.region"() ({
        %run_scoped3A_328 = tpu.sem_alloc : memref<!tpu.dma_semaphore, #tpu.memory_space<semaphore_mem>>
        %dma_start3A_329 = arith.constant 0 : i32
        %dma_start3A_330 = tpu.memref_slice %arg14[%add3A_318, %dma_start3A_329] : memref<125x80xi32, #tpu.memory_space<vmem>> -> memref<1x80xi32, #tpu.memory_space<vmem>>
        %dma_start3A_331 = tpu.memref_squeeze %dma_start3A_330 : memref<1x80xi32, #tpu.memory_space<vmem>> -> memref<80xi32, #tpu.memory_space<vmem>>
        %dma_start3A_332 = arith.constant 0 : i32
        %dma_start3A_333 = arith.constant 0 : i32
        %dma_start3A_334 = tpu.memref_slice %arg17[%dma_start3A_332, %dma_start3A_333] : memref<10000x128xf32, #tpu.memory_space<vmem_shared>> -> memref<10000x128xf32, #tpu.memory_space<vmem_shared>>
        tpu.enqueue_indirect_dma source(%arg16 : memref<80x128xf32, #tpu.memory_space<vmem>>) target(%dma_start3A_334 : memref<10000x128xf32, #tpu.memory_space<vmem_shared>>) offsets(%dma_start3A_331 : memref<80xi32, #tpu.memory_space<vmem>>) semaphore(%run_scoped3A_328 : memref<!tpu.dma_semaphore, #tpu.memory_space<semaphore_mem>>) {add = true}
        %dma_wait3A_335 = arith.constant 0 : i32
        %dma_wait3A_336 = tpu.memref_slice %arg14[%add3A_318, %dma_wait3A_335] : memref<125x80xi32, #tpu.memory_space<vmem>> -> memref<1x80xi32, #tpu.memory_space<vmem>>
        %dma_wait3A_337 = tpu.memref_squeeze %dma_wait3A_336 : memref<1x80xi32, #tpu.memory_space<vmem>> -> memref<80xi32, #tpu.memory_space<vmem>>
        %dma_wait3A_338 = arith.constant 0 : i32
        %dma_wait3A_339 = arith.constant 0 : i32
        %dma_wait3A_340 = tpu.memref_slice %arg17[%dma_wait3A_338, %dma_wait3A_339] : memref<10000x128xf32, #tpu.memory_space<vmem_shared>> -> memref<10000x128xf32, #tpu.memory_space<vmem_shared>>
        tpu.wait_indirect_dma semaphore(%run_scoped3A_328 : memref<!tpu.dma_semaphore, #tpu.memory_space<semaphore_mem>>) src(%arg16 : memref<80x128xf32, #tpu.memory_space<vmem>>) dst(%dma_wait3A_340 : memref<10000x128xf32, #tpu.memory_space<vmem_shared>>)
        tpu.yield
      }) : () -> ()
      %mul3A_319 = arith.constant 2 : i32
      %mul3A_320 = arith.muli %mul3A_319, %add3A_296 : i32
      %add3A_321 = arith.constant 3 : i32
      %add3A_322 = arith.addi %mul3A_320, %add3A_321 : i32
      %le3A_323 = arith.constant 124 : i32
      %le3A_324 = arith.cmpi sle, %add3A_322, %le3A_323 : i32
      %convert_element_type3A_325 = arith.extui %le3A_324 : i1 to i32
      %cond3A_326 = arith.constant 0 : i32
      %cond3A_327 = arith.cmpi ne, %convert_element_type3A_325, %cond3A_326 : i32
      scf.if %cond3A_327 {
        %mul3A_328 = arith.constant 2 : i32
        %mul3A_329 = arith.muli %mul3A_328, %add3A_296 : i32
        %add3A_330 = arith.constant 3 : i32
        %add3A_331 = arith.addi %mul3A_329, %add3A_330 : i32
        %mul3A_332 = arith.constant 80 : i32
        %mul3A_333 = arith.muli %add3A_331, %mul3A_332 : i32
        %add3A_334 = arith.addi %mul3A_2, %mul3A_333 : i32
        %dma_start3A_335 = arith.constant 0 : i32
        %dma_start3A_336 = tpu.memref_slice %arg7[%add3A_334, %dma_start3A_335] : memref<320000x128xf32, #tpu.memory_space<hbm>> -> memref<80x128xf32, #tpu.memory_space<hbm>>
        %dma_start3A_337 = arith.constant 0 : i32
        %dma_start3A_338 = tpu.memref_slice %arg7[%add3A_334, %dma_start3A_337] : memref<320000x128xf32, #tpu.memory_space<hbm>> -> memref<80x128xf32, #tpu.memory_space<hbm>>
        tpu.enqueue_dma source(%dma_start3A_338 : memref<80x128xf32, #tpu.memory_space<hbm>>) target(%arg16 : memref<80x128xf32, #tpu.memory_space<vmem>>) target_semaphore(%arg19 : memref<!tpu.dma_semaphore, #tpu.memory_space<semaphore_mem>>)
      } else {
      }
    }
    %scan3A_180 = arith.constant 62 : i32
    %dma_wait3A_181 = arith.constant 0 : i32
    %dma_wait3A_182 = tpu.memref_slice %arg7[%mul3A_2, %dma_wait3A_181] : memref<320000x128xf32, #tpu.memory_space<hbm>> -> memref<80x128xf32, #tpu.memory_space<hbm>>
    %dma_wait3A_183 = arith.constant 0 : i32
    %dma_wait3A_184 = tpu.memref_slice %arg7[%mul3A_2, %dma_wait3A_183] : memref<320000x128xf32, #tpu.memory_space<hbm>> -> memref<80x128xf32, #tpu.memory_space<hbm>>
    tpu.wait_dma2 semaphore(%arg18 : memref<!tpu.dma_semaphore, #tpu.memory_space<semaphore_mem>>) src(%dma_wait3A_184 : memref<80x128xf32, #tpu.memory_space<hbm>>) dst(%arg15 : memref<80x128xf32, #tpu.memory_space<vmem>>)
    %run_scoped3A_185 = arith.constant 124 : i32
    "tpu.region"() ({
      %run_scoped3A_292 = tpu.sem_alloc : memref<!tpu.dma_semaphore, #tpu.memory_space<semaphore_mem>>
      %dma_start3A_293 = arith.constant 0 : i32
      %dma_start3A_294 = tpu.memref_slice %arg14[%run_scoped3A_185, %dma_start3A_293] : memref<125x80xi32, #tpu.memory_space<vmem>> -> memref<1x80xi32, #tpu.memory_space<vmem>>
      %dma_start3A_295 = tpu.memref_squeeze %dma_start3A_294 : memref<1x80xi32, #tpu.memory_space<vmem>> -> memref<80xi32, #tpu.memory_space<vmem>>
      %dma_start3A_296 = arith.constant 0 : i32
      %dma_start3A_297 = arith.constant 0 : i32
      %dma_start3A_298 = tpu.memref_slice %arg17[%dma_start3A_296, %dma_start3A_297] : memref<10000x128xf32, #tpu.memory_space<vmem_shared>> -> memref<10000x128xf32, #tpu.memory_space<vmem_shared>>
      tpu.enqueue_indirect_dma source(%arg15 : memref<80x128xf32, #tpu.memory_space<vmem>>) target(%dma_start3A_298 : memref<10000x128xf32, #tpu.memory_space<vmem_shared>>) offsets(%dma_start3A_295 : memref<80xi32, #tpu.memory_space<vmem>>) semaphore(%run_scoped3A_292 : memref<!tpu.dma_semaphore, #tpu.memory_space<semaphore_mem>>) {add = true}
      %dma_wait3A_299 = arith.constant 0 : i32
      %dma_wait3A_300 = tpu.memref_slice %arg14[%run_scoped3A_185, %dma_wait3A_299] : memref<125x80xi32, #tpu.memory_space<vmem>> -> memref<1x80xi32, #tpu.memory_space<vmem>>
      %dma_wait3A_301 = tpu.memref_squeeze %dma_wait3A_300 : memref<1x80xi32, #tpu.memory_space<vmem>> -> memref<80xi32, #tpu.memory_space<vmem>>
      %dma_wait3A_302 = arith.constant 0 : i32
      %dma_wait3A_303 = arith.constant 0 : i32
      %dma_wait3A_304 = tpu.memref_slice %arg17[%dma_wait3A_302, %dma_wait3A_303] : memref<10000x128xf32, #tpu.memory_space<vmem_shared>> -> memref<10000x128xf32, #tpu.memory_space<vmem_shared>>
      tpu.wait_indirect_dma semaphore(%run_scoped3A_292 : memref<!tpu.dma_semaphore, #tpu.memory_space<semaphore_mem>>) src(%arg15 : memref<80x128xf32, #tpu.memory_space<vmem>>) dst(%dma_wait3A_304 : memref<10000x128xf32, #tpu.memory_space<vmem_shared>>)
      tpu.yield
    }) : () -> ()
    %barrier3A_186 = arith.constant 0 : index
    tpu.barrier barrier_id(%barrier3A_186)
    %eq3A_187 = arith.constant 0 : i32
    %eq3A_188 = arith.cmpi eq, %arg1, %eq3A_187 : i32
    %convert_element_type3A_189 = arith.extui %eq3A_188 : i1 to i32
    %cond3A_190 = arith.constant 0 : i32
    %cond3A_191 = arith.cmpi ne, %convert_element_type3A_189, %cond3A_190 : i32
    scf.if %cond3A_191 {
      %run_scoped3A_292 = arith.constant 5 : i32
      "tpu.region"() ({
        %run_scoped3A_293 = tpu.sem_alloc : memref<!tpu.dma_semaphore, #tpu.memory_space<semaphore_mem>>
        %dma_start3A_294 = arith.constant 0 : i32
        %dma_start3A_295 = arith.constant 0 : i32
        %dma_start3A_296 = tpu.memref_slice %arg13[%arg0, %run_scoped3A_292, %dma_start3A_294, %dma_start3A_295] : memref<2x9x10000x128xf32, #tpu.memory_space<hbm>> -> memref<1x1x10000x128xf32, #tpu.memory_space<hbm>>
        %dma_start3A_297 = tpu.memref_squeeze %dma_start3A_296 : memref<1x1x10000x128xf32, #tpu.memory_space<hbm>> -> memref<10000x128xf32, #tpu.memory_space<hbm>>
        tpu.enqueue_dma source(%arg17 : memref<10000x128xf32, #tpu.memory_space<vmem_shared>>) target(%dma_start3A_297 : memref<10000x128xf32, #tpu.memory_space<hbm>>) target_semaphore(%run_scoped3A_293 : memref<!tpu.dma_semaphore, #tpu.memory_space<semaphore_mem>>)
        %dma_wait3A_298 = arith.constant 0 : i32
        %dma_wait3A_299 = arith.constant 0 : i32
        %dma_wait3A_300 = tpu.memref_slice %arg13[%arg0, %run_scoped3A_292, %dma_wait3A_298, %dma_wait3A_299] : memref<2x9x10000x128xf32, #tpu.memory_space<hbm>> -> memref<1x1x10000x128xf32, #tpu.memory_space<hbm>>
        %dma_wait3A_301 = tpu.memref_squeeze %dma_wait3A_300 : memref<1x1x10000x128xf32, #tpu.memory_space<hbm>> -> memref<10000x128xf32, #tpu.memory_space<hbm>>
        tpu.wait_dma2 semaphore(%run_scoped3A_293 : memref<!tpu.dma_semaphore, #tpu.memory_space<semaphore_mem>>) src(%arg17 : memref<10000x128xf32, #tpu.memory_space<vmem_shared>>) dst(%dma_wait3A_301 : memref<10000x128xf32, #tpu.memory_space<hbm>>)
        tpu.yield
      }) : () -> ()
    } else {
    }
    %barrier3A_192 = arith.constant 0 : index
    tpu.barrier barrier_id(%barrier3A_192)
    %eq3A_193 = arith.constant 0 : i32
    %eq3A_194 = arith.cmpi eq, %arg1, %eq3A_193 : i32
    %convert_element_type3A_195 = arith.extui %eq3A_194 : i1 to i32
    %cond3A_196 = arith.constant 0 : i32
    %cond3A_197 = arith.cmpi ne, %convert_element_type3A_195, %cond3A_196 : i32
    scf.if %cond3A_197 {
      "tpu.region"() ({
        %run_scoped3A_292 = tpu.sem_alloc : memref<!tpu.dma_semaphore, #tpu.memory_space<semaphore_mem>>
        tpu.enqueue_dma source(%arg12 : memref<10000x128xf32, #tpu.memory_space<hbm>>) target(%arg17 : memref<10000x128xf32, #tpu.memory_space<vmem_shared>>) target_semaphore(%run_scoped3A_292 : memref<!tpu.dma_semaphore, #tpu.memory_space<semaphore_mem>>)
        tpu.wait_dma2 semaphore(%run_scoped3A_292 : memref<!tpu.dma_semaphore, #tpu.memory_space<semaphore_mem>>) src(%arg12 : memref<10000x128xf32, #tpu.memory_space<hbm>>) dst(%arg17 : memref<10000x128xf32, #tpu.memory_space<vmem_shared>>)
        tpu.yield
      }) : () -> ()
    } else {
    }
    %barrier3A_198 = arith.constant 0 : index
    tpu.barrier barrier_id(%barrier3A_198)
    %dma_start3A_199 = arith.constant 0 : i32
    %dma_start3A_200 = tpu.memref_slice %arg8[%mul3A_2, %dma_start3A_199] : memref<320000x128xf32, #tpu.memory_space<hbm>> -> memref<80x128xf32, #tpu.memory_space<hbm>>
    %dma_start3A_201 = arith.constant 0 : i32
    %dma_start3A_202 = tpu.memref_slice %arg8[%mul3A_2, %dma_start3A_201] : memref<320000x128xf32, #tpu.memory_space<hbm>> -> memref<80x128xf32, #tpu.memory_space<hbm>>
    tpu.enqueue_dma source(%dma_start3A_202 : memref<80x128xf32, #tpu.memory_space<hbm>>) target(%arg15 : memref<80x128xf32, #tpu.memory_space<vmem>>) target_semaphore(%arg18 : memref<!tpu.dma_semaphore, #tpu.memory_space<semaphore_mem>>)
    %add3A_203 = arith.constant 80 : i32
    %add3A_204 = arith.addi %mul3A_2, %add3A_203 : i32
    %dma_start3A_205 = arith.constant 0 : i32
    %dma_start3A_206 = tpu.memref_slice %arg8[%add3A_204, %dma_start3A_205] : memref<320000x128xf32, #tpu.memory_space<hbm>> -> memref<80x128xf32, #tpu.memory_space<hbm>>
    %dma_start3A_207 = arith.constant 0 : i32
    %dma_start3A_208 = tpu.memref_slice %arg8[%add3A_204, %dma_start3A_207] : memref<320000x128xf32, #tpu.memory_space<hbm>> -> memref<80x128xf32, #tpu.memory_space<hbm>>
    tpu.enqueue_dma source(%dma_start3A_208 : memref<80x128xf32, #tpu.memory_space<hbm>>) target(%arg16 : memref<80x128xf32, #tpu.memory_space<vmem>>) target_semaphore(%arg19 : memref<!tpu.dma_semaphore, #tpu.memory_space<semaphore_mem>>)
    %scan3A_209 = arith.constant 0 : i32
    %scan3A_210 = arith.constant 62 : i32
    %scan3A_211 = arith.addi %scan3A_209, %scan3A_210 : i32
    %scan3A_212 = arith.constant 1 : i32
    scf.for %scan3A_292 = %scan3A_209 to %scan3A_211 step %scan3A_212  : i32 {
      %mul3A_293 = arith.constant 1 : i32
      %mul3A_294 = arith.muli %scan3A_292, %mul3A_293 : i32
      %add3A_295 = arith.constant 0 : i32
      %add3A_296 = arith.addi %add3A_295, %mul3A_294 : i32
      %dma_wait3A_297 = arith.constant 0 : i32
      %dma_wait3A_298 = tpu.memref_slice %arg8[%mul3A_2, %dma_wait3A_297] : memref<320000x128xf32, #tpu.memory_space<hbm>> -> memref<80x128xf32, #tpu.memory_space<hbm>>
      %dma_wait3A_299 = arith.constant 0 : i32
      %dma_wait3A_300 = tpu.memref_slice %arg8[%mul3A_2, %dma_wait3A_299] : memref<320000x128xf32, #tpu.memory_space<hbm>> -> memref<80x128xf32, #tpu.memory_space<hbm>>
      tpu.wait_dma2 semaphore(%arg18 : memref<!tpu.dma_semaphore, #tpu.memory_space<semaphore_mem>>) src(%dma_wait3A_300 : memref<80x128xf32, #tpu.memory_space<hbm>>) dst(%arg15 : memref<80x128xf32, #tpu.memory_space<vmem>>)
      %mul3A_301 = arith.constant 2 : i32
      %mul3A_302 = arith.muli %mul3A_301, %add3A_296 : i32
      "tpu.region"() ({
        %run_scoped3A_328 = tpu.sem_alloc : memref<!tpu.dma_semaphore, #tpu.memory_space<semaphore_mem>>
        %dma_start3A_329 = arith.constant 0 : i32
        %dma_start3A_330 = tpu.memref_slice %arg14[%mul3A_302, %dma_start3A_329] : memref<125x80xi32, #tpu.memory_space<vmem>> -> memref<1x80xi32, #tpu.memory_space<vmem>>
        %dma_start3A_331 = tpu.memref_squeeze %dma_start3A_330 : memref<1x80xi32, #tpu.memory_space<vmem>> -> memref<80xi32, #tpu.memory_space<vmem>>
        %dma_start3A_332 = arith.constant 0 : i32
        %dma_start3A_333 = arith.constant 0 : i32
        %dma_start3A_334 = tpu.memref_slice %arg17[%dma_start3A_332, %dma_start3A_333] : memref<10000x128xf32, #tpu.memory_space<vmem_shared>> -> memref<10000x128xf32, #tpu.memory_space<vmem_shared>>
        tpu.enqueue_indirect_dma source(%arg15 : memref<80x128xf32, #tpu.memory_space<vmem>>) target(%dma_start3A_334 : memref<10000x128xf32, #tpu.memory_space<vmem_shared>>) offsets(%dma_start3A_331 : memref<80xi32, #tpu.memory_space<vmem>>) semaphore(%run_scoped3A_328 : memref<!tpu.dma_semaphore, #tpu.memory_space<semaphore_mem>>) {add = true}
        %dma_wait3A_335 = arith.constant 0 : i32
        %dma_wait3A_336 = tpu.memref_slice %arg14[%mul3A_302, %dma_wait3A_335] : memref<125x80xi32, #tpu.memory_space<vmem>> -> memref<1x80xi32, #tpu.memory_space<vmem>>
        %dma_wait3A_337 = tpu.memref_squeeze %dma_wait3A_336 : memref<1x80xi32, #tpu.memory_space<vmem>> -> memref<80xi32, #tpu.memory_space<vmem>>
        %dma_wait3A_338 = arith.constant 0 : i32
        %dma_wait3A_339 = arith.constant 0 : i32
        %dma_wait3A_340 = tpu.memref_slice %arg17[%dma_wait3A_338, %dma_wait3A_339] : memref<10000x128xf32, #tpu.memory_space<vmem_shared>> -> memref<10000x128xf32, #tpu.memory_space<vmem_shared>>
        tpu.wait_indirect_dma semaphore(%run_scoped3A_328 : memref<!tpu.dma_semaphore, #tpu.memory_space<semaphore_mem>>) src(%arg15 : memref<80x128xf32, #tpu.memory_space<vmem>>) dst(%dma_wait3A_340 : memref<10000x128xf32, #tpu.memory_space<vmem_shared>>)
        tpu.yield
      }) : () -> ()
      %mul3A_303 = arith.constant 2 : i32
      %mul3A_304 = arith.muli %mul3A_303, %add3A_296 : i32
      %add3A_305 = arith.constant 2 : i32
      %add3A_306 = arith.addi %mul3A_304, %add3A_305 : i32
      %le3A = arith.constant 124 : i32
      %le3A_307 = arith.cmpi sle, %add3A_306, %le3A : i32
      %convert_element_type3A_308 = arith.extui %le3A_307 : i1 to i32
      %cond3A_309 = arith.constant 0 : i32
      %cond3A_310 = arith.cmpi ne, %convert_element_type3A_308, %cond3A_309 : i32
      scf.if %cond3A_310 {
        %mul3A_328 = arith.constant 2 : i32
        %mul3A_329 = arith.muli %mul3A_328, %add3A_296 : i32
        %add3A_330 = arith.constant 2 : i32
        %add3A_331 = arith.addi %mul3A_329, %add3A_330 : i32
        %mul3A_332 = arith.constant 80 : i32
        %mul3A_333 = arith.muli %add3A_331, %mul3A_332 : i32
        %add3A_334 = arith.addi %mul3A_2, %mul3A_333 : i32
        %dma_start3A_335 = arith.constant 0 : i32
        %dma_start3A_336 = tpu.memref_slice %arg8[%add3A_334, %dma_start3A_335] : memref<320000x128xf32, #tpu.memory_space<hbm>> -> memref<80x128xf32, #tpu.memory_space<hbm>>
        %dma_start3A_337 = arith.constant 0 : i32
        %dma_start3A_338 = tpu.memref_slice %arg8[%add3A_334, %dma_start3A_337] : memref<320000x128xf32, #tpu.memory_space<hbm>> -> memref<80x128xf32, #tpu.memory_space<hbm>>
        tpu.enqueue_dma source(%dma_start3A_338 : memref<80x128xf32, #tpu.memory_space<hbm>>) target(%arg15 : memref<80x128xf32, #tpu.memory_space<vmem>>) target_semaphore(%arg18 : memref<!tpu.dma_semaphore, #tpu.memory_space<semaphore_mem>>)
      } else {
      }
      %dma_wait3A_311 = arith.constant 0 : i32
      %dma_wait3A_312 = tpu.memref_slice %arg8[%mul3A_2, %dma_wait3A_311] : memref<320000x128xf32, #tpu.memory_space<hbm>> -> memref<80x128xf32, #tpu.memory_space<hbm>>
      %dma_wait3A_313 = arith.constant 0 : i32
      %dma_wait3A_314 = tpu.memref_slice %arg8[%mul3A_2, %dma_wait3A_313] : memref<320000x128xf32, #tpu.memory_space<hbm>> -> memref<80x128xf32, #tpu.memory_space<hbm>>
      tpu.wait_dma2 semaphore(%arg19 : memref<!tpu.dma_semaphore, #tpu.memory_space<semaphore_mem>>) src(%dma_wait3A_314 : memref<80x128xf32, #tpu.memory_space<hbm>>) dst(%arg16 : memref<80x128xf32, #tpu.memory_space<vmem>>)
      %mul3A_315 = arith.constant 2 : i32
      %mul3A_316 = arith.muli %mul3A_315, %add3A_296 : i32
      %add3A_317 = arith.constant 1 : i32
      %add3A_318 = arith.addi %mul3A_316, %add3A_317 : i32
      "tpu.region"() ({
        %run_scoped3A_328 = tpu.sem_alloc : memref<!tpu.dma_semaphore, #tpu.memory_space<semaphore_mem>>
        %dma_start3A_329 = arith.constant 0 : i32
        %dma_start3A_330 = tpu.memref_slice %arg14[%add3A_318, %dma_start3A_329] : memref<125x80xi32, #tpu.memory_space<vmem>> -> memref<1x80xi32, #tpu.memory_space<vmem>>
        %dma_start3A_331 = tpu.memref_squeeze %dma_start3A_330 : memref<1x80xi32, #tpu.memory_space<vmem>> -> memref<80xi32, #tpu.memory_space<vmem>>
        %dma_start3A_332 = arith.constant 0 : i32
        %dma_start3A_333 = arith.constant 0 : i32
        %dma_start3A_334 = tpu.memref_slice %arg17[%dma_start3A_332, %dma_start3A_333] : memref<10000x128xf32, #tpu.memory_space<vmem_shared>> -> memref<10000x128xf32, #tpu.memory_space<vmem_shared>>
        tpu.enqueue_indirect_dma source(%arg16 : memref<80x128xf32, #tpu.memory_space<vmem>>) target(%dma_start3A_334 : memref<10000x128xf32, #tpu.memory_space<vmem_shared>>) offsets(%dma_start3A_331 : memref<80xi32, #tpu.memory_space<vmem>>) semaphore(%run_scoped3A_328 : memref<!tpu.dma_semaphore, #tpu.memory_space<semaphore_mem>>) {add = true}
        %dma_wait3A_335 = arith.constant 0 : i32
        %dma_wait3A_336 = tpu.memref_slice %arg14[%add3A_318, %dma_wait3A_335] : memref<125x80xi32, #tpu.memory_space<vmem>> -> memref<1x80xi32, #tpu.memory_space<vmem>>
        %dma_wait3A_337 = tpu.memref_squeeze %dma_wait3A_336 : memref<1x80xi32, #tpu.memory_space<vmem>> -> memref<80xi32, #tpu.memory_space<vmem>>
        %dma_wait3A_338 = arith.constant 0 : i32
        %dma_wait3A_339 = arith.constant 0 : i32
        %dma_wait3A_340 = tpu.memref_slice %arg17[%dma_wait3A_338, %dma_wait3A_339] : memref<10000x128xf32, #tpu.memory_space<vmem_shared>> -> memref<10000x128xf32, #tpu.memory_space<vmem_shared>>
        tpu.wait_indirect_dma semaphore(%run_scoped3A_328 : memref<!tpu.dma_semaphore, #tpu.memory_space<semaphore_mem>>) src(%arg16 : memref<80x128xf32, #tpu.memory_space<vmem>>) dst(%dma_wait3A_340 : memref<10000x128xf32, #tpu.memory_space<vmem_shared>>)
        tpu.yield
      }) : () -> ()
      %mul3A_319 = arith.constant 2 : i32
      %mul3A_320 = arith.muli %mul3A_319, %add3A_296 : i32
      %add3A_321 = arith.constant 3 : i32
      %add3A_322 = arith.addi %mul3A_320, %add3A_321 : i32
      %le3A_323 = arith.constant 124 : i32
      %le3A_324 = arith.cmpi sle, %add3A_322, %le3A_323 : i32
      %convert_element_type3A_325 = arith.extui %le3A_324 : i1 to i32
      %cond3A_326 = arith.constant 0 : i32
      %cond3A_327 = arith.cmpi ne, %convert_element_type3A_325, %cond3A_326 : i32
      scf.if %cond3A_327 {
        %mul3A_328 = arith.constant 2 : i32
        %mul3A_329 = arith.muli %mul3A_328, %add3A_296 : i32
        %add3A_330 = arith.constant 3 : i32
        %add3A_331 = arith.addi %mul3A_329, %add3A_330 : i32
        %mul3A_332 = arith.constant 80 : i32
        %mul3A_333 = arith.muli %add3A_331, %mul3A_332 : i32
        %add3A_334 = arith.addi %mul3A_2, %mul3A_333 : i32
        %dma_start3A_335 = arith.constant 0 : i32
        %dma_start3A_336 = tpu.memref_slice %arg8[%add3A_334, %dma_start3A_335] : memref<320000x128xf32, #tpu.memory_space<hbm>> -> memref<80x128xf32, #tpu.memory_space<hbm>>
        %dma_start3A_337 = arith.constant 0 : i32
        %dma_start3A_338 = tpu.memref_slice %arg8[%add3A_334, %dma_start3A_337] : memref<320000x128xf32, #tpu.memory_space<hbm>> -> memref<80x128xf32, #tpu.memory_space<hbm>>
        tpu.enqueue_dma source(%dma_start3A_338 : memref<80x128xf32, #tpu.memory_space<hbm>>) target(%arg16 : memref<80x128xf32, #tpu.memory_space<vmem>>) target_semaphore(%arg19 : memref<!tpu.dma_semaphore, #tpu.memory_space<semaphore_mem>>)
      } else {
      }
    }
    %scan3A_213 = arith.constant 62 : i32
    %dma_wait3A_214 = arith.constant 0 : i32
    %dma_wait3A_215 = tpu.memref_slice %arg8[%mul3A_2, %dma_wait3A_214] : memref<320000x128xf32, #tpu.memory_space<hbm>> -> memref<80x128xf32, #tpu.memory_space<hbm>>
    %dma_wait3A_216 = arith.constant 0 : i32
    %dma_wait3A_217 = tpu.memref_slice %arg8[%mul3A_2, %dma_wait3A_216] : memref<320000x128xf32, #tpu.memory_space<hbm>> -> memref<80x128xf32, #tpu.memory_space<hbm>>
    tpu.wait_dma2 semaphore(%arg18 : memref<!tpu.dma_semaphore, #tpu.memory_space<semaphore_mem>>) src(%dma_wait3A_217 : memref<80x128xf32, #tpu.memory_space<hbm>>) dst(%arg15 : memref<80x128xf32, #tpu.memory_space<vmem>>)
    %run_scoped3A_218 = arith.constant 124 : i32
    "tpu.region"() ({
      %run_scoped3A_292 = tpu.sem_alloc : memref<!tpu.dma_semaphore, #tpu.memory_space<semaphore_mem>>
      %dma_start3A_293 = arith.constant 0 : i32
      %dma_start3A_294 = tpu.memref_slice %arg14[%run_scoped3A_218, %dma_start3A_293] : memref<125x80xi32, #tpu.memory_space<vmem>> -> memref<1x80xi32, #tpu.memory_space<vmem>>
      %dma_start3A_295 = tpu.memref_squeeze %dma_start3A_294 : memref<1x80xi32, #tpu.memory_space<vmem>> -> memref<80xi32, #tpu.memory_space<vmem>>
      %dma_start3A_296 = arith.constant 0 : i32
      %dma_start3A_297 = arith.constant 0 : i32
      %dma_start3A_298 = tpu.memref_slice %arg17[%dma_start3A_296, %dma_start3A_297] : memref<10000x128xf32, #tpu.memory_space<vmem_shared>> -> memref<10000x128xf32, #tpu.memory_space<vmem_shared>>
      tpu.enqueue_indirect_dma source(%arg15 : memref<80x128xf32, #tpu.memory_space<vmem>>) target(%dma_start3A_298 : memref<10000x128xf32, #tpu.memory_space<vmem_shared>>) offsets(%dma_start3A_295 : memref<80xi32, #tpu.memory_space<vmem>>) semaphore(%run_scoped3A_292 : memref<!tpu.dma_semaphore, #tpu.memory_space<semaphore_mem>>) {add = true}
      %dma_wait3A_299 = arith.constant 0 : i32
      %dma_wait3A_300 = tpu.memref_slice %arg14[%run_scoped3A_218, %dma_wait3A_299] : memref<125x80xi32, #tpu.memory_space<vmem>> -> memref<1x80xi32, #tpu.memory_space<vmem>>
      %dma_wait3A_301 = tpu.memref_squeeze %dma_wait3A_300 : memref<1x80xi32, #tpu.memory_space<vmem>> -> memref<80xi32, #tpu.memory_space<vmem>>
      %dma_wait3A_302 = arith.constant 0 : i32
      %dma_wait3A_303 = arith.constant 0 : i32
      %dma_wait3A_304 = tpu.memref_slice %arg17[%dma_wait3A_302, %dma_wait3A_303] : memref<10000x128xf32, #tpu.memory_space<vmem_shared>> -> memref<10000x128xf32, #tpu.memory_space<vmem_shared>>
      tpu.wait_indirect_dma semaphore(%run_scoped3A_292 : memref<!tpu.dma_semaphore, #tpu.memory_space<semaphore_mem>>) src(%arg15 : memref<80x128xf32, #tpu.memory_space<vmem>>) dst(%dma_wait3A_304 : memref<10000x128xf32, #tpu.memory_space<vmem_shared>>)
      tpu.yield
    }) : () -> ()
    %barrier3A_219 = arith.constant 0 : index
    tpu.barrier barrier_id(%barrier3A_219)
    %eq3A_220 = arith.constant 0 : i32
    %eq3A_221 = arith.cmpi eq, %arg1, %eq3A_220 : i32
    %convert_element_type3A_222 = arith.extui %eq3A_221 : i1 to i32
    %cond3A_223 = arith.constant 0 : i32
    %cond3A_224 = arith.cmpi ne, %convert_element_type3A_222, %cond3A_223 : i32
    scf.if %cond3A_224 {
      %run_scoped3A_292 = arith.constant 6 : i32
      "tpu.region"() ({
        %run_scoped3A_293 = tpu.sem_alloc : memref<!tpu.dma_semaphore, #tpu.memory_space<semaphore_mem>>
        %dma_start3A_294 = arith.constant 0 : i32
        %dma_start3A_295 = arith.constant 0 : i32
        %dma_start3A_296 = tpu.memref_slice %arg13[%arg0, %run_scoped3A_292, %dma_start3A_294, %dma_start3A_295] : memref<2x9x10000x128xf32, #tpu.memory_space<hbm>> -> memref<1x1x10000x128xf32, #tpu.memory_space<hbm>>
        %dma_start3A_297 = tpu.memref_squeeze %dma_start3A_296 : memref<1x1x10000x128xf32, #tpu.memory_space<hbm>> -> memref<10000x128xf32, #tpu.memory_space<hbm>>
        tpu.enqueue_dma source(%arg17 : memref<10000x128xf32, #tpu.memory_space<vmem_shared>>) target(%dma_start3A_297 : memref<10000x128xf32, #tpu.memory_space<hbm>>) target_semaphore(%run_scoped3A_293 : memref<!tpu.dma_semaphore, #tpu.memory_space<semaphore_mem>>)
        %dma_wait3A_298 = arith.constant 0 : i32
        %dma_wait3A_299 = arith.constant 0 : i32
        %dma_wait3A_300 = tpu.memref_slice %arg13[%arg0, %run_scoped3A_292, %dma_wait3A_298, %dma_wait3A_299] : memref<2x9x10000x128xf32, #tpu.memory_space<hbm>> -> memref<1x1x10000x128xf32, #tpu.memory_space<hbm>>
        %dma_wait3A_301 = tpu.memref_squeeze %dma_wait3A_300 : memref<1x1x10000x128xf32, #tpu.memory_space<hbm>> -> memref<10000x128xf32, #tpu.memory_space<hbm>>
        tpu.wait_dma2 semaphore(%run_scoped3A_293 : memref<!tpu.dma_semaphore, #tpu.memory_space<semaphore_mem>>) src(%arg17 : memref<10000x128xf32, #tpu.memory_space<vmem_shared>>) dst(%dma_wait3A_301 : memref<10000x128xf32, #tpu.memory_space<hbm>>)
        tpu.yield
      }) : () -> ()
    } else {
    }
    %barrier3A_225 = arith.constant 0 : index
    tpu.barrier barrier_id(%barrier3A_225)
    %eq3A_226 = arith.constant 0 : i32
    %eq3A_227 = arith.cmpi eq, %arg1, %eq3A_226 : i32
    %convert_element_type3A_228 = arith.extui %eq3A_227 : i1 to i32
    %cond3A_229 = arith.constant 0 : i32
    %cond3A_230 = arith.cmpi ne, %convert_element_type3A_228, %cond3A_229 : i32
    scf.if %cond3A_230 {
      "tpu.region"() ({
        %run_scoped3A_292 = tpu.sem_alloc : memref<!tpu.dma_semaphore, #tpu.memory_space<semaphore_mem>>
        tpu.enqueue_dma source(%arg12 : memref<10000x128xf32, #tpu.memory_space<hbm>>) target(%arg17 : memref<10000x128xf32, #tpu.memory_space<vmem_shared>>) target_semaphore(%run_scoped3A_292 : memref<!tpu.dma_semaphore, #tpu.memory_space<semaphore_mem>>)
        tpu.wait_dma2 semaphore(%run_scoped3A_292 : memref<!tpu.dma_semaphore, #tpu.memory_space<semaphore_mem>>) src(%arg12 : memref<10000x128xf32, #tpu.memory_space<hbm>>) dst(%arg17 : memref<10000x128xf32, #tpu.memory_space<vmem_shared>>)
        tpu.yield
      }) : () -> ()
    } else {
    }
    %barrier3A_231 = arith.constant 0 : index
    tpu.barrier barrier_id(%barrier3A_231)
    %dma_start3A_232 = arith.constant 0 : i32
    %dma_start3A_233 = tpu.memref_slice %arg9[%mul3A_2, %dma_start3A_232] : memref<320000x128xf32, #tpu.memory_space<hbm>> -> memref<80x128xf32, #tpu.memory_space<hbm>>
    %dma_start3A_234 = arith.constant 0 : i32
    %dma_start3A_235 = tpu.memref_slice %arg9[%mul3A_2, %dma_start3A_234] : memref<320000x128xf32, #tpu.memory_space<hbm>> -> memref<80x128xf32, #tpu.memory_space<hbm>>
    tpu.enqueue_dma source(%dma_start3A_235 : memref<80x128xf32, #tpu.memory_space<hbm>>) target(%arg15 : memref<80x128xf32, #tpu.memory_space<vmem>>) target_semaphore(%arg18 : memref<!tpu.dma_semaphore, #tpu.memory_space<semaphore_mem>>)
    %add3A_236 = arith.constant 80 : i32
    %add3A_237 = arith.addi %mul3A_2, %add3A_236 : i32
    %dma_start3A_238 = arith.constant 0 : i32
    %dma_start3A_239 = tpu.memref_slice %arg9[%add3A_237, %dma_start3A_238] : memref<320000x128xf32, #tpu.memory_space<hbm>> -> memref<80x128xf32, #tpu.memory_space<hbm>>
    %dma_start3A_240 = arith.constant 0 : i32
    %dma_start3A_241 = tpu.memref_slice %arg9[%add3A_237, %dma_start3A_240] : memref<320000x128xf32, #tpu.memory_space<hbm>> -> memref<80x128xf32, #tpu.memory_space<hbm>>
    tpu.enqueue_dma source(%dma_start3A_241 : memref<80x128xf32, #tpu.memory_space<hbm>>) target(%arg16 : memref<80x128xf32, #tpu.memory_space<vmem>>) target_semaphore(%arg19 : memref<!tpu.dma_semaphore, #tpu.memory_space<semaphore_mem>>)
    %scan3A_242 = arith.constant 0 : i32
    %scan3A_243 = arith.constant 62 : i32
    %scan3A_244 = arith.addi %scan3A_242, %scan3A_243 : i32
    %scan3A_245 = arith.constant 1 : i32
    scf.for %scan3A_292 = %scan3A_242 to %scan3A_244 step %scan3A_245  : i32 {
      %mul3A_293 = arith.constant 1 : i32
      %mul3A_294 = arith.muli %scan3A_292, %mul3A_293 : i32
      %add3A_295 = arith.constant 0 : i32
      %add3A_296 = arith.addi %add3A_295, %mul3A_294 : i32
      %dma_wait3A_297 = arith.constant 0 : i32
      %dma_wait3A_298 = tpu.memref_slice %arg9[%mul3A_2, %dma_wait3A_297] : memref<320000x128xf32, #tpu.memory_space<hbm>> -> memref<80x128xf32, #tpu.memory_space<hbm>>
      %dma_wait3A_299 = arith.constant 0 : i32
      %dma_wait3A_300 = tpu.memref_slice %arg9[%mul3A_2, %dma_wait3A_299] : memref<320000x128xf32, #tpu.memory_space<hbm>> -> memref<80x128xf32, #tpu.memory_space<hbm>>
      tpu.wait_dma2 semaphore(%arg18 : memref<!tpu.dma_semaphore, #tpu.memory_space<semaphore_mem>>) src(%dma_wait3A_300 : memref<80x128xf32, #tpu.memory_space<hbm>>) dst(%arg15 : memref<80x128xf32, #tpu.memory_space<vmem>>)
      %mul3A_301 = arith.constant 2 : i32
      %mul3A_302 = arith.muli %mul3A_301, %add3A_296 : i32
      "tpu.region"() ({
        %run_scoped3A_328 = tpu.sem_alloc : memref<!tpu.dma_semaphore, #tpu.memory_space<semaphore_mem>>
        %dma_start3A_329 = arith.constant 0 : i32
        %dma_start3A_330 = tpu.memref_slice %arg14[%mul3A_302, %dma_start3A_329] : memref<125x80xi32, #tpu.memory_space<vmem>> -> memref<1x80xi32, #tpu.memory_space<vmem>>
        %dma_start3A_331 = tpu.memref_squeeze %dma_start3A_330 : memref<1x80xi32, #tpu.memory_space<vmem>> -> memref<80xi32, #tpu.memory_space<vmem>>
        %dma_start3A_332 = arith.constant 0 : i32
        %dma_start3A_333 = arith.constant 0 : i32
        %dma_start3A_334 = tpu.memref_slice %arg17[%dma_start3A_332, %dma_start3A_333] : memref<10000x128xf32, #tpu.memory_space<vmem_shared>> -> memref<10000x128xf32, #tpu.memory_space<vmem_shared>>
        tpu.enqueue_indirect_dma source(%arg15 : memref<80x128xf32, #tpu.memory_space<vmem>>) target(%dma_start3A_334 : memref<10000x128xf32, #tpu.memory_space<vmem_shared>>) offsets(%dma_start3A_331 : memref<80xi32, #tpu.memory_space<vmem>>) semaphore(%run_scoped3A_328 : memref<!tpu.dma_semaphore, #tpu.memory_space<semaphore_mem>>) {add = true}
        %dma_wait3A_335 = arith.constant 0 : i32
        %dma_wait3A_336 = tpu.memref_slice %arg14[%mul3A_302, %dma_wait3A_335] : memref<125x80xi32, #tpu.memory_space<vmem>> -> memref<1x80xi32, #tpu.memory_space<vmem>>
        %dma_wait3A_337 = tpu.memref_squeeze %dma_wait3A_336 : memref<1x80xi32, #tpu.memory_space<vmem>> -> memref<80xi32, #tpu.memory_space<vmem>>
        %dma_wait3A_338 = arith.constant 0 : i32
        %dma_wait3A_339 = arith.constant 0 : i32
        %dma_wait3A_340 = tpu.memref_slice %arg17[%dma_wait3A_338, %dma_wait3A_339] : memref<10000x128xf32, #tpu.memory_space<vmem_shared>> -> memref<10000x128xf32, #tpu.memory_space<vmem_shared>>
        tpu.wait_indirect_dma semaphore(%run_scoped3A_328 : memref<!tpu.dma_semaphore, #tpu.memory_space<semaphore_mem>>) src(%arg15 : memref<80x128xf32, #tpu.memory_space<vmem>>) dst(%dma_wait3A_340 : memref<10000x128xf32, #tpu.memory_space<vmem_shared>>)
        tpu.yield
      }) : () -> ()
      %mul3A_303 = arith.constant 2 : i32
      %mul3A_304 = arith.muli %mul3A_303, %add3A_296 : i32
      %add3A_305 = arith.constant 2 : i32
      %add3A_306 = arith.addi %mul3A_304, %add3A_305 : i32
      %le3A = arith.constant 124 : i32
      %le3A_307 = arith.cmpi sle, %add3A_306, %le3A : i32
      %convert_element_type3A_308 = arith.extui %le3A_307 : i1 to i32
      %cond3A_309 = arith.constant 0 : i32
      %cond3A_310 = arith.cmpi ne, %convert_element_type3A_308, %cond3A_309 : i32
      scf.if %cond3A_310 {
        %mul3A_328 = arith.constant 2 : i32
        %mul3A_329 = arith.muli %mul3A_328, %add3A_296 : i32
        %add3A_330 = arith.constant 2 : i32
        %add3A_331 = arith.addi %mul3A_329, %add3A_330 : i32
        %mul3A_332 = arith.constant 80 : i32
        %mul3A_333 = arith.muli %add3A_331, %mul3A_332 : i32
        %add3A_334 = arith.addi %mul3A_2, %mul3A_333 : i32
        %dma_start3A_335 = arith.constant 0 : i32
        %dma_start3A_336 = tpu.memref_slice %arg9[%add3A_334, %dma_start3A_335] : memref<320000x128xf32, #tpu.memory_space<hbm>> -> memref<80x128xf32, #tpu.memory_space<hbm>>
        %dma_start3A_337 = arith.constant 0 : i32
        %dma_start3A_338 = tpu.memref_slice %arg9[%add3A_334, %dma_start3A_337] : memref<320000x128xf32, #tpu.memory_space<hbm>> -> memref<80x128xf32, #tpu.memory_space<hbm>>
        tpu.enqueue_dma source(%dma_start3A_338 : memref<80x128xf32, #tpu.memory_space<hbm>>) target(%arg15 : memref<80x128xf32, #tpu.memory_space<vmem>>) target_semaphore(%arg18 : memref<!tpu.dma_semaphore, #tpu.memory_space<semaphore_mem>>)
      } else {
      }
      %dma_wait3A_311 = arith.constant 0 : i32
      %dma_wait3A_312 = tpu.memref_slice %arg9[%mul3A_2, %dma_wait3A_311] : memref<320000x128xf32, #tpu.memory_space<hbm>> -> memref<80x128xf32, #tpu.memory_space<hbm>>
      %dma_wait3A_313 = arith.constant 0 : i32
      %dma_wait3A_314 = tpu.memref_slice %arg9[%mul3A_2, %dma_wait3A_313] : memref<320000x128xf32, #tpu.memory_space<hbm>> -> memref<80x128xf32, #tpu.memory_space<hbm>>
      tpu.wait_dma2 semaphore(%arg19 : memref<!tpu.dma_semaphore, #tpu.memory_space<semaphore_mem>>) src(%dma_wait3A_314 : memref<80x128xf32, #tpu.memory_space<hbm>>) dst(%arg16 : memref<80x128xf32, #tpu.memory_space<vmem>>)
      %mul3A_315 = arith.constant 2 : i32
      %mul3A_316 = arith.muli %mul3A_315, %add3A_296 : i32
      %add3A_317 = arith.constant 1 : i32
      %add3A_318 = arith.addi %mul3A_316, %add3A_317 : i32
      "tpu.region"() ({
        %run_scoped3A_328 = tpu.sem_alloc : memref<!tpu.dma_semaphore, #tpu.memory_space<semaphore_mem>>
        %dma_start3A_329 = arith.constant 0 : i32
        %dma_start3A_330 = tpu.memref_slice %arg14[%add3A_318, %dma_start3A_329] : memref<125x80xi32, #tpu.memory_space<vmem>> -> memref<1x80xi32, #tpu.memory_space<vmem>>
        %dma_start3A_331 = tpu.memref_squeeze %dma_start3A_330 : memref<1x80xi32, #tpu.memory_space<vmem>> -> memref<80xi32, #tpu.memory_space<vmem>>
        %dma_start3A_332 = arith.constant 0 : i32
        %dma_start3A_333 = arith.constant 0 : i32
        %dma_start3A_334 = tpu.memref_slice %arg17[%dma_start3A_332, %dma_start3A_333] : memref<10000x128xf32, #tpu.memory_space<vmem_shared>> -> memref<10000x128xf32, #tpu.memory_space<vmem_shared>>
        tpu.enqueue_indirect_dma source(%arg16 : memref<80x128xf32, #tpu.memory_space<vmem>>) target(%dma_start3A_334 : memref<10000x128xf32, #tpu.memory_space<vmem_shared>>) offsets(%dma_start3A_331 : memref<80xi32, #tpu.memory_space<vmem>>) semaphore(%run_scoped3A_328 : memref<!tpu.dma_semaphore, #tpu.memory_space<semaphore_mem>>) {add = true}
        %dma_wait3A_335 = arith.constant 0 : i32
        %dma_wait3A_336 = tpu.memref_slice %arg14[%add3A_318, %dma_wait3A_335] : memref<125x80xi32, #tpu.memory_space<vmem>> -> memref<1x80xi32, #tpu.memory_space<vmem>>
        %dma_wait3A_337 = tpu.memref_squeeze %dma_wait3A_336 : memref<1x80xi32, #tpu.memory_space<vmem>> -> memref<80xi32, #tpu.memory_space<vmem>>
        %dma_wait3A_338 = arith.constant 0 : i32
        %dma_wait3A_339 = arith.constant 0 : i32
        %dma_wait3A_340 = tpu.memref_slice %arg17[%dma_wait3A_338, %dma_wait3A_339] : memref<10000x128xf32, #tpu.memory_space<vmem_shared>> -> memref<10000x128xf32, #tpu.memory_space<vmem_shared>>
        tpu.wait_indirect_dma semaphore(%run_scoped3A_328 : memref<!tpu.dma_semaphore, #tpu.memory_space<semaphore_mem>>) src(%arg16 : memref<80x128xf32, #tpu.memory_space<vmem>>) dst(%dma_wait3A_340 : memref<10000x128xf32, #tpu.memory_space<vmem_shared>>)
        tpu.yield
      }) : () -> ()
      %mul3A_319 = arith.constant 2 : i32
      %mul3A_320 = arith.muli %mul3A_319, %add3A_296 : i32
      %add3A_321 = arith.constant 3 : i32
      %add3A_322 = arith.addi %mul3A_320, %add3A_321 : i32
      %le3A_323 = arith.constant 124 : i32
      %le3A_324 = arith.cmpi sle, %add3A_322, %le3A_323 : i32
      %convert_element_type3A_325 = arith.extui %le3A_324 : i1 to i32
      %cond3A_326 = arith.constant 0 : i32
      %cond3A_327 = arith.cmpi ne, %convert_element_type3A_325, %cond3A_326 : i32
      scf.if %cond3A_327 {
        %mul3A_328 = arith.constant 2 : i32
        %mul3A_329 = arith.muli %mul3A_328, %add3A_296 : i32
        %add3A_330 = arith.constant 3 : i32
        %add3A_331 = arith.addi %mul3A_329, %add3A_330 : i32
        %mul3A_332 = arith.constant 80 : i32
        %mul3A_333 = arith.muli %add3A_331, %mul3A_332 : i32
        %add3A_334 = arith.addi %mul3A_2, %mul3A_333 : i32
        %dma_start3A_335 = arith.constant 0 : i32
        %dma_start3A_336 = tpu.memref_slice %arg9[%add3A_334, %dma_start3A_335] : memref<320000x128xf32, #tpu.memory_space<hbm>> -> memref<80x128xf32, #tpu.memory_space<hbm>>
        %dma_start3A_337 = arith.constant 0 : i32
        %dma_start3A_338 = tpu.memref_slice %arg9[%add3A_334, %dma_start3A_337] : memref<320000x128xf32, #tpu.memory_space<hbm>> -> memref<80x128xf32, #tpu.memory_space<hbm>>
        tpu.enqueue_dma source(%dma_start3A_338 : memref<80x128xf32, #tpu.memory_space<hbm>>) target(%arg16 : memref<80x128xf32, #tpu.memory_space<vmem>>) target_semaphore(%arg19 : memref<!tpu.dma_semaphore, #tpu.memory_space<semaphore_mem>>)
      } else {
      }
    }
    %scan3A_246 = arith.constant 62 : i32
    %dma_wait3A_247 = arith.constant 0 : i32
    %dma_wait3A_248 = tpu.memref_slice %arg9[%mul3A_2, %dma_wait3A_247] : memref<320000x128xf32, #tpu.memory_space<hbm>> -> memref<80x128xf32, #tpu.memory_space<hbm>>
    %dma_wait3A_249 = arith.constant 0 : i32
    %dma_wait3A_250 = tpu.memref_slice %arg9[%mul3A_2, %dma_wait3A_249] : memref<320000x128xf32, #tpu.memory_space<hbm>> -> memref<80x128xf32, #tpu.memory_space<hbm>>
    tpu.wait_dma2 semaphore(%arg18 : memref<!tpu.dma_semaphore, #tpu.memory_space<semaphore_mem>>) src(%dma_wait3A_250 : memref<80x128xf32, #tpu.memory_space<hbm>>) dst(%arg15 : memref<80x128xf32, #tpu.memory_space<vmem>>)
    %run_scoped3A_251 = arith.constant 124 : i32
    "tpu.region"() ({
      %run_scoped3A_292 = tpu.sem_alloc : memref<!tpu.dma_semaphore, #tpu.memory_space<semaphore_mem>>
      %dma_start3A_293 = arith.constant 0 : i32
      %dma_start3A_294 = tpu.memref_slice %arg14[%run_scoped3A_251, %dma_start3A_293] : memref<125x80xi32, #tpu.memory_space<vmem>> -> memref<1x80xi32, #tpu.memory_space<vmem>>
      %dma_start3A_295 = tpu.memref_squeeze %dma_start3A_294 : memref<1x80xi32, #tpu.memory_space<vmem>> -> memref<80xi32, #tpu.memory_space<vmem>>
      %dma_start3A_296 = arith.constant 0 : i32
      %dma_start3A_297 = arith.constant 0 : i32
      %dma_start3A_298 = tpu.memref_slice %arg17[%dma_start3A_296, %dma_start3A_297] : memref<10000x128xf32, #tpu.memory_space<vmem_shared>> -> memref<10000x128xf32, #tpu.memory_space<vmem_shared>>
      tpu.enqueue_indirect_dma source(%arg15 : memref<80x128xf32, #tpu.memory_space<vmem>>) target(%dma_start3A_298 : memref<10000x128xf32, #tpu.memory_space<vmem_shared>>) offsets(%dma_start3A_295 : memref<80xi32, #tpu.memory_space<vmem>>) semaphore(%run_scoped3A_292 : memref<!tpu.dma_semaphore, #tpu.memory_space<semaphore_mem>>) {add = true}
      %dma_wait3A_299 = arith.constant 0 : i32
      %dma_wait3A_300 = tpu.memref_slice %arg14[%run_scoped3A_251, %dma_wait3A_299] : memref<125x80xi32, #tpu.memory_space<vmem>> -> memref<1x80xi32, #tpu.memory_space<vmem>>
      %dma_wait3A_301 = tpu.memref_squeeze %dma_wait3A_300 : memref<1x80xi32, #tpu.memory_space<vmem>> -> memref<80xi32, #tpu.memory_space<vmem>>
      %dma_wait3A_302 = arith.constant 0 : i32
      %dma_wait3A_303 = arith.constant 0 : i32
      %dma_wait3A_304 = tpu.memref_slice %arg17[%dma_wait3A_302, %dma_wait3A_303] : memref<10000x128xf32, #tpu.memory_space<vmem_shared>> -> memref<10000x128xf32, #tpu.memory_space<vmem_shared>>
      tpu.wait_indirect_dma semaphore(%run_scoped3A_292 : memref<!tpu.dma_semaphore, #tpu.memory_space<semaphore_mem>>) src(%arg15 : memref<80x128xf32, #tpu.memory_space<vmem>>) dst(%dma_wait3A_304 : memref<10000x128xf32, #tpu.memory_space<vmem_shared>>)
      tpu.yield
    }) : () -> ()
    %barrier3A_252 = arith.constant 0 : index
    tpu.barrier barrier_id(%barrier3A_252)
    %eq3A_253 = arith.constant 0 : i32
    %eq3A_254 = arith.cmpi eq, %arg1, %eq3A_253 : i32
    %convert_element_type3A_255 = arith.extui %eq3A_254 : i1 to i32
    %cond3A_256 = arith.constant 0 : i32
    %cond3A_257 = arith.cmpi ne, %convert_element_type3A_255, %cond3A_256 : i32
    scf.if %cond3A_257 {
      %run_scoped3A_292 = arith.constant 7 : i32
      "tpu.region"() ({
        %run_scoped3A_293 = tpu.sem_alloc : memref<!tpu.dma_semaphore, #tpu.memory_space<semaphore_mem>>
        %dma_start3A_294 = arith.constant 0 : i32
        %dma_start3A_295 = arith.constant 0 : i32
        %dma_start3A_296 = tpu.memref_slice %arg13[%arg0, %run_scoped3A_292, %dma_start3A_294, %dma_start3A_295] : memref<2x9x10000x128xf32, #tpu.memory_space<hbm>> -> memref<1x1x10000x128xf32, #tpu.memory_space<hbm>>
        %dma_start3A_297 = tpu.memref_squeeze %dma_start3A_296 : memref<1x1x10000x128xf32, #tpu.memory_space<hbm>> -> memref<10000x128xf32, #tpu.memory_space<hbm>>
        tpu.enqueue_dma source(%arg17 : memref<10000x128xf32, #tpu.memory_space<vmem_shared>>) target(%dma_start3A_297 : memref<10000x128xf32, #tpu.memory_space<hbm>>) target_semaphore(%run_scoped3A_293 : memref<!tpu.dma_semaphore, #tpu.memory_space<semaphore_mem>>)
        %dma_wait3A_298 = arith.constant 0 : i32
        %dma_wait3A_299 = arith.constant 0 : i32
        %dma_wait3A_300 = tpu.memref_slice %arg13[%arg0, %run_scoped3A_292, %dma_wait3A_298, %dma_wait3A_299] : memref<2x9x10000x128xf32, #tpu.memory_space<hbm>> -> memref<1x1x10000x128xf32, #tpu.memory_space<hbm>>
        %dma_wait3A_301 = tpu.memref_squeeze %dma_wait3A_300 : memref<1x1x10000x128xf32, #tpu.memory_space<hbm>> -> memref<10000x128xf32, #tpu.memory_space<hbm>>
        tpu.wait_dma2 semaphore(%run_scoped3A_293 : memref<!tpu.dma_semaphore, #tpu.memory_space<semaphore_mem>>) src(%arg17 : memref<10000x128xf32, #tpu.memory_space<vmem_shared>>) dst(%dma_wait3A_301 : memref<10000x128xf32, #tpu.memory_space<hbm>>)
        tpu.yield
      }) : () -> ()
    } else {
    }
    %barrier3A_258 = arith.constant 0 : index
    tpu.barrier barrier_id(%barrier3A_258)
    %eq3A_259 = arith.constant 0 : i32
    %eq3A_260 = arith.cmpi eq, %arg1, %eq3A_259 : i32
    %convert_element_type3A_261 = arith.extui %eq3A_260 : i1 to i32
    %cond3A_262 = arith.constant 0 : i32
    %cond3A_263 = arith.cmpi ne, %convert_element_type3A_261, %cond3A_262 : i32
    scf.if %cond3A_263 {
      "tpu.region"() ({
        %run_scoped3A_292 = tpu.sem_alloc : memref<!tpu.dma_semaphore, #tpu.memory_space<semaphore_mem>>
        tpu.enqueue_dma source(%arg12 : memref<10000x128xf32, #tpu.memory_space<hbm>>) target(%arg17 : memref<10000x128xf32, #tpu.memory_space<vmem_shared>>) target_semaphore(%run_scoped3A_292 : memref<!tpu.dma_semaphore, #tpu.memory_space<semaphore_mem>>)
        tpu.wait_dma2 semaphore(%run_scoped3A_292 : memref<!tpu.dma_semaphore, #tpu.memory_space<semaphore_mem>>) src(%arg12 : memref<10000x128xf32, #tpu.memory_space<hbm>>) dst(%arg17 : memref<10000x128xf32, #tpu.memory_space<vmem_shared>>)
        tpu.yield
      }) : () -> ()
    } else {
    }
    %barrier3A_264 = arith.constant 0 : index
    tpu.barrier barrier_id(%barrier3A_264)
    %dma_start3A_265 = arith.constant 0 : i32
    %dma_start3A_266 = tpu.memref_slice %arg10[%mul3A_2, %dma_start3A_265] : memref<320000x128xf32, #tpu.memory_space<hbm>> -> memref<80x128xf32, #tpu.memory_space<hbm>>
    %dma_start3A_267 = arith.constant 0 : i32
    %dma_start3A_268 = tpu.memref_slice %arg10[%mul3A_2, %dma_start3A_267] : memref<320000x128xf32, #tpu.memory_space<hbm>> -> memref<80x128xf32, #tpu.memory_space<hbm>>
    tpu.enqueue_dma source(%dma_start3A_268 : memref<80x128xf32, #tpu.memory_space<hbm>>) target(%arg15 : memref<80x128xf32, #tpu.memory_space<vmem>>) target_semaphore(%arg18 : memref<!tpu.dma_semaphore, #tpu.memory_space<semaphore_mem>>)
    %add3A_269 = arith.constant 80 : i32
    %add3A_270 = arith.addi %mul3A_2, %add3A_269 : i32
    %dma_start3A_271 = arith.constant 0 : i32
    %dma_start3A_272 = tpu.memref_slice %arg10[%add3A_270, %dma_start3A_271] : memref<320000x128xf32, #tpu.memory_space<hbm>> -> memref<80x128xf32, #tpu.memory_space<hbm>>
    %dma_start3A_273 = arith.constant 0 : i32
    %dma_start3A_274 = tpu.memref_slice %arg10[%add3A_270, %dma_start3A_273] : memref<320000x128xf32, #tpu.memory_space<hbm>> -> memref<80x128xf32, #tpu.memory_space<hbm>>
    tpu.enqueue_dma source(%dma_start3A_274 : memref<80x128xf32, #tpu.memory_space<hbm>>) target(%arg16 : memref<80x128xf32, #tpu.memory_space<vmem>>) target_semaphore(%arg19 : memref<!tpu.dma_semaphore, #tpu.memory_space<semaphore_mem>>)
    %scan3A_275 = arith.constant 0 : i32
    %scan3A_276 = arith.constant 62 : i32
    %scan3A_277 = arith.addi %scan3A_275, %scan3A_276 : i32
    %scan3A_278 = arith.constant 1 : i32
    scf.for %scan3A_292 = %scan3A_275 to %scan3A_277 step %scan3A_278  : i32 {
      %mul3A_293 = arith.constant 1 : i32
      %mul3A_294 = arith.muli %scan3A_292, %mul3A_293 : i32
      %add3A_295 = arith.constant 0 : i32
      %add3A_296 = arith.addi %add3A_295, %mul3A_294 : i32
      %dma_wait3A_297 = arith.constant 0 : i32
      %dma_wait3A_298 = tpu.memref_slice %arg10[%mul3A_2, %dma_wait3A_297] : memref<320000x128xf32, #tpu.memory_space<hbm>> -> memref<80x128xf32, #tpu.memory_space<hbm>>
      %dma_wait3A_299 = arith.constant 0 : i32
      %dma_wait3A_300 = tpu.memref_slice %arg10[%mul3A_2, %dma_wait3A_299] : memref<320000x128xf32, #tpu.memory_space<hbm>> -> memref<80x128xf32, #tpu.memory_space<hbm>>
      tpu.wait_dma2 semaphore(%arg18 : memref<!tpu.dma_semaphore, #tpu.memory_space<semaphore_mem>>) src(%dma_wait3A_300 : memref<80x128xf32, #tpu.memory_space<hbm>>) dst(%arg15 : memref<80x128xf32, #tpu.memory_space<vmem>>)
      %mul3A_301 = arith.constant 2 : i32
      %mul3A_302 = arith.muli %mul3A_301, %add3A_296 : i32
      "tpu.region"() ({
        %run_scoped3A_328 = tpu.sem_alloc : memref<!tpu.dma_semaphore, #tpu.memory_space<semaphore_mem>>
        %dma_start3A_329 = arith.constant 0 : i32
        %dma_start3A_330 = tpu.memref_slice %arg14[%mul3A_302, %dma_start3A_329] : memref<125x80xi32, #tpu.memory_space<vmem>> -> memref<1x80xi32, #tpu.memory_space<vmem>>
        %dma_start3A_331 = tpu.memref_squeeze %dma_start3A_330 : memref<1x80xi32, #tpu.memory_space<vmem>> -> memref<80xi32, #tpu.memory_space<vmem>>
        %dma_start3A_332 = arith.constant 0 : i32
        %dma_start3A_333 = arith.constant 0 : i32
        %dma_start3A_334 = tpu.memref_slice %arg17[%dma_start3A_332, %dma_start3A_333] : memref<10000x128xf32, #tpu.memory_space<vmem_shared>> -> memref<10000x128xf32, #tpu.memory_space<vmem_shared>>
        tpu.enqueue_indirect_dma source(%arg15 : memref<80x128xf32, #tpu.memory_space<vmem>>) target(%dma_start3A_334 : memref<10000x128xf32, #tpu.memory_space<vmem_shared>>) offsets(%dma_start3A_331 : memref<80xi32, #tpu.memory_space<vmem>>) semaphore(%run_scoped3A_328 : memref<!tpu.dma_semaphore, #tpu.memory_space<semaphore_mem>>) {add = true}
        %dma_wait3A_335 = arith.constant 0 : i32
        %dma_wait3A_336 = tpu.memref_slice %arg14[%mul3A_302, %dma_wait3A_335] : memref<125x80xi32, #tpu.memory_space<vmem>> -> memref<1x80xi32, #tpu.memory_space<vmem>>
        %dma_wait3A_337 = tpu.memref_squeeze %dma_wait3A_336 : memref<1x80xi32, #tpu.memory_space<vmem>> -> memref<80xi32, #tpu.memory_space<vmem>>
        %dma_wait3A_338 = arith.constant 0 : i32
        %dma_wait3A_339 = arith.constant 0 : i32
        %dma_wait3A_340 = tpu.memref_slice %arg17[%dma_wait3A_338, %dma_wait3A_339] : memref<10000x128xf32, #tpu.memory_space<vmem_shared>> -> memref<10000x128xf32, #tpu.memory_space<vmem_shared>>
        tpu.wait_indirect_dma semaphore(%run_scoped3A_328 : memref<!tpu.dma_semaphore, #tpu.memory_space<semaphore_mem>>) src(%arg15 : memref<80x128xf32, #tpu.memory_space<vmem>>) dst(%dma_wait3A_340 : memref<10000x128xf32, #tpu.memory_space<vmem_shared>>)
        tpu.yield
      }) : () -> ()
      %mul3A_303 = arith.constant 2 : i32
      %mul3A_304 = arith.muli %mul3A_303, %add3A_296 : i32
      %add3A_305 = arith.constant 2 : i32
      %add3A_306 = arith.addi %mul3A_304, %add3A_305 : i32
      %le3A = arith.constant 124 : i32
      %le3A_307 = arith.cmpi sle, %add3A_306, %le3A : i32
      %convert_element_type3A_308 = arith.extui %le3A_307 : i1 to i32
      %cond3A_309 = arith.constant 0 : i32
      %cond3A_310 = arith.cmpi ne, %convert_element_type3A_308, %cond3A_309 : i32
      scf.if %cond3A_310 {
        %mul3A_328 = arith.constant 2 : i32
        %mul3A_329 = arith.muli %mul3A_328, %add3A_296 : i32
        %add3A_330 = arith.constant 2 : i32
        %add3A_331 = arith.addi %mul3A_329, %add3A_330 : i32
        %mul3A_332 = arith.constant 80 : i32
        %mul3A_333 = arith.muli %add3A_331, %mul3A_332 : i32
        %add3A_334 = arith.addi %mul3A_2, %mul3A_333 : i32
        %dma_start3A_335 = arith.constant 0 : i32
        %dma_start3A_336 = tpu.memref_slice %arg10[%add3A_334, %dma_start3A_335] : memref<320000x128xf32, #tpu.memory_space<hbm>> -> memref<80x128xf32, #tpu.memory_space<hbm>>
        %dma_start3A_337 = arith.constant 0 : i32
        %dma_start3A_338 = tpu.memref_slice %arg10[%add3A_334, %dma_start3A_337] : memref<320000x128xf32, #tpu.memory_space<hbm>> -> memref<80x128xf32, #tpu.memory_space<hbm>>
        tpu.enqueue_dma source(%dma_start3A_338 : memref<80x128xf32, #tpu.memory_space<hbm>>) target(%arg15 : memref<80x128xf32, #tpu.memory_space<vmem>>) target_semaphore(%arg18 : memref<!tpu.dma_semaphore, #tpu.memory_space<semaphore_mem>>)
      } else {
      }
      %dma_wait3A_311 = arith.constant 0 : i32
      %dma_wait3A_312 = tpu.memref_slice %arg10[%mul3A_2, %dma_wait3A_311] : memref<320000x128xf32, #tpu.memory_space<hbm>> -> memref<80x128xf32, #tpu.memory_space<hbm>>
      %dma_wait3A_313 = arith.constant 0 : i32
      %dma_wait3A_314 = tpu.memref_slice %arg10[%mul3A_2, %dma_wait3A_313] : memref<320000x128xf32, #tpu.memory_space<hbm>> -> memref<80x128xf32, #tpu.memory_space<hbm>>
      tpu.wait_dma2 semaphore(%arg19 : memref<!tpu.dma_semaphore, #tpu.memory_space<semaphore_mem>>) src(%dma_wait3A_314 : memref<80x128xf32, #tpu.memory_space<hbm>>) dst(%arg16 : memref<80x128xf32, #tpu.memory_space<vmem>>)
      %mul3A_315 = arith.constant 2 : i32
      %mul3A_316 = arith.muli %mul3A_315, %add3A_296 : i32
      %add3A_317 = arith.constant 1 : i32
      %add3A_318 = arith.addi %mul3A_316, %add3A_317 : i32
      "tpu.region"() ({
        %run_scoped3A_328 = tpu.sem_alloc : memref<!tpu.dma_semaphore, #tpu.memory_space<semaphore_mem>>
        %dma_start3A_329 = arith.constant 0 : i32
        %dma_start3A_330 = tpu.memref_slice %arg14[%add3A_318, %dma_start3A_329] : memref<125x80xi32, #tpu.memory_space<vmem>> -> memref<1x80xi32, #tpu.memory_space<vmem>>
        %dma_start3A_331 = tpu.memref_squeeze %dma_start3A_330 : memref<1x80xi32, #tpu.memory_space<vmem>> -> memref<80xi32, #tpu.memory_space<vmem>>
        %dma_start3A_332 = arith.constant 0 : i32
        %dma_start3A_333 = arith.constant 0 : i32
        %dma_start3A_334 = tpu.memref_slice %arg17[%dma_start3A_332, %dma_start3A_333] : memref<10000x128xf32, #tpu.memory_space<vmem_shared>> -> memref<10000x128xf32, #tpu.memory_space<vmem_shared>>
        tpu.enqueue_indirect_dma source(%arg16 : memref<80x128xf32, #tpu.memory_space<vmem>>) target(%dma_start3A_334 : memref<10000x128xf32, #tpu.memory_space<vmem_shared>>) offsets(%dma_start3A_331 : memref<80xi32, #tpu.memory_space<vmem>>) semaphore(%run_scoped3A_328 : memref<!tpu.dma_semaphore, #tpu.memory_space<semaphore_mem>>) {add = true}
        %dma_wait3A_335 = arith.constant 0 : i32
        %dma_wait3A_336 = tpu.memref_slice %arg14[%add3A_318, %dma_wait3A_335] : memref<125x80xi32, #tpu.memory_space<vmem>> -> memref<1x80xi32, #tpu.memory_space<vmem>>
        %dma_wait3A_337 = tpu.memref_squeeze %dma_wait3A_336 : memref<1x80xi32, #tpu.memory_space<vmem>> -> memref<80xi32, #tpu.memory_space<vmem>>
        %dma_wait3A_338 = arith.constant 0 : i32
        %dma_wait3A_339 = arith.constant 0 : i32
        %dma_wait3A_340 = tpu.memref_slice %arg17[%dma_wait3A_338, %dma_wait3A_339] : memref<10000x128xf32, #tpu.memory_space<vmem_shared>> -> memref<10000x128xf32, #tpu.memory_space<vmem_shared>>
        tpu.wait_indirect_dma semaphore(%run_scoped3A_328 : memref<!tpu.dma_semaphore, #tpu.memory_space<semaphore_mem>>) src(%arg16 : memref<80x128xf32, #tpu.memory_space<vmem>>) dst(%dma_wait3A_340 : memref<10000x128xf32, #tpu.memory_space<vmem_shared>>)
        tpu.yield
      }) : () -> ()
      %mul3A_319 = arith.constant 2 : i32
      %mul3A_320 = arith.muli %mul3A_319, %add3A_296 : i32
      %add3A_321 = arith.constant 3 : i32
      %add3A_322 = arith.addi %mul3A_320, %add3A_321 : i32
      %le3A_323 = arith.constant 124 : i32
      %le3A_324 = arith.cmpi sle, %add3A_322, %le3A_323 : i32
      %convert_element_type3A_325 = arith.extui %le3A_324 : i1 to i32
      %cond3A_326 = arith.constant 0 : i32
      %cond3A_327 = arith.cmpi ne, %convert_element_type3A_325, %cond3A_326 : i32
      scf.if %cond3A_327 {
        %mul3A_328 = arith.constant 2 : i32
        %mul3A_329 = arith.muli %mul3A_328, %add3A_296 : i32
        %add3A_330 = arith.constant 3 : i32
        %add3A_331 = arith.addi %mul3A_329, %add3A_330 : i32
        %mul3A_332 = arith.constant 80 : i32
        %mul3A_333 = arith.muli %add3A_331, %mul3A_332 : i32
        %add3A_334 = arith.addi %mul3A_2, %mul3A_333 : i32
        %dma_start3A_335 = arith.constant 0 : i32
        %dma_start3A_336 = tpu.memref_slice %arg10[%add3A_334, %dma_start3A_335] : memref<320000x128xf32, #tpu.memory_space<hbm>> -> memref<80x128xf32, #tpu.memory_space<hbm>>
        %dma_start3A_337 = arith.constant 0 : i32
        %dma_start3A_338 = tpu.memref_slice %arg10[%add3A_334, %dma_start3A_337] : memref<320000x128xf32, #tpu.memory_space<hbm>> -> memref<80x128xf32, #tpu.memory_space<hbm>>
        tpu.enqueue_dma source(%dma_start3A_338 : memref<80x128xf32, #tpu.memory_space<hbm>>) target(%arg16 : memref<80x128xf32, #tpu.memory_space<vmem>>) target_semaphore(%arg19 : memref<!tpu.dma_semaphore, #tpu.memory_space<semaphore_mem>>)
      } else {
      }
    }
    %scan3A_279 = arith.constant 62 : i32
    %dma_wait3A_280 = arith.constant 0 : i32
    %dma_wait3A_281 = tpu.memref_slice %arg10[%mul3A_2, %dma_wait3A_280] : memref<320000x128xf32, #tpu.memory_space<hbm>> -> memref<80x128xf32, #tpu.memory_space<hbm>>
    %dma_wait3A_282 = arith.constant 0 : i32
    %dma_wait3A_283 = tpu.memref_slice %arg10[%mul3A_2, %dma_wait3A_282] : memref<320000x128xf32, #tpu.memory_space<hbm>> -> memref<80x128xf32, #tpu.memory_space<hbm>>
    tpu.wait_dma2 semaphore(%arg18 : memref<!tpu.dma_semaphore, #tpu.memory_space<semaphore_mem>>) src(%dma_wait3A_283 : memref<80x128xf32, #tpu.memory_space<hbm>>) dst(%arg15 : memref<80x128xf32, #tpu.memory_space<vmem>>)
    %run_scoped3A_284 = arith.constant 124 : i32
    "tpu.region"() ({
      %run_scoped3A_292 = tpu.sem_alloc : memref<!tpu.dma_semaphore, #tpu.memory_space<semaphore_mem>>
      %dma_start3A_293 = arith.constant 0 : i32
      %dma_start3A_294 = tpu.memref_slice %arg14[%run_scoped3A_284, %dma_start3A_293] : memref<125x80xi32, #tpu.memory_space<vmem>> -> memref<1x80xi32, #tpu.memory_space<vmem>>
      %dma_start3A_295 = tpu.memref_squeeze %dma_start3A_294 : memref<1x80xi32, #tpu.memory_space<vmem>> -> memref<80xi32, #tpu.memory_space<vmem>>
      %dma_start3A_296 = arith.constant 0 : i32
      %dma_start3A_297 = arith.constant 0 : i32
      %dma_start3A_298 = tpu.memref_slice %arg17[%dma_start3A_296, %dma_start3A_297] : memref<10000x128xf32, #tpu.memory_space<vmem_shared>> -> memref<10000x128xf32, #tpu.memory_space<vmem_shared>>
      tpu.enqueue_indirect_dma source(%arg15 : memref<80x128xf32, #tpu.memory_space<vmem>>) target(%dma_start3A_298 : memref<10000x128xf32, #tpu.memory_space<vmem_shared>>) offsets(%dma_start3A_295 : memref<80xi32, #tpu.memory_space<vmem>>) semaphore(%run_scoped3A_292 : memref<!tpu.dma_semaphore, #tpu.memory_space<semaphore_mem>>) {add = true}
      %dma_wait3A_299 = arith.constant 0 : i32
      %dma_wait3A_300 = tpu.memref_slice %arg14[%run_scoped3A_284, %dma_wait3A_299] : memref<125x80xi32, #tpu.memory_space<vmem>> -> memref<1x80xi32, #tpu.memory_space<vmem>>
      %dma_wait3A_301 = tpu.memref_squeeze %dma_wait3A_300 : memref<1x80xi32, #tpu.memory_space<vmem>> -> memref<80xi32, #tpu.memory_space<vmem>>
      %dma_wait3A_302 = arith.constant 0 : i32
      %dma_wait3A_303 = arith.constant 0 : i32
      %dma_wait3A_304 = tpu.memref_slice %arg17[%dma_wait3A_302, %dma_wait3A_303] : memref<10000x128xf32, #tpu.memory_space<vmem_shared>> -> memref<10000x128xf32, #tpu.memory_space<vmem_shared>>
      tpu.wait_indirect_dma semaphore(%run_scoped3A_292 : memref<!tpu.dma_semaphore, #tpu.memory_space<semaphore_mem>>) src(%arg15 : memref<80x128xf32, #tpu.memory_space<vmem>>) dst(%dma_wait3A_304 : memref<10000x128xf32, #tpu.memory_space<vmem_shared>>)
      tpu.yield
    }) : () -> ()
    %barrier3A_285 = arith.constant 0 : index
    tpu.barrier barrier_id(%barrier3A_285)
    %eq3A_286 = arith.constant 0 : i32
    %eq3A_287 = arith.cmpi eq, %arg1, %eq3A_286 : i32
    %convert_element_type3A_288 = arith.extui %eq3A_287 : i1 to i32
    %cond3A_289 = arith.constant 0 : i32
    %cond3A_290 = arith.cmpi ne, %convert_element_type3A_288, %cond3A_289 : i32
    scf.if %cond3A_290 {
      %run_scoped3A_292 = arith.constant 8 : i32
      "tpu.region"() ({
        %run_scoped3A_293 = tpu.sem_alloc : memref<!tpu.dma_semaphore, #tpu.memory_space<semaphore_mem>>
        %dma_start3A_294 = arith.constant 0 : i32
        %dma_start3A_295 = arith.constant 0 : i32
        %dma_start3A_296 = tpu.memref_slice %arg13[%arg0, %run_scoped3A_292, %dma_start3A_294, %dma_start3A_295] : memref<2x9x10000x128xf32, #tpu.memory_space<hbm>> -> memref<1x1x10000x128xf32, #tpu.memory_space<hbm>>
        %dma_start3A_297 = tpu.memref_squeeze %dma_start3A_296 : memref<1x1x10000x128xf32, #tpu.memory_space<hbm>> -> memref<10000x128xf32, #tpu.memory_space<hbm>>
        tpu.enqueue_dma source(%arg17 : memref<10000x128xf32, #tpu.memory_space<vmem_shared>>) target(%dma_start3A_297 : memref<10000x128xf32, #tpu.memory_space<hbm>>) target_semaphore(%run_scoped3A_293 : memref<!tpu.dma_semaphore, #tpu.memory_space<semaphore_mem>>)
        %dma_wait3A_298 = arith.constant 0 : i32
        %dma_wait3A_299 = arith.constant 0 : i32
        %dma_wait3A_300 = tpu.memref_slice %arg13[%arg0, %run_scoped3A_292, %dma_wait3A_298, %dma_wait3A_299] : memref<2x9x10000x128xf32, #tpu.memory_space<hbm>> -> memref<1x1x10000x128xf32, #tpu.memory_space<hbm>>
        %dma_wait3A_301 = tpu.memref_squeeze %dma_wait3A_300 : memref<1x1x10000x128xf32, #tpu.memory_space<hbm>> -> memref<10000x128xf32, #tpu.memory_space<hbm>>
        tpu.wait_dma2 semaphore(%run_scoped3A_293 : memref<!tpu.dma_semaphore, #tpu.memory_space<semaphore_mem>>) src(%arg17 : memref<10000x128xf32, #tpu.memory_space<vmem_shared>>) dst(%dma_wait3A_301 : memref<10000x128xf32, #tpu.memory_space<hbm>>)
        tpu.yield
      }) : () -> ()
    } else {
    }
    %barrier3A_291 = arith.constant 0 : index
    tpu.barrier barrier_id(%barrier3A_291)
    return
  }
}

module attributes {stable_mosaic.version = 14 : i64} {
  func.func @_k1_body(%arg0: i32, %arg1: memref<1000x128xf32, #tpu.memory_space<vmem>>, %arg2: memref<128x1024xf32, #tpu.memory_space<vmem>>, %arg3: memref<1x1024xf32, #tpu.memory_space<vmem>>, %arg4: memref<128x1024xf32, #tpu.memory_space<vmem>>, %arg5: memref<1x1024xf32, #tpu.memory_space<vmem>>, %arg6: memref<1000x512xi32, #tpu.memory_space<vmem>>, %arg7: memref<1000x512xi32, #tpu.memory_space<vmem>>) attributes {dimension_semantics = [#tpu.dimension_semantics<arbitrary>], iteration_bounds = array<i64: 10>, scalar_prefetch = 0 : i64, scratch_operands = 0 : i64, tpu.core_type = #tpu.core_type<tc>, window_params = [{transform_indices = @transform_0, window_bounds = array<i64: 1000, 128>}, {pipeline_mode = #tpu.pipeline_mode<synchronous>, transform_indices = @transform_1, window_bounds = array<i64: 128, 1024>}, {pipeline_mode = #tpu.pipeline_mode<synchronous>, transform_indices = @transform_2, window_bounds = array<i64: 1, 1024>}, {pipeline_mode = #tpu.pipeline_mode<synchronous>, transform_indices = @transform_3, window_bounds = array<i64: 128, 1024>}, {pipeline_mode = #tpu.pipeline_mode<synchronous>, transform_indices = @transform_4, window_bounds = array<i64: 1, 1024>}, {transform_indices = @transform_5, window_bounds = array<i64: 1000, 512>}, {transform_indices = @transform_6, window_bounds = array<i64: 1000, 512>}]} {
    %get3A = arith.constant 0 : index
    %get3A_0 = arith.constant 0 : index
    %get3A_1 = vector.load %arg1[%get3A, %get3A_0] : memref<1000x128xf32, #tpu.memory_space<vmem>>, vector<1000x128xf32>
    %convert_element_type3A = arith.truncf %get3A_1 : vector<1000x128xf32> to vector<1000x128xbf16>
    %get3A_2 = arith.constant 0 : index
    %get3A_3 = arith.constant 0 : index
    %get3A_4 = vector.load %arg2[%get3A_2, %get3A_3] : memref<128x1024xf32, #tpu.memory_space<vmem>>, vector<128x1024xf32>
    %convert_element_type3A_5 = arith.truncf %get3A_4 : vector<128x1024xf32> to vector<128x1024xbf16>
    %dot_general3A = arith.constant dense<0.000000e+00> : vector<1000x1024xf32>
    %dot_general3A_6 = tpu.matmul %convert_element_type3A, %convert_element_type3A_5, %dot_general3A {dimension_numbers = #tpu.dot_dimension_numbers<[1], [0], [0], [1], [0, 0, 1, 1], [], []>, transpose_lhs_hint = false} : vector<1000x128xbf16>, vector<128x1024xbf16>, vector<1000x1024xf32> -> vector<1000x1024xf32>
    %get3A_7 = arith.constant 0 : index
    %get3A_8 = arith.constant 0 : index
    %get3A_9 = vector.load %arg3[%get3A_7, %get3A_8] : memref<1x1024xf32, #tpu.memory_space<vmem>>, vector<1x1024xf32>
    %add3A = vector.broadcast %get3A_9 : vector<1x1024xf32> to vector<1000x1024xf32>
    %add3A_10 = arith.addf %dot_general3A_6, %add3A : vector<1000x1024xf32>
    %get3A_11 = arith.constant 0 : index
    %get3A_12 = arith.constant 0 : index
    %get3A_13 = vector.load %arg4[%get3A_11, %get3A_12] : memref<128x1024xf32, #tpu.memory_space<vmem>>, vector<128x1024xf32>
    %convert_element_type3A_14 = arith.truncf %get3A_13 : vector<128x1024xf32> to vector<128x1024xbf16>
    %dot_general3A_15 = arith.constant dense<0.000000e+00> : vector<1000x1024xf32>
    %dot_general3A_16 = tpu.matmul %convert_element_type3A, %convert_element_type3A_14, %dot_general3A_15 {dimension_numbers = #tpu.dot_dimension_numbers<[1], [0], [0], [1], [0, 0, 1, 1], [], []>, transpose_lhs_hint = false} : vector<1000x128xbf16>, vector<128x1024xbf16>, vector<1000x1024xf32> -> vector<1000x1024xf32>
    %get3A_17 = arith.constant 0 : index
    %get3A_18 = arith.constant 0 : index
    %get3A_19 = vector.load %arg5[%get3A_17, %get3A_18] : memref<1x1024xf32, #tpu.memory_space<vmem>>, vector<1x1024xf32>
    %add3A_20 = vector.broadcast %get3A_19 : vector<1x1024xf32> to vector<1000x1024xf32>
    %add3A_21 = arith.addf %dot_general3A_16, %add3A_20 : vector<1000x1024xf32>
    %bitcast_convert_type3A = tpu.bitcast %add3A_10 : vector<1000x1024xf32> -> vector<1000x1024xi32>
    %add3A_22 = arith.constant 32767 : i32
    %add3A_23 = vector.broadcast %add3A_22 : i32 to vector<1000x1024xi32>
    %add3A_24 = arith.addi %bitcast_convert_type3A, %add3A_23 : vector<1000x1024xi32>
    %shift_right_arithmetic3A = arith.constant 16 : i32
    %shift_right_arithmetic3A_25 = vector.broadcast %shift_right_arithmetic3A : i32 to vector<1000x1024xi32>
    %shift_right_arithmetic3A_26 = arith.shrsi %bitcast_convert_type3A, %shift_right_arithmetic3A_25 : vector<1000x1024xi32>
    %and3A = arith.constant 1 : i32
    %and3A_27 = vector.broadcast %and3A : i32 to vector<1000x1024xi32>
    %and3A_28 = arith.andi %shift_right_arithmetic3A_26, %and3A_27 : vector<1000x1024xi32>
    %add3A_29 = arith.addi %add3A_24, %and3A_28 : vector<1000x1024xi32>
    %shift_right_arithmetic3A_30 = arith.constant 16 : i32
    %shift_right_arithmetic3A_31 = vector.broadcast %shift_right_arithmetic3A_30 : i32 to vector<1000x1024xi32>
    %shift_right_arithmetic3A_32 = arith.shrsi %add3A_29, %shift_right_arithmetic3A_31 : vector<1000x1024xi32>
    %slice3A = vector.extract_strided_slice %shift_right_arithmetic3A_32 {offsets = [0, 0], sizes = [1000, 512], strides = [1, 1]} : vector<1000x1024xi32> to vector<1000x512xi32>
    %slice3A_33 = vector.extract_strided_slice %shift_right_arithmetic3A_32 {offsets = [0, 512], sizes = [1000, 512], strides = [1, 1]} : vector<1000x1024xi32> to vector<1000x512xi32>
    %shift_left3A = arith.constant 16 : i32
    %shift_left3A_34 = vector.broadcast %shift_left3A : i32 to vector<1000x512xi32>
    %shift_left3A_35 = arith.shli %slice3A_33, %shift_left3A_34 : vector<1000x512xi32>
    %and3A_36 = arith.constant 65535 : i32
    %and3A_37 = vector.broadcast %and3A_36 : i32 to vector<1000x512xi32>
    %and3A_38 = arith.andi %slice3A, %and3A_37 : vector<1000x512xi32>
    %or3A = arith.ori %shift_left3A_35, %and3A_38 : vector<1000x512xi32>
    %swap3A = arith.constant 0 : index
    %swap3A_39 = arith.constant 0 : index
    %swap3A_40 = vector.load %arg6[%swap3A, %swap3A_39] : memref<1000x512xi32, #tpu.memory_space<vmem>>, vector<1000x512xi32>
    tpu.vector_store %arg6[%swap3A, %swap3A_39], %or3A {strides = array<i32>} : memref<1000x512xi32, #tpu.memory_space<vmem>>, vector<1000x512xi32>,
    %bitcast_convert_type3A_41 = tpu.bitcast %add3A_21 : vector<1000x1024xf32> -> vector<1000x1024xi32>
    %add3A_42 = arith.constant 32767 : i32
    %add3A_43 = vector.broadcast %add3A_42 : i32 to vector<1000x1024xi32>
    %add3A_44 = arith.addi %bitcast_convert_type3A_41, %add3A_43 : vector<1000x1024xi32>
    %shift_right_arithmetic3A_45 = arith.constant 16 : i32
    %shift_right_arithmetic3A_46 = vector.broadcast %shift_right_arithmetic3A_45 : i32 to vector<1000x1024xi32>
    %shift_right_arithmetic3A_47 = arith.shrsi %bitcast_convert_type3A_41, %shift_right_arithmetic3A_46 : vector<1000x1024xi32>
    %and3A_48 = arith.constant 1 : i32
    %and3A_49 = vector.broadcast %and3A_48 : i32 to vector<1000x1024xi32>
    %and3A_50 = arith.andi %shift_right_arithmetic3A_47, %and3A_49 : vector<1000x1024xi32>
    %add3A_51 = arith.addi %add3A_44, %and3A_50 : vector<1000x1024xi32>
    %shift_right_arithmetic3A_52 = arith.constant 16 : i32
    %shift_right_arithmetic3A_53 = vector.broadcast %shift_right_arithmetic3A_52 : i32 to vector<1000x1024xi32>
    %shift_right_arithmetic3A_54 = arith.shrsi %add3A_51, %shift_right_arithmetic3A_53 : vector<1000x1024xi32>
    %slice3A_55 = vector.extract_strided_slice %shift_right_arithmetic3A_54 {offsets = [0, 0], sizes = [1000, 512], strides = [1, 1]} : vector<1000x1024xi32> to vector<1000x512xi32>
    %slice3A_56 = vector.extract_strided_slice %shift_right_arithmetic3A_54 {offsets = [0, 512], sizes = [1000, 512], strides = [1, 1]} : vector<1000x1024xi32> to vector<1000x512xi32>
    %shift_left3A_57 = arith.constant 16 : i32
    %shift_left3A_58 = vector.broadcast %shift_left3A_57 : i32 to vector<1000x512xi32>
    %shift_left3A_59 = arith.shli %slice3A_56, %shift_left3A_58 : vector<1000x512xi32>
    %and3A_60 = arith.constant 65535 : i32
    %and3A_61 = vector.broadcast %and3A_60 : i32 to vector<1000x512xi32>
    %and3A_62 = arith.andi %slice3A_55, %and3A_61 : vector<1000x512xi32>
    %or3A_63 = arith.ori %shift_left3A_59, %and3A_62 : vector<1000x512xi32>
    %swap3A_64 = arith.constant 0 : index
    %swap3A_65 = arith.constant 0 : index
    %swap3A_66 = vector.load %arg7[%swap3A_64, %swap3A_65] : memref<1000x512xi32, #tpu.memory_space<vmem>>, vector<1000x512xi32>
    tpu.vector_store %arg7[%swap3A_64, %swap3A_65], %or3A_63 {strides = array<i32>} : memref<1000x512xi32, #tpu.memory_space<vmem>>, vector<1000x512xi32>,
    return
  }
  func.func @transform_0(%arg0: i32) -> (i32, i32) {
    %c0_i32 = arith.constant 0 : i32
    %c0_i32_0 = arith.constant 0 : i32
    return %arg0, %c0_i32 : i32, i32
  }
  func.func @transform_1(%arg0: i32) -> (i32, i32) {
    %c0_i32 = arith.constant 0 : i32
    %c0_i32_0 = arith.constant 0 : i32
    %c0_i32_1 = arith.constant 0 : i32
    return %c0_i32, %c0_i32_0 : i32, i32
  }
  func.func @transform_2(%arg0: i32) -> (i32, i32) {
    %c0_i32 = arith.constant 0 : i32
    %c0_i32_0 = arith.constant 0 : i32
    %c0_i32_1 = arith.constant 0 : i32
    return %c0_i32, %c0_i32_0 : i32, i32
  }
  func.func @transform_3(%arg0: i32) -> (i32, i32) {
    %c0_i32 = arith.constant 0 : i32
    %c0_i32_0 = arith.constant 0 : i32
    %c0_i32_1 = arith.constant 0 : i32
    return %c0_i32, %c0_i32_0 : i32, i32
  }
  func.func @transform_4(%arg0: i32) -> (i32, i32) {
    %c0_i32 = arith.constant 0 : i32
    %c0_i32_0 = arith.constant 0 : i32
    %c0_i32_1 = arith.constant 0 : i32
    return %c0_i32, %c0_i32_0 : i32, i32
  }
  func.func @transform_5(%arg0: i32) -> (i32, i32) {
    %c0_i32 = arith.constant 0 : i32
    %c0_i32_0 = arith.constant 0 : i32
    return %arg0, %c0_i32 : i32, i32
  }
  func.func @transform_6(%arg0: i32) -> (i32, i32) {
    %c0_i32 = arith.constant 0 : i32
    %c0_i32_0 = arith.constant 0 : i32
    return %arg0, %c0_i32 : i32, i32
  }
}

module attributes {stable_mosaic.version = 14 : i64} {
  func.func @_k3_body(%arg0: i32, %arg1: memref<1000x512xi32, #tpu.memory_space<vmem>>, %arg2: memref<1000x512xi32, #tpu.memory_space<vmem>>, %arg3: memref<1000x128xf32, #tpu.memory_space<vmem>>, %arg4: memref<128x1024xf32, #tpu.memory_space<vmem>>, %arg5: memref<8x128xf32, #tpu.memory_space<vmem>>, %arg6: memref<1000x128xf32, #tpu.memory_space<vmem>>, %arg7: memref<1000x128xf32, #tpu.memory_space<vmem>>, %arg8: memref<1000x128xf32, #tpu.memory_space<vmem>>, %arg9: memref<1000x128xf32, #tpu.memory_space<vmem>>, %arg10: memref<1000x128xf32, #tpu.memory_space<vmem>>, %arg11: memref<1000x128xf32, #tpu.memory_space<vmem>>, %arg12: memref<1000x128xf32, #tpu.memory_space<vmem>>, %arg13: memref<1000x128xf32, #tpu.memory_space<vmem>>, %arg14: memref<1000x128xf32, #tpu.memory_space<vmem>>) attributes {dimension_semantics = [#tpu.dimension_semantics<arbitrary>], iteration_bounds = array<i64: 320>, scalar_prefetch = 0 : i64, scratch_operands = 0 : i64, tpu.core_type = #tpu.core_type<tc>, window_params = [{transform_indices = @transform_0, window_bounds = array<i64: 1000, 512>}, {transform_indices = @transform_1, window_bounds = array<i64: 1000, 512>}, {transform_indices = @transform_2, window_bounds = array<i64: 1000, 128>}, {pipeline_mode = #tpu.pipeline_mode<synchronous>, transform_indices = @transform_3, window_bounds = array<i64: 128, 1024>}, {pipeline_mode = #tpu.pipeline_mode<synchronous>, transform_indices = @transform_4, window_bounds = array<i64: 8, 128>}, {transform_indices = @transform_5, window_bounds = array<i64: 1000, 128>}, {transform_indices = @transform_6, window_bounds = array<i64: 1000, 128>}, {transform_indices = @transform_7, window_bounds = array<i64: 1000, 128>}, {transform_indices = @transform_8, window_bounds = array<i64: 1000, 128>}, {transform_indices = @transform_9, window_bounds = array<i64: 1000, 128>}, {transform_indices = @transform_10, window_bounds = array<i64: 1000, 128>}, {transform_indices = @transform_11, window_bounds = array<i64: 1000, 128>}, {transform_indices = @transform_12, window_bounds = array<i64: 1000, 128>}, {transform_indices = @transform_13, window_bounds = array<i64: 1000, 128>}]} {
    %get3A = arith.constant 0 : index
    %get3A_0 = arith.constant 0 : index
    %get3A_1 = vector.load %arg3[%get3A, %get3A_0] : memref<1000x128xf32, #tpu.memory_space<vmem>>, vector<1000x128xf32>
    %convert_element_type3A = arith.truncf %get3A_1 : vector<1000x128xf32> to vector<1000x128xbf16>
    %get3A_2 = arith.constant 0 : index
    %get3A_3 = arith.constant 0 : index
    %get3A_4 = vector.load %arg4[%get3A_2, %get3A_3] : memref<128x1024xf32, #tpu.memory_space<vmem>>, vector<128x1024xf32>
    %convert_element_type3A_5 = arith.truncf %get3A_4 : vector<128x1024xf32> to vector<128x1024xbf16>
    %dot_general3A = arith.constant dense<0.000000e+00> : vector<1000x1024xf32>
    %dot_general3A_6 = tpu.matmul %convert_element_type3A, %convert_element_type3A_5, %dot_general3A {dimension_numbers = #tpu.dot_dimension_numbers<[1], [0], [0], [1], [0, 0, 1, 1], [], []>, transpose_lhs_hint = false} : vector<1000x128xbf16>, vector<128x1024xbf16>, vector<1000x1024xf32> -> vector<1000x1024xf32>
    %get3A_7 = arith.constant 0 : index
    %get3A_8 = arith.constant 0 : index
    %get3A_9 = vector.load %arg1[%get3A_7, %get3A_8] : memref<1000x512xi32, #tpu.memory_space<vmem>>, vector<1000x512xi32>
    %shift_left3A = arith.constant 16 : i32
    %shift_left3A_10 = vector.broadcast %shift_left3A : i32 to vector<1000x512xi32>
    %shift_left3A_11 = arith.shli %get3A_9, %shift_left3A_10 : vector<1000x512xi32>
    %bitcast_convert_type3A = tpu.bitcast %shift_left3A_11 : vector<1000x512xi32> -> vector<1000x512xf32>
    %and3A = arith.constant -65536 : i32
    %and3A_12 = vector.broadcast %and3A : i32 to vector<1000x512xi32>
    %and3A_13 = arith.andi %get3A_9, %and3A_12 : vector<1000x512xi32>
    %bitcast_convert_type3A_14 = tpu.bitcast %and3A_13 : vector<1000x512xi32> -> vector<1000x512xf32>
    %concatenate3A = tpu.concatenate %bitcast_convert_type3A, %bitcast_convert_type3A_14 in 1 : vector<1000x512xf32>, vector<1000x512xf32> -> vector<1000x1024xf32>
    %get3A_15 = arith.constant 0 : index
    %get3A_16 = arith.constant 0 : index
    %get3A_17 = vector.load %arg2[%get3A_15, %get3A_16] : memref<1000x512xi32, #tpu.memory_space<vmem>>, vector<1000x512xi32>
    %shift_left3A_18 = arith.constant 16 : i32
    %shift_left3A_19 = vector.broadcast %shift_left3A_18 : i32 to vector<1000x512xi32>
    %shift_left3A_20 = arith.shli %get3A_17, %shift_left3A_19 : vector<1000x512xi32>
    %bitcast_convert_type3A_21 = tpu.bitcast %shift_left3A_20 : vector<1000x512xi32> -> vector<1000x512xf32>
    %and3A_22 = arith.constant -65536 : i32
    %and3A_23 = vector.broadcast %and3A_22 : i32 to vector<1000x512xi32>
    %and3A_24 = arith.andi %get3A_17, %and3A_23 : vector<1000x512xi32>
    %bitcast_convert_type3A_25 = tpu.bitcast %and3A_24 : vector<1000x512xi32> -> vector<1000x512xf32>
    %concatenate3A_26 = tpu.concatenate %bitcast_convert_type3A_21, %bitcast_convert_type3A_25 in 1 : vector<1000x512xf32>, vector<1000x512xf32> -> vector<1000x1024xf32>
    %add3A = arith.addf %concatenate3A, %concatenate3A_26 : vector<1000x1024xf32>
    %add3A_27 = arith.addf %add3A, %dot_general3A_6 : vector<1000x1024xf32>
    %ge3A = arith.constant 0.000000e+00 : f32
    %ge3A_28 = vector.broadcast %ge3A : f32 to vector<1000x1024xf32>
    %ge3A_29 = arith.cmpf oge, %add3A_27, %ge3A_28 : vector<1000x1024xf32>
    %mul3A = arith.constant 2.000000e-01 : f32
    %mul3A_30 = vector.broadcast %mul3A : f32 to vector<1000x1024xf32>
    %mul3A_31 = arith.mulf %mul3A_30, %add3A_27 : vector<1000x1024xf32>
    %select_n3A = arith.select %ge3A_29, %add3A_27, %mul3A_31 : vector<1000x1024xi1>, vector<1000x1024xf32>
    %get3A_32 = arith.constant 0 : index
    %get3A_33 = arith.constant 0 : index
    %get3A_34 = vector.load %arg5[%get3A_32, %get3A_33] : memref<8x128xf32, #tpu.memory_space<vmem>>, vector<8x128xf32>
    %slice3A = vector.extract_strided_slice %select_n3A {offsets = [0, 0], sizes = [1000, 128], strides = [1, 1]} : vector<1000x1024xf32> to vector<1000x128xf32>
    %slice3A_35 = vector.extract_strided_slice %get3A_34 {offsets = [0, 0], sizes = [1, 128], strides = [1, 1]} : vector<8x128xf32> to vector<1x128xf32>
    %mul3A_36 = vector.broadcast %slice3A_35 : vector<1x128xf32> to vector<1000x128xf32>
    %mul3A_37 = arith.mulf %slice3A, %mul3A_36 : vector<1000x128xf32>
    %reduce_sum3A = arith.constant dense<0.000000e+00> : vector<1000xf32>
    %reduce_sum3A_38 = vector.multi_reduction <add>, %mul3A_37, %reduce_sum3A [1] : vector<1000x128xf32> to vector<1000xf32>
    %broadcast_in_dim3A = vector.shape_cast %reduce_sum3A_38 : vector<1000xf32> to vector<1000x1xf32>
    %exp3A = math.exp %broadcast_in_dim3A : vector<1000x1xf32>
    %slice3A_39 = vector.extract_strided_slice %concatenate3A {offsets = [0, 0], sizes = [1000, 128], strides = [1, 1]} : vector<1000x1024xf32> to vector<1000x128xf32>
    %mul3A_40 = vector.broadcast %exp3A : vector<1000x1xf32> to vector<1000x128xf32>
    %mul3A_41 = arith.mulf %slice3A_39, %mul3A_40 : vector<1000x128xf32>
    %swap3A = arith.constant 0 : index
    %swap3A_42 = arith.constant 0 : index
    %swap3A_43 = vector.load %arg7[%swap3A, %swap3A_42] : memref<1000x128xf32, #tpu.memory_space<vmem>>, vector<1000x128xf32>
    tpu.vector_store %arg7[%swap3A, %swap3A_42], %mul3A_41 {strides = array<i32>} : memref<1000x128xf32, #tpu.memory_space<vmem>>, vector<1000x128xf32>,
    %slice3A_44 = vector.extract_strided_slice %select_n3A {offsets = [0, 128], sizes = [1000, 128], strides = [1, 1]} : vector<1000x1024xf32> to vector<1000x128xf32>
    %slice3A_45 = vector.extract_strided_slice %get3A_34 {offsets = [1, 0], sizes = [1, 128], strides = [1, 1]} : vector<8x128xf32> to vector<1x128xf32>
    %mul3A_46 = vector.broadcast %slice3A_45 : vector<1x128xf32> to vector<1000x128xf32>
    %mul3A_47 = arith.mulf %slice3A_44, %mul3A_46 : vector<1000x128xf32>
    %reduce_sum3A_48 = arith.constant dense<0.000000e+00> : vector<1000xf32>
    %reduce_sum3A_49 = vector.multi_reduction <add>, %mul3A_47, %reduce_sum3A_48 [1] : vector<1000x128xf32> to vector<1000xf32>
    %broadcast_in_dim3A_50 = vector.shape_cast %reduce_sum3A_49 : vector<1000xf32> to vector<1000x1xf32>
    %exp3A_51 = math.exp %broadcast_in_dim3A_50 : vector<1000x1xf32>
    %slice3A_52 = vector.extract_strided_slice %concatenate3A {offsets = [0, 128], sizes = [1000, 128], strides = [1, 1]} : vector<1000x1024xf32> to vector<1000x128xf32>
    %mul3A_53 = vector.broadcast %exp3A_51 : vector<1000x1xf32> to vector<1000x128xf32>
    %mul3A_54 = arith.mulf %slice3A_52, %mul3A_53 : vector<1000x128xf32>
    %swap3A_55 = arith.constant 0 : index
    %swap3A_56 = arith.constant 0 : index
    %swap3A_57 = vector.load %arg8[%swap3A_55, %swap3A_56] : memref<1000x128xf32, #tpu.memory_space<vmem>>, vector<1000x128xf32>
    tpu.vector_store %arg8[%swap3A_55, %swap3A_56], %mul3A_54 {strides = array<i32>} : memref<1000x128xf32, #tpu.memory_space<vmem>>, vector<1000x128xf32>,
    %slice3A_58 = vector.extract_strided_slice %select_n3A {offsets = [0, 256], sizes = [1000, 128], strides = [1, 1]} : vector<1000x1024xf32> to vector<1000x128xf32>
    %slice3A_59 = vector.extract_strided_slice %get3A_34 {offsets = [2, 0], sizes = [1, 128], strides = [1, 1]} : vector<8x128xf32> to vector<1x128xf32>
    %mul3A_60 = vector.broadcast %slice3A_59 : vector<1x128xf32> to vector<1000x128xf32>
    %mul3A_61 = arith.mulf %slice3A_58, %mul3A_60 : vector<1000x128xf32>
    %reduce_sum3A_62 = arith.constant dense<0.000000e+00> : vector<1000xf32>
    %reduce_sum3A_63 = vector.multi_reduction <add>, %mul3A_61, %reduce_sum3A_62 [1] : vector<1000x128xf32> to vector<1000xf32>
    %broadcast_in_dim3A_64 = vector.shape_cast %reduce_sum3A_63 : vector<1000xf32> to vector<1000x1xf32>
    %exp3A_65 = math.exp %broadcast_in_dim3A_64 : vector<1000x1xf32>
    %slice3A_66 = vector.extract_strided_slice %concatenate3A {offsets = [0, 256], sizes = [1000, 128], strides = [1, 1]} : vector<1000x1024xf32> to vector<1000x128xf32>
    %mul3A_67 = vector.broadcast %exp3A_65 : vector<1000x1xf32> to vector<1000x128xf32>
    %mul3A_68 = arith.mulf %slice3A_66, %mul3A_67 : vector<1000x128xf32>
    %swap3A_69 = arith.constant 0 : index
    %swap3A_70 = arith.constant 0 : index
    %swap3A_71 = vector.load %arg9[%swap3A_69, %swap3A_70] : memref<1000x128xf32, #tpu.memory_space<vmem>>, vector<1000x128xf32>
    tpu.vector_store %arg9[%swap3A_69, %swap3A_70], %mul3A_68 {strides = array<i32>} : memref<1000x128xf32, #tpu.memory_space<vmem>>, vector<1000x128xf32>,
    %slice3A_72 = vector.extract_strided_slice %select_n3A {offsets = [0, 384], sizes = [1000, 128], strides = [1, 1]} : vector<1000x1024xf32> to vector<1000x128xf32>
    %slice3A_73 = vector.extract_strided_slice %get3A_34 {offsets = [3, 0], sizes = [1, 128], strides = [1, 1]} : vector<8x128xf32> to vector<1x128xf32>
    %mul3A_74 = vector.broadcast %slice3A_73 : vector<1x128xf32> to vector<1000x128xf32>
    %mul3A_75 = arith.mulf %slice3A_72, %mul3A_74 : vector<1000x128xf32>
    %reduce_sum3A_76 = arith.constant dense<0.000000e+00> : vector<1000xf32>
    %reduce_sum3A_77 = vector.multi_reduction <add>, %mul3A_75, %reduce_sum3A_76 [1] : vector<1000x128xf32> to vector<1000xf32>
    %broadcast_in_dim3A_78 = vector.shape_cast %reduce_sum3A_77 : vector<1000xf32> to vector<1000x1xf32>
    %exp3A_79 = math.exp %broadcast_in_dim3A_78 : vector<1000x1xf32>
    %slice3A_80 = vector.extract_strided_slice %concatenate3A {offsets = [0, 384], sizes = [1000, 128], strides = [1, 1]} : vector<1000x1024xf32> to vector<1000x128xf32>
    %mul3A_81 = vector.broadcast %exp3A_79 : vector<1000x1xf32> to vector<1000x128xf32>
    %mul3A_82 = arith.mulf %slice3A_80, %mul3A_81 : vector<1000x128xf32>
    %swap3A_83 = arith.constant 0 : index
    %swap3A_84 = arith.constant 0 : index
    %swap3A_85 = vector.load %arg10[%swap3A_83, %swap3A_84] : memref<1000x128xf32, #tpu.memory_space<vmem>>, vector<1000x128xf32>
    tpu.vector_store %arg10[%swap3A_83, %swap3A_84], %mul3A_82 {strides = array<i32>} : memref<1000x128xf32, #tpu.memory_space<vmem>>, vector<1000x128xf32>,
    %slice3A_86 = vector.extract_strided_slice %select_n3A {offsets = [0, 512], sizes = [1000, 128], strides = [1, 1]} : vector<1000x1024xf32> to vector<1000x128xf32>
    %slice3A_87 = vector.extract_strided_slice %get3A_34 {offsets = [4, 0], sizes = [1, 128], strides = [1, 1]} : vector<8x128xf32> to vector<1x128xf32>
    %mul3A_88 = vector.broadcast %slice3A_87 : vector<1x128xf32> to vector<1000x128xf32>
    %mul3A_89 = arith.mulf %slice3A_86, %mul3A_88 : vector<1000x128xf32>
    %reduce_sum3A_90 = arith.constant dense<0.000000e+00> : vector<1000xf32>
    %reduce_sum3A_91 = vector.multi_reduction <add>, %mul3A_89, %reduce_sum3A_90 [1] : vector<1000x128xf32> to vector<1000xf32>
    %broadcast_in_dim3A_92 = vector.shape_cast %reduce_sum3A_91 : vector<1000xf32> to vector<1000x1xf32>
    %exp3A_93 = math.exp %broadcast_in_dim3A_92 : vector<1000x1xf32>
    %slice3A_94 = vector.extract_strided_slice %concatenate3A {offsets = [0, 512], sizes = [1000, 128], strides = [1, 1]} : vector<1000x1024xf32> to vector<1000x128xf32>
    %mul3A_95 = vector.broadcast %exp3A_93 : vector<1000x1xf32> to vector<1000x128xf32>
    %mul3A_96 = arith.mulf %slice3A_94, %mul3A_95 : vector<1000x128xf32>
    %swap3A_97 = arith.constant 0 : index
    %swap3A_98 = arith.constant 0 : index
    %swap3A_99 = vector.load %arg11[%swap3A_97, %swap3A_98] : memref<1000x128xf32, #tpu.memory_space<vmem>>, vector<1000x128xf32>
    tpu.vector_store %arg11[%swap3A_97, %swap3A_98], %mul3A_96 {strides = array<i32>} : memref<1000x128xf32, #tpu.memory_space<vmem>>, vector<1000x128xf32>,
    %slice3A_100 = vector.extract_strided_slice %select_n3A {offsets = [0, 640], sizes = [1000, 128], strides = [1, 1]} : vector<1000x1024xf32> to vector<1000x128xf32>
    %slice3A_101 = vector.extract_strided_slice %get3A_34 {offsets = [5, 0], sizes = [1, 128], strides = [1, 1]} : vector<8x128xf32> to vector<1x128xf32>
    %mul3A_102 = vector.broadcast %slice3A_101 : vector<1x128xf32> to vector<1000x128xf32>
    %mul3A_103 = arith.mulf %slice3A_100, %mul3A_102 : vector<1000x128xf32>
    %reduce_sum3A_104 = arith.constant dense<0.000000e+00> : vector<1000xf32>
    %reduce_sum3A_105 = vector.multi_reduction <add>, %mul3A_103, %reduce_sum3A_104 [1] : vector<1000x128xf32> to vector<1000xf32>
    %broadcast_in_dim3A_106 = vector.shape_cast %reduce_sum3A_105 : vector<1000xf32> to vector<1000x1xf32>
    %exp3A_107 = math.exp %broadcast_in_dim3A_106 : vector<1000x1xf32>
    %slice3A_108 = vector.extract_strided_slice %concatenate3A {offsets = [0, 640], sizes = [1000, 128], strides = [1, 1]} : vector<1000x1024xf32> to vector<1000x128xf32>
    %mul3A_109 = vector.broadcast %exp3A_107 : vector<1000x1xf32> to vector<1000x128xf32>
    %mul3A_110 = arith.mulf %slice3A_108, %mul3A_109 : vector<1000x128xf32>
    %swap3A_111 = arith.constant 0 : index
    %swap3A_112 = arith.constant 0 : index
    %swap3A_113 = vector.load %arg12[%swap3A_111, %swap3A_112] : memref<1000x128xf32, #tpu.memory_space<vmem>>, vector<1000x128xf32>
    tpu.vector_store %arg12[%swap3A_111, %swap3A_112], %mul3A_110 {strides = array<i32>} : memref<1000x128xf32, #tpu.memory_space<vmem>>, vector<1000x128xf32>,
    %slice3A_114 = vector.extract_strided_slice %select_n3A {offsets = [0, 768], sizes = [1000, 128], strides = [1, 1]} : vector<1000x1024xf32> to vector<1000x128xf32>
    %slice3A_115 = vector.extract_strided_slice %get3A_34 {offsets = [6, 0], sizes = [1, 128], strides = [1, 1]} : vector<8x128xf32> to vector<1x128xf32>
    %mul3A_116 = vector.broadcast %slice3A_115 : vector<1x128xf32> to vector<1000x128xf32>
    %mul3A_117 = arith.mulf %slice3A_114, %mul3A_116 : vector<1000x128xf32>
    %reduce_sum3A_118 = arith.constant dense<0.000000e+00> : vector<1000xf32>
    %reduce_sum3A_119 = vector.multi_reduction <add>, %mul3A_117, %reduce_sum3A_118 [1] : vector<1000x128xf32> to vector<1000xf32>
    %broadcast_in_dim3A_120 = vector.shape_cast %reduce_sum3A_119 : vector<1000xf32> to vector<1000x1xf32>
    %exp3A_121 = math.exp %broadcast_in_dim3A_120 : vector<1000x1xf32>
    %slice3A_122 = vector.extract_strided_slice %concatenate3A {offsets = [0, 768], sizes = [1000, 128], strides = [1, 1]} : vector<1000x1024xf32> to vector<1000x128xf32>
    %mul3A_123 = vector.broadcast %exp3A_121 : vector<1000x1xf32> to vector<1000x128xf32>
    %mul3A_124 = arith.mulf %slice3A_122, %mul3A_123 : vector<1000x128xf32>
    %swap3A_125 = arith.constant 0 : index
    %swap3A_126 = arith.constant 0 : index
    %swap3A_127 = vector.load %arg13[%swap3A_125, %swap3A_126] : memref<1000x128xf32, #tpu.memory_space<vmem>>, vector<1000x128xf32>
    tpu.vector_store %arg13[%swap3A_125, %swap3A_126], %mul3A_124 {strides = array<i32>} : memref<1000x128xf32, #tpu.memory_space<vmem>>, vector<1000x128xf32>,
    %slice3A_128 = vector.extract_strided_slice %select_n3A {offsets = [0, 896], sizes = [1000, 128], strides = [1, 1]} : vector<1000x1024xf32> to vector<1000x128xf32>
    %slice3A_129 = vector.extract_strided_slice %get3A_34 {offsets = [7, 0], sizes = [1, 128], strides = [1, 1]} : vector<8x128xf32> to vector<1x128xf32>
    %mul3A_130 = vector.broadcast %slice3A_129 : vector<1x128xf32> to vector<1000x128xf32>
    %mul3A_131 = arith.mulf %slice3A_128, %mul3A_130 : vector<1000x128xf32>
    %reduce_sum3A_132 = arith.constant dense<0.000000e+00> : vector<1000xf32>
    %reduce_sum3A_133 = vector.multi_reduction <add>, %mul3A_131, %reduce_sum3A_132 [1] : vector<1000x128xf32> to vector<1000xf32>
    %broadcast_in_dim3A_134 = vector.shape_cast %reduce_sum3A_133 : vector<1000xf32> to vector<1000x1xf32>
    %exp3A_135 = math.exp %broadcast_in_dim3A_134 : vector<1000x1xf32>
    %slice3A_136 = vector.extract_strided_slice %concatenate3A {offsets = [0, 896], sizes = [1000, 128], strides = [1, 1]} : vector<1000x1024xf32> to vector<1000x128xf32>
    %mul3A_137 = vector.broadcast %exp3A_135 : vector<1000x1xf32> to vector<1000x128xf32>
    %mul3A_138 = arith.mulf %slice3A_136, %mul3A_137 : vector<1000x128xf32>
    %swap3A_139 = arith.constant 0 : index
    %swap3A_140 = arith.constant 0 : index
    %swap3A_141 = vector.load %arg14[%swap3A_139, %swap3A_140] : memref<1000x128xf32, #tpu.memory_space<vmem>>, vector<1000x128xf32>
    tpu.vector_store %arg14[%swap3A_139, %swap3A_140], %mul3A_138 {strides = array<i32>} : memref<1000x128xf32, #tpu.memory_space<vmem>>, vector<1000x128xf32>,
    %concatenate3A_142 = tpu.concatenate %exp3A, %exp3A_51, %exp3A_65, %exp3A_79, %exp3A_93, %exp3A_107, %exp3A_121, %exp3A_135 in 1 : vector<1000x1xf32>, vector<1000x1xf32>, vector<1000x1xf32>, vector<1000x1xf32>, vector<1000x1xf32>, vector<1000x1xf32>, vector<1000x1xf32>, vector<1000x1xf32> -> vector<1000x8xf32>
    %broadcast_in_dim3A_143 = arith.constant 0.000000e+00 : f32
    %broadcast_in_dim3A_144 = vector.broadcast %broadcast_in_dim3A_143 : f32 to vector<1000x120xf32>
    %concatenate3A_145 = tpu.concatenate %concatenate3A_142, %broadcast_in_dim3A_144 in 1 : vector<1000x8xf32>, vector<1000x120xf32> -> vector<1000x128xf32>
    %swap3A_146 = arith.constant 0 : index
    %swap3A_147 = arith.constant 0 : index
    %swap3A_148 = vector.load %arg6[%swap3A_146, %swap3A_147] : memref<1000x128xf32, #tpu.memory_space<vmem>>, vector<1000x128xf32>
    tpu.vector_store %arg6[%swap3A_146, %swap3A_147], %concatenate3A_145 {strides = array<i32>} : memref<1000x128xf32, #tpu.memory_space<vmem>>, vector<1000x128xf32>,
    return
  }
  func.func @transform_0(%arg0: i32) -> (i32, i32) {
    %c0_i32 = arith.constant 0 : i32
    %c0_i32_0 = arith.constant 0 : i32
    return %arg0, %c0_i32 : i32, i32
  }
  func.func @transform_1(%arg0: i32) -> (i32, i32) {
    %c0_i32 = arith.constant 0 : i32
    %c0_i32_0 = arith.constant 0 : i32
    return %arg0, %c0_i32 : i32, i32
  }
  func.func @transform_2(%arg0: i32) -> (i32, i32) {
    %c0_i32 = arith.constant 0 : i32
    %c0_i32_0 = arith.constant 0 : i32
    return %arg0, %c0_i32 : i32, i32
  }
  func.func @transform_3(%arg0: i32) -> (i32, i32) {
    %c0_i32 = arith.constant 0 : i32
    %c0_i32_0 = arith.constant 0 : i32
    %c0_i32_1 = arith.constant 0 : i32
    return %c0_i32, %c0_i32_0 : i32, i32
  }
  func.func @transform_4(%arg0: i32) -> (i32, i32) {
    %c0_i32 = arith.constant 0 : i32
    %c0_i32_0 = arith.constant 0 : i32
    %c0_i32_1 = arith.constant 0 : i32
    return %c0_i32, %c0_i32_0 : i32, i32
  }
  func.func @transform_5(%arg0: i32) -> (i32, i32) {
    %c0_i32 = arith.constant 0 : i32
    %c0_i32_0 = arith.constant 0 : i32
    return %arg0, %c0_i32 : i32, i32
  }
  func.func @transform_6(%arg0: i32) -> (i32, i32) {
    %c0_i32 = arith.constant 0 : i32
    %c0_i32_0 = arith.constant 0 : i32
    return %arg0, %c0_i32 : i32, i32
  }
  func.func @transform_7(%arg0: i32) -> (i32, i32) {
    %c0_i32 = arith.constant 0 : i32
    %c0_i32_0 = arith.constant 0 : i32
    return %arg0, %c0_i32 : i32, i32
  }
  func.func @transform_8(%arg0: i32) -> (i32, i32) {
    %c0_i32 = arith.constant 0 : i32
    %c0_i32_0 = arith.constant 0 : i32
    return %arg0, %c0_i32 : i32, i32
  }
  func.func @transform_9(%arg0: i32) -> (i32, i32) {
    %c0_i32 = arith.constant 0 : i32
    %c0_i32_0 = arith.constant 0 : i32
    return %arg0, %c0_i32 : i32, i32
  }
  func.func @transform_10(%arg0: i32) -> (i32, i32) {
    %c0_i32 = arith.constant 0 : i32
    %c0_i32_0 = arith.constant 0 : i32
    return %arg0, %c0_i32 : i32, i32
  }
  func.func @transform_11(%arg0: i32) -> (i32, i32) {
    %c0_i32 = arith.constant 0 : i32
    %c0_i32_0 = arith.constant 0 : i32
    return %arg0, %c0_i32 : i32, i32
  }
  func.func @transform_12(%arg0: i32) -> (i32, i32) {
    %c0_i32 = arith.constant 0 : i32
    %c0_i32_0 = arith.constant 0 : i32
    return %arg0, %c0_i32 : i32, i32
  }
  func.func @transform_13(%arg0: i32) -> (i32, i32) {
    %c0_i32 = arith.constant 0 : i32
    %c0_i32_0 = arith.constant 0 : i32
    return %arg0, %c0_i32 : i32, i32
  }
}

module attributes {stable_mosaic.version = 14 : i64} {
  func.func @_k6_body(%arg0: i32, %arg1: memref<2x9x1000x128xf32, #tpu.memory_space<vmem>>, %arg2: memref<1x128xf32, #tpu.memory_space<vmem>>, %arg3: memref<1000x128xf32, #tpu.memory_space<vmem>>) attributes {dimension_semantics = [#tpu.dimension_semantics<arbitrary>], iteration_bounds = array<i64: 10>, scalar_prefetch = 0 : i64, scratch_operands = 0 : i64, tpu.core_type = #tpu.core_type<tc>, window_params = [{transform_indices = @transform_0, window_bounds = array<i64: 2, 9, 1000, 128>}, {pipeline_mode = #tpu.pipeline_mode<synchronous>, transform_indices = @transform_1, window_bounds = array<i64: 1, 128>}, {transform_indices = @transform_2, window_bounds = array<i64: 1000, 128>}]} {
    %get3A = arith.constant 0 : index
    %get3A_0 = arith.constant 0 : index
    %get3A_1 = arith.constant 0 : index
    %get3A_2 = arith.constant 0 : index
    %get3A_3 = vector.load %arg1[%get3A, %get3A_0, %get3A_1, %get3A_2] : memref<2x9x1000x128xf32, #tpu.memory_space<vmem>>, vector<2x9x1000x128xf32>
    %slice3A = vector.extract_strided_slice %get3A_3 {offsets = [0, 8, 0, 0], sizes = [1, 1, 1000, 128], strides = [1, 1, 1, 1]} : vector<2x9x1000x128xf32> to vector<1x1x1000x128xf32>
    %squeeze3A = vector.shape_cast %slice3A : vector<1x1x1000x128xf32> to vector<1000x128xf32>
    %slice3A_4 = vector.extract_strided_slice %get3A_3 {offsets = [1, 8, 0, 0], sizes = [1, 1, 1000, 128], strides = [1, 1, 1, 1]} : vector<2x9x1000x128xf32> to vector<1x1x1000x128xf32>
    %squeeze3A_5 = vector.shape_cast %slice3A_4 : vector<1x1x1000x128xf32> to vector<1000x128xf32>
    %add3A = arith.addf %squeeze3A, %squeeze3A_5 : vector<1000x128xf32>
    %slice3A_6 = vector.extract_strided_slice %add3A {offsets = [0, 0], sizes = [1000, 1], strides = [1, 1]} : vector<1000x128xf32> to vector<1000x1xf32>
    %add3A_7 = arith.constant 1.000000e-16 : f32
    %add3A_8 = vector.broadcast %add3A_7 : f32 to vector<1000x1xf32>
    %add3A_9 = arith.addf %slice3A_6, %add3A_8 : vector<1000x1xf32>
    %div3A = arith.constant 1.000000e+00 : f32
    %div3A_10 = vector.broadcast %div3A : f32 to vector<1000x1xf32>
    %div3A_11 = arith.divf %div3A_10, %add3A_9 : vector<1000x1xf32>
    %slice3A_12 = vector.extract_strided_slice %get3A_3 {offsets = [0, 0, 0, 0], sizes = [1, 1, 1000, 128], strides = [1, 1, 1, 1]} : vector<2x9x1000x128xf32> to vector<1x1x1000x128xf32>
    %squeeze3A_13 = vector.shape_cast %slice3A_12 : vector<1x1x1000x128xf32> to vector<1000x128xf32>
    %slice3A_14 = vector.extract_strided_slice %get3A_3 {offsets = [1, 0, 0, 0], sizes = [1, 1, 1000, 128], strides = [1, 1, 1, 1]} : vector<2x9x1000x128xf32> to vector<1x1x1000x128xf32>
    %squeeze3A_15 = vector.shape_cast %slice3A_14 : vector<1x1x1000x128xf32> to vector<1000x128xf32>
    %add3A_16 = arith.addf %squeeze3A_13, %squeeze3A_15 : vector<1000x128xf32>
    %mul3A = vector.broadcast %div3A_11 : vector<1000x1xf32> to vector<1000x128xf32>
    %mul3A_17 = arith.mulf %add3A_16, %mul3A : vector<1000x128xf32>
    %slice3A_18 = vector.extract_strided_slice %add3A {offsets = [0, 1], sizes = [1000, 1], strides = [1, 1]} : vector<1000x128xf32> to vector<1000x1xf32>
    %add3A_19 = arith.constant 1.000000e-16 : f32
    %add3A_20 = vector.broadcast %add3A_19 : f32 to vector<1000x1xf32>
    %add3A_21 = arith.addf %slice3A_18, %add3A_20 : vector<1000x1xf32>
    %div3A_22 = arith.constant 1.000000e+00 : f32
    %div3A_23 = vector.broadcast %div3A_22 : f32 to vector<1000x1xf32>
    %div3A_24 = arith.divf %div3A_23, %add3A_21 : vector<1000x1xf32>
    %slice3A_25 = vector.extract_strided_slice %get3A_3 {offsets = [0, 1, 0, 0], sizes = [1, 1, 1000, 128], strides = [1, 1, 1, 1]} : vector<2x9x1000x128xf32> to vector<1x1x1000x128xf32>
    %squeeze3A_26 = vector.shape_cast %slice3A_25 : vector<1x1x1000x128xf32> to vector<1000x128xf32>
    %slice3A_27 = vector.extract_strided_slice %get3A_3 {offsets = [1, 1, 0, 0], sizes = [1, 1, 1000, 128], strides = [1, 1, 1, 1]} : vector<2x9x1000x128xf32> to vector<1x1x1000x128xf32>
    %squeeze3A_28 = vector.shape_cast %slice3A_27 : vector<1x1x1000x128xf32> to vector<1000x128xf32>
    %add3A_29 = arith.addf %squeeze3A_26, %squeeze3A_28 : vector<1000x128xf32>
    %mul3A_30 = vector.broadcast %div3A_24 : vector<1000x1xf32> to vector<1000x128xf32>
    %mul3A_31 = arith.mulf %add3A_29, %mul3A_30 : vector<1000x128xf32>
    %add3A_32 = arith.addf %mul3A_17, %mul3A_31 : vector<1000x128xf32>
    %slice3A_33 = vector.extract_strided_slice %add3A {offsets = [0, 2], sizes = [1000, 1], strides = [1, 1]} : vector<1000x128xf32> to vector<1000x1xf32>
    %add3A_34 = arith.constant 1.000000e-16 : f32
    %add3A_35 = vector.broadcast %add3A_34 : f32 to vector<1000x1xf32>
    %add3A_36 = arith.addf %slice3A_33, %add3A_35 : vector<1000x1xf32>
    %div3A_37 = arith.constant 1.000000e+00 : f32
    %div3A_38 = vector.broadcast %div3A_37 : f32 to vector<1000x1xf32>
    %div3A_39 = arith.divf %div3A_38, %add3A_36 : vector<1000x1xf32>
    %slice3A_40 = vector.extract_strided_slice %get3A_3 {offsets = [0, 2, 0, 0], sizes = [1, 1, 1000, 128], strides = [1, 1, 1, 1]} : vector<2x9x1000x128xf32> to vector<1x1x1000x128xf32>
    %squeeze3A_41 = vector.shape_cast %slice3A_40 : vector<1x1x1000x128xf32> to vector<1000x128xf32>
    %slice3A_42 = vector.extract_strided_slice %get3A_3 {offsets = [1, 2, 0, 0], sizes = [1, 1, 1000, 128], strides = [1, 1, 1, 1]} : vector<2x9x1000x128xf32> to vector<1x1x1000x128xf32>
    %squeeze3A_43 = vector.shape_cast %slice3A_42 : vector<1x1x1000x128xf32> to vector<1000x128xf32>
    %add3A_44 = arith.addf %squeeze3A_41, %squeeze3A_43 : vector<1000x128xf32>
    %mul3A_45 = vector.broadcast %div3A_39 : vector<1000x1xf32> to vector<1000x128xf32>
    %mul3A_46 = arith.mulf %add3A_44, %mul3A_45 : vector<1000x128xf32>
    %add3A_47 = arith.addf %add3A_32, %mul3A_46 : vector<1000x128xf32>
    %slice3A_48 = vector.extract_strided_slice %add3A {offsets = [0, 3], sizes = [1000, 1], strides = [1, 1]} : vector<1000x128xf32> to vector<1000x1xf32>
    %add3A_49 = arith.constant 1.000000e-16 : f32
    %add3A_50 = vector.broadcast %add3A_49 : f32 to vector<1000x1xf32>
    %add3A_51 = arith.addf %slice3A_48, %add3A_50 : vector<1000x1xf32>
    %div3A_52 = arith.constant 1.000000e+00 : f32
    %div3A_53 = vector.broadcast %div3A_52 : f32 to vector<1000x1xf32>
    %div3A_54 = arith.divf %div3A_53, %add3A_51 : vector<1000x1xf32>
    %slice3A_55 = vector.extract_strided_slice %get3A_3 {offsets = [0, 3, 0, 0], sizes = [1, 1, 1000, 128], strides = [1, 1, 1, 1]} : vector<2x9x1000x128xf32> to vector<1x1x1000x128xf32>
    %squeeze3A_56 = vector.shape_cast %slice3A_55 : vector<1x1x1000x128xf32> to vector<1000x128xf32>
    %slice3A_57 = vector.extract_strided_slice %get3A_3 {offsets = [1, 3, 0, 0], sizes = [1, 1, 1000, 128], strides = [1, 1, 1, 1]} : vector<2x9x1000x128xf32> to vector<1x1x1000x128xf32>
    %squeeze3A_58 = vector.shape_cast %slice3A_57 : vector<1x1x1000x128xf32> to vector<1000x128xf32>
    %add3A_59 = arith.addf %squeeze3A_56, %squeeze3A_58 : vector<1000x128xf32>
    %mul3A_60 = vector.broadcast %div3A_54 : vector<1000x1xf32> to vector<1000x128xf32>
    %mul3A_61 = arith.mulf %add3A_59, %mul3A_60 : vector<1000x128xf32>
    %add3A_62 = arith.addf %add3A_47, %mul3A_61 : vector<1000x128xf32>
    %slice3A_63 = vector.extract_strided_slice %add3A {offsets = [0, 4], sizes = [1000, 1], strides = [1, 1]} : vector<1000x128xf32> to vector<1000x1xf32>
    %add3A_64 = arith.constant 1.000000e-16 : f32
    %add3A_65 = vector.broadcast %add3A_64 : f32 to vector<1000x1xf32>
    %add3A_66 = arith.addf %slice3A_63, %add3A_65 : vector<1000x1xf32>
    %div3A_67 = arith.constant 1.000000e+00 : f32
    %div3A_68 = vector.broadcast %div3A_67 : f32 to vector<1000x1xf32>
    %div3A_69 = arith.divf %div3A_68, %add3A_66 : vector<1000x1xf32>
    %slice3A_70 = vector.extract_strided_slice %get3A_3 {offsets = [0, 4, 0, 0], sizes = [1, 1, 1000, 128], strides = [1, 1, 1, 1]} : vector<2x9x1000x128xf32> to vector<1x1x1000x128xf32>
    %squeeze3A_71 = vector.shape_cast %slice3A_70 : vector<1x1x1000x128xf32> to vector<1000x128xf32>
    %slice3A_72 = vector.extract_strided_slice %get3A_3 {offsets = [1, 4, 0, 0], sizes = [1, 1, 1000, 128], strides = [1, 1, 1, 1]} : vector<2x9x1000x128xf32> to vector<1x1x1000x128xf32>
    %squeeze3A_73 = vector.shape_cast %slice3A_72 : vector<1x1x1000x128xf32> to vector<1000x128xf32>
    %add3A_74 = arith.addf %squeeze3A_71, %squeeze3A_73 : vector<1000x128xf32>
    %mul3A_75 = vector.broadcast %div3A_69 : vector<1000x1xf32> to vector<1000x128xf32>
    %mul3A_76 = arith.mulf %add3A_74, %mul3A_75 : vector<1000x128xf32>
    %add3A_77 = arith.addf %add3A_62, %mul3A_76 : vector<1000x128xf32>
    %slice3A_78 = vector.extract_strided_slice %add3A {offsets = [0, 5], sizes = [1000, 1], strides = [1, 1]} : vector<1000x128xf32> to vector<1000x1xf32>
    %add3A_79 = arith.constant 1.000000e-16 : f32
    %add3A_80 = vector.broadcast %add3A_79 : f32 to vector<1000x1xf32>
    %add3A_81 = arith.addf %slice3A_78, %add3A_80 : vector<1000x1xf32>
    %div3A_82 = arith.constant 1.000000e+00 : f32
    %div3A_83 = vector.broadcast %div3A_82 : f32 to vector<1000x1xf32>
    %div3A_84 = arith.divf %div3A_83, %add3A_81 : vector<1000x1xf32>
    %slice3A_85 = vector.extract_strided_slice %get3A_3 {offsets = [0, 5, 0, 0], sizes = [1, 1, 1000, 128], strides = [1, 1, 1, 1]} : vector<2x9x1000x128xf32> to vector<1x1x1000x128xf32>
    %squeeze3A_86 = vector.shape_cast %slice3A_85 : vector<1x1x1000x128xf32> to vector<1000x128xf32>
    %slice3A_87 = vector.extract_strided_slice %get3A_3 {offsets = [1, 5, 0, 0], sizes = [1, 1, 1000, 128], strides = [1, 1, 1, 1]} : vector<2x9x1000x128xf32> to vector<1x1x1000x128xf32>
    %squeeze3A_88 = vector.shape_cast %slice3A_87 : vector<1x1x1000x128xf32> to vector<1000x128xf32>
    %add3A_89 = arith.addf %squeeze3A_86, %squeeze3A_88 : vector<1000x128xf32>
    %mul3A_90 = vector.broadcast %div3A_84 : vector<1000x1xf32> to vector<1000x128xf32>
    %mul3A_91 = arith.mulf %add3A_89, %mul3A_90 : vector<1000x128xf32>
    %add3A_92 = arith.addf %add3A_77, %mul3A_91 : vector<1000x128xf32>
    %slice3A_93 = vector.extract_strided_slice %add3A {offsets = [0, 6], sizes = [1000, 1], strides = [1, 1]} : vector<1000x128xf32> to vector<1000x1xf32>
    %add3A_94 = arith.constant 1.000000e-16 : f32
    %add3A_95 = vector.broadcast %add3A_94 : f32 to vector<1000x1xf32>
    %add3A_96 = arith.addf %slice3A_93, %add3A_95 : vector<1000x1xf32>
    %div3A_97 = arith.constant 1.000000e+00 : f32
    %div3A_98 = vector.broadcast %div3A_97 : f32 to vector<1000x1xf32>
    %div3A_99 = arith.divf %div3A_98, %add3A_96 : vector<1000x1xf32>
    %slice3A_100 = vector.extract_strided_slice %get3A_3 {offsets = [0, 6, 0, 0], sizes = [1, 1, 1000, 128], strides = [1, 1, 1, 1]} : vector<2x9x1000x128xf32> to vector<1x1x1000x128xf32>
    %squeeze3A_101 = vector.shape_cast %slice3A_100 : vector<1x1x1000x128xf32> to vector<1000x128xf32>
    %slice3A_102 = vector.extract_strided_slice %get3A_3 {offsets = [1, 6, 0, 0], sizes = [1, 1, 1000, 128], strides = [1, 1, 1, 1]} : vector<2x9x1000x128xf32> to vector<1x1x1000x128xf32>
    %squeeze3A_103 = vector.shape_cast %slice3A_102 : vector<1x1x1000x128xf32> to vector<1000x128xf32>
    %add3A_104 = arith.addf %squeeze3A_101, %squeeze3A_103 : vector<1000x128xf32>
    %mul3A_105 = vector.broadcast %div3A_99 : vector<1000x1xf32> to vector<1000x128xf32>
    %mul3A_106 = arith.mulf %add3A_104, %mul3A_105 : vector<1000x128xf32>
    %add3A_107 = arith.addf %add3A_92, %mul3A_106 : vector<1000x128xf32>
    %slice3A_108 = vector.extract_strided_slice %add3A {offsets = [0, 7], sizes = [1000, 1], strides = [1, 1]} : vector<1000x128xf32> to vector<1000x1xf32>
    %add3A_109 = arith.constant 1.000000e-16 : f32
    %add3A_110 = vector.broadcast %add3A_109 : f32 to vector<1000x1xf32>
    %add3A_111 = arith.addf %slice3A_108, %add3A_110 : vector<1000x1xf32>
    %div3A_112 = arith.constant 1.000000e+00 : f32
    %div3A_113 = vector.broadcast %div3A_112 : f32 to vector<1000x1xf32>
    %div3A_114 = arith.divf %div3A_113, %add3A_111 : vector<1000x1xf32>
    %slice3A_115 = vector.extract_strided_slice %get3A_3 {offsets = [0, 7, 0, 0], sizes = [1, 1, 1000, 128], strides = [1, 1, 1, 1]} : vector<2x9x1000x128xf32> to vector<1x1x1000x128xf32>
    %squeeze3A_116 = vector.shape_cast %slice3A_115 : vector<1x1x1000x128xf32> to vector<1000x128xf32>
    %slice3A_117 = vector.extract_strided_slice %get3A_3 {offsets = [1, 7, 0, 0], sizes = [1, 1, 1000, 128], strides = [1, 1, 1, 1]} : vector<2x9x1000x128xf32> to vector<1x1x1000x128xf32>
    %squeeze3A_118 = vector.shape_cast %slice3A_117 : vector<1x1x1000x128xf32> to vector<1000x128xf32>
    %add3A_119 = arith.addf %squeeze3A_116, %squeeze3A_118 : vector<1000x128xf32>
    %mul3A_120 = vector.broadcast %div3A_114 : vector<1000x1xf32> to vector<1000x128xf32>
    %mul3A_121 = arith.mulf %add3A_119, %mul3A_120 : vector<1000x128xf32>
    %add3A_122 = arith.addf %add3A_107, %mul3A_121 : vector<1000x128xf32>
    %mul3A_123 = arith.constant 1.250000e-01 : f32
    %mul3A_124 = vector.broadcast %mul3A_123 : f32 to vector<1000x128xf32>
    %mul3A_125 = arith.mulf %add3A_122, %mul3A_124 : vector<1000x128xf32>
    %get3A_126 = arith.constant 0 : index
    %get3A_127 = arith.constant 0 : index
    %get3A_128 = vector.load %arg2[%get3A_126, %get3A_127] : memref<1x128xf32, #tpu.memory_space<vmem>>, vector<1x128xf32>
    %add3A_129 = vector.broadcast %get3A_128 : vector<1x128xf32> to vector<1000x128xf32>
    %add3A_130 = arith.addf %mul3A_125, %add3A_129 : vector<1000x128xf32>
    %tanh3A = math.tanh %add3A_130 : vector<1000x128xf32>
    %swap3A = arith.constant 0 : index
    %swap3A_131 = arith.constant 0 : index
    %swap3A_132 = vector.load %arg3[%swap3A, %swap3A_131] : memref<1000x128xf32, #tpu.memory_space<vmem>>, vector<1000x128xf32>
    tpu.vector_store %arg3[%swap3A, %swap3A_131], %tanh3A {strides = array<i32>} : memref<1000x128xf32, #tpu.memory_space<vmem>>, vector<1000x128xf32>,
    return
  }
  func.func @transform_0(%arg0: i32) -> (i32, i32, i32, i32) {
    %c0_i32 = arith.constant 0 : i32
    %c0_i32_0 = arith.constant 0 : i32
    %c0_i32_1 = arith.constant 0 : i32
    %c0_i32_2 = arith.constant 0 : i32
    return %c0_i32, %c0_i32_0, %arg0, %c0_i32_1 : i32, i32, i32, i32
  }
  func.func @transform_1(%arg0: i32) -> (i32, i32) {
    %c0_i32 = arith.constant 0 : i32
    %c0_i32_0 = arith.constant 0 : i32
    %c0_i32_1 = arith.constant 0 : i32
    return %c0_i32, %c0_i32_0 : i32, i32
  }
  func.func @transform_2(%arg0: i32) -> (i32, i32) {
    %c0_i32 = arith.constant 0 : i32
    %c0_i32_0 = arith.constant 0 : i32
    return %arg0, %c0_i32 : i32, i32
  }
}

module attributes {stable_mosaic.version = 14 : i64} {
  func.func @_k7_body(%arg0: i32, %arg1: memref<10000x128xf32, #tpu.memory_space<vmem>>, %arg2: memref<1x10000xi32, #tpu.memory_space<vmem>>, %arg3: memref<128x128xf32, #tpu.memory_space<vmem>>, %arg4: memref<1x128xf32, #tpu.memory_space<vmem>>, %arg5: memref<64x128xf32, #tpu.memory_space<vmem>>) attributes {dimension_semantics = [#tpu.dimension_semantics<arbitrary>], iteration_bounds = array<i64: 1>, scalar_prefetch = 0 : i64, scratch_operands = 0 : i64, tpu.core_type = #tpu.core_type<tc>, window_params = [{pipeline_mode = #tpu.pipeline_mode<synchronous>, transform_indices = @transform_0, window_bounds = array<i64: 10000, 128>}, {pipeline_mode = #tpu.pipeline_mode<synchronous>, transform_indices = @transform_1, window_bounds = array<i64: 1, 10000>}, {pipeline_mode = #tpu.pipeline_mode<synchronous>, transform_indices = @transform_2, window_bounds = array<i64: 128, 128>}, {pipeline_mode = #tpu.pipeline_mode<synchronous>, transform_indices = @transform_3, window_bounds = array<i64: 1, 128>}, {pipeline_mode = #tpu.pipeline_mode<synchronous>, transform_indices = @transform_4, window_bounds = array<i64: 64, 128>}]} {
    %get3A = arith.constant 0 : index
    %get3A_0 = arith.constant 0 : index
    %get3A_1 = vector.load %arg2[%get3A, %get3A_0] : memref<1x10000xi32, #tpu.memory_space<vmem>>, vector<1x10000xi32>
    %iota3A = tpu.iota {dimensions = array<i32: 0>} : vector<64x10000xi32>
    %eq3A = vector.broadcast %get3A_1 : vector<1x10000xi32> to vector<64x10000xi32>
    %eq3A_2 = arith.cmpi eq, %iota3A, %eq3A : vector<64x10000xi32>
    %convert_element_type3A = arith.extui %eq3A_2 : vector<64x10000xi1> to vector<64x10000xi32>
    %convert_element_type3A_3 = arith.sitofp %convert_element_type3A : vector<64x10000xi32> to vector<64x10000xf32>
    %reduce_sum3A = arith.constant dense<0.000000e+00> : vector<64xf32>
    %reduce_sum3A_4 = vector.multi_reduction <add>, %convert_element_type3A_3, %reduce_sum3A [1] : vector<64x10000xf32> to vector<64xf32>
    %broadcast_in_dim3A = vector.shape_cast %reduce_sum3A_4 : vector<64xf32> to vector<64x1xf32>
    %get3A_5 = arith.constant 0 : index
    %get3A_6 = arith.constant 0 : index
    %get3A_7 = vector.load %arg1[%get3A_5, %get3A_6] : memref<10000x128xf32, #tpu.memory_space<vmem>>, vector<10000x128xf32>
    %dot_general3A = arith.constant dense<0.000000e+00> : vector<64x128xf32>
    %dot_general3A_8 = tpu.matmul %convert_element_type3A_3, %get3A_7, %dot_general3A {dimension_numbers = #tpu.dot_dimension_numbers<[1], [0], [0], [1], [0, 0, 1, 1], [], []>, transpose_lhs_hint = false} : vector<64x10000xf32>, vector<10000x128xf32>, vector<64x128xf32> -> vector<64x128xf32>
    %max3A = arith.constant 1.000000e+00 : f32
    %max3A_9 = vector.broadcast %max3A : f32 to vector<64x1xf32>
    %max3A_10 = arith.maximumf %broadcast_in_dim3A, %max3A_9 : vector<64x1xf32>
    %div3A = vector.broadcast %max3A_10 : vector<64x1xf32> to vector<64x128xf32>
    %div3A_11 = arith.divf %dot_general3A_8, %div3A : vector<64x128xf32>
    %get3A_12 = arith.constant 0 : index
    %get3A_13 = arith.constant 0 : index
    %get3A_14 = vector.load %arg3[%get3A_12, %get3A_13] : memref<128x128xf32, #tpu.memory_space<vmem>>, vector<128x128xf32>
    %dot_general3A_15 = arith.constant dense<0.000000e+00> : vector<64x128xf32>
    %dot_general3A_16 = tpu.matmul %div3A_11, %get3A_14, %dot_general3A_15 {dimension_numbers = #tpu.dot_dimension_numbers<[1], [0], [0], [1], [0, 0, 1, 1], [], []>, transpose_lhs_hint = false} : vector<64x128xf32>, vector<128x128xf32>, vector<64x128xf32> -> vector<64x128xf32>
    %get3A_17 = arith.constant 0 : index
    %get3A_18 = arith.constant 0 : index
    %get3A_19 = vector.load %arg4[%get3A_17, %get3A_18] : memref<1x128xf32, #tpu.memory_space<vmem>>, vector<1x128xf32>
    %add3A = vector.broadcast %get3A_19 : vector<1x128xf32> to vector<64x128xf32>
    %add3A_20 = arith.addf %dot_general3A_16, %add3A : vector<64x128xf32>
    %tanh3A = math.tanh %add3A_20 : vector<64x128xf32>
    %swap3A = arith.constant 0 : index
    %swap3A_21 = arith.constant 0 : index
    %swap3A_22 = vector.load %arg5[%swap3A, %swap3A_21] : memref<64x128xf32, #tpu.memory_space<vmem>>, vector<64x128xf32>
    tpu.vector_store %arg5[%swap3A, %swap3A_21], %tanh3A {strides = array<i32>} : memref<64x128xf32, #tpu.memory_space<vmem>>, vector<64x128xf32>,
    return
  }
  func.func @transform_0(%arg0: i32) -> (i32, i32) {
    %c0_i32 = arith.constant 0 : i32
    %c0_i32_0 = arith.constant 0 : i32
    %c0_i32_1 = arith.constant 0 : i32
    return %c0_i32, %c0_i32_0 : i32, i32
  }
  func.func @transform_1(%arg0: i32) -> (i32, i32) {
    %c0_i32 = arith.constant 0 : i32
    %c0_i32_0 = arith.constant 0 : i32
    %c0_i32_1 = arith.constant 0 : i32
    return %c0_i32, %c0_i32_0 : i32, i32
  }
  func.func @transform_2(%arg0: i32) -> (i32, i32) {
    %c0_i32 = arith.constant 0 : i32
    %c0_i32_0 = arith.constant 0 : i32
    %c0_i32_1 = arith.constant 0 : i32
    return %c0_i32, %c0_i32_0 : i32, i32
  }
  func.func @transform_3(%arg0: i32) -> (i32, i32) {
    %c0_i32 = arith.constant 0 : i32
    %c0_i32_0 = arith.constant 0 : i32
    %c0_i32_1 = arith.constant 0 : i32
    return %c0_i32, %c0_i32_0 : i32, i32
  }
  func.func @transform_4(%arg0: i32) -> (i32, i32) {
    %c0_i32 = arith.constant 0 : i32
    %c0_i32_0 = arith.constant 0 : i32
    %c0_i32_1 = arith.constant 0 : i32
    return %c0_i32, %c0_i32_0 : i32, i32
  }
}

</mosaic_0001>

<sc_bundles>
// kernel: kernel.11.cloned.1.call-start
scs
__scs_entry_jumppad:
0x0: {  	(pc) =	sbr.rel $0x88, $3  }
0x1: {  	(tag) =	ssettag $0x0;
	lr =	simm.s32 $0x1  }
0x2: {  	[smem:$0x3F94] =	sst lr;
	_ =	strace $0xD0000000  }
0x3: {  	_ = 	snop  }
0x4: {  	_ = 	snop  }
0x5: {  	_ = 	snop  }
0x6: {  	_ = 	snop  }
0x7: {  	_ = 	snop  }
__scs_overlays_trampoline_lowered:
0x8: {  	[smem:$0x3FA3] =	sst s0  }
0x9: {  	[smem:$0x3FA4] =	sst s1  }
0xa: {  	[smem:$0x3FA5] =	sst s2  }
0xb: {  	[smem:$0x3FA6] =	sst s3  }
0xc: {  	[smem:$0x3FA7] =	sst s4  }
0xd: {  	[smem:$0x3FA8] =	sst s5  }
0xe: {  	[smem:$0x3FA9] =	sst s6  }
0xf: {  	[smem:$0x3FAA] =	sst s7  }
0x10: {  	[smem:$0x3FAB] =	sst s8  }
0x11: {  	[smem:$0x3FAC] =	sst s9;
	s0 =	simm.s32 @!p0 $0x0  }
0x12: {  	s1 =	sld [smem:$0x3F92];
	s0 =	simm.s32 @p0 $0x1  }
0x13: {  	[smem:$0x3FAD] =	sst s0;
	s0 =	simm.s32 @!p1 $0x0  }
0x14: {  	s2 =	sld [smem:$0x3F91];
	s0 =	simm.s32 @p1 $0x1  }
0x15: {  	[smem:$0x3FAE] =	sst s0;
	s0 =	simm.s32 @!p2 $0x0  }
0x16: {  	s3 =	sld [smem:$0x3FDB];
	s0 =	simm.s32 @p2 $0x1  }
0x17: {  	s4 =	simm.s32 $0x1BF5;
	[smem:$0x3FB0] =	sst s0  }
0x18: {  	s0 =	sld [smem:$0x3F93];
	_ =	swait.ge [sflag:s4], $0x0  }
0x19: {  	s7 =	sld [smem:$0x3F94]  }
0x1a: {  	s8 =	sadd.s32 $0xFFFFE003, lr  }
0x1b: {  	s9 =	sadd.s32 $0xFFFFFEF7, lr;
	s5 =	simm.s32 $0xFFFFFFFF;
	p2 =	slt.u32 s8, $0xFFFFF086  }
0x1c: {  	p1 =	slt.u32 s9, $0xF7A;
	s5 =	simm.s32 @!p2 $0x0  }
0x1d: {  	s5 =	simm.s32 @p1 $0x1;
	p0 =	seq.s32 s7, s2  }
0x1e: {  	s7 =	smul.u32 @!p0 $0xF7A, s2;
	p2 =	seq.s32 @!p0 s5, $0x0  }
0x1f: {  	s9 =	smul.u32 $0xF7A, s1;
	s8 =	simm.s32 @!p0 $0x1BF5;
	p2 =	por !p2, p0  }
0x20: {  	[sflag:s8] =	ssyncset.s32 @!p0 $0xFFFFF086;
	s6 =	sadd.s32 @!p0 s3, s7;
	s7 =	simm.s32 @!p0 $0x108  }
0x21: {  	s3 =	sadd.s32 s3, s9;
	s6 =	sadd.s32 @!p0 $0x88, s6;
	s7 =	simm.s32 @p2 $0x1082  }
0x22: {  	[simem:s7], [sflag:s8] =	dma.local @!p0 [hbm:s6], $0xF7A  }
0x23: {  	s9 =	sor.u32 $0xD0000000, s2;
	s6 =	simm.s32 $0x108;
	_ =	swait.ge @!p0 [sflag:s8], $0x0  }
0x24: {  	s3 =	sadd.s32 $0x88, s3;
	s6 =	simm.s32 @!p1 $0x1082;
	[sflag:s4] =	ssyncset.s32 $0xFFFFF086  }
0x25: {  	[simem:s6], [sflag:s4] =	dma.local [hbm:s3], $0xF7A  }
0x26: {  	[smem:$0x3F94] =	sst s1;
	(tag) =	ssettag s2;
	_ =	strace s9  }
0x27: {  	s1 =	sld [smem:$0x3FA4]  }
0x28: {  	s2 =	sld [smem:$0x3FA5]  }
0x29: {  	s4 =	sld [smem:$0x3FA7]  }
0x2a: {  	p0 =	seq.s32 s5, $0x0;
	s5 =	sld [smem:$0x3FA8]  }
0x2b: {  	s6 =	sld [smem:$0x3FA9]  }
0x2c: {  	s7 =	sld [smem:$0x3FAA]  }
0x2d: {  	s3 =	simm.s32 $0x108;
	s8 =	sld [smem:$0x3FAB]  }
0x2e: {  	s3 =	simm.s32 @!p0 $0x1082;
	s9 =	sld [smem:$0x3FAC]  }
0x2f: {  	lr =	sadd.s32 s0, s3;
	s0 =	sld [smem:$0x3FA3]  }
0x30: {  	s3 =	sld [smem:$0x3FA6]  }
0x31: {  	[smem:$0x3FAF] =	sst s10  }
0x32: {  	s10 =	sld [smem:$0x3FAD];
	_ =	sdelay $0x3  }
0x33: {  	p0 =	seq.s32 s10, $0x1;
	s10 =	sld [smem:$0x3FAF];
	_ =	sdelay $0x3  }
0x34: {  	[smem:$0x3FAF] =	sst s10  }
0x35: {  	s10 =	sld [smem:$0x3FAE];
	_ =	sdelay $0x3  }
0x36: {  	p1 =	seq.s32 s10, $0x1;
	s10 =	sld [smem:$0x3FAF];
	_ =	sdelay $0x3  }
0x37: {  	[smem:$0x3FAF] =	sst s10  }
0x38: {  	s10 =	sld [smem:$0x3FB0]  }
0x39: {  	_ = 	snop;
	(pc) =	sbr.ind lr, $3  }
0x3a: {  	_ = 	snop  }
0x3b: {  	_ = 	snop  }
0x3c: {  	p2 =	seq.s32 s10, $0x1;
	s10 =	sld [smem:$0x3FAF]  }
0x3d: {  	_ =	shalt  }
0x3e: {  	_ =	shalt  }
0x3f: {  	_ =	shalt  }
0x40: {  	_ =	shalt  }
0x41: {  	_ =	shalt  }
0x42: {  	_ =	shalt  }
0x43: {  	_ =	shalt  }
0x44: {  	_ =	shalt  }
0x45: {  	_ =	shalt  }
0x46: {  	_ =	shalt  }
0x47: {  	_ =	shalt  }
0x48: {  	_ =	shalt  }
0x49: {  	_ =	shalt  }
0x4a: {  	_ =	shalt  }
0x4b: {  	_ =	shalt  }
0x4c: {  	_ =	shalt  }
0x4d: {  	_ =	shalt  }
0x4e: {  	_ =	shalt  }
0x4f: {  	_ =	shalt  }
0x50: {  	_ =	shalt  }
0x51: {  	_ =	shalt  }
0x52: {  	_ =	shalt  }
0x53: {  	_ =	shalt  }
0x54: {  	_ =	shalt  }
0x55: {  	_ =	shalt  }
0x56: {  	_ =	shalt  }
0x57: {  	_ =	shalt  }
0x58: {  	_ =	shalt  }
0x59: {  	_ =	shalt  }
0x5a: {  	_ =	shalt  }
0x5b: {  	_ =	shalt  }
0x5c: {  	_ =	shalt  }
0x5d: {  	_ =	shalt  }
0x5e: {  	_ =	shalt  }
0x5f: {  	_ =	shalt  }
0x60: {  	_ =	shalt  }
0x61: {  	_ =	shalt  }
0x62: {  	_ =	shalt  }
0x63: {  	_ =	shalt  }
0x64: {  	_ =	shalt  }
0x65: {  	_ =	shalt  }
0x66: {  	_ =	shalt  }
0x67: {  	_ =	shalt  }
0x68: {  	_ =	shalt  }
0x69: {  	_ =	shalt  }
0x6a: {  	_ =	shalt  }
0x6b: {  	_ =	shalt  }
0x6c: {  	_ =	shalt  }
0x6d: {  	_ =	shalt  }
0x6e: {  	_ =	shalt  }
0x6f: {  	_ =	shalt  }
0x70: {  	_ =	shalt  }
0x71: {  	_ =	shalt  }
0x72: {  	_ =	shalt  }
0x73: {  	_ =	shalt  }
0x74: {  	_ =	shalt  }
0x75: {  	_ =	shalt  }
0x76: {  	_ =	shalt  }
0x77: {  	_ =	shalt  }
0x78: {  	_ =	shalt  }
0x79: {  	_ =	shalt  }
0x7a: {  	_ =	shalt  }
0x7b: {  	_ =	shalt  }
0x7c: {  	_ =	shalt  }
0x7d: {  	_ =	shalt  }
0x7e: {  	_ =	shalt  }
0x7f: {  	_ =	shalt  }
0x80: {  	_ =	shalt  }
0x81: {  	_ =	shalt  }
0x82: {  	_ =	shalt  }
0x83: {  	_ =	shalt  }
0x84: {  	_ =	shalt  }
0x85: {  	_ =	shalt  }
0x86: {  	_ =	shalt  }
0x87: {  	_ =	shalt  }
.Lfunc_end0:
.L_simem_size_0:
called_computation.1_lowered:
.L_overlay_start_0:
0x88: {  	s2 =	sld [smem:$0x3FD9]  }
0x89: {  	s3 =	sld [smem:$0x3FFE];
	_ =	sdelay $0x1  }
0x8a: {  	s1 =	srdreg.scid  }
0x8b: {  	s0 =	sand.u32 $0x1, s1  }
0x8c: {  	s14 =	sshll.u32 s0, $0xA;
	s2 =	sadd.s32 s3, s2  }
0x8d: {  	s2 =	sadd.s32 s2, s14  }
0x8e: {  	[smem:$0x3FBB] =	sst s2  }
0x8f: {  	_ = 	snop  }
0x90: {  	s2 =	sld [smem:$0x3FD0];
	_ =	sdelay $0x2  }
0x91: {  	s15 =	simm.s32 $0xA;
	s4 =	simm.s32 $0x10  }
0x92: {  	[smem:s4], [sflag:s15] =	dma.local [hbm:s2], $0x1  }
0x93: {  	_ =	swait.eq [sflag:s15], $0x1  }
0x94: {  	[sflag:s15] =	ssyncset.done $0x0  }
0x95: {  	[sflag:s15] =	ssyncadd.s32 $0xFFFFFFFF  }
0x96: {  	s16 =	sld [smem:$0x11];
	(tm) =	ssettm $0x1  }
0x97: {  	s17 =	sld [smem:$0x3FFB];
	_ =	sdelay $0x3  }
0x98: {  	_ =	strace s17  }
0x99: {  	s3 =	sld [smem:$0x3FFC];
	_ =	sdelay $0x3  }
0x9a: {  	_ =	strace s3  }
0x9b: {  	s3 =	sld [smem:$0x3FFD];
	_ =	sdelay $0x3  }
0x9c: {  	_ =	strace s3  }
0x9d: {  	_ =	strace $0x8FFFFFFF  }
0x9e: {  	s18 =	sld [smem:$0x3FDB];
	_ =	sdelay $0x1  }
0x9f: {  	s19 =	simm.s32 $_scs_section_size  }
0xa0: {  	s5 =	simm.s32 $_size__tile_overlayer_lowered;
	s6 =	simm.s32 $_tile_overlayer_lowered  }
0xa1: {  	s22 =	simm.s32 $0x1BFF;
	s21 =	sshll.u32 s6, $0x1;
	s3 =	sadd.s32 s19, s18  }
0xa2: {  	s7 =	simm.s32 $0x0;
	s20 =	sshll.u32 s5, $0x1;
	s5 =	sadd.s32 s21, s3  }
0xa3: {  	[timem:s7], [sflag:s22] =	dma.local [hbm:s5], s20  }
0xa4: {  	_ =	swait.ge [sflag:s22], s20  }
0xa5: {  	s4 =	ssub.s32 $0x0, s20;
	[sflag:s22] =	ssyncset.done $0x0  }
0xa6: {  	[sflag:s22] =	ssyncadd.s32 s4;
	_ =	sdelay $0x1  }
0xa7: {  	s23 =	simm.s32 $0x1B8B  }
0xa8: {  	_ =	swait.ge [sflag:s23], $0x1  }
0xa9: {  	[sflag:s23] =	ssyncset.done $0x0  }
0xaa: {  	s25 =	simm.s32 $0x1B8E;
	s24 =	sld [smem:$0x3FFE];
	[sflag:s23] =	ssyncadd.s32 $0xFFFFFFFF  }
0xab: {  	s26 =	simm.s32 $execute0_lowered;
	[smem:$0x3FD2] =	sst s25  }
0xac: {  	s5 =	sshll.u32 s26, $0x1;
	_ =	strace $0x80000049;
	[dreg:$0x1] =	wrdreg $0xFFFFFFFF  }
0xad: {  	s28 =	simm.s32 $_size_execute0_lowered;
	s3 =	sadd.s32 s3, s5;
	[dreg:$0x0] =	wrdreg $0x0  }
0xae: {  	s5 =	sshll.u32 s28, $0x1;
	[dreg:$0x2] =	wrdreg s3  }
0xaf: {  	[dreg:$0x3] =	wrdreg s5  }
0xb0: {  	[dreg:$0x4] =	wrdreg $0xC0  }
0xb1: {  	_ =	task [dreg:s7], $0x5FFFF  }
0xb2: {  	[dreg:$0x1] =	wrdreg $0xFFFFFFFF  }
0xb3: {  	[dreg:$0x0] =	wrdreg $0x60  }
0xb4: {  	[dreg:$0x2] =	wrdreg s24  }
0xb5: {  	[dreg:$0x3] =	wrdreg s16  }
0xb6: {  	[dreg:$0x4] =	wrdreg $0x90000  }
0xb7: {  	[dreg:$0x5] =	wrdreg $0x9  }
0xb8: {  	_ =	task.clear_ibuf [dreg:s7], $0x6FFFF;
	_ =	strace $0x90000049  }
0xb9: {  	s29 =	simm.s32 $0x9;
	_ =	strace $0x8000004B  }
0xba: {  	_ =	swait.ge [sflag:s29], $0x1  }
0xbb: {  	[sflag:s29] =	ssyncadd.s32 $0xFFFFFFFF  }
0xbc: {  	_ =	strace $0x9000004B  }
0xbd: {  	_ =	sfence  }
0xbe: {  	s30 =	sld [smem:$0x0];
	_ =	sdelay $0x2  }
0xbf: {  	s31 =	sshll.u32 s1, $0xD;
	s1 =	sshrl.u32 s1, $0x2  }
0xc0: {  	s3 =	sand.u32 $0x4000, s31;
	s1 =	sadd.s32 s1, s30  }
0xc1: {  	s0 =	sor.u32 s3, s0;
	s1 =	sshll.u32 s1, $0x11  }
0xc2: {  	s0 =	sor.u32 s1, s0  }
0xc3: {  	s0 =	sadd.s32 $0x8F2B, s0  }
0xc4: {  	[sflag:s0] =	ssyncadd.remote.s32 $0x1  }
0xc5: {  	_ =	sfence.sel $0xFFFF  }
0xc6: {  	[dreg:$0x0] =	wrdreg $0xFFFFFFFF;
	(pc) =	sbr.abs _section_cstart, $3  }
0xc7: {  	[dreg:$0x1] =	wrdreg $0xFFFFFFFF  }
0xc8: {  	_ =	task.clear_ibuf [dreg:s7], $0x2FFFF;
	_ =	strace $0x9FFFFFFF  }
0xc9: {  	(tm) =	ssettm $0x7FFFFFFF  }
tec
execute0_lowered:
.L_overlay_start_1:
0x0: {  	(tag) =	ssettag $0x1  }
0x1: {  	s1 =	rddreg [dreg:$0x0];
	s0 =	srdreg.scid;
	s29 =	simm.s32 $0x0  }
0x2: {  	s30 =	rddreg [dreg:$0x1];
	s3 =	sadd.s32 $0x2D4C800, s1;
	s4 =	sadd.s32 $0x322E800, s1  }
0x3: {  	s31 =	rddreg [dreg:$0x2];
	s5 =	sadd.s32 $0x3710800, s1;
	s6 =	sadd.s32 $0x3BF2800, s1  }
0x4: {  	s7 =	sadd.s32 $0x40D4800, s1;
	s8 =	sand.u32 $0x1, s0;
	s9 =	sadd.s32 $0x45B6800, s1  }
0x5: {  	s0 =	stileid.u32;
	s10 =	sadd.s32 $0x4A98800, s1;
	s11 =	sadd.s32 $0x4F7A800, s1  }
0x6: {  	s12 =	sadd.s32 $0x286A800, s1;
	s2 =	sshll.u32 s8, $0x4;
	s16 =	smul.u32 $0x15F900, s8  }
0x7: {  	s17 =	sadd.s32 $0x2000, s1;
	s18 =	smul.u32 $0xAFC800, s8;
	s2 =	sor.u32 s0, s2  }
0x8: {  	[smem:$0x7FF] =	sst s29;
	s25 =	ssub.s32 $0x2, s8;
	s13 =	smul.u32 $0x27100, s2  }
0x9: {  	s26 =	sshrl.u32 s25, $0x1;
	s14 =	sshll.u32 s2, $0xB;
	s21 =	sadd.s32 s17, s16  }
0xa: {  	s15 =	smul.u32 $0x138800, s2;
	[dreg:$0x5] =	wrdreg s21;
	s19 =	sadd.s32 s3, s13  }
0xb: {  	s22 =	sshrl.u32 s18, $0x3;
	s23 =	sadd.s32 s4, s13;
	[dreg:$0x4] =	wrdreg s19  }
0xc: {  	s2 =	sadd.s32 s14, s1;
	s24 =	sadd.s32 s5, s13;
	[dreg:$0x6] =	wrdreg s23  }
0xd: {  	s1 =	ssub.s32 s25, s26;
	s25 =	sadd.s32 s6, s13;
	[dreg:$0x7] =	wrdreg s24  }
0xe: {  	s20 =	sshrl.u32 s15, $0x3;
	s26 =	sadd.s32 s7, s13;
	[dreg:$0x8] =	wrdreg s25  }
0xf: {  	s15 =	sadd.s32 s17, s22;
	s17 =	sadd.s32 s9, s13;
	[dreg:$0x9] =	wrdreg s26  }
0x10: {  	s18 =	sadd.s32 s10, s13;
	[dreg:$0xa] =	wrdreg s17  }
0x11: {  	[dreg:$0xb] =	wrdreg s18;
	s19 =	sadd.s32 s11, s13  }
0x12: {  	s14 =	sadd.s32 $0x500, s20;
	s20 =	sadd.s32 s12, s13;
	[dreg:$0xc] =	wrdreg s19  }
0x13: {  	[dreg:$0xd] =	wrdreg s20;
	s21 =	sadd.s32 s3, s14  }
0x14: {  	s22 =	sadd.s32 s4, s14;
	[dreg:$0xe] =	wrdreg s21  }
0x15: {  	s23 =	sadd.s32 s5, s14;
	[dreg:$0xf] =	wrdreg s22  }
0x16: {  	s24 =	sadd.s32 s6, s14;
	[dreg:$0x10] =	wrdreg s23  }
0x17: {  	s25 =	sadd.s32 s7, s14;
	[dreg:$0x11] =	wrdreg s24  }
0x18: {  	s26 =	sadd.s32 s9, s14;
	[dreg:$0x12] =	wrdreg s25  }
0x19: {  	s28 =	simm.s32 $0x3E00;
	s17 =	sadd.s32 s10, s14;
	[dreg:$0x13] =	wrdreg s26  }
0x1a: {  	s8 =	smul.u32 $0x271000, s8;
	s18 =	sadd.s32 s11, s14;
	[dreg:$0x14] =	wrdreg s17  }
0x1b: {  	s13 =	sadd.s32 $0x26C00, s13;
	s14 =	sadd.s32 s12, s14;
	[dreg:$0x15] =	wrdreg s18  }
0x1c: {  	p0 =	sne.s32 s0, $0x0;
	s19 =	sadd.s32 s3, s13;
	[dreg:$0x16] =	wrdreg s14  }
0x1d: {  	s20 =	sadd.s32 s4, s13;
	s3 =	sadd.s32 s8, s3;
	[dreg:$0x17] =	wrdreg s19  }
0x1e: {  	s4 =	sadd.s32 s8, s4;
	[dreg:$0x18] =	wrdreg s20;
	s21 =	sadd.s32 s5, s13  }
0x1f: {  	s22 =	sadd.s32 s6, s13;
	s23 =	sadd.s32 s7, s13;
	s24 =	sadd.s32 s9, s13  }
0x20: {  	s25 =	sadd.s32 s10, s13;
	s26 =	sadd.s32 s11, s13;
	[dreg:$0x19] =	wrdreg s21  }
0x21: {  	s13 =	sadd.s32 s12, s13;
	s5 =	sadd.s32 s8, s5;
	[dreg:$0x1a] =	wrdreg s22  }
0x22: {  	s6 =	sadd.s32 s8, s6;
	s7 =	sadd.s32 s8, s7;
	[dreg:$0x1b] =	wrdreg s23  }
0x23: {  	s9 =	sadd.s32 s8, s9;
	s14 =	smul.u32 $0x27100, s0;
	[dreg:$0x1c] =	wrdreg s24  }
0x24: {  	s10 =	sadd.s32 s8, s10;
	s11 =	sadd.s32 s8, s11;
	[dreg:$0x1d] =	wrdreg s25  }
0x25: {  	s8 =	sadd.s32 s8, s12;
	s0 =	simm.s32 $0x0;
	[dreg:$0x1e] =	wrdreg s26  }
0x26: {  	[dreg:$0x1f] =	wrdreg s13;
	s13 =	sadd.s32 $0x285A800, s2;
	s21 =	sadd.s32 $0x27100, s15  }
0x27: {  	s22 =	sadd.s32 $0x4E200, s15;
	_ =	strace $0x8000004A;
	[smem:$0x7F7] =	sst s13  }
0x28: {  	s23 =	sadd.s32 $0x75300, s15;
	s24 =	sadd.s32 $0x9C400, s15;
	[smem:$0x7F8] =	sst s21  }
0x29: {  	s25 =	sadd.s32 $0xC3500, s15;
	s26 =	sadd.s32 $0xEA600, s15;
	[smem:$0x7F9] =	sst s22  }
0x2a: {  	s3 =	sadd.s32 s14, s3;
	s16 =	sadd.s32 s14, s4;
	[smem:$0x7FA] =	sst s23  }
0x2b: {  	s17 =	sadd.s32 s14, s5;
	s18 =	sadd.s32 s14, s6;
	[smem:$0x7FB] =	sst s24  }
0x2c: {  	s5 =	sadd.s32 s14, s7;
	s6 =	sadd.s32 s14, s9;
	[smem:$0x7FC] =	sst s25  }
0x2d: {  	s10 =	sadd.s32 s14, s10;
	s19 =	sadd.s32 s14, s11;
	[smem:$0x7FD] =	sst s26  }
0x2e: {  	s20 =	sadd.s32 s14, s8;
	s7 =	sadd.s32 $0x111700, s15;
	s8 =	sadd.s32 $0x138800, s15  }
0x2f: {  	s9 =	smax.u32 s1, $0x1;
	s21 =	simm.s32 $0x6800;
	s22 =	simm.s32 $0x1  }
0x30: {  	s23 =	simm.s32 $0x50;
	s24 =	simm.s32 $0x2;
	s25 =	simm.s32 $0x3D00  }
0x31: {  	s26 =	simm.s32 $0x3D80;
	s4 =	sadd.s32 $0xF00, s3;
	s11 =	sadd.s32 $0xF00, s16  }
0x32: {  	s12 =	sadd.s32 $0xF00, s17;
	s13 =	sadd.s32 $0xF00, s18;
	s14 =	sadd.s32 $0xF00, s5  }
0x33: {  	s15 =	sadd.s32 $0xF00, s6;
	s16 =	sadd.s32 $0xF00, s10;
	s17 =	sadd.s32 $0xF00, s19  }
0x34: {  	s18 =	sadd.s32 $0xF00, s20;
	s19 =	simm.s32 $0x3;
	s20 =	simm.s32 $0x4000  }
.LBB2_1:
0x35: {  	s1 =	sld [smem:$0x7F7];
	_ =	sdelay $0x2  }
0x36: {  	[tilespmem:s29], [sflag:$0x3] =	stream.linear.gather [hbm4b:s1+s29], $0x3E80, $0x38;
	[tilespmem:$0x1C880] =	vst v63  }
0x37: {  	_ =	swait.ge [sflag:s19], $0x3E80  }
0x38: {  	[sflag:s19] =	ssyncset.done $0x0  }
0x39: {  	s2 =	simm.s32 @!p0 $0x1C03;
	s1 =	sshrl.u32 @!p0 s31, $0x3;
	[sflag:s19] =	ssyncadd.s32 $0xFFFFC180  }
0x3a: {  	[spmem:s1], [sflag:s2] =	dma.local @!p0 [hbm:s30], $0x27100  }
0x3b: {  	s2 =	simm.s32 @!p0 $0x3  }
0x3c: {  	_ =	swait.ge @!p0 [sflag:s2], $0x27100  }
0x3d: {  	[sflag:s2] =	ssyncset.done @!p0 $0x0  }
0x3e: {  	[sflag:s2] =	ssyncadd.s32 @!p0 $0xFFFD8F00  }
0x3f: {  	[bflag:$0x0] =	sbarrier.arrive $0xFFFF  }
0x40: {  	s10 =	rddreg [dreg:$0x4]  }
0x41: {  	[tilespmem:s20], [sflag:$0x1] =	stream.linear.gather [hbm4b:s10+s29], $0x2800, $0x38;
	[tilespmem:$0x1C880] =	vst v63  }
0x42: {  	s3 =	rddreg [dreg:$0xe]  }
0x43: {  	[tilespmem:s21], [sflag:$0x2] =	stream.linear.gather [hbm4b:s3+s29], $0x2800, $0x38;
	[tilespmem:$0x1C880] =	vst v63  }
0x44: {  	_ =	swait.ge [sflag:s22], $0x2800  }
0x45: {  	[sflag:s22] =	ssyncset.done $0x0  }
0x46: {  	s5 =	simm.s32 $0x0;
	[sflag:s22] =	ssyncadd.s32 $0xFFFFD800  }
0x47: {  	[spmem:s31] =	stream.indirect.scatter.add.f32 [tilespmem:s20], [sflag:$0x3], $0x80, s5, s23, $0xb8;
	[tilespmem:$0x1C880] =	vst v63  }
0x48: {  	_ =	swait.ge [sflag:s19], $0x2800  }
0x49: {  	[sflag:s19] =	ssyncset.done $0x0  }
0x4a: {  	s6 =	sadd.s32 $0xFFFFFB00, s4;
	[sflag:s19] =	ssyncadd.s32 $0xFFFFD800  }
0x4b: {  	[tilespmem:s20], [sflag:$0x1] =	stream.linear.gather [hbm4b:s6+s29], $0x2800, $0x38;
	[tilespmem:$0x1C880] =	vst v63  }
0x4c: {  	_ =	swait.ge [sflag:s24], $0x2800  }
0x4d: {  	[sflag:s24] =	ssyncset.done $0x0  }
0x4e: {  	s10 =	simm.s32 $0x80;
	[sflag:s24] =	ssyncadd.s32 $0xFFFFD800  }
0x4f: {  	[spmem:s31] =	stream.indirect.scatter.add.f32 [tilespmem:s21], [sflag:$0x3], $0x80, s10, s23, $0xb8;
	[tilespmem:$0x1C880] =	vst v63  }
0x50: {  	_ =	swait.ge [sflag:s19], $0x2800  }
0x51: {  	s2 =	simm.s32 $0x400;
	[sflag:s19] =	ssyncset.done $0x0  }
0x52: {  	s3 =	sadd.s32 $0xA00, s4;
	s10 =	smov.u32 s4;
	[sflag:s19] =	ssyncadd.s32 $0xFFFFD800  }
.LBB2_2:
0x53: {  	[tilespmem:s21], [sflag:$0x2] =	stream.linear.gather [hbm4b:s10+s29], $0x2800, $0x38;
	[tilespmem:$0x1C880] =	vst v63  }
0x54: {  	s5 =	smov.u32 s2;
	s10 =	smov.u32 s3  }
0x55: {  	p1 =	sne.s32 s2, $0xF000;
	s2 =	sadd.s32 $0x400, s2;
	_ =	swait.ge [sflag:s22], $0x2800  }
0x56: {  	[sflag:s22] =	ssyncset.done $0x0  }
0x57: {  	s5 =	sshra.s32 s5, $0x2;
	[sflag:s22] =	ssyncadd.s32 $0xFFFFD800  }
0x58: {  	[spmem:s31] =	stream.indirect.scatter.add.f32 [tilespmem:s20], [sflag:$0x3], $0x80, s5, s23, $0xb8;
	[tilespmem:$0x1C880] =	vst v63  }
0x59: {  	_ =	swait.ge [sflag:s19], $0x2800  }
0x5a: {  	[sflag:s19] =	ssyncset.done $0x0  }
0x5b: {  	s6 =	sadd.s32 $0xFFFFFB00, s3;
	[sflag:s19] =	ssyncadd.s32 $0xFFFFD800  }
0x5c: {  	[tilespmem:s20], [sflag:$0x1] =	stream.linear.gather [hbm4b:s6+s29], $0x2800, $0x38;
	[tilespmem:$0x1C880] =	vst v63  }
0x5d: {  	_ =	swait.ge [sflag:s24], $0x2800  }
0x5e: {  	[sflag:s24] =	ssyncset.done $0x0  }
.Ltmp0:
0x5f: {  	s5 =	sadd.s32 $0x80, s5;
	[sflag:s24] =	ssyncadd.s32 $0xFFFFD800;
	(pc) =	sbr.rel @p1 .LBB2_2-.Ltmp0, $4  }
0x60: {  	[spmem:s31] =	stream.indirect.scatter.add.f32 [tilespmem:s21], [sflag:$0x3], $0x80, s5, s23, $0xb8;
	[tilespmem:$0x1C880] =	vst v63  }
0x61: {  	_ =	swait.ge [sflag:s19], $0x2800  }
0x62: {  	[sflag:s19] =	ssyncset.done $0x0  }
0x63: {  	s3 =	sadd.s32 $0xA00, s3;
	[sflag:s19] =	ssyncadd.s32 $0xFFFFD800  }
0x64: {  	[tilespmem:s21], [sflag:$0x2] =	stream.linear.gather [hbm4b:s10+s29], $0x2800, $0x38;
	[tilespmem:$0x1C880] =	vst v63  }
0x65: {  	_ =	swait.ge [sflag:s22], $0x2800  }
0x66: {  	[sflag:s22] =	ssyncset.done $0x0  }
0x67: {  	[sflag:s22] =	ssyncadd.s32 $0xFFFFD800  }
0x68: {  	[spmem:s31] =	stream.indirect.scatter.add.f32 [tilespmem:s20], [sflag:$0x3], $0x80, s25, s23, $0xb8;
	[tilespmem:$0x1C880] =	vst v63  }
0x69: {  	_ =	swait.ge [sflag:s19], $0x2800  }
0x6a: {  	[sflag:s19] =	ssyncset.done $0x0  }
0x6b: {  	s2 =	rddreg [dreg:$0x17];
	[sflag:s19] =	ssyncadd.s32 $0xFFFFD800  }
0x6c: {  	[tilespmem:s20], [sflag:$0x1] =	stream.linear.gather [hbm4b:s2+s29], $0x2800, $0x38;
	[tilespmem:$0x1C880] =	vst v63  }
0x6d: {  	_ =	swait.ge [sflag:s24], $0x2800  }
0x6e: {  	[sflag:s24] =	ssyncset.done $0x0  }
0x6f: {  	[sflag:s24] =	ssyncadd.s32 $0xFFFFD800  }
0x70: {  	[spmem:s31] =	stream.indirect.scatter.add.f32 [tilespmem:s21], [sflag:$0x3], $0x80, s26, s23, $0xb8;
	[tilespmem:$0x1C880] =	vst v63  }
0x71: {  	_ =	swait.ge [sflag:s19], $0x2800  }
0x72: {  	[sflag:s19] =	ssyncset.done $0x0  }
0x73: {  	[sflag:s19] =	ssyncadd.s32 $0xFFFFD800  }
0x74: {  	_ =	swait.ge [sflag:s22], $0x2800  }
0x75: {  	[sflag:s22] =	ssyncset.done $0x0  }
0x76: {  	[sflag:s22] =	ssyncadd.s32 $0xFFFFD800  }
0x77: {  	[spmem:s31] =	stream.indirect.scatter.add.f32 [tilespmem:s20], [sflag:$0x3], $0x80, s28, s23, $0xb8;
	[tilespmem:$0x1C880] =	vst v63  }
0x78: {  	_ =	swait.ge [sflag:s19], $0x2800  }
0x79: {  	[sflag:s19] =	ssyncset.done $0x0  }
0x7a: {  	[sflag:s19] =	ssyncadd.s32 $0xFFFFD800  }
0x7b: {  	[bflag:$0x0] =	sbarrier.arrive $0xFFFF  }
0x7c: {  	[bflag:$0x0] =	sbarrier.arrive @p0 $0xFFFF  }
0x7d: {  	s2 =	simm.s32 @!p0 $0x1C03;
	s3 =	rddreg [dreg:$0x5]  }
0x7e: {  	[hbm:s3], [sflag:s2] =	dma.local @!p0 [spmem:s1], $0x27100  }
0x7f: {  	s3 =	simm.s32 @!p0 $0x3  }
0x80: {  	_ =	swait.ge @!p0 [sflag:s3], $0x27100  }
0x81: {  	[sflag:s3] =	ssyncset.done @!p0 $0x0  }
0x82: {  	[sflag:s3] =	ssyncadd.s32 @!p0 $0xFFFD8F00  }
0x83: {  	[bflag:$0x0] =	sbarrier.arrive @!p0 $0xFFFF  }
0x84: {  	[spmem:s1], [sflag:s2] =	dma.local @!p0 [hbm:s30], $0x27100  }
0x85: {  	_ =	swait.ge @!p0 [sflag:s3], $0x27100  }
0x86: {  	[sflag:s3] =	ssyncset.done @!p0 $0x0  }
0x87: {  	[sflag:s3] =	ssyncadd.s32 @!p0 $0xFFFD8F00  }
0x88: {  	[bflag:$0x0] =	sbarrier.arrive $0xFFFF  }
0x89: {  	s5 =	simm.s32 $0x0;
	s6 =	rddreg [dreg:$0x6]  }
0x8a: {  	[tilespmem:s20], [sflag:$0x1] =	stream.linear.gather [hbm4b:s6+s5], $0x2800, $0x38;
	[tilespmem:$0x1C880] =	vst v63  }
0x8b: {  	s10 =	rddreg [dreg:$0xf]  }
0x8c: {  	[tilespmem:s21], [sflag:$0x2] =	stream.linear.gather [hbm4b:s10+s5], $0x2800, $0x38;
	[tilespmem:$0x1C880] =	vst v63  }
0x8d: {  	_ =	swait.ge [sflag:s22], $0x2800  }
0x8e: {  	[sflag:s22] =	ssyncset.done $0x0  }
0x8f: {  	s5 =	simm.s32 $0x0;
	[sflag:s22] =	ssyncadd.s32 $0xFFFFD800  }
0x90: {  	[spmem:s31] =	stream.indirect.scatter.add.f32 [tilespmem:s20], [sflag:$0x3], $0x80, s5, s23, $0xb8;
	[tilespmem:$0x1C880] =	vst v63  }
0x91: {  	_ =	swait.ge [sflag:s19], $0x2800  }
0x92: {  	[sflag:s19] =	ssyncset.done $0x0  }
0x93: {  	s6 =	sadd.s32 $0xFFFFFB00, s11;
	[sflag:s19] =	ssyncadd.s32 $0xFFFFD800  }
0x94: {  	[tilespmem:s20], [sflag:$0x1] =	stream.linear.gather [hbm4b:s6+s29], $0x2800, $0x38;
	[tilespmem:$0x1C880] =	vst v63  }
0x95: {  	_ =	swait.ge [sflag:s24], $0x2800  }
0x96: {  	[sflag:s24] =	ssyncset.done $0x0  }
0x97: {  	s10 =	simm.s32 $0x80;
	[sflag:s24] =	ssyncadd.s32 $0xFFFFD800  }
0x98: {  	[spmem:s31] =	stream.indirect.scatter.add.f32 [tilespmem:s21], [sflag:$0x3], $0x80, s10, s23, $0xb8;
	[tilespmem:$0x1C880] =	vst v63  }
0x99: {  	_ =	swait.ge [sflag:s19], $0x2800  }
0x9a: {  	s2 =	simm.s32 $0x400;
	[sflag:s19] =	ssyncset.done $0x0  }
0x9b: {  	s3 =	sadd.s32 $0xA00, s11;
	s10 =	smov.u32 s11;
	[sflag:s19] =	ssyncadd.s32 $0xFFFFD800  }
.LBB2_4:
0x9c: {  	[tilespmem:s21], [sflag:$0x2] =	stream.linear.gather [hbm4b:s10+s29], $0x2800, $0x38;
	[tilespmem:$0x1C880] =	vst v63  }
0x9d: {  	s5 =	smov.u32 s2;
	s10 =	smov.u32 s3  }
0x9e: {  	p1 =	sne.s32 s2, $0xF000;
	s2 =	sadd.s32 $0x400, s2;
	_ =	swait.ge [sflag:s22], $0x2800  }
0x9f: {  	[sflag:s22] =	ssyncset.done $0x0  }
0xa0: {  	s5 =	sshra.s32 s5, $0x2;
	[sflag:s22] =	ssyncadd.s32 $0xFFFFD800  }
0xa1: {  	[spmem:s31] =	stream.indirect.scatter.add.f32 [tilespmem:s20], [sflag:$0x3], $0x80, s5, s23, $0xb8;
	[tilespmem:$0x1C880] =	vst v63  }
0xa2: {  	_ =	swait.ge [sflag:s19], $0x2800  }
0xa3: {  	[sflag:s19] =	ssyncset.done $0x0  }
0xa4: {  	s6 =	sadd.s32 $0xFFFFFB00, s3;
	[sflag:s19] =	ssyncadd.s32 $0xFFFFD800  }
0xa5: {  	[tilespmem:s20], [sflag:$0x1] =	stream.linear.gather [hbm4b:s6+s29], $0x2800, $0x38;
	[tilespmem:$0x1C880] =	vst v63  }
0xa6: {  	_ =	swait.ge [sflag:s24], $0x2800  }
0xa7: {  	[sflag:s24] =	ssyncset.done $0x0  }
.Ltmp1:
0xa8: {  	s5 =	sadd.s32 $0x80, s5;
	[sflag:s24] =	ssyncadd.s32 $0xFFFFD800;
	(pc) =	sbr.rel @p1 .LBB2_4-.Ltmp1, $4  }
0xa9: {  	[spmem:s31] =	stream.indirect.scatter.add.f32 [tilespmem:s21], [sflag:$0x3], $0x80, s5, s23, $0xb8;
	[tilespmem:$0x1C880] =	vst v63  }
0xaa: {  	_ =	swait.ge [sflag:s19], $0x2800  }
0xab: {  	[sflag:s19] =	ssyncset.done $0x0  }
0xac: {  	s3 =	sadd.s32 $0xA00, s3;
	[sflag:s19] =	ssyncadd.s32 $0xFFFFD800  }
0xad: {  	[tilespmem:s21], [sflag:$0x2] =	stream.linear.gather [hbm4b:s10+s29], $0x2800, $0x38;
	[tilespmem:$0x1C880] =	vst v63  }
0xae: {  	_ =	swait.ge [sflag:s22], $0x2800  }
0xaf: {  	[sflag:s22] =	ssyncset.done $0x0  }
0xb0: {  	[sflag:s22] =	ssyncadd.s32 $0xFFFFD800  }
0xb1: {  	[spmem:s31] =	stream.indirect.scatter.add.f32 [tilespmem:s20], [sflag:$0x3], $0x80, s25, s23, $0xb8;
	[tilespmem:$0x1C880] =	vst v63  }
0xb2: {  	_ =	swait.ge [sflag:s19], $0x2800  }
0xb3: {  	[sflag:s19] =	ssyncset.done $0x0  }
0xb4: {  	s2 =	rddreg [dreg:$0x18];
	[sflag:s19] =	ssyncadd.s32 $0xFFFFD800  }
0xb5: {  	[tilespmem:s20], [sflag:$0x1] =	stream.linear.gather [hbm4b:s2+s29], $0x2800, $0x38;
	[tilespmem:$0x1C880] =	vst v63  }
0xb6: {  	_ =	swait.ge [sflag:s24], $0x2800  }
0xb7: {  	[sflag:s24] =	ssyncset.done $0x0  }
0xb8: {  	[sflag:s24] =	ssyncadd.s32 $0xFFFFD800  }
0xb9: {  	[spmem:s31] =	stream.indirect.scatter.add.f32 [tilespmem:s21], [sflag:$0x3], $0x80, s26, s23, $0xb8;
	[tilespmem:$0x1C880] =	vst v63  }
0xba: {  	_ =	swait.ge [sflag:s19], $0x2800  }
0xbb: {  	[sflag:s19] =	ssyncset.done $0x0  }
0xbc: {  	[sflag:s19] =	ssyncadd.s32 $0xFFFFD800  }
0xbd: {  	_ =	swait.ge [sflag:s22], $0x2800  }
0xbe: {  	[sflag:s22] =	ssyncset.done $0x0  }
0xbf: {  	[sflag:s22] =	ssyncadd.s32 $0xFFFFD800  }
0xc0: {  	[spmem:s31] =	stream.indirect.scatter.add.f32 [tilespmem:s20], [sflag:$0x3], $0x80, s28, s23, $0xb8;
	[tilespmem:$0x1C880] =	vst v63  }
0xc1: {  	_ =	swait.ge [sflag:s19], $0x2800  }
0xc2: {  	[sflag:s19] =	ssyncset.done $0x0  }
0xc3: {  	[sflag:s19] =	ssyncadd.s32 $0xFFFFD800  }
0xc4: {  	[bflag:$0x0] =	sbarrier.arrive $0xFFFF  }
0xc5: {  	[bflag:$0x0] =	sbarrier.arrive @p0 $0xFFFF  }
0xc6: {  	s3 =	sld [smem:$0x7F8];
	_ =	sdelay $0x1  }
0xc7: {  	s2 =	simm.s32 @!p0 $0x1C03  }
0xc8: {  	[hbm:s3], [sflag:s2] =	dma.local @!p0 [spmem:s1], $0x27100  }
0xc9: {  	s3 =	simm.s32 @!p0 $0x3  }
0xca: {  	_ =	swait.ge @!p0 [sflag:s3], $0x27100  }
0xcb: {  	[sflag:s3] =	ssyncset.done @!p0 $0x0  }
0xcc: {  	[sflag:s3] =	ssyncadd.s32 @!p0 $0xFFFD8F00  }
0xcd: {  	[bflag:$0x0] =	sbarrier.arrive @!p0 $0xFFFF  }
0xce: {  	[spmem:s1], [sflag:s2] =	dma.local @!p0 [hbm:s30], $0x27100  }
0xcf: {  	_ =	swait.ge @!p0 [sflag:s3], $0x27100  }
0xd0: {  	[sflag:s3] =	ssyncset.done @!p0 $0x0  }
0xd1: {  	[sflag:s3] =	ssyncadd.s32 @!p0 $0xFFFD8F00  }
0xd2: {  	[bflag:$0x0] =	sbarrier.arrive $0xFFFF  }
0xd3: {  	s5 =	simm.s32 $0x0;
	s6 =	rddreg [dreg:$0x7]  }
0xd4: {  	[tilespmem:s20], [sflag:$0x1] =	stream.linear.gather [hbm4b:s6+s5], $0x2800, $0x38;
	[tilespmem:$0x1C880] =	vst v63  }
0xd5: {  	s10 =	rddreg [dreg:$0x10]  }
0xd6: {  	[tilespmem:s21], [sflag:$0x2] =	stream.linear.gather [hbm4b:s10+s5], $0x2800, $0x38;
	[tilespmem:$0x1C880] =	vst v63  }
0xd7: {  	_ =	swait.ge [sflag:s22], $0x2800  }
0xd8: {  	[sflag:s22] =	ssyncset.done $0x0  }
0xd9: {  	s5 =	simm.s32 $0x0;
	[sflag:s22] =	ssyncadd.s32 $0xFFFFD800  }
0xda: {  	[spmem:s31] =	stream.indirect.scatter.add.f32 [tilespmem:s20], [sflag:$0x3], $0x80, s5, s23, $0xb8;
	[tilespmem:$0x1C880] =	vst v63  }
0xdb: {  	_ =	swait.ge [sflag:s19], $0x2800  }
0xdc: {  	[sflag:s19] =	ssyncset.done $0x0  }
0xdd: {  	s6 =	sadd.s32 $0xFFFFFB00, s12;
	[sflag:s19] =	ssyncadd.s32 $0xFFFFD800  }
0xde: {  	[tilespmem:s20], [sflag:$0x1] =	stream.linear.gather [hbm4b:s6+s29], $0x2800, $0x38;
	[tilespmem:$0x1C880] =	vst v63  }
0xdf: {  	_ =	swait.ge [sflag:s24], $0x2800  }
0xe0: {  	[sflag:s24] =	ssyncset.done $0x0  }
0xe1: {  	s10 =	simm.s32 $0x80;
	[sflag:s24] =	ssyncadd.s32 $0xFFFFD800  }
0xe2: {  	[spmem:s31] =	stream.indirect.scatter.add.f32 [tilespmem:s21], [sflag:$0x3], $0x80, s10, s23, $0xb8;
	[tilespmem:$0x1C880] =	vst v63  }
0xe3: {  	_ =	swait.ge [sflag:s19], $0x2800  }
0xe4: {  	s2 =	simm.s32 $0x400;
	[sflag:s19] =	ssyncset.done $0x0  }
0xe5: {  	s3 =	sadd.s32 $0xA00, s12;
	s10 =	smov.u32 s12;
	[sflag:s19] =	ssyncadd.s32 $0xFFFFD800  }
.LBB2_6:
0xe6: {  	[tilespmem:s21], [sflag:$0x2] =	stream.linear.gather [hbm4b:s10+s29], $0x2800, $0x38;
	[tilespmem:$0x1C880] =	vst v63  }
0xe7: {  	s5 =	smov.u32 s2;
	s10 =	smov.u32 s3  }
0xe8: {  	p1 =	sne.s32 s2, $0xF000;
	s2 =	sadd.s32 $0x400, s2;
	_ =	swait.ge [sflag:s22], $0x2800  }
0xe9: {  	[sflag:s22] =	ssyncset.done $0x0  }
0xea: {  	s5 =	sshra.s32 s5, $0x2;
	[sflag:s22] =	ssyncadd.s32 $0xFFFFD800  }
0xeb: {  	[spmem:s31] =	stream.indirect.scatter.add.f32 [tilespmem:s20], [sflag:$0x3], $0x80, s5, s23, $0xb8;
	[tilespmem:$0x1C880] =	vst v63  }
0xec: {  	_ =	swait.ge [sflag:s19], $0x2800  }
0xed: {  	[sflag:s19] =	ssyncset.done $0x0  }
0xee: {  	s6 =	sadd.s32 $0xFFFFFB00, s3;
	[sflag:s19] =	ssyncadd.s32 $0xFFFFD800  }
0xef: {  	[tilespmem:s20], [sflag:$0x1] =	stream.linear.gather [hbm4b:s6+s29], $0x2800, $0x38;
	[tilespmem:$0x1C880] =	vst v63  }
0xf0: {  	_ =	swait.ge [sflag:s24], $0x2800  }
0xf1: {  	[sflag:s24] =	ssyncset.done $0x0  }
.Ltmp2:
0xf2: {  	s5 =	sadd.s32 $0x80, s5;
	[sflag:s24] =	ssyncadd.s32 $0xFFFFD800;
	(pc) =	sbr.rel @p1 .LBB2_6-.Ltmp2, $4  }
0xf3: {  	[spmem:s31] =	stream.indirect.scatter.add.f32 [tilespmem:s21], [sflag:$0x3], $0x80, s5, s23, $0xb8;
	[tilespmem:$0x1C880] =	vst v63  }
0xf4: {  	_ =	swait.ge [sflag:s19], $0x2800  }
0xf5: {  	[sflag:s19] =	ssyncset.done $0x0  }
0xf6: {  	s3 =	sadd.s32 $0xA00, s3;
	[sflag:s19] =	ssyncadd.s32 $0xFFFFD800  }
0xf7: {  	[tilespmem:s21], [sflag:$0x2] =	stream.linear.gather [hbm4b:s10+s29], $0x2800, $0x38;
	[tilespmem:$0x1C880] =	vst v63  }
0xf8: {  	_ =	swait.ge [sflag:s22], $0x2800  }
0xf9: {  	[sflag:s22] =	ssyncset.done $0x0  }
0xfa: {  	[sflag:s22] =	ssyncadd.s32 $0xFFFFD800  }
0xfb: {  	[spmem:s31] =	stream.indirect.scatter.add.f32 [tilespmem:s20], [sflag:$0x3], $0x80, s25, s23, $0xb8;
	[tilespmem:$0x1C880] =	vst v63  }
0xfc: {  	_ =	swait.ge [sflag:s19], $0x2800  }
0xfd: {  	[sflag:s19] =	ssyncset.done $0x0  }
0xfe: {  	s2 =	rddreg [dreg:$0x19];
	[sflag:s19] =	ssyncadd.s32 $0xFFFFD800  }
0xff: {  	[tilespmem:s20], [sflag:$0x1] =	stream.linear.gather [hbm4b:s2+s29], $0x2800, $0x38;
	[tilespmem:$0x1C880] =	vst v63  }
0x100: {  	_ =	swait.ge [sflag:s24], $0x2800  }
0x101: {  	[sflag:s24] =	ssyncset.done $0x0  }
0x102: {  	[sflag:s24] =	ssyncadd.s32 $0xFFFFD800  }
0x103: {  	[spmem:s31] =	stream.indirect.scatter.add.f32 [tilespmem:s21], [sflag:$0x3], $0x80, s26, s23, $0xb8;
	[tilespmem:$0x1C880] =	vst v63  }
0x104: {  	_ =	swait.ge [sflag:s19], $0x2800  }
0x105: {  	[sflag:s19] =	ssyncset.done $0x0  }
0x106: {  	[sflag:s19] =	ssyncadd.s32 $0xFFFFD800  }
0x107: {  	_ =	swait.ge [sflag:s22], $0x2800  }
0x108: {  	[sflag:s22] =	ssyncset.done $0x0  }
0x109: {  	[sflag:s22] =	ssyncadd.s32 $0xFFFFD800  }
0x10a: {  	[spmem:s31] =	stream.indirect.scatter.add.f32 [tilespmem:s20], [sflag:$0x3], $0x80, s28, s23, $0xb8;
	[tilespmem:$0x1C880] =	vst v63  }
0x10b: {  	_ =	swait.ge [sflag:s19], $0x2800  }
0x10c: {  	[sflag:s19] =	ssyncset.done $0x0  }
0x10d: {  	[sflag:s19] =	ssyncadd.s32 $0xFFFFD800  }
0x10e: {  	[bflag:$0x0] =	sbarrier.arrive $0xFFFF  }
0x10f: {  	[bflag:$0x0] =	sbarrier.arrive @p0 $0xFFFF  }
0x110: {  	s3 =	sld [smem:$0x7F9];
	_ =	sdelay $0x1  }
0x111: {  	s2 =	simm.s32 @!p0 $0x1C03  }
0x112: {  	[hbm:s3], [sflag:s2] =	dma.local @!p0 [spmem:s1], $0x27100  }
0x113: {  	s3 =	simm.s32 @!p0 $0x3  }
0x114: {  	_ =	swait.ge @!p0 [sflag:s3], $0x27100  }
0x115: {  	[sflag:s3] =	ssyncset.done @!p0 $0x0  }
0x116: {  	[sflag:s3] =	ssyncadd.s32 @!p0 $0xFFFD8F00  }
0x117: {  	[bflag:$0x0] =	sbarrier.arrive @!p0 $0xFFFF  }
0x118: {  	[spmem:s1], [sflag:s2] =	dma.local @!p0 [hbm:s30], $0x27100  }
0x119: {  	_ =	swait.ge @!p0 [sflag:s3], $0x27100  }
0x11a: {  	[sflag:s3] =	ssyncset.done @!p0 $0x0  }
0x11b: {  	[sflag:s3] =	ssyncadd.s32 @!p0 $0xFFFD8F00  }
0x11c: {  	[bflag:$0x0] =	sbarrier.arrive $0xFFFF  }
0x11d: {  	s5 =	simm.s32 $0x0;
	s6 =	rddreg [dreg:$0x8]  }
0x11e: {  	[tilespmem:s20], [sflag:$0x1] =	stream.linear.gather [hbm4b:s6+s5], $0x2800, $0x38;
	[tilespmem:$0x1C880] =	vst v63  }
0x11f: {  	s10 =	rddreg [dreg:$0x11]  }
0x120: {  	[tilespmem:s21], [sflag:$0x2] =	stream.linear.gather [hbm4b:s10+s5], $0x2800, $0x38;
	[tilespmem:$0x1C880] =	vst v63  }
0x121: {  	_ =	swait.ge [sflag:s22], $0x2800  }
0x122: {  	[sflag:s22] =	ssyncset.done $0x0  }
0x123: {  	s5 =	simm.s32 $0x0;
	[sflag:s22] =	ssyncadd.s32 $0xFFFFD800  }
0x124: {  	[spmem:s31] =	stream.indirect.scatter.add.f32 [tilespmem:s20], [sflag:$0x3], $0x80, s5, s23, $0xb8;
	[tilespmem:$0x1C880] =	vst v63  }
0x125: {  	_ =	swait.ge [sflag:s19], $0x2800  }
0x126: {  	[sflag:s19] =	ssyncset.done $0x0  }
0x127: {  	s6 =	sadd.s32 $0xFFFFFB00, s13;
	[sflag:s19] =	ssyncadd.s32 $0xFFFFD800  }
0x128: {  	[tilespmem:s20], [sflag:$0x1] =	stream.linear.gather [hbm4b:s6+s29], $0x2800, $0x38;
	[tilespmem:$0x1C880] =	vst v63  }
0x129: {  	_ =	swait.ge [sflag:s24], $0x2800  }
0x12a: {  	[sflag:s24] =	ssyncset.done $0x0  }
0x12b: {  	s10 =	simm.s32 $0x80;
	[sflag:s24] =	ssyncadd.s32 $0xFFFFD800  }
0x12c: {  	[spmem:s31] =	stream.indirect.scatter.add.f32 [tilespmem:s21], [sflag:$0x3], $0x80, s10, s23, $0xb8;
	[tilespmem:$0x1C880] =	vst v63  }
0x12d: {  	_ =	swait.ge [sflag:s19], $0x2800  }
0x12e: {  	s2 =	simm.s32 $0x400;
	[sflag:s19] =	ssyncset.done $0x0  }
0x12f: {  	s3 =	sadd.s32 $0xA00, s13;
	s10 =	smov.u32 s13;
	[sflag:s19] =	ssyncadd.s32 $0xFFFFD800  }
.LBB2_8:
0x130: {  	[tilespmem:s21], [sflag:$0x2] =	stream.linear.gather [hbm4b:s10+s29], $0x2800, $0x38;
	[tilespmem:$0x1C880] =	vst v63  }
0x131: {  	s5 =	smov.u32 s2;
	s10 =	smov.u32 s3  }
0x132: {  	p1 =	sne.s32 s2, $0xF000;
	s2 =	sadd.s32 $0x400, s2;
	_ =	swait.ge [sflag:s22], $0x2800  }
0x133: {  	[sflag:s22] =	ssyncset.done $0x0  }
0x134: {  	s5 =	sshra.s32 s5, $0x2;
	[sflag:s22] =	ssyncadd.s32 $0xFFFFD800  }
0x135: {  	[spmem:s31] =	stream.indirect.scatter.add.f32 [tilespmem:s20], [sflag:$0x3], $0x80, s5, s23, $0xb8;
	[tilespmem:$0x1C880] =	vst v63  }
0x136: {  	_ =	swait.ge [sflag:s19], $0x2800  }
0x137: {  	[sflag:s19] =	ssyncset.done $0x0  }
0x138: {  	s6 =	sadd.s32 $0xFFFFFB00, s3;
	[sflag:s19] =	ssyncadd.s32 $0xFFFFD800  }
0x139: {  	[tilespmem:s20], [sflag:$0x1] =	stream.linear.gather [hbm4b:s6+s29], $0x2800, $0x38;
	[tilespmem:$0x1C880] =	vst v63  }
0x13a: {  	_ =	swait.ge [sflag:s24], $0x2800  }
0x13b: {  	[sflag:s24] =	ssyncset.done $0x0  }
.Ltmp3:
0x13c: {  	s5 =	sadd.s32 $0x80, s5;
	[sflag:s24] =	ssyncadd.s32 $0xFFFFD800;
	(pc) =	sbr.rel @p1 .LBB2_8-.Ltmp3, $4  }
0x13d: {  	[spmem:s31] =	stream.indirect.scatter.add.f32 [tilespmem:s21], [sflag:$0x3], $0x80, s5, s23, $0xb8;
	[tilespmem:$0x1C880] =	vst v63  }
0x13e: {  	_ =	swait.ge [sflag:s19], $0x2800  }
0x13f: {  	[sflag:s19] =	ssyncset.done $0x0  }
0x140: {  	s3 =	sadd.s32 $0xA00, s3;
	[sflag:s19] =	ssyncadd.s32 $0xFFFFD800  }
0x141: {  	[tilespmem:s21], [sflag:$0x2] =	stream.linear.gather [hbm4b:s10+s29], $0x2800, $0x38;
	[tilespmem:$0x1C880] =	vst v63  }
0x142: {  	_ =	swait.ge [sflag:s22], $0x2800  }
0x143: {  	[sflag:s22] =	ssyncset.done $0x0  }
0x144: {  	[sflag:s22] =	ssyncadd.s32 $0xFFFFD800  }
0x145: {  	[spmem:s31] =	stream.indirect.scatter.add.f32 [tilespmem:s20], [sflag:$0x3], $0x80, s25, s23, $0xb8;
	[tilespmem:$0x1C880] =	vst v63  }
0x146: {  	_ =	swait.ge [sflag:s19], $0x2800  }
0x147: {  	[sflag:s19] =	ssyncset.done $0x0  }
0x148: {  	s2 =	rddreg [dreg:$0x1a];
	[sflag:s19] =	ssyncadd.s32 $0xFFFFD800  }
0x149: {  	[tilespmem:s20], [sflag:$0x1] =	stream.linear.gather [hbm4b:s2+s29], $0x2800, $0x38;
	[tilespmem:$0x1C880] =	vst v63  }
0x14a: {  	_ =	swait.ge [sflag:s24], $0x2800  }
0x14b: {  	[sflag:s24] =	ssyncset.done $0x0  }
0x14c: {  	[sflag:s24] =	ssyncadd.s32 $0xFFFFD800  }
0x14d: {  	[spmem:s31] =	stream.indirect.scatter.add.f32 [tilespmem:s21], [sflag:$0x3], $0x80, s26, s23, $0xb8;
	[tilespmem:$0x1C880] =	vst v63  }
0x14e: {  	_ =	swait.ge [sflag:s19], $0x2800  }
0x14f: {  	[sflag:s19] =	ssyncset.done $0x0  }
0x150: {  	[sflag:s19] =	ssyncadd.s32 $0xFFFFD800  }
0x151: {  	_ =	swait.ge [sflag:s22], $0x2800  }
0x152: {  	[sflag:s22] =	ssyncset.done $0x0  }
0x153: {  	[sflag:s22] =	ssyncadd.s32 $0xFFFFD800  }
0x154: {  	[spmem:s31] =	stream.indirect.scatter.add.f32 [tilespmem:s20], [sflag:$0x3], $0x80, s28, s23, $0xb8;
	[tilespmem:$0x1C880] =	vst v63  }
0x155: {  	_ =	swait.ge [sflag:s19], $0x2800  }
0x156: {  	[sflag:s19] =	ssyncset.done $0x0  }
0x157: {  	[sflag:s19] =	ssyncadd.s32 $0xFFFFD800  }
0x158: {  	[bflag:$0x0] =	sbarrier.arrive $0xFFFF  }
0x159: {  	[bflag:$0x0] =	sbarrier.arrive @p0 $0xFFFF  }
0x15a: {  	s3 =	sld [smem:$0x7FA];
	_ =	sdelay $0x1  }
0x15b: {  	s2 =	simm.s32 @!p0 $0x1C03  }
0x15c: {  	[hbm:s3], [sflag:s2] =	dma.local @!p0 [spmem:s1], $0x27100  }
0x15d: {  	s3 =	simm.s32 @!p0 $0x3  }
0x15e: {  	_ =	swait.ge @!p0 [sflag:s3], $0x27100  }
0x15f: {  	[sflag:s3] =	ssyncset.done @!p0 $0x0  }
0x160: {  	[sflag:s3] =	ssyncadd.s32 @!p0 $0xFFFD8F00  }
0x161: {  	[bflag:$0x0] =	sbarrier.arrive @!p0 $0xFFFF  }
0x162: {  	[spmem:s1], [sflag:s2] =	dma.local @!p0 [hbm:s30], $0x27100  }
0x163: {  	_ =	swait.ge @!p0 [sflag:s3], $0x27100  }
0x164: {  	[sflag:s3] =	ssyncset.done @!p0 $0x0  }
0x165: {  	[sflag:s3] =	ssyncadd.s32 @!p0 $0xFFFD8F00  }
0x166: {  	[bflag:$0x0] =	sbarrier.arrive $0xFFFF  }
0x167: {  	s5 =	simm.s32 $0x0;
	s6 =	rddreg [dreg:$0x9]  }
0x168: {  	[tilespmem:s20], [sflag:$0x1] =	stream.linear.gather [hbm4b:s6+s5], $0x2800, $0x38;
	[tilespmem:$0x1C880] =	vst v63  }
0x169: {  	s10 =	rddreg [dreg:$0x12]  }
0x16a: {  	[tilespmem:s21], [sflag:$0x2] =	stream.linear.gather [hbm4b:s10+s5], $0x2800, $0x38;
	[tilespmem:$0x1C880] =	vst v63  }
0x16b: {  	_ =	swait.ge [sflag:s22], $0x2800  }
0x16c: {  	[sflag:s22] =	ssyncset.done $0x0  }
0x16d: {  	s5 =	simm.s32 $0x0;
	[sflag:s22] =	ssyncadd.s32 $0xFFFFD800  }
0x16e: {  	[spmem:s31] =	stream.indirect.scatter.add.f32 [tilespmem:s20], [sflag:$0x3], $0x80, s5, s23, $0xb8;
	[tilespmem:$0x1C880] =	vst v63  }
0x16f: {  	_ =	swait.ge [sflag:s19], $0x2800  }
0x170: {  	[sflag:s19] =	ssyncset.done $0x0  }
0x171: {  	s6 =	sadd.s32 $0xFFFFFB00, s14;
	[sflag:s19] =	ssyncadd.s32 $0xFFFFD800  }
0x172: {  	[tilespmem:s20], [sflag:$0x1] =	stream.linear.gather [hbm4b:s6+s29], $0x2800, $0x38;
	[tilespmem:$0x1C880] =	vst v63  }
0x173: {  	_ =	swait.ge [sflag:s24], $0x2800  }
0x174: {  	[sflag:s24] =	ssyncset.done $0x0  }
0x175: {  	s10 =	simm.s32 $0x80;
	[sflag:s24] =	ssyncadd.s32 $0xFFFFD800  }
0x176: {  	[spmem:s31] =	stream.indirect.scatter.add.f32 [tilespmem:s21], [sflag:$0x3], $0x80, s10, s23, $0xb8;
	[tilespmem:$0x1C880] =	vst v63  }
0x177: {  	_ =	swait.ge [sflag:s19], $0x2800  }
0x178: {  	s2 =	simm.s32 $0x400;
	[sflag:s19] =	ssyncset.done $0x0  }
0x179: {  	s3 =	sadd.s32 $0xA00, s14;
	s10 =	smov.u32 s14;
	[sflag:s19] =	ssyncadd.s32 $0xFFFFD800  }
.LBB2_10:
0x17a: {  	[tilespmem:s21], [sflag:$0x2] =	stream.linear.gather [hbm4b:s10+s29], $0x2800, $0x38;
	[tilespmem:$0x1C880] =	vst v63  }
0x17b: {  	s5 =	smov.u32 s2;
	s10 =	smov.u32 s3  }
0x17c: {  	p1 =	sne.s32 s2, $0xF000;
	s2 =	sadd.s32 $0x400, s2;
	_ =	swait.ge [sflag:s22], $0x2800  }
0x17d: {  	[sflag:s22] =	ssyncset.done $0x0  }
0x17e: {  	s5 =	sshra.s32 s5, $0x2;
	[sflag:s22] =	ssyncadd.s32 $0xFFFFD800  }
0x17f: {  	[spmem:s31] =	stream.indirect.scatter.add.f32 [tilespmem:s20], [sflag:$0x3], $0x80, s5, s23, $0xb8;
	[tilespmem:$0x1C880] =	vst v63  }
0x180: {  	_ =	swait.ge [sflag:s19], $0x2800  }
0x181: {  	[sflag:s19] =	ssyncset.done $0x0  }
0x182: {  	s6 =	sadd.s32 $0xFFFFFB00, s3;
	[sflag:s19] =	ssyncadd.s32 $0xFFFFD800  }
0x183: {  	[tilespmem:s20], [sflag:$0x1] =	stream.linear.gather [hbm4b:s6+s29], $0x2800, $0x38;
	[tilespmem:$0x1C880] =	vst v63  }
0x184: {  	_ =	swait.ge [sflag:s24], $0x2800  }
0x185: {  	[sflag:s24] =	ssyncset.done $0x0  }
.Ltmp4:
0x186: {  	s5 =	sadd.s32 $0x80, s5;
	[sflag:s24] =	ssyncadd.s32 $0xFFFFD800;
	(pc) =	sbr.rel @p1 .LBB2_10-.Ltmp4, $4  }
0x187: {  	[spmem:s31] =	stream.indirect.scatter.add.f32 [tilespmem:s21], [sflag:$0x3], $0x80, s5, s23, $0xb8;
	[tilespmem:$0x1C880] =	vst v63  }
0x188: {  	_ =	swait.ge [sflag:s19], $0x2800  }
0x189: {  	[sflag:s19] =	ssyncset.done $0x0  }
0x18a: {  	s3 =	sadd.s32 $0xA00, s3;
	[sflag:s19] =	ssyncadd.s32 $0xFFFFD800  }
0x18b: {  	[tilespmem:s21], [sflag:$0x2] =	stream.linear.gather [hbm4b:s10+s29], $0x2800, $0x38;
	[tilespmem:$0x1C880] =	vst v63  }
0x18c: {  	_ =	swait.ge [sflag:s22], $0x2800  }
0x18d: {  	[sflag:s22] =	ssyncset.done $0x0  }
0x18e: {  	[sflag:s22] =	ssyncadd.s32 $0xFFFFD800  }
0x18f: {  	[spmem:s31] =	stream.indirect.scatter.add.f32 [tilespmem:s20], [sflag:$0x3], $0x80, s25, s23, $0xb8;
	[tilespmem:$0x1C880] =	vst v63  }
0x190: {  	_ =	swait.ge [sflag:s19], $0x2800  }
0x191: {  	[sflag:s19] =	ssyncset.done $0x0  }
0x192: {  	s2 =	rddreg [dreg:$0x1b];
	[sflag:s19] =	ssyncadd.s32 $0xFFFFD800  }
0x193: {  	[tilespmem:s20], [sflag:$0x1] =	stream.linear.gather [hbm4b:s2+s29], $0x2800, $0x38;
	[tilespmem:$0x1C880] =	vst v63  }
0x194: {  	_ =	swait.ge [sflag:s24], $0x2800  }
0x195: {  	[sflag:s24] =	ssyncset.done $0x0  }
0x196: {  	[sflag:s24] =	ssyncadd.s32 $0xFFFFD800  }
0x197: {  	[spmem:s31] =	stream.indirect.scatter.add.f32 [tilespmem:s21], [sflag:$0x3], $0x80, s26, s23, $0xb8;
	[tilespmem:$0x1C880] =	vst v63  }
0x198: {  	_ =	swait.ge [sflag:s19], $0x2800  }
0x199: {  	[sflag:s19] =	ssyncset.done $0x0  }
0x19a: {  	[sflag:s19] =	ssyncadd.s32 $0xFFFFD800  }
0x19b: {  	_ =	swait.ge [sflag:s22], $0x2800  }
0x19c: {  	[sflag:s22] =	ssyncset.done $0x0  }
0x19d: {  	[sflag:s22] =	ssyncadd.s32 $0xFFFFD800  }
0x19e: {  	[spmem:s31] =	stream.indirect.scatter.add.f32 [tilespmem:s20], [sflag:$0x3], $0x80, s28, s23, $0xb8;
	[tilespmem:$0x1C880] =	vst v63  }
0x19f: {  	_ =	swait.ge [sflag:s19], $0x2800  }
0x1a0: {  	[sflag:s19] =	ssyncset.done $0x0  }
0x1a1: {  	[sflag:s19] =	ssyncadd.s32 $0xFFFFD800  }
0x1a2: {  	[bflag:$0x0] =	sbarrier.arrive $0xFFFF  }
0x1a3: {  	[bflag:$0x0] =	sbarrier.arrive @p0 $0xFFFF  }
0x1a4: {  	s3 =	sld [smem:$0x7FB];
	_ =	sdelay $0x1  }
0x1a5: {  	s2 =	simm.s32 @!p0 $0x1C03  }
0x1a6: {  	[hbm:s3], [sflag:s2] =	dma.local @!p0 [spmem:s1], $0x27100  }
0x1a7: {  	s3 =	simm.s32 @!p0 $0x3  }
0x1a8: {  	_ =	swait.ge @!p0 [sflag:s3], $0x27100  }
0x1a9: {  	[sflag:s3] =	ssyncset.done @!p0 $0x0  }
0x1aa: {  	[sflag:s3] =	ssyncadd.s32 @!p0 $0xFFFD8F00  }
0x1ab: {  	[bflag:$0x0] =	sbarrier.arrive @!p0 $0xFFFF  }
0x1ac: {  	[spmem:s1], [sflag:s2] =	dma.local @!p0 [hbm:s30], $0x27100  }
0x1ad: {  	_ =	swait.ge @!p0 [sflag:s3], $0x27100  }
0x1ae: {  	[sflag:s3] =	ssyncset.done @!p0 $0x0  }
0x1af: {  	[sflag:s3] =	ssyncadd.s32 @!p0 $0xFFFD8F00  }
0x1b0: {  	[bflag:$0x0] =	sbarrier.arrive $0xFFFF  }
0x1b1: {  	s5 =	simm.s32 $0x0;
	s6 =	rddreg [dreg:$0xa]  }
0x1b2: {  	[tilespmem:s20], [sflag:$0x1] =	stream.linear.gather [hbm4b:s6+s5], $0x2800, $0x38;
	[tilespmem:$0x1C880] =	vst v63  }
0x1b3: {  	s10 =	rddreg [dreg:$0x13]  }
0x1b4: {  	[tilespmem:s21], [sflag:$0x2] =	stream.linear.gather [hbm4b:s10+s5], $0x2800, $0x38;
	[tilespmem:$0x1C880] =	vst v63  }
0x1b5: {  	_ =	swait.ge [sflag:s22], $0x2800  }
0x1b6: {  	[sflag:s22] =	ssyncset.done $0x0  }
0x1b7: {  	s5 =	simm.s32 $0x0;
	[sflag:s22] =	ssyncadd.s32 $0xFFFFD800  }
0x1b8: {  	[spmem:s31] =	stream.indirect.scatter.add.f32 [tilespmem:s20], [sflag:$0x3], $0x80, s5, s23, $0xb8;
	[tilespmem:$0x1C880] =	vst v63  }
0x1b9: {  	_ =	swait.ge [sflag:s19], $0x2800  }
0x1ba: {  	[sflag:s19] =	ssyncset.done $0x0  }
0x1bb: {  	s6 =	sadd.s32 $0xFFFFFB00, s15;
	[sflag:s19] =	ssyncadd.s32 $0xFFFFD800  }
0x1bc: {  	[tilespmem:s20], [sflag:$0x1] =	stream.linear.gather [hbm4b:s6+s29], $0x2800, $0x38;
	[tilespmem:$0x1C880] =	vst v63  }
0x1bd: {  	_ =	swait.ge [sflag:s24], $0x2800  }
0x1be: {  	[sflag:s24] =	ssyncset.done $0x0  }
0x1bf: {  	s10 =	simm.s32 $0x80;
	[sflag:s24] =	ssyncadd.s32 $0xFFFFD800  }
0x1c0: {  	[spmem:s31] =	stream.indirect.scatter.add.f32 [tilespmem:s21], [sflag:$0x3], $0x80, s10, s23, $0xb8;
	[tilespmem:$0x1C880] =	vst v63  }
0x1c1: {  	_ =	swait.ge [sflag:s19], $0x2800  }
0x1c2: {  	s2 =	simm.s32 $0x400;
	[sflag:s19] =	ssyncset.done $0x0  }
0x1c3: {  	s3 =	sadd.s32 $0xA00, s15;
	s10 =	smov.u32 s15;
	[sflag:s19] =	ssyncadd.s32 $0xFFFFD800  }
.LBB2_12:
0x1c4: {  	[tilespmem:s21], [sflag:$0x2] =	stream.linear.gather [hbm4b:s10+s29], $0x2800, $0x38;
	[tilespmem:$0x1C880] =	vst v63  }
0x1c5: {  	s5 =	smov.u32 s2;
	s10 =	smov.u32 s3  }
0x1c6: {  	p1 =	sne.s32 s2, $0xF000;
	s2 =	sadd.s32 $0x400, s2;
	_ =	swait.ge [sflag:s22], $0x2800  }
0x1c7: {  	[sflag:s22] =	ssyncset.done $0x0  }
0x1c8: {  	s5 =	sshra.s32 s5, $0x2;
	[sflag:s22] =	ssyncadd.s32 $0xFFFFD800  }
0x1c9: {  	[spmem:s31] =	stream.indirect.scatter.add.f32 [tilespmem:s20], [sflag:$0x3], $0x80, s5, s23, $0xb8;
	[tilespmem:$0x1C880] =	vst v63  }
0x1ca: {  	_ =	swait.ge [sflag:s19], $0x2800  }
0x1cb: {  	[sflag:s19] =	ssyncset.done $0x0  }
0x1cc: {  	s6 =	sadd.s32 $0xFFFFFB00, s3;
	[sflag:s19] =	ssyncadd.s32 $0xFFFFD800  }
0x1cd: {  	[tilespmem:s20], [sflag:$0x1] =	stream.linear.gather [hbm4b:s6+s29], $0x2800, $0x38;
	[tilespmem:$0x1C880] =	vst v63  }
0x1ce: {  	_ =	swait.ge [sflag:s24], $0x2800  }
0x1cf: {  	[sflag:s24] =	ssyncset.done $0x0  }
.Ltmp5:
0x1d0: {  	s5 =	sadd.s32 $0x80, s5;
	[sflag:s24] =	ssyncadd.s32 $0xFFFFD800;
	(pc) =	sbr.rel @p1 .LBB2_12-.Ltmp5, $4  }
0x1d1: {  	[spmem:s31] =	stream.indirect.scatter.add.f32 [tilespmem:s21], [sflag:$0x3], $0x80, s5, s23, $0xb8;
	[tilespmem:$0x1C880] =	vst v63  }
0x1d2: {  	_ =	swait.ge [sflag:s19], $0x2800  }
0x1d3: {  	[sflag:s19] =	ssyncset.done $0x0  }
0x1d4: {  	s3 =	sadd.s32 $0xA00, s3;
	[sflag:s19] =	ssyncadd.s32 $0xFFFFD800  }
0x1d5: {  	[tilespmem:s21], [sflag:$0x2] =	stream.linear.gather [hbm4b:s10+s29], $0x2800, $0x38;
	[tilespmem:$0x1C880] =	vst v63  }
0x1d6: {  	_ =	swait.ge [sflag:s22], $0x2800  }
0x1d7: {  	[sflag:s22] =	ssyncset.done $0x0  }
0x1d8: {  	[sflag:s22] =	ssyncadd.s32 $0xFFFFD800  }
0x1d9: {  	[spmem:s31] =	stream.indirect.scatter.add.f32 [tilespmem:s20], [sflag:$0x3], $0x80, s25, s23, $0xb8;
	[tilespmem:$0x1C880] =	vst v63  }
0x1da: {  	_ =	swait.ge [sflag:s19], $0x2800  }
0x1db: {  	[sflag:s19] =	ssyncset.done $0x0  }
0x1dc: {  	s2 =	rddreg [dreg:$0x1c];
	[sflag:s19] =	ssyncadd.s32 $0xFFFFD800  }
0x1dd: {  	[tilespmem:s20], [sflag:$0x1] =	stream.linear.gather [hbm4b:s2+s29], $0x2800, $0x38;
	[tilespmem:$0x1C880] =	vst v63  }
0x1de: {  	_ =	swait.ge [sflag:s24], $0x2800  }
0x1df: {  	[sflag:s24] =	ssyncset.done $0x0  }
0x1e0: {  	[sflag:s24] =	ssyncadd.s32 $0xFFFFD800  }
0x1e1: {  	[spmem:s31] =	stream.indirect.scatter.add.f32 [tilespmem:s21], [sflag:$0x3], $0x80, s26, s23, $0xb8;
	[tilespmem:$0x1C880] =	vst v63  }
0x1e2: {  	_ =	swait.ge [sflag:s19], $0x2800  }
0x1e3: {  	[sflag:s19] =	ssyncset.done $0x0  }
0x1e4: {  	[sflag:s19] =	ssyncadd.s32 $0xFFFFD800  }
0x1e5: {  	_ =	swait.ge [sflag:s22], $0x2800  }
0x1e6: {  	[sflag:s22] =	ssyncset.done $0x0  }
0x1e7: {  	[sflag:s22] =	ssyncadd.s32 $0xFFFFD800  }
0x1e8: {  	[spmem:s31] =	stream.indirect.scatter.add.f32 [tilespmem:s20], [sflag:$0x3], $0x80, s28, s23, $0xb8;
	[tilespmem:$0x1C880] =	vst v63  }
0x1e9: {  	_ =	swait.ge [sflag:s19], $0x2800  }
0x1ea: {  	[sflag:s19] =	ssyncset.done $0x0  }
0x1eb: {  	[sflag:s19] =	ssyncadd.s32 $0xFFFFD800  }
0x1ec: {  	[bflag:$0x0] =	sbarrier.arrive $0xFFFF  }
0x1ed: {  	[bflag:$0x0] =	sbarrier.arrive @p0 $0xFFFF  }
0x1ee: {  	s3 =	sld [smem:$0x7FC];
	_ =	sdelay $0x1  }
0x1ef: {  	s2 =	simm.s32 @!p0 $0x1C03  }
0x1f0: {  	[hbm:s3], [sflag:s2] =	dma.local @!p0 [spmem:s1], $0x27100  }
0x1f1: {  	s3 =	simm.s32 @!p0 $0x3  }
0x1f2: {  	_ =	swait.ge @!p0 [sflag:s3], $0x27100  }
0x1f3: {  	[sflag:s3] =	ssyncset.done @!p0 $0x0  }
0x1f4: {  	[sflag:s3] =	ssyncadd.s32 @!p0 $0xFFFD8F00  }
0x1f5: {  	[bflag:$0x0] =	sbarrier.arrive @!p0 $0xFFFF  }
0x1f6: {  	[spmem:s1], [sflag:s2] =	dma.local @!p0 [hbm:s30], $0x27100  }
0x1f7: {  	_ =	swait.ge @!p0 [sflag:s3], $0x27100  }
0x1f8: {  	[sflag:s3] =	ssyncset.done @!p0 $0x0  }
0x1f9: {  	[sflag:s3] =	ssyncadd.s32 @!p0 $0xFFFD8F00  }
0x1fa: {  	[bflag:$0x0] =	sbarrier.arrive $0xFFFF  }
0x1fb: {  	s5 =	simm.s32 $0x0;
	s6 =	rddreg [dreg:$0xb]  }
0x1fc: {  	[tilespmem:s20], [sflag:$0x1] =	stream.linear.gather [hbm4b:s6+s5], $0x2800, $0x38;
	[tilespmem:$0x1C880] =	vst v63  }
0x1fd: {  	s10 =	rddreg [dreg:$0x14]  }
0x1fe: {  	[tilespmem:s21], [sflag:$0x2] =	stream.linear.gather [hbm4b:s10+s5], $0x2800, $0x38;
	[tilespmem:$0x1C880] =	vst v63  }
0x1ff: {  	_ =	swait.ge [sflag:s22], $0x2800  }
0x200: {  	[sflag:s22] =	ssyncset.done $0x0  }
0x201: {  	s5 =	simm.s32 $0x0;
	[sflag:s22] =	ssyncadd.s32 $0xFFFFD800  }
0x202: {  	[spmem:s31] =	stream.indirect.scatter.add.f32 [tilespmem:s20], [sflag:$0x3], $0x80, s5, s23, $0xb8;
	[tilespmem:$0x1C880] =	vst v63  }
0x203: {  	_ =	swait.ge [sflag:s19], $0x2800  }
0x204: {  	[sflag:s19] =	ssyncset.done $0x0  }
0x205: {  	s6 =	sadd.s32 $0xFFFFFB00, s16;
	[sflag:s19] =	ssyncadd.s32 $0xFFFFD800  }
0x206: {  	[tilespmem:s20], [sflag:$0x1] =	stream.linear.gather [hbm4b:s6+s29], $0x2800, $0x38;
	[tilespmem:$0x1C880] =	vst v63  }
0x207: {  	_ =	swait.ge [sflag:s24], $0x2800  }
0x208: {  	[sflag:s24] =	ssyncset.done $0x0  }
0x209: {  	s10 =	simm.s32 $0x80;
	[sflag:s24] =	ssyncadd.s32 $0xFFFFD800  }
0x20a: {  	[spmem:s31] =	stream.indirect.scatter.add.f32 [tilespmem:s21], [sflag:$0x3], $0x80, s10, s23, $0xb8;
	[tilespmem:$0x1C880] =	vst v63  }
0x20b: {  	_ =	swait.ge [sflag:s19], $0x2800  }
0x20c: {  	s2 =	simm.s32 $0x400;
	[sflag:s19] =	ssyncset.done $0x0  }
0x20d: {  	s3 =	sadd.s32 $0xA00, s16;
	s10 =	smov.u32 s16;
	[sflag:s19] =	ssyncadd.s32 $0xFFFFD800  }
.LBB2_14:
0x20e: {  	[tilespmem:s21], [sflag:$0x2] =	stream.linear.gather [hbm4b:s10+s29], $0x2800, $0x38;
	[tilespmem:$0x1C880] =	vst v63  }
0x20f: {  	s5 =	smov.u32 s2;
	s10 =	smov.u32 s3  }
0x210: {  	p1 =	sne.s32 s2, $0xF000;
	s2 =	sadd.s32 $0x400, s2;
	_ =	swait.ge [sflag:s22], $0x2800  }
0x211: {  	[sflag:s22] =	ssyncset.done $0x0  }
0x212: {  	s5 =	sshra.s32 s5, $0x2;
	[sflag:s22] =	ssyncadd.s32 $0xFFFFD800  }
0x213: {  	[spmem:s31] =	stream.indirect.scatter.add.f32 [tilespmem:s20], [sflag:$0x3], $0x80, s5, s23, $0xb8;
	[tilespmem:$0x1C880] =	vst v63  }
0x214: {  	_ =	swait.ge [sflag:s19], $0x2800  }
0x215: {  	[sflag:s19] =	ssyncset.done $0x0  }
0x216: {  	s6 =	sadd.s32 $0xFFFFFB00, s3;
	[sflag:s19] =	ssyncadd.s32 $0xFFFFD800  }
0x217: {  	[tilespmem:s20], [sflag:$0x1] =	stream.linear.gather [hbm4b:s6+s29], $0x2800, $0x38;
	[tilespmem:$0x1C880] =	vst v63  }
0x218: {  	_ =	swait.ge [sflag:s24], $0x2800  }
0x219: {  	[sflag:s24] =	ssyncset.done $0x0  }
.Ltmp6:
0x21a: {  	s5 =	sadd.s32 $0x80, s5;
	[sflag:s24] =	ssyncadd.s32 $0xFFFFD800;
	(pc) =	sbr.rel @p1 .LBB2_14-.Ltmp6, $4  }
0x21b: {  	[spmem:s31] =	stream.indirect.scatter.add.f32 [tilespmem:s21], [sflag:$0x3], $0x80, s5, s23, $0xb8;
	[tilespmem:$0x1C880] =	vst v63  }
0x21c: {  	_ =	swait.ge [sflag:s19], $0x2800  }
0x21d: {  	[sflag:s19] =	ssyncset.done $0x0  }
0x21e: {  	s3 =	sadd.s32 $0xA00, s3;
	[sflag:s19] =	ssyncadd.s32 $0xFFFFD800  }
0x21f: {  	[tilespmem:s21], [sflag:$0x2] =	stream.linear.gather [hbm4b:s10+s29], $0x2800, $0x38;
	[tilespmem:$0x1C880] =	vst v63  }
0x220: {  	_ =	swait.ge [sflag:s22], $0x2800  }
0x221: {  	[sflag:s22] =	ssyncset.done $0x0  }
0x222: {  	[sflag:s22] =	ssyncadd.s32 $0xFFFFD800  }
0x223: {  	[spmem:s31] =	stream.indirect.scatter.add.f32 [tilespmem:s20], [sflag:$0x3], $0x80, s25, s23, $0xb8;
	[tilespmem:$0x1C880] =	vst v63  }
0x224: {  	_ =	swait.ge [sflag:s19], $0x2800  }
0x225: {  	[sflag:s19] =	ssyncset.done $0x0  }
0x226: {  	s2 =	rddreg [dreg:$0x1d];
	[sflag:s19] =	ssyncadd.s32 $0xFFFFD800  }
0x227: {  	[tilespmem:s20], [sflag:$0x1] =	stream.linear.gather [hbm4b:s2+s29], $0x2800, $0x38;
	[tilespmem:$0x1C880] =	vst v63  }
0x228: {  	_ =	swait.ge [sflag:s24], $0x2800  }
0x229: {  	[sflag:s24] =	ssyncset.done $0x0  }
0x22a: {  	[sflag:s24] =	ssyncadd.s32 $0xFFFFD800  }
0x22b: {  	[spmem:s31] =	stream.indirect.scatter.add.f32 [tilespmem:s21], [sflag:$0x3], $0x80, s26, s23, $0xb8;
	[tilespmem:$0x1C880] =	vst v63  }
0x22c: {  	_ =	swait.ge [sflag:s19], $0x2800  }
0x22d: {  	[sflag:s19] =	ssyncset.done $0x0  }
0x22e: {  	[sflag:s19] =	ssyncadd.s32 $0xFFFFD800  }
0x22f: {  	_ =	swait.ge [sflag:s22], $0x2800  }
0x230: {  	[sflag:s22] =	ssyncset.done $0x0  }
0x231: {  	[sflag:s22] =	ssyncadd.s32 $0xFFFFD800  }
0x232: {  	[spmem:s31] =	stream.indirect.scatter.add.f32 [tilespmem:s20], [sflag:$0x3], $0x80, s28, s23, $0xb8;
	[tilespmem:$0x1C880] =	vst v63  }
0x233: {  	_ =	swait.ge [sflag:s19], $0x2800  }
0x234: {  	[sflag:s19] =	ssyncset.done $0x0  }
0x235: {  	[sflag:s19] =	ssyncadd.s32 $0xFFFFD800  }
0x236: {  	[bflag:$0x0] =	sbarrier.arrive $0xFFFF  }
0x237: {  	[bflag:$0x0] =	sbarrier.arrive @p0 $0xFFFF  }
0x238: {  	s3 =	sld [smem:$0x7FD];
	_ =	sdelay $0x1  }
0x239: {  	s2 =	simm.s32 @!p0 $0x1C03  }
0x23a: {  	[hbm:s3], [sflag:s2] =	dma.local @!p0 [spmem:s1], $0x27100  }
0x23b: {  	s3 =	simm.s32 @!p0 $0x3  }
0x23c: {  	_ =	swait.ge @!p0 [sflag:s3], $0x27100  }
0x23d: {  	[sflag:s3] =	ssyncset.done @!p0 $0x0  }
0x23e: {  	[sflag:s3] =	ssyncadd.s32 @!p0 $0xFFFD8F00  }
0x23f: {  	[bflag:$0x0] =	sbarrier.arrive @!p0 $0xFFFF  }
0x240: {  	[spmem:s1], [sflag:s2] =	dma.local @!p0 [hbm:s30], $0x27100  }
0x241: {  	_ =	swait.ge @!p0 [sflag:s3], $0x27100  }
0x242: {  	[sflag:s3] =	ssyncset.done @!p0 $0x0  }
0x243: {  	[sflag:s3] =	ssyncadd.s32 @!p0 $0xFFFD8F00  }
0x244: {  	[bflag:$0x0] =	sbarrier.arrive $0xFFFF  }
0x245: {  	s5 =	simm.s32 $0x0;
	s6 =	rddreg [dreg:$0xc]  }
0x246: {  	[tilespmem:s20], [sflag:$0x1] =	stream.linear.gather [hbm4b:s6+s5], $0x2800, $0x38;
	[tilespmem:$0x1C880] =	vst v63  }
0x247: {  	s10 =	rddreg [dreg:$0x15]  }
0x248: {  	[tilespmem:s21], [sflag:$0x2] =	stream.linear.gather [hbm4b:s10+s5], $0x2800, $0x38;
	[tilespmem:$0x1C880] =	vst v63  }
0x249: {  	_ =	swait.ge [sflag:s22], $0x2800  }
0x24a: {  	[sflag:s22] =	ssyncset.done $0x0  }
0x24b: {  	s5 =	simm.s32 $0x0;
	[sflag:s22] =	ssyncadd.s32 $0xFFFFD800  }
0x24c: {  	[spmem:s31] =	stream.indirect.scatter.add.f32 [tilespmem:s20], [sflag:$0x3], $0x80, s5, s23, $0xb8;
	[tilespmem:$0x1C880] =	vst v63  }
0x24d: {  	_ =	swait.ge [sflag:s19], $0x2800  }
0x24e: {  	[sflag:s19] =	ssyncset.done $0x0  }
0x24f: {  	s6 =	sadd.s32 $0xFFFFFB00, s17;
	[sflag:s19] =	ssyncadd.s32 $0xFFFFD800  }
0x250: {  	[tilespmem:s20], [sflag:$0x1] =	stream.linear.gather [hbm4b:s6+s29], $0x2800, $0x38;
	[tilespmem:$0x1C880] =	vst v63  }
0x251: {  	_ =	swait.ge [sflag:s24], $0x2800  }
0x252: {  	[sflag:s24] =	ssyncset.done $0x0  }
0x253: {  	s10 =	simm.s32 $0x80;
	[sflag:s24] =	ssyncadd.s32 $0xFFFFD800  }
0x254: {  	[spmem:s31] =	stream.indirect.scatter.add.f32 [tilespmem:s21], [sflag:$0x3], $0x80, s10, s23, $0xb8;
	[tilespmem:$0x1C880] =	vst v63  }
0x255: {  	_ =	swait.ge [sflag:s19], $0x2800  }
0x256: {  	s2 =	simm.s32 $0x400;
	[sflag:s19] =	ssyncset.done $0x0  }
0x257: {  	s3 =	sadd.s32 $0xA00, s17;
	s10 =	smov.u32 s17;
	[sflag:s19] =	ssyncadd.s32 $0xFFFFD800  }
.LBB2_16:
0x258: {  	[tilespmem:s21], [sflag:$0x2] =	stream.linear.gather [hbm4b:s10+s29], $0x2800, $0x38;
	[tilespmem:$0x1C880] =	vst v63  }
0x259: {  	s5 =	smov.u32 s2;
	s10 =	smov.u32 s3  }
0x25a: {  	p1 =	sne.s32 s2, $0xF000;
	s2 =	sadd.s32 $0x400, s2;
	_ =	swait.ge [sflag:s22], $0x2800  }
0x25b: {  	[sflag:s22] =	ssyncset.done $0x0  }
0x25c: {  	s5 =	sshra.s32 s5, $0x2;
	[sflag:s22] =	ssyncadd.s32 $0xFFFFD800  }
0x25d: {  	[spmem:s31] =	stream.indirect.scatter.add.f32 [tilespmem:s20], [sflag:$0x3], $0x80, s5, s23, $0xb8;
	[tilespmem:$0x1C880] =	vst v63  }
0x25e: {  	_ =	swait.ge [sflag:s19], $0x2800  }
0x25f: {  	[sflag:s19] =	ssyncset.done $0x0  }
0x260: {  	s6 =	sadd.s32 $0xFFFFFB00, s3;
	[sflag:s19] =	ssyncadd.s32 $0xFFFFD800  }
0x261: {  	[tilespmem:s20], [sflag:$0x1] =	stream.linear.gather [hbm4b:s6+s29], $0x2800, $0x38;
	[tilespmem:$0x1C880] =	vst v63  }
0x262: {  	_ =	swait.ge [sflag:s24], $0x2800  }
0x263: {  	[sflag:s24] =	ssyncset.done $0x0  }
.Ltmp7:
0x264: {  	s5 =	sadd.s32 $0x80, s5;
	[sflag:s24] =	ssyncadd.s32 $0xFFFFD800;
	(pc) =	sbr.rel @p1 .LBB2_16-.Ltmp7, $4  }
0x265: {  	[spmem:s31] =	stream.indirect.scatter.add.f32 [tilespmem:s21], [sflag:$0x3], $0x80, s5, s23, $0xb8;
	[tilespmem:$0x1C880] =	vst v63  }
0x266: {  	_ =	swait.ge [sflag:s19], $0x2800  }
0x267: {  	[sflag:s19] =	ssyncset.done $0x0  }
0x268: {  	s3 =	sadd.s32 $0xA00, s3;
	[sflag:s19] =	ssyncadd.s32 $0xFFFFD800  }
0x269: {  	[tilespmem:s21], [sflag:$0x2] =	stream.linear.gather [hbm4b:s10+s29], $0x2800, $0x38;
	[tilespmem:$0x1C880] =	vst v63  }
0x26a: {  	_ =	swait.ge [sflag:s22], $0x2800  }
0x26b: {  	[sflag:s22] =	ssyncset.done $0x0  }
0x26c: {  	[sflag:s22] =	ssyncadd.s32 $0xFFFFD800  }
0x26d: {  	[spmem:s31] =	stream.indirect.scatter.add.f32 [tilespmem:s20], [sflag:$0x3], $0x80, s25, s23, $0xb8;
	[tilespmem:$0x1C880] =	vst v63  }
0x26e: {  	_ =	swait.ge [sflag:s19], $0x2800  }
0x26f: {  	[sflag:s19] =	ssyncset.done $0x0  }
0x270: {  	s2 =	rddreg [dreg:$0x1e];
	[sflag:s19] =	ssyncadd.s32 $0xFFFFD800  }
0x271: {  	[tilespmem:s20], [sflag:$0x1] =	stream.linear.gather [hbm4b:s2+s29], $0x2800, $0x38;
	[tilespmem:$0x1C880] =	vst v63  }
0x272: {  	_ =	swait.ge [sflag:s24], $0x2800  }
0x273: {  	[sflag:s24] =	ssyncset.done $0x0  }
0x274: {  	[sflag:s24] =	ssyncadd.s32 $0xFFFFD800  }
0x275: {  	[spmem:s31] =	stream.indirect.scatter.add.f32 [tilespmem:s21], [sflag:$0x3], $0x80, s26, s23, $0xb8;
	[tilespmem:$0x1C880] =	vst v63  }
0x276: {  	_ =	swait.ge [sflag:s19], $0x2800  }
0x277: {  	[sflag:s19] =	ssyncset.done $0x0  }
0x278: {  	[sflag:s19] =	ssyncadd.s32 $0xFFFFD800  }
0x279: {  	_ =	swait.ge [sflag:s22], $0x2800  }
0x27a: {  	[sflag:s22] =	ssyncset.done $0x0  }
0x27b: {  	[sflag:s22] =	ssyncadd.s32 $0xFFFFD800  }
0x27c: {  	[spmem:s31] =	stream.indirect.scatter.add.f32 [tilespmem:s20], [sflag:$0x3], $0x80, s28, s23, $0xb8;
	[tilespmem:$0x1C880] =	vst v63  }
0x27d: {  	_ =	swait.ge [sflag:s19], $0x2800  }
0x27e: {  	[sflag:s19] =	ssyncset.done $0x0  }
0x27f: {  	[sflag:s19] =	ssyncadd.s32 $0xFFFFD800  }
0x280: {  	[bflag:$0x0] =	sbarrier.arrive $0xFFFF  }
0x281: {  	s3 =	simm.s32 @!p0 $0x3;
	s2 =	simm.s32 @!p0 $0x1C03;
	[bflag:$0x0] =	sbarrier.arrive @p0 $0xFFFF  }
0x282: {  	[hbm:s7], [sflag:s2] =	dma.local @!p0 [spmem:s1], $0x27100  }
0x283: {  	_ =	swait.ge @!p0 [sflag:s3], $0x27100  }
0x284: {  	[sflag:s3] =	ssyncset.done @!p0 $0x0  }
0x285: {  	[sflag:s3] =	ssyncadd.s32 @!p0 $0xFFFD8F00  }
0x286: {  	[bflag:$0x0] =	sbarrier.arrive @!p0 $0xFFFF  }
0x287: {  	[spmem:s1], [sflag:s2] =	dma.local @!p0 [hbm:s30], $0x27100  }
0x288: {  	_ =	swait.ge @!p0 [sflag:s3], $0x27100  }
0x289: {  	[sflag:s3] =	ssyncset.done @!p0 $0x0  }
0x28a: {  	[sflag:s3] =	ssyncadd.s32 @!p0 $0xFFFD8F00  }
0x28b: {  	[bflag:$0x0] =	sbarrier.arrive $0xFFFF  }
0x28c: {  	s5 =	simm.s32 $0x0;
	s6 =	rddreg [dreg:$0xd]  }
0x28d: {  	[tilespmem:s20], [sflag:$0x1] =	stream.linear.gather [hbm4b:s6+s5], $0x2800, $0x38;
	[tilespmem:$0x1C880] =	vst v63  }
0x28e: {  	s10 =	rddreg [dreg:$0x16]  }
0x28f: {  	[tilespmem:s21], [sflag:$0x2] =	stream.linear.gather [hbm4b:s10+s5], $0x2800, $0x38;
	[tilespmem:$0x1C880] =	vst v63  }
0x290: {  	_ =	swait.ge [sflag:s22], $0x2800  }
0x291: {  	[sflag:s22] =	ssyncset.done $0x0  }
0x292: {  	s5 =	simm.s32 $0x0;
	[sflag:s22] =	ssyncadd.s32 $0xFFFFD800  }
0x293: {  	[spmem:s31] =	stream.indirect.scatter.add.f32 [tilespmem:s20], [sflag:$0x3], $0x80, s5, s23, $0xb8;
	[tilespmem:$0x1C880] =	vst v63  }
0x294: {  	_ =	swait.ge [sflag:s19], $0x2800  }
0x295: {  	[sflag:s19] =	ssyncset.done $0x0  }
0x296: {  	s6 =	sadd.s32 $0xFFFFFB00, s18;
	[sflag:s19] =	ssyncadd.s32 $0xFFFFD800  }
0x297: {  	[tilespmem:s20], [sflag:$0x1] =	stream.linear.gather [hbm4b:s6+s29], $0x2800, $0x38;
	[tilespmem:$0x1C880] =	vst v63  }
0x298: {  	_ =	swait.ge [sflag:s24], $0x2800  }
0x299: {  	[sflag:s24] =	ssyncset.done $0x0  }
0x29a: {  	s10 =	simm.s32 $0x80;
	[sflag:s24] =	ssyncadd.s32 $0xFFFFD800  }
0x29b: {  	[spmem:s31] =	stream.indirect.scatter.add.f32 [tilespmem:s21], [sflag:$0x3], $0x80, s10, s23, $0xb8;
	[tilespmem:$0x1C880] =	vst v63  }
0x29c: {  	_ =	swait.ge [sflag:s19], $0x2800  }
0x29d: {  	s2 =	simm.s32 $0x400;
	[sflag:s19] =	ssyncset.done $0x0  }
0x29e: {  	s3 =	sadd.s32 $0xA00, s18;
	s10 =	smov.u32 s18;
	[sflag:s19] =	ssyncadd.s32 $0xFFFFD800  }
.LBB2_18:
0x29f: {  	[tilespmem:s21], [sflag:$0x2] =	stream.linear.gather [hbm4b:s10+s29], $0x2800, $0x38;
	[tilespmem:$0x1C880] =	vst v63  }
0x2a0: {  	s5 =	smov.u32 s2;
	s10 =	smov.u32 s3  }
0x2a1: {  	p1 =	sne.s32 s2, $0xF000;
	s2 =	sadd.s32 $0x400, s2;
	_ =	swait.ge [sflag:s22], $0x2800  }
0x2a2: {  	[sflag:s22] =	ssyncset.done $0x0  }
0x2a3: {  	s5 =	sshra.s32 s5, $0x2;
	[sflag:s22] =	ssyncadd.s32 $0xFFFFD800  }
0x2a4: {  	[spmem:s31] =	stream.indirect.scatter.add.f32 [tilespmem:s20], [sflag:$0x3], $0x80, s5, s23, $0xb8;
	[tilespmem:$0x1C880] =	vst v63  }
0x2a5: {  	_ =	swait.ge [sflag:s19], $0x2800  }
0x2a6: {  	[sflag:s19] =	ssyncset.done $0x0  }
0x2a7: {  	s6 =	sadd.s32 $0xFFFFFB00, s3;
	[sflag:s19] =	ssyncadd.s32 $0xFFFFD800  }
0x2a8: {  	[tilespmem:s20], [sflag:$0x1] =	stream.linear.gather [hbm4b:s6+s29], $0x2800, $0x38;
	[tilespmem:$0x1C880] =	vst v63  }
0x2a9: {  	_ =	swait.ge [sflag:s24], $0x2800  }
0x2aa: {  	[sflag:s24] =	ssyncset.done $0x0  }
.Ltmp8:
0x2ab: {  	s5 =	sadd.s32 $0x80, s5;
	[sflag:s24] =	ssyncadd.s32 $0xFFFFD800;
	(pc) =	sbr.rel @p1 .LBB2_18-.Ltmp8, $4  }
0x2ac: {  	[spmem:s31] =	stream.indirect.scatter.add.f32 [tilespmem:s21], [sflag:$0x3], $0x80, s5, s23, $0xb8;
	[tilespmem:$0x1C880] =	vst v63  }
0x2ad: {  	_ =	swait.ge [sflag:s19], $0x2800  }
0x2ae: {  	[sflag:s19] =	ssyncset.done $0x0  }
0x2af: {  	s3 =	sadd.s32 $0xA00, s3;
	[sflag:s19] =	ssyncadd.s32 $0xFFFFD800  }
0x2b0: {  	[tilespmem:s21], [sflag:$0x2] =	stream.linear.gather [hbm4b:s10+s29], $0x2800, $0x38;
	[tilespmem:$0x1C880] =	vst v63  }
0x2b1: {  	_ =	swait.ge [sflag:s22], $0x2800  }
0x2b2: {  	[sflag:s22] =	ssyncset.done $0x0  }
0x2b3: {  	[sflag:s22] =	ssyncadd.s32 $0xFFFFD800  }
0x2b4: {  	[spmem:s31] =	stream.indirect.scatter.add.f32 [tilespmem:s20], [sflag:$0x3], $0x80, s25, s23, $0xb8;
	[tilespmem:$0x1C880] =	vst v63  }
0x2b5: {  	_ =	swait.ge [sflag:s19], $0x2800  }
0x2b6: {  	[sflag:s19] =	ssyncset.done $0x0  }
0x2b7: {  	s2 =	rddreg [dreg:$0x1f];
	[sflag:s19] =	ssyncadd.s32 $0xFFFFD800  }
0x2b8: {  	[tilespmem:s20], [sflag:$0x1] =	stream.linear.gather [hbm4b:s2+s29], $0x2800, $0x38;
	[tilespmem:$0x1C880] =	vst v63  }
0x2b9: {  	_ =	swait.ge [sflag:s24], $0x2800  }
0x2ba: {  	[sflag:s24] =	ssyncset.done $0x0  }
0x2bb: {  	[sflag:s24] =	ssyncadd.s32 $0xFFFFD800  }
0x2bc: {  	[spmem:s31] =	stream.indirect.scatter.add.f32 [tilespmem:s21], [sflag:$0x3], $0x80, s26, s23, $0xb8;
	[tilespmem:$0x1C880] =	vst v63  }
0x2bd: {  	_ =	swait.ge [sflag:s19], $0x2800  }
0x2be: {  	[sflag:s19] =	ssyncset.done $0x0  }
0x2bf: {  	[sflag:s19] =	ssyncadd.s32 $0xFFFFD800  }
0x2c0: {  	_ =	swait.ge [sflag:s22], $0x2800  }
0x2c1: {  	[sflag:s22] =	ssyncset.done $0x0  }
0x2c2: {  	[sflag:s22] =	ssyncadd.s32 $0xFFFFD800  }
0x2c3: {  	[spmem:s31] =	stream.indirect.scatter.add.f32 [tilespmem:s20], [sflag:$0x3], $0x80, s28, s23, $0xb8;
	[tilespmem:$0x1C880] =	vst v63  }
0x2c4: {  	_ =	swait.ge [sflag:s19], $0x2800  }
0x2c5: {  	[sflag:s19] =	ssyncset.done $0x0  }
0x2c6: {  	[sflag:s19] =	ssyncadd.s32 $0xFFFFD800  }
0x2c7: {  	s0 =	sadd.s32 $0x1, s0;
	s2 =	simm.s32 @!p0 $0x1C03;
	[bflag:$0x0] =	sbarrier.arrive $0xFFFF  }
0x2c8: {  	[hbm:s8], [sflag:s2] =	dma.local @!p0 [spmem:s1], $0x27100  }
0x2c9: {  	p1 =	sne.s32 s0, s9;
	s1 =	simm.s32 @!p0 $0x3  }
.Ltmp9:
0x2ca: {  	_ =	swait.ge @!p0 [sflag:s1], $0x27100;
	(pc) =	sbr.rel @p1 .LBB2_1-.Ltmp9, $3  }
0x2cb: {  	[sflag:s1] =	ssyncset.done @!p0 $0x0  }
0x2cc: {  	[sflag:s1] =	ssyncadd.s32 @!p0 $0xFFFD8F00  }
0x2cd: {  	[bflag:$0x0] =	sbarrier.arrive $0xFFFF;
	_ =	sdelay $0x1  }
0x2ce: {  	_ =	sfence.sel $0x180000  }
0x2cf: {  	[bflag:$0x0] =	sbarrier.arrive $0xFFFF  }
0x2d0: {  	_ =	strace $0x9000004A  }
0x2d1: {  	[bflag:$0x2] =	sbarrier.arrive $0xFFFF  }
0x2d2: {  	s0 =	rddreg [dreg:$0x3]  }
0x2d3: {  	s0 =	sadd.s32 @!p0 $0x100000, s0  }
0x2d4: {  	[sflag:s0] =	ssyncadd.tile.s32 @!p0 $0x1;
	_ =	shalt  }
.Lfunc_end2:
_tile_overlayer_lowered:
.L_overlay_start_2:
0x2d5: {  	(tag) =	ssettag $0x2  }
0x2d6: {  	s0 =	rddreg [dreg:$0x0];
	s2 =	stileid.u32  }
0x2d7: {  	s1 =	rddreg [dreg:$0x1];
	p0 =	sne.s32 s2, $0x0  }
0x2d8: {  	s3 =	rddreg [dreg:$0x2];
	[bflag:$0x3] =	sbarrier.arrive $0xFFFF;
	s2 =	simm.s32 @!p0 $0x1C03  }
0x2d9: {  	[timem:s3], [sflag:s2] =	dma.local @!p0 [hbm:s0], s1  }
0x2da: {  	s0 =	simm.s32 @!p0 $0x3  }
0x2db: {  	_ =	swait.ge @!p0 [sflag:s0], s1  }
0x2dc: {  	s1 =	ssub.s32 @!p0 $0x0, s1;
	[sflag:s0] =	ssyncset.done @!p0 $0x0  }
0x2dd: {  	[sflag:s0] =	ssyncadd.s32 @!p0 s1  }
0x2de: {  	[bflag:$0x3] =	sbarrier.arrive $0xFFFF  }
0x2df: {  	_ =	shalt  }

// kernel: kernel.8.cloned.1.call-start
scs
__scs_entry_jumppad:
0x0: {  	(pc) =	sbr.rel $0x88, $3  }
0x1: {  	(tag) =	ssettag $0x0;
	lr =	simm.s32 $0x1  }
0x2: {  	[smem:$0x3F94] =	sst lr;
	_ =	strace $0xD0000000  }
0x3: {  	_ = 	snop  }
0x4: {  	_ = 	snop  }
0x5: {  	_ = 	snop  }
0x6: {  	_ = 	snop  }
0x7: {  	_ = 	snop  }
__scs_overlays_trampoline_lowered:
0x8: {  	[smem:$0x3FA3] =	sst s0  }
0x9: {  	[smem:$0x3FA4] =	sst s1  }
0xa: {  	[smem:$0x3FA5] =	sst s2  }
0xb: {  	[smem:$0x3FA6] =	sst s3  }
0xc: {  	[smem:$0x3FA7] =	sst s4  }
0xd: {  	[smem:$0x3FA8] =	sst s5  }
0xe: {  	[smem:$0x3FA9] =	sst s6  }
0xf: {  	[smem:$0x3FAA] =	sst s7  }
0x10: {  	[smem:$0x3FAB] =	sst s8  }
0x11: {  	[smem:$0x3FAC] =	sst s9;
	s0 =	simm.s32 @!p0 $0x0  }
0x12: {  	s1 =	sld [smem:$0x3F92];
	s0 =	simm.s32 @p0 $0x1  }
0x13: {  	[smem:$0x3FAD] =	sst s0;
	s0 =	simm.s32 @!p1 $0x0  }
0x14: {  	s2 =	sld [smem:$0x3F91];
	s0 =	simm.s32 @p1 $0x1  }
0x15: {  	[smem:$0x3FAE] =	sst s0;
	s0 =	simm.s32 @!p2 $0x0  }
0x16: {  	s3 =	sld [smem:$0x3FDB];
	s0 =	simm.s32 @p2 $0x1  }
0x17: {  	s4 =	simm.s32 $0x1BF5;
	[smem:$0x3FB0] =	sst s0  }
0x18: {  	s0 =	sld [smem:$0x3F93];
	_ =	swait.ge [sflag:s4], $0x0  }
0x19: {  	s7 =	sld [smem:$0x3F94]  }
0x1a: {  	s8 =	sadd.s32 $0xFFFFE003, lr  }
0x1b: {  	s9 =	sadd.s32 $0xFFFFFEF7, lr;
	s5 =	simm.s32 $0xFFFFFFFF;
	p2 =	slt.u32 s8, $0xFFFFF086  }
0x1c: {  	p1 =	slt.u32 s9, $0xF7A;
	s5 =	simm.s32 @!p2 $0x0  }
0x1d: {  	s5 =	simm.s32 @p1 $0x1;
	p0 =	seq.s32 s7, s2  }
0x1e: {  	s7 =	smul.u32 @!p0 $0xF7A, s2;
	p2 =	seq.s32 @!p0 s5, $0x0  }
0x1f: {  	s9 =	smul.u32 $0xF7A, s1;
	s8 =	simm.s32 @!p0 $0x1BF5;
	p2 =	por !p2, p0  }
0x20: {  	[sflag:s8] =	ssyncset.s32 @!p0 $0xFFFFF086;
	s6 =	sadd.s32 @!p0 s3, s7;
	s7 =	simm.s32 @!p0 $0x108  }
0x21: {  	s3 =	sadd.s32 s3, s9;
	s6 =	sadd.s32 @!p0 $0x88, s6;
	s7 =	simm.s32 @p2 $0x1082  }
0x22: {  	[simem:s7], [sflag:s8] =	dma.local @!p0 [hbm:s6], $0xF7A  }
0x23: {  	s9 =	sor.u32 $0xD0000000, s2;
	s6 =	simm.s32 $0x108;
	_ =	swait.ge @!p0 [sflag:s8], $0x0  }
0x24: {  	s3 =	sadd.s32 $0x88, s3;
	s6 =	simm.s32 @!p1 $0x1082;
	[sflag:s4] =	ssyncset.s32 $0xFFFFF086  }
0x25: {  	[simem:s6], [sflag:s4] =	dma.local [hbm:s3], $0xF7A  }
0x26: {  	[smem:$0x3F94] =	sst s1;
	(tag) =	ssettag s2;
	_ =	strace s9  }
0x27: {  	s1 =	sld [smem:$0x3FA4]  }
0x28: {  	s2 =	sld [smem:$0x3FA5]  }
0x29: {  	s4 =	sld [smem:$0x3FA7]  }
0x2a: {  	p0 =	seq.s32 s5, $0x0;
	s5 =	sld [smem:$0x3FA8]  }
0x2b: {  	s6 =	sld [smem:$0x3FA9]  }
0x2c: {  	s7 =	sld [smem:$0x3FAA]  }
0x2d: {  	s3 =	simm.s32 $0x108;
	s8 =	sld [smem:$0x3FAB]  }
0x2e: {  	s3 =	simm.s32 @!p0 $0x1082;
	s9 =	sld [smem:$0x3FAC]  }
0x2f: {  	lr =	sadd.s32 s0, s3;
	s0 =	sld [smem:$0x3FA3]  }
0x30: {  	s3 =	sld [smem:$0x3FA6]  }
0x31: {  	[smem:$0x3FAF] =	sst s10  }
0x32: {  	s10 =	sld [smem:$0x3FAD];
	_ =	sdelay $0x3  }
0x33: {  	p0 =	seq.s32 s10, $0x1;
	s10 =	sld [smem:$0x3FAF];
	_ =	sdelay $0x3  }
0x34: {  	[smem:$0x3FAF] =	sst s10  }
0x35: {  	s10 =	sld [smem:$0x3FAE];
	_ =	sdelay $0x3  }
0x36: {  	p1 =	seq.s32 s10, $0x1;
	s10 =	sld [smem:$0x3FAF];
	_ =	sdelay $0x3  }
0x37: {  	[smem:$0x3FAF] =	sst s10  }
0x38: {  	s10 =	sld [smem:$0x3FB0]  }
0x39: {  	_ = 	snop;
	(pc) =	sbr.ind lr, $3  }
0x3a: {  	_ = 	snop  }
0x3b: {  	_ = 	snop  }
0x3c: {  	p2 =	seq.s32 s10, $0x1;
	s10 =	sld [smem:$0x3FAF]  }
0x3d: {  	_ =	shalt  }
0x3e: {  	_ =	shalt  }
0x3f: {  	_ =	shalt  }
0x40: {  	_ =	shalt  }
0x41: {  	_ =	shalt  }
0x42: {  	_ =	shalt  }
0x43: {  	_ =	shalt  }
0x44: {  	_ =	shalt  }
0x45: {  	_ =	shalt  }
0x46: {  	_ =	shalt  }
0x47: {  	_ =	shalt  }
0x48: {  	_ =	shalt  }
0x49: {  	_ =	shalt  }
0x4a: {  	_ =	shalt  }
0x4b: {  	_ =	shalt  }
0x4c: {  	_ =	shalt  }
0x4d: {  	_ =	shalt  }
0x4e: {  	_ =	shalt  }
0x4f: {  	_ =	shalt  }
0x50: {  	_ =	shalt  }
0x51: {  	_ =	shalt  }
0x52: {  	_ =	shalt  }
0x53: {  	_ =	shalt  }
0x54: {  	_ =	shalt  }
0x55: {  	_ =	shalt  }
0x56: {  	_ =	shalt  }
0x57: {  	_ =	shalt  }
0x58: {  	_ =	shalt  }
0x59: {  	_ =	shalt  }
0x5a: {  	_ =	shalt  }
0x5b: {  	_ =	shalt  }
0x5c: {  	_ =	shalt  }
0x5d: {  	_ =	shalt  }
0x5e: {  	_ =	shalt  }
0x5f: {  	_ =	shalt  }
0x60: {  	_ =	shalt  }
0x61: {  	_ =	shalt  }
0x62: {  	_ =	shalt  }
0x63: {  	_ =	shalt  }
0x64: {  	_ =	shalt  }
0x65: {  	_ =	shalt  }
0x66: {  	_ =	shalt  }
0x67: {  	_ =	shalt  }
0x68: {  	_ =	shalt  }
0x69: {  	_ =	shalt  }
0x6a: {  	_ =	shalt  }
0x6b: {  	_ =	shalt  }
0x6c: {  	_ =	shalt  }
0x6d: {  	_ =	shalt  }
0x6e: {  	_ =	shalt  }
0x6f: {  	_ =	shalt  }
0x70: {  	_ =	shalt  }
0x71: {  	_ =	shalt  }
0x72: {  	_ =	shalt  }
0x73: {  	_ =	shalt  }
0x74: {  	_ =	shalt  }
0x75: {  	_ =	shalt  }
0x76: {  	_ =	shalt  }
0x77: {  	_ =	shalt  }
0x78: {  	_ =	shalt  }
0x79: {  	_ =	shalt  }
0x7a: {  	_ =	shalt  }
0x7b: {  	_ =	shalt  }
0x7c: {  	_ =	shalt  }
0x7d: {  	_ =	shalt  }
0x7e: {  	_ =	shalt  }
0x7f: {  	_ =	shalt  }
0x80: {  	_ =	shalt  }
0x81: {  	_ =	shalt  }
0x82: {  	_ =	shalt  }
0x83: {  	_ =	shalt  }
0x84: {  	_ =	shalt  }
0x85: {  	_ =	shalt  }
0x86: {  	_ =	shalt  }
0x87: {  	_ =	shalt  }
.Lfunc_end0:
.L_simem_size_0:
called_computation_lowered:
.L_overlay_start_0:
0x88: {  	s2 =	sld [smem:$0x3FD9]  }
0x89: {  	s3 =	sld [smem:$0x3FFE];
	_ =	sdelay $0x1  }
0x8a: {  	s1 =	srdreg.scid  }
0x8b: {  	s0 =	sand.u32 $0x1, s1  }
0x8c: {  	s14 =	sshll.u32 s0, $0xA;
	s2 =	sadd.s32 s3, s2  }
0x8d: {  	s2 =	sadd.s32 s2, s14  }
0x8e: {  	[smem:$0x3FBB] =	sst s2  }
0x8f: {  	_ = 	snop  }
0x90: {  	s2 =	sld [smem:$0x3FD0];
	_ =	sdelay $0x2  }
0x91: {  	s15 =	simm.s32 $0xA;
	s4 =	simm.s32 $0x10  }
0x92: {  	[smem:s4], [sflag:s15] =	dma.local [hbm:s2], $0x1  }
0x93: {  	_ =	swait.eq [sflag:s15], $0x1  }
0x94: {  	[sflag:s15] =	ssyncset.done $0x0  }
0x95: {  	[sflag:s15] =	ssyncadd.s32 $0xFFFFFFFF  }
0x96: {  	s16 =	sld [smem:$0x11];
	(tm) =	ssettm $0x1  }
0x97: {  	s17 =	sld [smem:$0x3FFB];
	_ =	sdelay $0x3  }
0x98: {  	_ =	strace s17  }
0x99: {  	s3 =	sld [smem:$0x3FFC];
	_ =	sdelay $0x3  }
0x9a: {  	_ =	strace s3  }
0x9b: {  	s3 =	sld [smem:$0x3FFD];
	_ =	sdelay $0x3  }
0x9c: {  	_ =	strace s3  }
0x9d: {  	_ =	strace $0x8FFFFFFF  }
0x9e: {  	s18 =	sld [smem:$0x3FDB];
	_ =	sdelay $0x1  }
0x9f: {  	s19 =	simm.s32 $_scs_section_size  }
0xa0: {  	s5 =	simm.s32 $_size__tile_overlayer_lowered;
	s6 =	simm.s32 $_tile_overlayer_lowered  }
0xa1: {  	s22 =	simm.s32 $0x1BFF;
	s21 =	sshll.u32 s6, $0x1;
	s3 =	sadd.s32 s19, s18  }
0xa2: {  	s7 =	simm.s32 $0x0;
	s20 =	sshll.u32 s5, $0x1;
	s5 =	sadd.s32 s21, s3  }
0xa3: {  	[timem:s7], [sflag:s22] =	dma.local [hbm:s5], s20  }
0xa4: {  	_ =	swait.ge [sflag:s22], s20  }
0xa5: {  	s4 =	ssub.s32 $0x0, s20;
	[sflag:s22] =	ssyncset.done $0x0  }
0xa6: {  	[sflag:s22] =	ssyncadd.s32 s4;
	_ =	sdelay $0x1  }
0xa7: {  	s23 =	simm.s32 $0x1B8B  }
0xa8: {  	_ =	swait.ge [sflag:s23], $0x1  }
0xa9: {  	[sflag:s23] =	ssyncset.done $0x0  }
0xaa: {  	s25 =	simm.s32 $0x1B8E;
	s24 =	sld [smem:$0x3FFE];
	[sflag:s23] =	ssyncadd.s32 $0xFFFFFFFF  }
0xab: {  	s26 =	simm.s32 $execute0_lowered;
	[smem:$0x3FD2] =	sst s25  }
0xac: {  	s5 =	sshll.u32 s26, $0x1;
	_ =	strace $0x80000046;
	[dreg:$0x1] =	wrdreg $0xFFFFFFFF  }
0xad: {  	s28 =	simm.s32 $_size_execute0_lowered;
	s3 =	sadd.s32 s3, s5;
	[dreg:$0x0] =	wrdreg $0x0  }
0xae: {  	s5 =	sshll.u32 s28, $0x1;
	[dreg:$0x2] =	wrdreg s3  }
0xaf: {  	[dreg:$0x3] =	wrdreg s5  }
0xb0: {  	[dreg:$0x4] =	wrdreg $0xC0  }
0xb1: {  	_ =	task [dreg:s7], $0x5FFFF  }
0xb2: {  	[dreg:$0x1] =	wrdreg $0xFFFFFFFF  }
0xb3: {  	[dreg:$0x0] =	wrdreg $0x60  }
0xb4: {  	[dreg:$0x2] =	wrdreg s24  }
0xb5: {  	[dreg:$0x3] =	wrdreg s16  }
0xb6: {  	[dreg:$0x4] =	wrdreg $0x9  }
0xb7: {  	_ =	task.clear_ibuf [dreg:s7], $0x5FFFF;
	_ =	strace $0x90000046  }
0xb8: {  	s29 =	simm.s32 $0x9;
	_ =	strace $0x80000048  }
0xb9: {  	_ =	swait.ge [sflag:s29], $0x1  }
0xba: {  	[sflag:s29] =	ssyncadd.s32 $0xFFFFFFFF  }
0xbb: {  	_ =	strace $0x90000048  }
0xbc: {  	_ =	sfence  }
0xbd: {  	s30 =	sld [smem:$0x0];
	_ =	sdelay $0x2  }
0xbe: {  	s31 =	sshll.u32 s1, $0xD;
	s1 =	sshrl.u32 s1, $0x2  }
0xbf: {  	s3 =	sand.u32 $0x4000, s31;
	s1 =	sadd.s32 s1, s30  }
0xc0: {  	s0 =	sor.u32 s3, s0;
	s1 =	sshll.u32 s1, $0x11  }
0xc1: {  	s0 =	sor.u32 s1, s0  }
0xc2: {  	s0 =	sadd.s32 $0x8F2B, s0  }
0xc3: {  	[sflag:s0] =	ssyncadd.remote.s32 $0x1  }
0xc4: {  	_ =	sfence.sel $0xFFFF  }
0xc5: {  	[dreg:$0x0] =	wrdreg $0xFFFFFFFF;
	(pc) =	sbr.abs _section_cstart, $3  }
0xc6: {  	[dreg:$0x1] =	wrdreg $0xFFFFFFFF  }
0xc7: {  	_ =	task.clear_ibuf [dreg:s7], $0x2FFFF;
	_ =	strace $0x9FFFFFFF  }
0xc8: {  	(tm) =	ssettm $0x7FFFFFFF  }
0xc9: {  	_ =	shalt  }
tec
execute0_lowered:
.L_overlay_start_1:
0x0: {  	(tag) =	ssettag $0x1  }
0x1: {  	s0 =	rddreg [dreg:$0x0]  }
0x2: {  	s1 =	rddreg [dreg:$0x1];
	s2 =	simm.s32 $0x0  }
0x3: {  	s7 =	stileid.u32;
	s4 =	srdreg.scid;
	s11 =	simm.s32 $0x8000  }
0x4: {  	s28 =	simm.s32 $0x2;
	[smem:$0x7FF] =	sst s2;
	s3 =	sadd.s32 $0x12000, s0  }
0x5: {  	s5 =	smul.u32 $0x138800, s7;
	s6 =	sand.u32 $0x1, s4;
	s4 =	sadd.s32 $0xAE400, s0  }
0x6: {  	s7 =	sshll.u32 s7, $0xC;
	_ =	strace $0x80000047;
	s8 =	ssub.s32 $0x2, s6  }
0x7: {  	s9 =	sadd.s32 s7, s0;
	p0 =	seq.s32 s6, $0x1;
	s1 =	sadd.s32 s1, s7  }
0x8: {  	s6 =	sadd.s32 $0x12100, s0;
	s5 =	sadd.s32 s5, s0;
	s10 =	sshrl.u32 s8, $0x1  }
.Ltmp0:
0x9: {  	[dreg:$0x5] =	wrdreg s1;
	s26 =	sadd.s32 $0x2000, s9;
	(pc) =	sbr.rel .LBB2_1-.Ltmp0, $4  }
0xa: {  	s10 =	ssub.s32 s8, s10;
	[dreg:$0x6] =	wrdreg s26;
	s29 =	sadd.s32 $0x14A800, s5  }
0xb: {  	v2 =	vlaneseq.u32;
	s8 =	sadd.s32 $0xAE500, s0;
	s30 =	sadd.s32 $0x14D2800, s5;
	[dreg:$0x3] =	wrdreg s29  }
0xc: {  	vm0 =	vmmov $0xffff;
	v1 =	vshrl.u32 v2, $0x3;
	s0 =	simm.s32 $0x12000;
	s31 =	smax.u32 s10, $0x1;
	[dreg:$0x4] =	wrdreg s30  }
0xd: {  	v0 =	vand.u32 $0x7, v2;
	v2 =	vor.u32 $0x8, v2;
	v1 =	vmul.u32 $0x8, v1;
	s26 =	simm.s32 $0x1;
	s5 =	simm.s32 $0x0;
	[dreg:$0x7] =	wrdreg s31  }
.LBB2_6:
0xe: {  	s1 =	simm.s32 $0x3  }
0xf: {  	_ =	swait.ge [sflag:s1], $0xA000  }
0x10: {  	[sflag:s1] =	ssyncset.done $0x0  }
0x11: {  	s31 =	simm.s32 $0x4;
	[sflag:s1] =	ssyncadd.s32 $0xFFFF6000  }
0x12: {  	_ =	swait.ge [sflag:s31], $0xA000  }
0x13: {  	s5 =	rddreg [dreg:$0x8]  }
0x14: {  	s29 =	rddreg [dreg:$0x7];
	s5 =	sadd.s32 $0x1, s5  }
0x15: {  	p1 =	sne.s32 s5, s29  }
.Ltmp1:
0x16: {  	_ = 	snop;
	(pc) =	sbr.rel @!p1 .LBB2_7-.Ltmp1, $3  }
0x17: {  	_ =	sdelay $0x1  }
0x18: {  	[sflag:s31] =	ssyncset.done $0x0  }
0x19: {  	[sflag:s31] =	ssyncadd.s32 $0xFFFF6000  }
.LBB2_1:
.Ltmp2:
0x1a: {  	(pc) =	sbr.rel @!p0 .LBB2_2-.Ltmp2, $2  }
0x1b: {  	_ =	sdelay $0x2  }
0x1c: {  	[dreg:$0x8] =	wrdreg s5;
	s29 =	simm.s32 $0x0  }
0x1d: {  	s30 =	rddreg [dreg:$0x6]  }
0x1e: {  	s1 =	simm.s32 $0x12800;
	s5 =	simm.s32 $0x13000;
	s7 =	simm.s32 $0x13800  }
0x1f: {  	s9 =	simm.s32 $0x14000;
	s10 =	simm.s32 $0x14800;
	s12 =	simm.s32 $0x15000  }
0x20: {  	s13 =	simm.s32 $0x15800;
	s14 =	simm.s32 $0x16000;
	s15 =	simm.s32 $0x16800  }
0x21: {  	s16 =	simm.s32 $0x17000;
	s17 =	simm.s32 $0x17800;
	s18 =	simm.s32 $0x18000  }
0x22: {  	[tilespmem:s29], [sflag:$0x5] =	stream.linear.gather [hbm4b:s30+s29], $0x7D00, $0x38;
	[tilespmem:$0x1C000] =	vst v63  }
0x23: {  	s19 =	simm.s32 $0x18800;
	s20 =	simm.s32 $0x19000;
	s30 =	simm.s32 $0x5  }
0x24: {  	s21 =	simm.s32 $0x19800;
	s22 =	simm.s32 $0x1A000;
	_ =	swait.ge [sflag:s30], $0x7D00  }
0x25: {  	s23 =	simm.s32 $0x1A800;
	s24 =	simm.s32 $0x1B000;
	[sflag:s30] =	ssyncset.done $0x0  }
0x26: {  	s25 =	simm.s32 $0x1B800;
	[sflag:s30] =	ssyncadd.s32 $0xFFFF8300;
	s30 =	simm.s32 $0x80  }
.LBB2_5:
0x27: {  	p1 =	seq.s32 s29, $0x0  }
0x28: {  	s31 =	simm.s32 @!p1 $0x3  }
0x29: {  	_ =	swait.ge @!p1 [sflag:s31], $0xA000  }
0x2a: {  	[sflag:s31] =	ssyncset.done @!p1 $0x0  }
0x2b: {  	[sflag:s31] =	ssyncadd.s32 @!p1 $0xFFFF6000;
	s31 =	simm.s32 @!p1 $0x4  }
0x2c: {  	_ =	swait.ge @!p1 [sflag:s31], $0xA000  }
0x2d: {  	[sflag:s31] =	ssyncset.done @!p1 $0x0  }
0x2e: {  	[sflag:s31] =	ssyncadd.s32 @!p1 $0xFFFF6000  }
0x2f: {  	v3 =	vld [tilespmem:s30+$0xFFFFFF80];
	_ =	sdelay $0x4  }
0x30: {  	v4 =	vshll.u32 v3, $0x2  }
0x31: {  	v3 =	vand.u32 $0x7, v3;
	v4 =	vand.u32 $0xFFFFFFE0, v4  }
0x32: {  	v3 =	vor.u32 v3, v4  }
0x33: {  	v4 =	vperm.xlane v3, v0;
	_ =	sdelay $0x1  }
0x34: {  	v4 =	vadd.s32 v1, v4;
	_ =	sdelay $0x1  }
0x35: {  	v3 =	vperm.xlane v3, v2;
	_ =	sdelay $0x1  }
0x36: {  	v3 =	vadd.s32 v1, v3  }
0x37: {  	[tilespmem:s11], [sflag:$0x1] =	stream.indirect_vreg.gather [hbm4b:s4+s2], $0x80, v4, vm0, $0xb8;
	[tilespmem:$0x1C000] =	vst v63  }
0x38: {  	s31 =	simm.s32 $0x8800  }
0x39: {  	[tilespmem:s31], [sflag:$0x1] =	stream.indirect_vreg.gather [hbm4b:s8+s2], $0x80, v4, vm0, $0xb8;
	[tilespmem:$0x1C000] =	vst v63  }
0x3a: {  	s31 =	simm.s32 $0x9000  }
0x3b: {  	[tilespmem:s31], [sflag:$0x1] =	stream.indirect_vreg.gather [hbm4b:s4+s2], $0x80, v3, vm0, $0xb8;
	[tilespmem:$0x1C000] =	vst v63  }
0x3c: {  	s31 =	simm.s32 $0x9800  }
0x3d: {  	[tilespmem:s31], [sflag:$0x1] =	stream.indirect_vreg.gather [hbm4b:s8+s2], $0x80, v3, vm0, $0xb8;
	[tilespmem:$0x1C000] =	vst v63  }
0x3e: {  	v3 =	vld [tilespmem:s30+$0xFFFFFF90];
	_ =	sdelay $0x4  }
0x3f: {  	v55 =	vshll.u32 v3, $0x2  }
0x40: {  	v3 =	vand.u32 $0x7, v3;
	v4 =	vand.u32 $0xFFFFFFE0, v55  }
0x41: {  	v3 =	vor.u32 v3, v4  }
0x42: {  	v4 =	vperm.xlane v3, v0;
	_ =	sdelay $0x1  }
0x43: {  	v4 =	vadd.s32 v1, v4;
	_ =	sdelay $0x1  }
0x44: {  	v3 =	vperm.xlane v3, v2;
	_ =	sdelay $0x1  }
0x45: {  	s31 =	simm.s32 $0xA000;
	v3 =	vadd.s32 v1, v3  }
0x46: {  	[tilespmem:s31], [sflag:$0x1] =	stream.indirect_vreg.gather [hbm4b:s4+s2], $0x80, v4, vm0, $0xb8;
	[tilespmem:$0x1C000] =	vst v63  }
0x47: {  	s31 =	simm.s32 $0xA800  }
0x48: {  	[tilespmem:s31], [sflag:$0x1] =	stream.indirect_vreg.gather [hbm4b:s8+s2], $0x80, v4, vm0, $0xb8;
	[tilespmem:$0x1C000] =	vst v63  }
0x49: {  	s31 =	simm.s32 $0xB000  }
0x4a: {  	[tilespmem:s31], [sflag:$0x1] =	stream.indirect_vreg.gather [hbm4b:s4+s2], $0x80, v3, vm0, $0xb8;
	[tilespmem:$0x1C000] =	vst v63  }
0x4b: {  	s31 =	simm.s32 $0xB800  }
0x4c: {  	[tilespmem:s31], [sflag:$0x1] =	stream.indirect_vreg.gather [hbm4b:s8+s2], $0x80, v3, vm0, $0xb8;
	[tilespmem:$0x1C000] =	vst v63  }
0x4d: {  	v3 =	vld [tilespmem:s30+$0xFFFFFFA0];
	_ =	sdelay $0x4  }
0x4e: {  	v56 =	vshll.u32 v3, $0x2  }
0x4f: {  	v3 =	vand.u32 $0x7, v3;
	v4 =	vand.u32 $0xFFFFFFE0, v56  }
0x50: {  	v3 =	vor.u32 v3, v4  }
0x51: {  	v4 =	vperm.xlane v3, v0;
	_ =	sdelay $0x1  }
0x52: {  	v4 =	vadd.s32 v1, v4;
	_ =	sdelay $0x1  }
0x53: {  	v3 =	vperm.xlane v3, v2;
	_ =	sdelay $0x1  }
0x54: {  	s31 =	simm.s32 $0xC000;
	v3 =	vadd.s32 v1, v3  }
0x55: {  	[tilespmem:s31], [sflag:$0x1] =	stream.indirect_vreg.gather [hbm4b:s4+s2], $0x80, v4, vm0, $0xb8;
	[tilespmem:$0x1C000] =	vst v63  }
0x56: {  	s31 =	simm.s32 $0xC800  }
0x57: {  	[tilespmem:s31], [sflag:$0x1] =	stream.indirect_vreg.gather [hbm4b:s8+s2], $0x80, v4, vm0, $0xb8;
	[tilespmem:$0x1C000] =	vst v63  }
0x58: {  	s31 =	simm.s32 $0xD000  }
0x59: {  	[tilespmem:s31], [sflag:$0x1] =	stream.indirect_vreg.gather [hbm4b:s4+s2], $0x80, v3, vm0, $0xb8;
	[tilespmem:$0x1C000] =	vst v63  }
0x5a: {  	s31 =	simm.s32 $0xD800  }
0x5b: {  	[tilespmem:s31], [sflag:$0x1] =	stream.indirect_vreg.gather [hbm4b:s8+s2], $0x80, v3, vm0, $0xb8;
	[tilespmem:$0x1C000] =	vst v63  }
0x5c: {  	v3 =	vld [tilespmem:s30+$0xFFFFFFB0];
	_ =	sdelay $0x4  }
0x5d: {  	v57 =	vshll.u32 v3, $0x2  }
0x5e: {  	v3 =	vand.u32 $0x7, v3;
	v4 =	vand.u32 $0xFFFFFFE0, v57  }
0x5f: {  	v3 =	vor.u32 v3, v4  }
0x60: {  	v4 =	vperm.xlane v3, v0;
	_ =	sdelay $0x1  }
0x61: {  	v4 =	vadd.s32 v1, v4;
	_ =	sdelay $0x1  }
0x62: {  	v3 =	vperm.xlane v3, v2;
	_ =	sdelay $0x1  }
0x63: {  	s31 =	simm.s32 $0xE000;
	v3 =	vadd.s32 v1, v3  }
0x64: {  	[tilespmem:s31], [sflag:$0x1] =	stream.indirect_vreg.gather [hbm4b:s4+s2], $0x80, v4, vm0, $0xb8;
	[tilespmem:$0x1C000] =	vst v63  }
0x65: {  	s31 =	simm.s32 $0xE800  }
0x66: {  	[tilespmem:s31], [sflag:$0x1] =	stream.indirect_vreg.gather [hbm4b:s8+s2], $0x80, v4, vm0, $0xb8;
	[tilespmem:$0x1C000] =	vst v63  }
0x67: {  	s31 =	simm.s32 $0xF000  }
0x68: {  	[tilespmem:s31], [sflag:$0x1] =	stream.indirect_vreg.gather [hbm4b:s4+s2], $0x80, v3, vm0, $0xb8;
	[tilespmem:$0x1C000] =	vst v63  }
0x69: {  	s31 =	simm.s32 $0xF800  }
0x6a: {  	[tilespmem:s31], [sflag:$0x1] =	stream.indirect_vreg.gather [hbm4b:s8+s2], $0x80, v3, vm0, $0xb8;
	[tilespmem:$0x1C000] =	vst v63  }
0x6b: {  	v3 =	vld [tilespmem:s30+$0xFFFFFFC0];
	_ =	sdelay $0x4  }
0x6c: {  	v58 =	vshll.u32 v3, $0x2  }
0x6d: {  	v3 =	vand.u32 $0x7, v3;
	v4 =	vand.u32 $0xFFFFFFE0, v58  }
0x6e: {  	v3 =	vor.u32 v3, v4  }
0x6f: {  	v4 =	vperm.xlane v3, v0;
	_ =	sdelay $0x1  }
0x70: {  	v4 =	vadd.s32 v1, v4;
	_ =	sdelay $0x1  }
0x71: {  	v3 =	vperm.xlane v3, v2;
	_ =	sdelay $0x1  }
0x72: {  	s31 =	simm.s32 $0x10000;
	v3 =	vadd.s32 v1, v3  }
0x73: {  	[tilespmem:s31], [sflag:$0x1] =	stream.indirect_vreg.gather [hbm4b:s4+s2], $0x80, v4, vm0, $0xb8;
	[tilespmem:$0x1C000] =	vst v63  }
0x74: {  	s31 =	simm.s32 $0x10800  }
0x75: {  	[tilespmem:s31], [sflag:$0x1] =	stream.indirect_vreg.gather [hbm4b:s8+s2], $0x80, v4, vm0, $0xb8;
	[tilespmem:$0x1C000] =	vst v63  }
0x76: {  	s31 =	simm.s32 $0x11000  }
0x77: {  	[tilespmem:s31], [sflag:$0x1] =	stream.indirect_vreg.gather [hbm4b:s4+s2], $0x80, v3, vm0, $0xb8;
	[tilespmem:$0x1C000] =	vst v63  }
0x78: {  	s31 =	simm.s32 $0x11800  }
0x79: {  	[tilespmem:s31], [sflag:$0x1] =	stream.indirect_vreg.gather [hbm4b:s8+s2], $0x80, v3, vm0, $0xb8;
	[tilespmem:$0x1C000] =	vst v63  }
0x7a: {  	v3 =	vld [tilespmem:s30+$0x0];
	_ =	sdelay $0x4  }
0x7b: {  	v59 =	vshll.u32 v3, $0x2  }
0x7c: {  	v3 =	vand.u32 $0x7, v3;
	v4 =	vand.u32 $0xFFFFFFE0, v59  }
0x7d: {  	v3 =	vor.u32 v3, v4  }
0x7e: {  	v4 =	vperm.xlane v3, v0;
	_ =	sdelay $0x1  }
0x7f: {  	v4 =	vadd.s32 v1, v4;
	_ =	sdelay $0x1  }
0x80: {  	v3 =	vperm.xlane v3, v2;
	_ =	sdelay $0x1  }
0x81: {  	v3 =	vadd.s32 v1, v3  }
0x82: {  	[tilespmem:s0], [sflag:$0x2] =	stream.indirect_vreg.gather [hbm4b:s4+s2], $0x80, v4, vm0, $0xb8;
	[tilespmem:$0x1C000] =	vst v63  }
0x83: {  	_ = 	snop  }
0x84: {  	[tilespmem:s1], [sflag:$0x2] =	stream.indirect_vreg.gather [hbm4b:s8+s2], $0x80, v4, vm0, $0xb8;
	[tilespmem:$0x1C000] =	vst v63  }
0x85: {  	_ = 	snop  }
0x86: {  	[tilespmem:s5], [sflag:$0x2] =	stream.indirect_vreg.gather [hbm4b:s4+s2], $0x80, v3, vm0, $0xb8;
	[tilespmem:$0x1C000] =	vst v63  }
0x87: {  	_ = 	snop  }
0x88: {  	[tilespmem:s7], [sflag:$0x2] =	stream.indirect_vreg.gather [hbm4b:s8+s2], $0x80, v3, vm0, $0xb8;
	[tilespmem:$0x1C000] =	vst v63  }
0x89: {  	v3 =	vld [tilespmem:s30+$0x10];
	_ =	sdelay $0x4  }
0x8a: {  	v60 =	vshll.u32 v3, $0x2  }
0x8b: {  	v3 =	vand.u32 $0x7, v3;
	v4 =	vand.u32 $0xFFFFFFE0, v60  }
0x8c: {  	v3 =	vor.u32 v3, v4  }
0x8d: {  	v4 =	vperm.xlane v3, v0;
	_ =	sdelay $0x1  }
0x8e: {  	v4 =	vadd.s32 v1, v4;
	_ =	sdelay $0x1  }
0x8f: {  	v3 =	vperm.xlane v3, v2;
	_ =	sdelay $0x1  }
0x90: {  	v3 =	vadd.s32 v1, v3  }
0x91: {  	[tilespmem:s9], [sflag:$0x2] =	stream.indirect_vreg.gather [hbm4b:s4+s2], $0x80, v4, vm0, $0xb8;
	[tilespmem:$0x1C000] =	vst v63  }
0x92: {  	_ = 	snop  }
0x93: {  	[tilespmem:s10], [sflag:$0x2] =	stream.indirect_vreg.gather [hbm4b:s8+s2], $0x80, v4, vm0, $0xb8;
	[tilespmem:$0x1C000] =	vst v63  }
0x94: {  	_ = 	snop  }
0x95: {  	[tilespmem:s12], [sflag:$0x2] =	stream.indirect_vreg.gather [hbm4b:s4+s2], $0x80, v3, vm0, $0xb8;
	[tilespmem:$0x1C000] =	vst v63  }
0x96: {  	_ = 	snop  }
0x97: {  	[tilespmem:s13], [sflag:$0x2] =	stream.indirect_vreg.gather [hbm4b:s8+s2], $0x80, v3, vm0, $0xb8;
	[tilespmem:$0x1C000] =	vst v63  }
0x98: {  	v3 =	vld [tilespmem:s30+$0x20];
	_ =	sdelay $0x4  }
0x99: {  	v61 =	vshll.u32 v3, $0x2  }
0x9a: {  	v3 =	vand.u32 $0x7, v3;
	v4 =	vand.u32 $0xFFFFFFE0, v61  }
0x9b: {  	v3 =	vor.u32 v3, v4  }
0x9c: {  	v4 =	vperm.xlane v3, v0;
	_ =	sdelay $0x1  }
0x9d: {  	v4 =	vadd.s32 v1, v4;
	_ =	sdelay $0x1  }
0x9e: {  	v3 =	vperm.xlane v3, v2;
	_ =	sdelay $0x1  }
0x9f: {  	v3 =	vadd.s32 v1, v3  }
0xa0: {  	[tilespmem:s14], [sflag:$0x2] =	stream.indirect_vreg.gather [hbm4b:s4+s2], $0x80, v4, vm0, $0xb8;
	[tilespmem:$0x1C000] =	vst v63  }
0xa1: {  	_ = 	snop  }
0xa2: {  	[tilespmem:s15], [sflag:$0x2] =	stream.indirect_vreg.gather [hbm4b:s8+s2], $0x80, v4, vm0, $0xb8;
	[tilespmem:$0x1C000] =	vst v63  }
0xa3: {  	_ = 	snop  }
0xa4: {  	[tilespmem:s16], [sflag:$0x2] =	stream.indirect_vreg.gather [hbm4b:s4+s2], $0x80, v3, vm0, $0xb8;
	[tilespmem:$0x1C000] =	vst v63  }
0xa5: {  	_ = 	snop  }
0xa6: {  	[tilespmem:s17], [sflag:$0x2] =	stream.indirect_vreg.gather [hbm4b:s8+s2], $0x80, v3, vm0, $0xb8;
	[tilespmem:$0x1C000] =	vst v63  }
0xa7: {  	v3 =	vld [tilespmem:s30+$0x30];
	_ =	sdelay $0x4  }
0xa8: {  	v62 =	vshll.u32 v3, $0x2  }
0xa9: {  	v3 =	vand.u32 $0x7, v3;
	v4 =	vand.u32 $0xFFFFFFE0, v62  }
0xaa: {  	v3 =	vor.u32 v3, v4  }
0xab: {  	v4 =	vperm.xlane v3, v0;
	_ =	sdelay $0x1  }
0xac: {  	v4 =	vadd.s32 v1, v4;
	_ =	sdelay $0x1  }
0xad: {  	v3 =	vperm.xlane v3, v2;
	_ =	sdelay $0x1  }
0xae: {  	v3 =	vadd.s32 v1, v3  }
0xaf: {  	[tilespmem:s18], [sflag:$0x2] =	stream.indirect_vreg.gather [hbm4b:s4+s2], $0x80, v4, vm0, $0xb8;
	[tilespmem:$0x1C000] =	vst v63  }
0xb0: {  	_ = 	snop  }
0xb1: {  	[tilespmem:s19], [sflag:$0x2] =	stream.indirect_vreg.gather [hbm4b:s8+s2], $0x80, v4, vm0, $0xb8;
	[tilespmem:$0x1C000] =	vst v63  }
0xb2: {  	_ = 	snop  }
0xb3: {  	[tilespmem:s20], [sflag:$0x2] =	stream.indirect_vreg.gather [hbm4b:s4+s2], $0x80, v3, vm0, $0xb8;
	[tilespmem:$0x1C000] =	vst v63  }
0xb4: {  	_ = 	snop  }
0xb5: {  	[tilespmem:s21], [sflag:$0x2] =	stream.indirect_vreg.gather [hbm4b:s8+s2], $0x80, v3, vm0, $0xb8;
	[tilespmem:$0x1C000] =	vst v63  }
0xb6: {  	v3 =	vld [tilespmem:s30+$0x40];
	_ =	sdelay $0x4  }
0xb7: {  	v63 =	vshll.u32 v3, $0x2  }
0xb8: {  	v3 =	vand.u32 $0x7, v3;
	v4 =	vand.u32 $0xFFFFFFE0, v63  }
0xb9: {  	v3 =	vor.u32 v3, v4  }
0xba: {  	v4 =	vperm.xlane v3, v0;
	_ =	sdelay $0x1  }
0xbb: {  	v4 =	vadd.s32 v1, v4;
	_ =	sdelay $0x1  }
0xbc: {  	v3 =	vperm.xlane v3, v2;
	_ =	sdelay $0x1  }
0xbd: {  	v3 =	vadd.s32 v1, v3  }
0xbe: {  	[tilespmem:s22], [sflag:$0x2] =	stream.indirect_vreg.gather [hbm4b:s4+s2], $0x80, v4, vm0, $0xb8;
	[tilespmem:$0x1C000] =	vst v63  }
0xbf: {  	_ = 	snop  }
0xc0: {  	[tilespmem:s23], [sflag:$0x2] =	stream.indirect_vreg.gather [hbm4b:s8+s2], $0x80, v4, vm0, $0xb8;
	[tilespmem:$0x1C000] =	vst v63  }
0xc1: {  	_ = 	snop  }
0xc2: {  	[tilespmem:s24], [sflag:$0x2] =	stream.indirect_vreg.gather [hbm4b:s4+s2], $0x80, v3, vm0, $0xb8;
	[tilespmem:$0x1C000] =	vst v63  }
0xc3: {  	_ = 	snop  }
0xc4: {  	[tilespmem:s25], [sflag:$0x2] =	stream.indirect_vreg.gather [hbm4b:s8+s2], $0x80, v3, vm0, $0xb8;
	[tilespmem:$0x1C000] =	vst v63  }
0xc5: {  	_ =	swait.ge [sflag:s26], $0xA000  }
0xc6: {  	s31 =	rddreg [dreg:$0x4];
	[sflag:s26] =	ssyncset.done $0x0  }
0xc7: {  	[sflag:s26] =	ssyncadd.s32 $0xFFFF6000;
	s31 =	sadd.s32 s29, s31;
	s29 =	sadd.s32 $0x2800, s29  }
0xc8: {  	[hbm4b:s31+s2] =	stream.linear.scatter [tilespmem:s11], [sflag:$0x3], $0xA000, $0x38;
	[tilespmem:$0x1C000] =	vst v63  }
0xc9: {  	p1 =	sne.s32 s29, $0x138800  }
.Ltmp3:
0xca: {  	_ = 	snop;
	(pc) =	sbr.rel @p1 .LBB2_5-.Ltmp3, $4  }
0xcb: {  	_ =	swait.ge [sflag:s28], $0xA000  }
0xcc: {  	[sflag:s28] =	ssyncset.done $0x0  }
0xcd: {  	s30 =	sadd.s32 $0x100, s30;
	s31 =	sadd.s32 $0x1400, s31;
	[sflag:s28] =	ssyncadd.s32 $0xFFFF6000  }
0xce: {  	[hbm4b:s31+s2] =	stream.linear.scatter [tilespmem:s0], [sflag:$0x4], $0xA000, $0x38;
	[tilespmem:$0x1C000] =	vst v63  }
.Ltmp4:
0xcf: {  	_ = 	snop;
	(pc) =	sbr.rel .LBB2_6-.Ltmp4, $1  }
0xd0: {  	_ =	sdelay $0x3  }
.LBB2_2:
0xd1: {  	s30 =	rddreg [dreg:$0x5]  }
0xd2: {  	s1 =	simm.s32 $0x12800;
	s5 =	simm.s32 $0x13000;
	s7 =	simm.s32 $0x13800  }
0xd3: {  	s9 =	simm.s32 $0x14000;
	s10 =	simm.s32 $0x14800;
	s12 =	simm.s32 $0x15000  }
0xd4: {  	s13 =	simm.s32 $0x15800;
	s14 =	simm.s32 $0x16000;
	s15 =	simm.s32 $0x16800  }
0xd5: {  	s16 =	simm.s32 $0x17000;
	s17 =	simm.s32 $0x17800;
	s18 =	simm.s32 $0x18000  }
0xd6: {  	[tilespmem:s29], [sflag:$0x5] =	stream.linear.gather [hbm4b:s30+s29], $0x7D00, $0x38;
	[tilespmem:$0x1C000] =	vst v63  }
0xd7: {  	s19 =	simm.s32 $0x18800;
	s20 =	simm.s32 $0x19000;
	s30 =	simm.s32 $0x5  }
0xd8: {  	s21 =	simm.s32 $0x19800;
	s22 =	simm.s32 $0x1A000;
	_ =	swait.ge [sflag:s30], $0x7D00  }
0xd9: {  	s23 =	simm.s32 $0x1A800;
	s24 =	simm.s32 $0x1B000;
	[sflag:s30] =	ssyncset.done $0x0  }
0xda: {  	s25 =	simm.s32 $0x1B800;
	[sflag:s30] =	ssyncadd.s32 $0xFFFF8300;
	s30 =	simm.s32 $0x80  }
.LBB2_3:
0xdb: {  	p1 =	seq.s32 s29, $0x0  }
0xdc: {  	s31 =	simm.s32 @!p1 $0x3  }
0xdd: {  	_ =	swait.ge @!p1 [sflag:s31], $0xA000  }
0xde: {  	[sflag:s31] =	ssyncset.done @!p1 $0x0  }
0xdf: {  	[sflag:s31] =	ssyncadd.s32 @!p1 $0xFFFF6000;
	s31 =	simm.s32 @!p1 $0x4  }
0xe0: {  	_ =	swait.ge @!p1 [sflag:s31], $0xA000  }
0xe1: {  	[sflag:s31] =	ssyncset.done @!p1 $0x0  }
0xe2: {  	[sflag:s31] =	ssyncadd.s32 @!p1 $0xFFFF6000  }
0xe3: {  	v3 =	vld [tilespmem:s30+$0xFFFFFF80];
	_ =	sdelay $0x4  }
0xe4: {  	v4 =	vshll.u32 v3, $0x2  }
0xe5: {  	v3 =	vand.u32 $0x7, v3;
	v4 =	vand.u32 $0xFFFFFFE0, v4  }
0xe6: {  	v3 =	vor.u32 v3, v4  }
0xe7: {  	v4 =	vperm.xlane v3, v0;
	_ =	sdelay $0x1  }
0xe8: {  	v4 =	vadd.s32 v1, v4;
	_ =	sdelay $0x1  }
0xe9: {  	v3 =	vperm.xlane v3, v2;
	_ =	sdelay $0x1  }
0xea: {  	v3 =	vadd.s32 v1, v3  }
0xeb: {  	[tilespmem:s11], [sflag:$0x1] =	stream.indirect_vreg.gather [hbm4b:s3+s2], $0x80, v4, vm0, $0xb8;
	[tilespmem:$0x1C000] =	vst v63  }
0xec: {  	s31 =	simm.s32 $0x8800  }
0xed: {  	[tilespmem:s31], [sflag:$0x1] =	stream.indirect_vreg.gather [hbm4b:s6+s2], $0x80, v4, vm0, $0xb8;
	[tilespmem:$0x1C000] =	vst v63  }
0xee: {  	s31 =	simm.s32 $0x9000  }
0xef: {  	[tilespmem:s31], [sflag:$0x1] =	stream.indirect_vreg.gather [hbm4b:s3+s2], $0x80, v3, vm0, $0xb8;
	[tilespmem:$0x1C000] =	vst v63  }
0xf0: {  	s31 =	simm.s32 $0x9800  }
0xf1: {  	[tilespmem:s31], [sflag:$0x1] =	stream.indirect_vreg.gather [hbm4b:s6+s2], $0x80, v3, vm0, $0xb8;
	[tilespmem:$0x1C000] =	vst v63  }
0xf2: {  	v3 =	vld [tilespmem:s30+$0xFFFFFF90];
	_ =	sdelay $0x4  }
0xf3: {  	v55 =	vshll.u32 v3, $0x2  }
0xf4: {  	v3 =	vand.u32 $0x7, v3;
	v4 =	vand.u32 $0xFFFFFFE0, v55  }
0xf5: {  	v3 =	vor.u32 v3, v4  }
0xf6: {  	v4 =	vperm.xlane v3, v0;
	_ =	sdelay $0x1  }
0xf7: {  	v4 =	vadd.s32 v1, v4;
	_ =	sdelay $0x1  }
0xf8: {  	v3 =	vperm.xlane v3, v2;
	_ =	sdelay $0x1  }
0xf9: {  	s31 =	simm.s32 $0xA000;
	v3 =	vadd.s32 v1, v3  }
0xfa: {  	[tilespmem:s31], [sflag:$0x1] =	stream.indirect_vreg.gather [hbm4b:s3+s2], $0x80, v4, vm0, $0xb8;
	[tilespmem:$0x1C000] =	vst v63  }
0xfb: {  	s31 =	simm.s32 $0xA800  }
0xfc: {  	[tilespmem:s31], [sflag:$0x1] =	stream.indirect_vreg.gather [hbm4b:s6+s2], $0x80, v4, vm0, $0xb8;
	[tilespmem:$0x1C000] =	vst v63  }
0xfd: {  	s31 =	simm.s32 $0xB000  }
0xfe: {  	[tilespmem:s31], [sflag:$0x1] =	stream.indirect_vreg.gather [hbm4b:s3+s2], $0x80, v3, vm0, $0xb8;
	[tilespmem:$0x1C000] =	vst v63  }
0xff: {  	s31 =	simm.s32 $0xB800  }
0x100: {  	[tilespmem:s31], [sflag:$0x1] =	stream.indirect_vreg.gather [hbm4b:s6+s2], $0x80, v3, vm0, $0xb8;
	[tilespmem:$0x1C000] =	vst v63  }
0x101: {  	v3 =	vld [tilespmem:s30+$0xFFFFFFA0];
	_ =	sdelay $0x4  }
0x102: {  	v56 =	vshll.u32 v3, $0x2  }
0x103: {  	v3 =	vand.u32 $0x7, v3;
	v4 =	vand.u32 $0xFFFFFFE0, v56  }
0x104: {  	v3 =	vor.u32 v3, v4  }
0x105: {  	v4 =	vperm.xlane v3, v0;
	_ =	sdelay $0x1  }
0x106: {  	v4 =	vadd.s32 v1, v4;
	_ =	sdelay $0x1  }
0x107: {  	v3 =	vperm.xlane v3, v2;
	_ =	sdelay $0x1  }
0x108: {  	s31 =	simm.s32 $0xC000;
	v3 =	vadd.s32 v1, v3  }
0x109: {  	[tilespmem:s31], [sflag:$0x1] =	stream.indirect_vreg.gather [hbm4b:s3+s2], $0x80, v4, vm0, $0xb8;
	[tilespmem:$0x1C000] =	vst v63  }
0x10a: {  	s31 =	simm.s32 $0xC800  }
0x10b: {  	[tilespmem:s31], [sflag:$0x1] =	stream.indirect_vreg.gather [hbm4b:s6+s2], $0x80, v4, vm0, $0xb8;
	[tilespmem:$0x1C000] =	vst v63  }
0x10c: {  	s31 =	simm.s32 $0xD000  }
0x10d: {  	[tilespmem:s31], [sflag:$0x1] =	stream.indirect_vreg.gather [hbm4b:s3+s2], $0x80, v3, vm0, $0xb8;
	[tilespmem:$0x1C000] =	vst v63  }
0x10e: {  	s31 =	simm.s32 $0xD800  }
0x10f: {  	[tilespmem:s31], [sflag:$0x1] =	stream.indirect_vreg.gather [hbm4b:s6+s2], $0x80, v3, vm0, $0xb8;
	[tilespmem:$0x1C000] =	vst v63  }
0x110: {  	v3 =	vld [tilespmem:s30+$0xFFFFFFB0];
	_ =	sdelay $0x4  }
0x111: {  	v57 =	vshll.u32 v3, $0x2  }
0x112: {  	v3 =	vand.u32 $0x7, v3;
	v4 =	vand.u32 $0xFFFFFFE0, v57  }
0x113: {  	v3 =	vor.u32 v3, v4  }
0x114: {  	v4 =	vperm.xlane v3, v0;
	_ =	sdelay $0x1  }
0x115: {  	v4 =	vadd.s32 v1, v4;
	_ =	sdelay $0x1  }
0x116: {  	v3 =	vperm.xlane v3, v2;
	_ =	sdelay $0x1  }
0x117: {  	s31 =	simm.s32 $0xE000;
	v3 =	vadd.s32 v1, v3  }
0x118: {  	[tilespmem:s31], [sflag:$0x1] =	stream.indirect_vreg.gather [hbm4b:s3+s2], $0x80, v4, vm0, $0xb8;
	[tilespmem:$0x1C000] =	vst v63  }
0x119: {  	s31 =	simm.s32 $0xE800  }
0x11a: {  	[tilespmem:s31], [sflag:$0x1] =	stream.indirect_vreg.gather [hbm4b:s6+s2], $0x80, v4, vm0, $0xb8;
	[tilespmem:$0x1C000] =	vst v63  }
0x11b: {  	s31 =	simm.s32 $0xF000  }
0x11c: {  	[tilespmem:s31], [sflag:$0x1] =	stream.indirect_vreg.gather [hbm4b:s3+s2], $0x80, v3, vm0, $0xb8;
	[tilespmem:$0x1C000] =	vst v63  }
0x11d: {  	s31 =	simm.s32 $0xF800  }
0x11e: {  	[tilespmem:s31], [sflag:$0x1] =	stream.indirect_vreg.gather [hbm4b:s6+s2], $0x80, v3, vm0, $0xb8;
	[tilespmem:$0x1C000] =	vst v63  }
0x11f: {  	v3 =	vld [tilespmem:s30+$0xFFFFFFC0];
	_ =	sdelay $0x4  }
0x120: {  	v58 =	vshll.u32 v3, $0x2  }
0x121: {  	v3 =	vand.u32 $0x7, v3;
	v4 =	vand.u32 $0xFFFFFFE0, v58  }
0x122: {  	v3 =	vor.u32 v3, v4  }
0x123: {  	v4 =	vperm.xlane v3, v0;
	_ =	sdelay $0x1  }
0x124: {  	v4 =	vadd.s32 v1, v4;
	_ =	sdelay $0x1  }
0x125: {  	v3 =	vperm.xlane v3, v2;
	_ =	sdelay $0x1  }
0x126: {  	s31 =	simm.s32 $0x10000;
	v3 =	vadd.s32 v1, v3  }
0x127: {  	[tilespmem:s31], [sflag:$0x1] =	stream.indirect_vreg.gather [hbm4b:s3+s2], $0x80, v4, vm0, $0xb8;
	[tilespmem:$0x1C000] =	vst v63  }
0x128: {  	s31 =	simm.s32 $0x10800  }
0x129: {  	[tilespmem:s31], [sflag:$0x1] =	stream.indirect_vreg.gather [hbm4b:s6+s2], $0x80, v4, vm0, $0xb8;
	[tilespmem:$0x1C000] =	vst v63  }
0x12a: {  	s31 =	simm.s32 $0x11000  }
0x12b: {  	[tilespmem:s31], [sflag:$0x1] =	stream.indirect_vreg.gather [hbm4b:s3+s2], $0x80, v3, vm0, $0xb8;
	[tilespmem:$0x1C000] =	vst v63  }
0x12c: {  	s31 =	simm.s32 $0x11800  }
0x12d: {  	[tilespmem:s31], [sflag:$0x1] =	stream.indirect_vreg.gather [hbm4b:s6+s2], $0x80, v3, vm0, $0xb8;
	[tilespmem:$0x1C000] =	vst v63  }
0x12e: {  	v3 =	vld [tilespmem:s30+$0x0];
	_ =	sdelay $0x4  }
0x12f: {  	v59 =	vshll.u32 v3, $0x2  }
0x130: {  	v3 =	vand.u32 $0x7, v3;
	v4 =	vand.u32 $0xFFFFFFE0, v59  }
0x131: {  	v3 =	vor.u32 v3, v4  }
0x132: {  	v4 =	vperm.xlane v3, v0;
	_ =	sdelay $0x1  }
0x133: {  	v4 =	vadd.s32 v1, v4;
	_ =	sdelay $0x1  }
0x134: {  	v3 =	vperm.xlane v3, v2;
	_ =	sdelay $0x1  }
0x135: {  	v3 =	vadd.s32 v1, v3  }
0x136: {  	[tilespmem:s0], [sflag:$0x2] =	stream.indirect_vreg.gather [hbm4b:s3+s2], $0x80, v4, vm0, $0xb8;
	[tilespmem:$0x1C000] =	vst v63  }
0x137: {  	_ = 	snop  }
0x138: {  	[tilespmem:s1], [sflag:$0x2] =	stream.indirect_vreg.gather [hbm4b:s6+s2], $0x80, v4, vm0, $0xb8;
	[tilespmem:$0x1C000] =	vst v63  }
0x139: {  	_ = 	snop  }
0x13a: {  	[tilespmem:s5], [sflag:$0x2] =	stream.indirect_vreg.gather [hbm4b:s3+s2], $0x80, v3, vm0, $0xb8;
	[tilespmem:$0x1C000] =	vst v63  }
0x13b: {  	_ = 	snop  }
0x13c: {  	[tilespmem:s7], [sflag:$0x2] =	stream.indirect_vreg.gather [hbm4b:s6+s2], $0x80, v3, vm0, $0xb8;
	[tilespmem:$0x1C000] =	vst v63  }
0x13d: {  	v3 =	vld [tilespmem:s30+$0x10];
	_ =	sdelay $0x4  }
0x13e: {  	v60 =	vshll.u32 v3, $0x2  }
0x13f: {  	v3 =	vand.u32 $0x7, v3;
	v4 =	vand.u32 $0xFFFFFFE0, v60  }
0x140: {  	v3 =	vor.u32 v3, v4  }
0x141: {  	v4 =	vperm.xlane v3, v0;
	_ =	sdelay $0x1  }
0x142: {  	v4 =	vadd.s32 v1, v4;
	_ =	sdelay $0x1  }
0x143: {  	v3 =	vperm.xlane v3, v2;
	_ =	sdelay $0x1  }
0x144: {  	v3 =	vadd.s32 v1, v3  }
0x145: {  	[tilespmem:s9], [sflag:$0x2] =	stream.indirect_vreg.gather [hbm4b:s3+s2], $0x80, v4, vm0, $0xb8;
	[tilespmem:$0x1C000] =	vst v63  }
0x146: {  	_ = 	snop  }
0x147: {  	[tilespmem:s10], [sflag:$0x2] =	stream.indirect_vreg.gather [hbm4b:s6+s2], $0x80, v4, vm0, $0xb8;
	[tilespmem:$0x1C000] =	vst v63  }
0x148: {  	_ = 	snop  }
0x149: {  	[tilespmem:s12], [sflag:$0x2] =	stream.indirect_vreg.gather [hbm4b:s3+s2], $0x80, v3, vm0, $0xb8;
	[tilespmem:$0x1C000] =	vst v63  }
0x14a: {  	_ = 	snop  }
0x14b: {  	[tilespmem:s13], [sflag:$0x2] =	stream.indirect_vreg.gather [hbm4b:s6+s2], $0x80, v3, vm0, $0xb8;
	[tilespmem:$0x1C000] =	vst v63  }
0x14c: {  	v3 =	vld [tilespmem:s30+$0x20];
	_ =	sdelay $0x4  }
0x14d: {  	v61 =	vshll.u32 v3, $0x2  }
0x14e: {  	v3 =	vand.u32 $0x7, v3;
	v4 =	vand.u32 $0xFFFFFFE0, v61  }
0x14f: {  	v3 =	vor.u32 v3, v4  }
0x150: {  	v4 =	vperm.xlane v3, v0;
	_ =	sdelay $0x1  }
0x151: {  	v4 =	vadd.s32 v1, v4;
	_ =	sdelay $0x1  }
0x152: {  	v3 =	vperm.xlane v3, v2;
	_ =	sdelay $0x1  }
0x153: {  	v3 =	vadd.s32 v1, v3  }
0x154: {  	[tilespmem:s14], [sflag:$0x2] =	stream.indirect_vreg.gather [hbm4b:s3+s2], $0x80, v4, vm0, $0xb8;
	[tilespmem:$0x1C000] =	vst v63  }
0x155: {  	_ = 	snop  }
0x156: {  	[tilespmem:s15], [sflag:$0x2] =	stream.indirect_vreg.gather [hbm4b:s6+s2], $0x80, v4, vm0, $0xb8;
	[tilespmem:$0x1C000] =	vst v63  }
0x157: {  	_ = 	snop  }
0x158: {  	[tilespmem:s16], [sflag:$0x2] =	stream.indirect_vreg.gather [hbm4b:s3+s2], $0x80, v3, vm0, $0xb8;
	[tilespmem:$0x1C000] =	vst v63  }
0x159: {  	_ = 	snop  }
0x15a: {  	[tilespmem:s17], [sflag:$0x2] =	stream.indirect_vreg.gather [hbm4b:s6+s2], $0x80, v3, vm0, $0xb8;
	[tilespmem:$0x1C000] =	vst v63  }
0x15b: {  	v3 =	vld [tilespmem:s30+$0x30];
	_ =	sdelay $0x4  }
0x15c: {  	v62 =	vshll.u32 v3, $0x2  }
0x15d: {  	v3 =	vand.u32 $0x7, v3;
	v4 =	vand.u32 $0xFFFFFFE0, v62  }
0x15e: {  	v3 =	vor.u32 v3, v4  }
0x15f: {  	v4 =	vperm.xlane v3, v0;
	_ =	sdelay $0x1  }
0x160: {  	v4 =	vadd.s32 v1, v4;
	_ =	sdelay $0x1  }
0x161: {  	v3 =	vperm.xlane v3, v2;
	_ =	sdelay $0x1  }
0x162: {  	v3 =	vadd.s32 v1, v3  }
0x163: {  	[tilespmem:s18], [sflag:$0x2] =	stream.indirect_vreg.gather [hbm4b:s3+s2], $0x80, v4, vm0, $0xb8;
	[tilespmem:$0x1C000] =	vst v63  }
0x164: {  	_ = 	snop  }
0x165: {  	[tilespmem:s19], [sflag:$0x2] =	stream.indirect_vreg.gather [hbm4b:s6+s2], $0x80, v4, vm0, $0xb8;
	[tilespmem:$0x1C000] =	vst v63  }
0x166: {  	_ = 	snop  }
0x167: {  	[tilespmem:s20], [sflag:$0x2] =	stream.indirect_vreg.gather [hbm4b:s3+s2], $0x80, v3, vm0, $0xb8;
	[tilespmem:$0x1C000] =	vst v63  }
0x168: {  	_ = 	snop  }
0x169: {  	[tilespmem:s21], [sflag:$0x2] =	stream.indirect_vreg.gather [hbm4b:s6+s2], $0x80, v3, vm0, $0xb8;
	[tilespmem:$0x1C000] =	vst v63  }
0x16a: {  	v3 =	vld [tilespmem:s30+$0x40];
	_ =	sdelay $0x4  }
0x16b: {  	v63 =	vshll.u32 v3, $0x2  }
0x16c: {  	v3 =	vand.u32 $0x7, v3;
	v4 =	vand.u32 $0xFFFFFFE0, v63  }
0x16d: {  	v3 =	vor.u32 v3, v4  }
0x16e: {  	v4 =	vperm.xlane v3, v0;
	_ =	sdelay $0x1  }
0x16f: {  	v4 =	vadd.s32 v1, v4;
	_ =	sdelay $0x1  }
0x170: {  	v3 =	vperm.xlane v3, v2;
	_ =	sdelay $0x1  }
0x171: {  	v3 =	vadd.s32 v1, v3  }
0x172: {  	[tilespmem:s22], [sflag:$0x2] =	stream.indirect_vreg.gather [hbm4b:s3+s2], $0x80, v4, vm0, $0xb8;
	[tilespmem:$0x1C000] =	vst v63  }
0x173: {  	_ = 	snop  }
0x174: {  	[tilespmem:s23], [sflag:$0x2] =	stream.indirect_vreg.gather [hbm4b:s6+s2], $0x80, v4, vm0, $0xb8;
	[tilespmem:$0x1C000] =	vst v63  }
0x175: {  	_ = 	snop  }
0x176: {  	[tilespmem:s24], [sflag:$0x2] =	stream.indirect_vreg.gather [hbm4b:s3+s2], $0x80, v3, vm0, $0xb8;
	[tilespmem:$0x1C000] =	vst v63  }
0x177: {  	_ = 	snop  }
0x178: {  	[tilespmem:s25], [sflag:$0x2] =	stream.indirect_vreg.gather [hbm4b:s6+s2], $0x80, v3, vm0, $0xb8;
	[tilespmem:$0x1C000] =	vst v63  }
0x179: {  	_ =	swait.ge [sflag:s26], $0xA000  }
0x17a: {  	s31 =	rddreg [dreg:$0x3];
	[sflag:s26] =	ssyncset.done $0x0  }
0x17b: {  	[sflag:s26] =	ssyncadd.s32 $0xFFFF6000;
	s31 =	sadd.s32 s29, s31;
	s29 =	sadd.s32 $0x2800, s29  }
0x17c: {  	[hbm4b:s31+s2] =	stream.linear.scatter [tilespmem:s11], [sflag:$0x3], $0xA000, $0x38;
	[tilespmem:$0x1C000] =	vst v63  }
0x17d: {  	p1 =	seq.s32 s29, $0x138800  }
.Ltmp5:
0x17e: {  	_ = 	snop;
	(pc) =	sbr.rel @!p1 .LBB2_3-.Ltmp5, $4  }
0x17f: {  	_ =	swait.ge [sflag:s28], $0xA000  }
0x180: {  	[sflag:s28] =	ssyncset.done $0x0  }
0x181: {  	s30 =	sadd.s32 $0x100, s30;
	s31 =	sadd.s32 $0x1400, s31;
	[sflag:s28] =	ssyncadd.s32 $0xFFFF6000  }
0x182: {  	[hbm4b:s31+s2] =	stream.linear.scatter [tilespmem:s0], [sflag:$0x4], $0xA000, $0x38;
	[tilespmem:$0x1C000] =	vst v63  }
.Ltmp6:
0x183: {  	_ = 	snop;
	(pc) =	sbr.rel .LBB2_6-.Ltmp6, $1  }
0x184: {  	_ =	sdelay $0x3  }
.LBB2_7:
0x185: {  	_ =	sfence.sel $0x180000  }
0x186: {  	[bflag:$0x0] =	sbarrier.arrive $0xFFFF  }
0x187: {  	_ =	strace $0x90000047  }
0x188: {  	s0 =	stileid.u32;
	[bflag:$0x2] =	sbarrier.arrive $0xFFFF  }
0x189: {  	p0 =	sne.s32 s0, $0x0;
	s0 =	rddreg [dreg:$0x2]  }
0x18a: {  	s0 =	sadd.s32 @!p0 $0x100000, s0  }
0x18b: {  	[sflag:s0] =	ssyncadd.tile.s32 @!p0 $0x1;
	_ =	shalt  }
.Lfunc_end2:
_tile_overlayer_lowered:
.L_overlay_start_2:
0x18c: {  	(tag) =	ssettag $0x2  }
0x18d: {  	s0 =	rddreg [dreg:$0x0];
	s2 =	stileid.u32  }
0x18e: {  	s1 =	rddreg [dreg:$0x1];
	p0 =	sne.s32 s2, $0x0  }
0x18f: {  	s3 =	rddreg [dreg:$0x2];
	[bflag:$0x3] =	sbarrier.arrive $0xFFFF;
	s2 =	simm.s32 @!p0 $0x1C05  }
0x190: {  	[timem:s3], [sflag:s2] =	dma.local @!p0 [hbm:s0], s1  }
0x191: {  	s0 =	simm.s32 @!p0 $0x5  }
0x192: {  	_ =	swait.ge @!p0 [sflag:s0], s1  }
0x193: {  	s1 =	ssub.s32 @!p0 $0x0, s1;
	[sflag:s0] =	ssyncset.done @!p0 $0x0  }
0x194: {  	[sflag:s0] =	ssyncadd.s32 @!p0 s1  }
0x195: {  	[bflag:$0x3] =	sbarrier.arrive $0xFFFF  }
0x196: {  	_ =	shalt  }

</sc_bundles>
